<compile_context>
chip_gen: v7x
topology: tpu7x:2x2x1
jax: 0.10.2.dev20260603
libtpu: 0.0.44.dev20260713+nightly
codegen_flags: <defaults>
</compile_context>

<pallas_src>
import functools

import jax
import jax.numpy as jnp
from jax import lax
from jax.experimental import pallas as pl
from jax.experimental.pallas import tpu as pltpu
from jax.experimental.pallas import tpu_sc as plsc

NC = 2
NS = 16


def _sc_mesh():
    return plsc.VectorSubcoreMesh(
        core_axis_name="c", subcore_axis_name="s", num_cores=NC, num_subcores=NS
    )


def _make_deg_kernel(n_pad, epw, c_sz, nb):
    npt = n_pad // NS
    n_grp = epw // (c_sz * nb)

    @functools.partial(
        pl.kernel,
        out_type=jax.ShapeDtypeStruct((NC, n_pad), jnp.float32),
        mesh=_sc_mesh(),
        scratch_types=(
            [pltpu.VMEM((c_sz,), jnp.int32) for _ in range(nb)]
            + [pltpu.VMEM((c_sz,), jnp.float32)]
            + [pltpu.VMEM_SHARED((n_pad,), jnp.float32)]
            + [pltpu.SemaphoreType.DMA for _ in range(2 * nb)]
        ),
    )
    def deg_kernel(dst_hbm, ones_hbm, zeros_hbm, out_hbm, *rest):
        didx = rest[:nb]
        ones_v = rest[nb]
        t_sh = rest[nb + 1]
        lsem = rest[nb + 2 : nb + 2 + nb]
        ssem = rest[nb + 2 + nb :]

        c = lax.axis_index("c")
        s = lax.axis_index("s")
        w = c * NS + s
        pltpu.sync_copy(zeros_hbm.at[pl.ds(s * npt, npt)], t_sh.at[pl.ds(s * npt, npt)])
        pltpu.sync_copy(ones_hbm, ones_v)
        plsc.subcore_barrier()
        base = w * epw

        def body(i, carry):
            o = base + i * (c_sz * nb)
            ld = [
                pltpu.async_copy(
                    dst_hbm.at[pl.ds(o + j * c_sz, c_sz)], didx[j], lsem[j]
                )
                for j in range(nb)
            ]
            st = []
            for j in range(nb):
                ld[j].wait()
                st.append(
                    pltpu.async_copy(ones_v, t_sh.at[didx[j]], ssem[j], add=True)
                )
            for d in st:
                d.wait()
            return carry

        lax.fori_loop(0, n_grp, body, 0)
        plsc.subcore_barrier()
        pltpu.sync_copy(t_sh.at[pl.ds(s * npt, npt)], out_hbm.at[c, pl.ds(s * npt, npt)])

    return deg_kernel


def _make_edge_kernel(n_pad, epw, c_sz, nch, nb, norm_input=False):
    npt = n_pad // NS
    n_grp = epw // (c_sz * nb)
    n_in = 2 if norm_input else nch
    out_t = tuple(jax.ShapeDtypeStruct((NC, n_pad), jnp.float32) for _ in range(nch))
    scratch = (
        [pltpu.VMEM((c_sz,), jnp.int32) for _ in range(2 * nb)]
        + [pltpu.VMEM((c_sz,), jnp.float32) for _ in range(nch * nb)]
        + [pltpu.VMEM_SHARED((n_pad,), jnp.float32) for _ in range(2 * nch)]
        + [pltpu.SemaphoreType.DMA for _ in range(4 * nb)]
        + ([pltpu.VMEM((npt,), jnp.float32) for _ in range(3)]
           if norm_input else [])
    )

    @functools.partial(
        pl.kernel,
        out_type=out_t[0] if nch == 1 else out_t,
        mesh=_sc_mesh(),
        scratch_types=scratch,
    )
    def edge_kernel(src_hbm, dst_hbm, *rest):
        g_hbm = rest[:n_in]
        zeros_hbm = rest[n_in]
        out_hbm = rest[n_in + 1 : n_in + 1 + nch]
        sc = rest[n_in + 1 + nch :]
        sidx = sc[:nb]
        didx = sc[nb : 2 * nb]
        vals = sc[2 * nb : 2 * nb + nch * nb]
        g_sh = sc[2 * nb + nch * nb : 2 * nb + nch * nb + nch]
        t_sh = sc[2 * nb + nch * nb + nch : 2 * nb + nch * nb + 2 * nch]
        sems = sc[2 * nb + nch * nb + 2 * nch : 2 * nb + nch * nb + 2 * nch + 4 * nb]
        lsem = sems[: 2 * nb]
        gsem = sems[2 * nb : 3 * nb]
        ssem = sems[3 * nb :]

        c = lax.axis_index("c")
        s = lax.axis_index("s")
        w = c * NS + s
        sl = pl.ds(s * npt, npt)
        if norm_input:
            da, db, vx = sc[2 * nb + nch * nb + 2 * nch + 4 * nb :]
            pltpu.sync_copy(g_hbm[0].at[0, sl], da)
            pltpu.sync_copy(g_hbm[0].at[1, sl], db)
            pltpu.sync_copy(g_hbm[1].at[sl], vx)

            def nbody(k, carry):
                for j in range(8):
                    kk = pl.ds(k * 128 + j * 16, 16)
                    d = da[kk] + db[kk] + 1.0
                    i = lax.bitcast_convert_type(d, jnp.int32)
                    y = lax.bitcast_convert_type(
                        0x5F3759DF - lax.shift_right_logical(i, 1), jnp.float32
                    )
                    h = -0.5 * d
                    y = y * (1.5 + h * y * y)
                    y = y * (1.5 + h * y * y)
                    y = y * (1.5 + h * y * y)
                    da[kk] = y * vx[kk]
                return carry

            lax.fori_loop(0, npt // 128, nbody, 0)
            pltpu.sync_copy(da, g_sh[0].at[sl])
            pltpu.sync_copy(zeros_hbm.at[sl], t_sh[0].at[sl])
        else:
            for ch in range(nch):
                pltpu.sync_copy(g_hbm[ch].at[sl], g_sh[ch].at[sl])
                pltpu.sync_copy(zeros_hbm.at[sl], t_sh[ch].at[sl])
        plsc.subcore_barrier()
        base = w * epw

        def body(i, carry):
            o = base + i * (c_sz * nb)
            lds = []
            for j in range(nb):
                oj = o + j * c_sz
                lds.append((
                    pltpu.async_copy(src_hbm.at[pl.ds(oj, c_sz)], sidx[j], lsem[2 * j]),
                    pltpu.async_copy(dst_hbm.at[pl.ds(oj, c_sz)], didx[j], lsem[2 * j + 1]),
                ))
            gts = []
            for j in range(nb):
                lds[j][0].wait()
                gts.append([
                    pltpu.async_copy(g_sh[ch].at[sidx[j]], vals[ch * nb + j], gsem[j])
                    for ch in range(nch)
                ])
            sts = []
            for j in range(nb):
                for d in gts[j]:
                    d.wait()
                lds[j][1].wait()
                sts.append([
                    pltpu.async_copy(
                        vals[ch * nb + j], t_sh[ch].at[didx[j]], ssem[j], add=True
                    )
                    for ch in range(nch)
                ])
            for ds in sts:
                for d in ds:
                    d.wait()
            return carry

        lax.fori_loop(0, n_grp, body, 0)
        plsc.subcore_barrier()
        for ch in range(nch):
            pltpu.sync_copy(t_sh[ch].at[sl], out_hbm[ch].at[c, sl])

    return edge_kernel


def _make_l2_kernel(n_pad, epw, c_sz, nb):
    npt = n_pad // NS
    n_grp = epw // (c_sz * nb)
    scratch = (
        [pltpu.VMEM((c_sz,), jnp.int32) for _ in range(2 * nb)]
        + [pltpu.VMEM((c_sz,), jnp.float32) for _ in range(3 * nb)]
        + [pltpu.VMEM_SHARED((n_pad,), jnp.float32) for _ in range(3)]
        + [pltpu.SemaphoreType.DMA for _ in range(4 * nb)]
    )

    @functools.partial(
        pl.kernel,
        out_type=(
            jax.ShapeDtypeStruct((NC, n_pad), jnp.float32),
            jax.ShapeDtypeStruct((NC, n_pad), jnp.float32),
        ),
        mesh=_sc_mesh(),
        scratch_types=scratch,
    )
    def l2_kernel(src_hbm, dst_hbm, g2p_hbm, zeros_hbm, outa_hbm, outb_hbm, *sc):
        sidx = sc[:nb]
        didx = sc[nb : 2 * nb]
        vp = sc[2 * nb : 3 * nb]
        va = sc[3 * nb : 4 * nb]
        vb = sc[4 * nb : 5 * nb]
        gp_sh, ta_sh, tb_sh = sc[5 * nb : 5 * nb + 3]
        sems = sc[5 * nb + 3 :]
        lsem = sems[: 2 * nb]
        gsem = sems[2 * nb : 3 * nb]
        ssem = sems[3 * nb :]

        c = lax.axis_index("c")
        s = lax.axis_index("s")
        w = c * NS + s
        sl = pl.ds(s * npt, npt)
        pltpu.sync_copy(g2p_hbm.at[sl], gp_sh.at[sl])
        pltpu.sync_copy(zeros_hbm.at[sl], ta_sh.at[sl])
        pltpu.sync_copy(zeros_hbm.at[sl], tb_sh.at[sl])
        plsc.subcore_barrier()
        base = w * epw
        hi_mask = jnp.uint32(0xFFFF0000)

        def body(i, carry):
            o = base + i * (c_sz * nb)
            lds = []
            for j in range(nb):
                oj = o + j * c_sz
                lds.append((
                    pltpu.async_copy(src_hbm.at[pl.ds(oj, c_sz)], sidx[j], lsem[2 * j]),
                    pltpu.async_copy(dst_hbm.at[pl.ds(oj, c_sz)], didx[j], lsem[2 * j + 1]),
                ))
            gts = []
            for j in range(nb):
                lds[j][0].wait()
                gts.append(pltpu.async_copy(gp_sh.at[sidx[j]], vp[j], gsem[j]))
            sts = []
            for j in range(nb):
                gts[j].wait()

                def unpack(k, carry, j=j):
                    for u in range(4):
                        kk = pl.ds(k * 64 + u * 16, 16)
                        bits = lax.bitcast_convert_type(vp[j][kk], jnp.uint32)
                        va[j][kk] = lax.bitcast_convert_type(
                            bits & hi_mask, jnp.float32
                        )
                        vb[j][kk] = lax.bitcast_convert_type(
                            lax.shift_left(bits, jnp.uint32(16)), jnp.float32
                        )
                    return carry

                lax.fori_loop(0, c_sz // 64, unpack, 0)
                lds[j][1].wait()
                sts.append((
                    pltpu.async_copy(va[j], ta_sh.at[didx[j]], ssem[j], add=True),
                    pltpu.async_copy(vb[j], tb_sh.at[didx[j]], ssem[j], add=True),
                ))
            for d1, d2 in sts:
                d1.wait()
                d2.wait()
            return carry

        lax.fori_loop(0, n_grp, body, 0)
        plsc.subcore_barrier()
        pltpu.sync_copy(ta_sh.at[sl], outa_hbm.at[c, sl])
        pltpu.sync_copy(tb_sh.at[sl], outb_hbm.at[c, sl])

    return l2_kernel


def _tc_layer1(degp, xp, tp, W1, b1, W2):
    def body(degp_ref, x_ref, tp_ref, w1_ref, b1_ref, w2_ref,
             a_ref, b_ref, dinv_ref, pk_ref):
        deg = degp_ref[0] + degp_ref[1] + 1.0
        dinv = lax.rsqrt(deg)
        g = dinv * x_ref[...]
        s1 = dinv * (tp_ref[0] + tp_ref[1] + g)
        acc_a = jnp.zeros_like(s1)
        acc_b = jnp.zeros_like(s1)
        for k in range(16):
            h = jnp.maximum(s1 * w1_ref[0, k] + b1_ref[0, k], 0.0)
            acc_a = acc_a + h * w2_ref[k, 0]
            acc_b = acc_b + h * w2_ref[k, 1]
        a = dinv * acc_a
        b = dinv * acc_b
        a_ref[...] = a
        b_ref[...] = b
        dinv_ref[...] = dinv
        ua = lax.bitcast_convert_type(a.astype(jnp.bfloat16), jnp.uint16)
        ub = lax.bitcast_convert_type(b.astype(jnp.bfloat16), jnp.uint16)
        pk_ref[...] = lax.bitcast_convert_type(
            lax.shift_left(ua.astype(jnp.uint32), jnp.uint32(16))
            | ub.astype(jnp.uint32),
            jnp.float32,
        )

    r = xp.shape[0]
    smem = pl.BlockSpec(memory_space=pltpu.MemorySpace.SMEM)
    vmem = pl.BlockSpec(memory_space=pltpu.MemorySpace.VMEM)
    return pl.pallas_call(
        body,
        in_specs=[vmem, vmem, vmem, smem, smem, smem],
        out_shape=(
            jax.ShapeDtypeStruct((r, 128), jnp.float32),
            jax.ShapeDtypeStruct((r, 128), jnp.float32),
            jax.ShapeDtypeStruct((r, 128), jnp.float32),
            jax.ShapeDtypeStruct((r, 128), jnp.float32),
        ),
    )(degp, xp, tp, W1, b1, W2)


def _tc_final(t2ap, t2bp, g2a, g2b, dinv, b2):
    def body(ta_ref, tb_ref, ga_ref, gb_ref, dinv_ref, b2_ref, oa_ref, ob_ref):
        dinv = dinv_ref[...]
        a = dinv * (ta_ref[0] + ta_ref[1] + ga_ref[...]) + b2_ref[0, 0]
        b = dinv * (tb_ref[0] + tb_ref[1] + gb_ref[...]) + b2_ref[0, 1]
        m = jnp.maximum(a, b)
        lse = m + jnp.log(jnp.exp(a - m) + jnp.exp(b - m))
        oa_ref[...] = a - lse
        ob_ref[...] = b - lse

    r = g2a.shape[0]
    smem = pl.BlockSpec(memory_space=pltpu.MemorySpace.SMEM)
    vmem = pl.BlockSpec(memory_space=pltpu.MemorySpace.VMEM)
    return pl.pallas_call(
        body,
        in_specs=[vmem, vmem, vmem, vmem, vmem, smem],
        out_shape=(
            jax.ShapeDtypeStruct((r, 128), jnp.float32),
            jax.ShapeDtypeStruct((r, 128), jnp.float32),
        ),
    )(t2ap, t2bp, g2a, g2b, dinv, b2)


def kernel(x, edge_index, W1, b1, W2, b2):
    n = x.shape[0]
    e = edge_index.shape[1]
    n_pad = ((n + 1023) // 1024) * 1024
    r = n_pad // 128
    nw = NC * NS
    c_sz = 2048
    nb = 7
    epw = ((e + nw - 1) // nw + c_sz * nb - 1) // (c_sz * nb) * (c_sz * nb)
    e_pad = nw * epw

    src = edge_index[0].astype(jnp.int32)
    dst = edge_index[1].astype(jnp.int32)
    pad = e_pad - e
    pad_idx = (n + jnp.arange(pad, dtype=jnp.int32) % (n_pad - n)).astype(jnp.int32)
    src_p = jnp.concatenate([src, pad_idx])
    dst_p = jnp.concatenate([dst, pad_idx])

    zeros_np = jnp.zeros((n_pad,), jnp.float32)
    xp = jnp.pad(x[:, 0], (0, n_pad - n)).reshape(r, 128)

    ones_c = jnp.ones((c_sz,), jnp.float32)
    degp = _make_deg_kernel(n_pad, epw, c_sz, nb)(dst_p, ones_c, zeros_np)

    tp = _make_edge_kernel(n_pad, epw, c_sz, 1, nb, norm_input=True)(
        src_p, dst_p, degp, xp.reshape(n_pad), zeros_np
    )

    g2a, g2b, dinv, g2p = _tc_layer1(
        degp.reshape(NC, r, 128), xp, tp.reshape(NC, r, 128),
        W1.reshape(1, 16), b1.reshape(1, 16), W2,
    )

    t2ap, t2bp = _make_l2_kernel(n_pad, epw, c_sz, nb)(
        src_p, dst_p, g2p.reshape(n_pad), zeros_np
    )

    oa, ob = _tc_final(
        t2ap.reshape(NC, r, 128), t2bp.reshape(NC, r, 128),
        g2a, g2b, dinv, b2.reshape(1, 2),
    )
    return jnp.stack([oa.reshape(n_pad)[:n], ob.reshape(n_pad)[:n]], axis=1)

# --- scband reference (transcript-rebuilt; emitter-appended) ---
"""Pipeline reference for scband-gcn-12799002542568 (READ-ONLY COPY).

The authoritative reference and input builder live on the scoring server;
editing this copy changes nothing except your own understanding.
"""

import jax, jax.numpy as jnp
import numpy as np

N_NODES = 100000
N_EDGES = 3200000


def _gcn_conv(x, src, dst, W, b, num_nodes):
    # add self loops
    loop = jnp.arange(num_nodes, dtype=src.dtype)
    src = jnp.concatenate([src, loop])
    dst = jnp.concatenate([dst, loop])
    # symmetric normalization D^{-1/2} (A+I) D^{-1/2}
    deg = jnp.zeros((num_nodes,), dtype=x.dtype).at[dst].add(1.0)
    deg_inv_sqrt = jnp.where(deg > 0, 1.0 / jnp.sqrt(deg), 0.0)
    norm = deg_inv_sqrt[src] * deg_inv_sqrt[dst]
    xw = x @ W
    msg = xw[src] * norm[:, None]
    out = jnp.zeros((num_nodes, W.shape[1]), dtype=x.dtype).at[dst].add(msg)
    return out + b


def setup_inputs(seed: int = 0) -> dict:
    key = jax.random.key(seed)
    k1, k2, k3, k4, k5, k6, k7 = jax.random.split(key, 7)
    x = jax.random.normal(k1, (N_NODES, 1), dtype=jnp.float32)
    edge_index = jax.random.randint(k2, (2, N_EDGES), 0, N_NODES, dtype=jnp.int64)
    # glorot-style init for GCNConv weights
    W1 = jax.random.normal(k3, (1, 16), dtype=jnp.float32) * (1.0 / np.sqrt(1 + 16))
    b1 = jnp.zeros((16,), dtype=jnp.float32)
    W2 = jax.random.normal(k4, (16, 2), dtype=jnp.float32) * (1.0 / np.sqrt(16 + 2))
    b2 = jnp.zeros((2,), dtype=jnp.float32)
    return {"x": x, "edge_index": edge_index, "W1": W1, "b1": b1, "W2": W2, "b2": b2}


def reference(x, edge_index, W1, b1, W2, b2):
    src, dst = edge_index[0], edge_index[1]
    h = _gcn_conv(x, src, dst, W1, b1, N_NODES)
    h = jax.nn.relu(h)
    h = _gcn_conv(h, src, dst, W2, b2, N_NODES)
    return jax.nn.log_softmax(h, axis=1)

if __name__ == "__main__":
    import jax
    _d = setup_inputs()
    print(jax.jit(kernel)(*tuple(_d.values())))

</pallas_src>

<mosaic_0001>
#map = affine_map<(d0, d1) -> (0)>
#map1 = affine_map<(d0, d1) -> (0, 0)>
module attributes {stable_mosaic.version = 14 : i64} {
  func.func @edge_kernel(%arg0: i32, %arg1: i32, %arg2: memref<3211264xi32, #tpu.memory_space<hbm>>, %arg3: memref<3211264xi32, #tpu.memory_space<hbm>>, %arg4: memref<2x100352xf32, #tpu.memory_space<hbm>>, %arg5: memref<100352xf32, #tpu.memory_space<hbm>>, %arg6: memref<100352xf32, #tpu.memory_space<hbm>>, %arg7: memref<2x100352xf32, #tpu.memory_space<hbm>>, %arg8: memref<2048xi32, #tpu.memory_space<vmem>>, %arg9: memref<2048xi32, #tpu.memory_space<vmem>>, %arg10: memref<2048xi32, #tpu.memory_space<vmem>>, %arg11: memref<2048xi32, #tpu.memory_space<vmem>>, %arg12: memref<2048xi32, #tpu.memory_space<vmem>>, %arg13: memref<2048xi32, #tpu.memory_space<vmem>>, %arg14: memref<2048xi32, #tpu.memory_space<vmem>>, %arg15: memref<2048xi32, #tpu.memory_space<vmem>>, %arg16: memref<2048xi32, #tpu.memory_space<vmem>>, %arg17: memref<2048xi32, #tpu.memory_space<vmem>>, %arg18: memref<2048xi32, #tpu.memory_space<vmem>>, %arg19: memref<2048xi32, #tpu.memory_space<vmem>>, %arg20: memref<2048xi32, #tpu.memory_space<vmem>>, %arg21: memref<2048xi32, #tpu.memory_space<vmem>>, %arg22: memref<2048xf32, #tpu.memory_space<vmem>>, %arg23: memref<2048xf32, #tpu.memory_space<vmem>>, %arg24: memref<2048xf32, #tpu.memory_space<vmem>>, %arg25: memref<2048xf32, #tpu.memory_space<vmem>>, %arg26: memref<2048xf32, #tpu.memory_space<vmem>>, %arg27: memref<2048xf32, #tpu.memory_space<vmem>>, %arg28: memref<2048xf32, #tpu.memory_space<vmem>>, %arg29: memref<100352xf32, #tpu.memory_space<vmem_shared>>, %arg30: memref<100352xf32, #tpu.memory_space<vmem_shared>>, %arg31: memref<!tpu.dma_semaphore, #tpu.memory_space<semaphore_mem>>, %arg32: memref<!tpu.dma_semaphore, #tpu.memory_space<semaphore_mem>>, %arg33: memref<!tpu.dma_semaphore, #tpu.memory_space<semaphore_mem>>, %arg34: memref<!tpu.dma_semaphore, #tpu.memory_space<semaphore_mem>>, %arg35: memref<!tpu.dma_semaphore, #tpu.memory_space<semaphore_mem>>, %arg36: memref<!tpu.dma_semaphore, #tpu.memory_space<semaphore_mem>>, %arg37: memref<!tpu.dma_semaphore, #tpu.memory_space<semaphore_mem>>, %arg38: memref<!tpu.dma_semaphore, #tpu.memory_space<semaphore_mem>>, %arg39: memref<!tpu.dma_semaphore, #tpu.memory_space<semaphore_mem>>, %arg40: memref<!tpu.dma_semaphore, #tpu.memory_space<semaphore_mem>>, %arg41: memref<!tpu.dma_semaphore, #tpu.memory_space<semaphore_mem>>, %arg42: memref<!tpu.dma_semaphore, #tpu.memory_space<semaphore_mem>>, %arg43: memref<!tpu.dma_semaphore, #tpu.memory_space<semaphore_mem>>, %arg44: memref<!tpu.dma_semaphore, #tpu.memory_space<semaphore_mem>>, %arg45: memref<!tpu.dma_semaphore, #tpu.memory_space<semaphore_mem>>, %arg46: memref<!tpu.dma_semaphore, #tpu.memory_space<semaphore_mem>>, %arg47: memref<!tpu.dma_semaphore, #tpu.memory_space<semaphore_mem>>, %arg48: memref<!tpu.dma_semaphore, #tpu.memory_space<semaphore_mem>>, %arg49: memref<!tpu.dma_semaphore, #tpu.memory_space<semaphore_mem>>, %arg50: memref<!tpu.dma_semaphore, #tpu.memory_space<semaphore_mem>>, %arg51: memref<!tpu.dma_semaphore, #tpu.memory_space<semaphore_mem>>, %arg52: memref<!tpu.dma_semaphore, #tpu.memory_space<semaphore_mem>>, %arg53: memref<!tpu.dma_semaphore, #tpu.memory_space<semaphore_mem>>, %arg54: memref<!tpu.dma_semaphore, #tpu.memory_space<semaphore_mem>>, %arg55: memref<!tpu.dma_semaphore, #tpu.memory_space<semaphore_mem>>, %arg56: memref<!tpu.dma_semaphore, #tpu.memory_space<semaphore_mem>>, %arg57: memref<!tpu.dma_semaphore, #tpu.memory_space<semaphore_mem>>, %arg58: memref<!tpu.dma_semaphore, #tpu.memory_space<semaphore_mem>>, %arg59: memref<6272xf32, #tpu.memory_space<vmem>>, %arg60: memref<6272xf32, #tpu.memory_space<vmem>>, %arg61: memref<6272xf32, #tpu.memory_space<vmem>>) attributes {dimension_semantics = [#tpu.dimension_semantics<core_parallel>, #tpu.dimension_semantics<subcore_parallel>], iteration_bounds = array<i64: 2, 16>, scalar_prefetch = 0 : i64, scratch_operands = 54 : i64, tpu.core_type = #tpu.core_type<sc_vector_subcore>, window_params = [{transform_indices = #map}, {transform_indices = #map}, {transform_indices = #map1}, {transform_indices = #map}, {transform_indices = #map}, {transform_indices = #map1}]} {
    %mul3A = arith.constant 16 : i32
    %mul3A_0 = arith.muli %arg0, %mul3A : i32
    %add3A = arith.addi %mul3A_0, %arg1 : i32
    %mul3A_1 = arith.constant 6272 : i32
    %mul3A_2 = arith.muli %arg1, %mul3A_1 : i32
    %run_scoped3A = arith.constant 0 : i32
    "tpu.region"() ({
      %run_scoped3A_18 = tpu.sem_alloc : memref<!tpu.dma_semaphore, #tpu.memory_space<semaphore_mem>>
      %dma_start3A = tpu.memref_slice %arg4[%run_scoped3A, %mul3A_2] : memref<2x100352xf32, #tpu.memory_space<hbm>> -> memref<1x6272xf32, #tpu.memory_space<hbm>>
      %dma_start3A_19 = tpu.memref_squeeze %dma_start3A : memref<1x6272xf32, #tpu.memory_space<hbm>> -> memref<6272xf32, #tpu.memory_space<hbm>>
      %dma_start3A_20 = tpu.memref_slice %arg4[%run_scoped3A, %mul3A_2] : memref<2x100352xf32, #tpu.memory_space<hbm>> -> memref<1x6272xf32, #tpu.memory_space<hbm>>
      %dma_start3A_21 = tpu.memref_squeeze %dma_start3A_20 : memref<1x6272xf32, #tpu.memory_space<hbm>> -> memref<6272xf32, #tpu.memory_space<hbm>>
      tpu.enqueue_dma source(%dma_start3A_21 : memref<6272xf32, #tpu.memory_space<hbm>>) target(%arg59 : memref<6272xf32, #tpu.memory_space<vmem>>) target_semaphore(%run_scoped3A_18 : memref<!tpu.dma_semaphore, #tpu.memory_space<semaphore_mem>>)
      %dma_wait3A = tpu.memref_slice %arg4[%run_scoped3A, %mul3A_2] : memref<2x100352xf32, #tpu.memory_space<hbm>> -> memref<1x6272xf32, #tpu.memory_space<hbm>>
      %dma_wait3A_22 = tpu.memref_squeeze %dma_wait3A : memref<1x6272xf32, #tpu.memory_space<hbm>> -> memref<6272xf32, #tpu.memory_space<hbm>>
      %dma_wait3A_23 = tpu.memref_slice %arg4[%run_scoped3A, %mul3A_2] : memref<2x100352xf32, #tpu.memory_space<hbm>> -> memref<1x6272xf32, #tpu.memory_space<hbm>>
      %dma_wait3A_24 = tpu.memref_squeeze %dma_wait3A_23 : memref<1x6272xf32, #tpu.memory_space<hbm>> -> memref<6272xf32, #tpu.memory_space<hbm>>
      tpu.wait_dma2 semaphore(%run_scoped3A_18 : memref<!tpu.dma_semaphore, #tpu.memory_space<semaphore_mem>>) src(%dma_wait3A_24 : memref<6272xf32, #tpu.memory_space<hbm>>) dst(%arg59 : memref<6272xf32, #tpu.memory_space<vmem>>)
      tpu.yield
    }) : () -> ()
    %run_scoped3A_3 = arith.constant 1 : i32
    "tpu.region"() ({
      %run_scoped3A_18 = tpu.sem_alloc : memref<!tpu.dma_semaphore, #tpu.memory_space<semaphore_mem>>
      %dma_start3A = tpu.memref_slice %arg4[%run_scoped3A_3, %mul3A_2] : memref<2x100352xf32, #tpu.memory_space<hbm>> -> memref<1x6272xf32, #tpu.memory_space<hbm>>
      %dma_start3A_19 = tpu.memref_squeeze %dma_start3A : memref<1x6272xf32, #tpu.memory_space<hbm>> -> memref<6272xf32, #tpu.memory_space<hbm>>
      %dma_start3A_20 = tpu.memref_slice %arg4[%run_scoped3A_3, %mul3A_2] : memref<2x100352xf32, #tpu.memory_space<hbm>> -> memref<1x6272xf32, #tpu.memory_space<hbm>>
      %dma_start3A_21 = tpu.memref_squeeze %dma_start3A_20 : memref<1x6272xf32, #tpu.memory_space<hbm>> -> memref<6272xf32, #tpu.memory_space<hbm>>
      tpu.enqueue_dma source(%dma_start3A_21 : memref<6272xf32, #tpu.memory_space<hbm>>) target(%arg60 : memref<6272xf32, #tpu.memory_space<vmem>>) target_semaphore(%run_scoped3A_18 : memref<!tpu.dma_semaphore, #tpu.memory_space<semaphore_mem>>)
      %dma_wait3A = tpu.memref_slice %arg4[%run_scoped3A_3, %mul3A_2] : memref<2x100352xf32, #tpu.memory_space<hbm>> -> memref<1x6272xf32, #tpu.memory_space<hbm>>
      %dma_wait3A_22 = tpu.memref_squeeze %dma_wait3A : memref<1x6272xf32, #tpu.memory_space<hbm>> -> memref<6272xf32, #tpu.memory_space<hbm>>
      %dma_wait3A_23 = tpu.memref_slice %arg4[%run_scoped3A_3, %mul3A_2] : memref<2x100352xf32, #tpu.memory_space<hbm>> -> memref<1x6272xf32, #tpu.memory_space<hbm>>
      %dma_wait3A_24 = tpu.memref_squeeze %dma_wait3A_23 : memref<1x6272xf32, #tpu.memory_space<hbm>> -> memref<6272xf32, #tpu.memory_space<hbm>>
      tpu.wait_dma2 semaphore(%run_scoped3A_18 : memref<!tpu.dma_semaphore, #tpu.memory_space<semaphore_mem>>) src(%dma_wait3A_24 : memref<6272xf32, #tpu.memory_space<hbm>>) dst(%arg60 : memref<6272xf32, #tpu.memory_space<vmem>>)
      tpu.yield
    }) : () -> ()
    "tpu.region"() ({
      %run_scoped3A_18 = tpu.sem_alloc : memref<!tpu.dma_semaphore, #tpu.memory_space<semaphore_mem>>
      %dma_start3A = tpu.memref_slice %arg5[%mul3A_2] : memref<100352xf32, #tpu.memory_space<hbm>> -> memref<6272xf32, #tpu.memory_space<hbm>>
      %dma_start3A_19 = tpu.memref_slice %arg5[%mul3A_2] : memref<100352xf32, #tpu.memory_space<hbm>> -> memref<6272xf32, #tpu.memory_space<hbm>>
      tpu.enqueue_dma source(%dma_start3A_19 : memref<6272xf32, #tpu.memory_space<hbm>>) target(%arg61 : memref<6272xf32, #tpu.memory_space<vmem>>) target_semaphore(%run_scoped3A_18 : memref<!tpu.dma_semaphore, #tpu.memory_space<semaphore_mem>>)
      %dma_wait3A = tpu.memref_slice %arg5[%mul3A_2] : memref<100352xf32, #tpu.memory_space<hbm>> -> memref<6272xf32, #tpu.memory_space<hbm>>
      %dma_wait3A_20 = tpu.memref_slice %arg5[%mul3A_2] : memref<100352xf32, #tpu.memory_space<hbm>> -> memref<6272xf32, #tpu.memory_space<hbm>>
      tpu.wait_dma2 semaphore(%run_scoped3A_18 : memref<!tpu.dma_semaphore, #tpu.memory_space<semaphore_mem>>) src(%dma_wait3A_20 : memref<6272xf32, #tpu.memory_space<hbm>>) dst(%arg61 : memref<6272xf32, #tpu.memory_space<vmem>>)
      tpu.yield
    }) : () -> ()
    %scan3A = arith.constant 0 : i32
    %scan3A_4 = arith.constant 0 : i32
    %scan3A_5 = arith.constant 49 : i32
    %scan3A_6 = arith.addi %scan3A_4, %scan3A_5 : i32
    %scan3A_7 = arith.constant 1 : i32
    scf.for %scan3A_18 = %scan3A_4 to %scan3A_6 step %scan3A_7  : i32 {
      %mul3A_19 = arith.constant 128 : i32
      %mul3A_20 = arith.muli %scan3A_18, %mul3A_19 : i32
      %add3A_21 = arith.constant 0 : i32
      %add3A_22 = arith.addi %mul3A_20, %add3A_21 : i32
      %get3A = arith.index_cast %add3A_22 : i32 to index
      %get3A_23 = tpu.vector_load %arg59[%get3A] {strides = array<i32>} : memref<6272xf32, #tpu.memory_space<vmem>>, vector<16xf32>,
      %get3A_24 = vector.shape_cast %get3A_23 : vector<16xf32> to vector<16xf32>
      %get3A_25 = arith.index_cast %add3A_22 : i32 to index
      %get3A_26 = tpu.vector_load %arg60[%get3A_25] {strides = array<i32>} : memref<6272xf32, #tpu.memory_space<vmem>>, vector<16xf32>,
      %get3A_27 = vector.shape_cast %get3A_26 : vector<16xf32> to vector<16xf32>
      %add3A_28 = arith.addf %get3A_24, %get3A_27 : vector<16xf32>
      %add3A_29 = arith.constant 1.000000e+00 : f32
      %add3A_30 = vector.broadcast %add3A_29 : f32 to vector<16xf32>
      %add3A_31 = arith.addf %add3A_28, %add3A_30 : vector<16xf32>
      %bitcast_convert_type3A = tpu.bitcast %add3A_31 : vector<16xf32> -> vector<16xi32>
      %shift_right_logical3A = arith.constant 1 : i32
      %shift_right_logical3A_32 = vector.broadcast %shift_right_logical3A : i32 to vector<16xi32>
      %shift_right_logical3A_33 = arith.shrui %bitcast_convert_type3A, %shift_right_logical3A_32 : vector<16xi32>
      %sub3A = arith.constant 1597463007 : i32
      %sub3A_34 = vector.broadcast %sub3A : i32 to vector<16xi32>
      %sub3A_35 = arith.subi %sub3A_34, %shift_right_logical3A_33 : vector<16xi32>
      %bitcast_convert_type3A_36 = tpu.bitcast %sub3A_35 : vector<16xi32> -> vector<16xf32>
      %mul3A_37 = arith.constant -5.000000e-01 : f32
      %mul3A_38 = vector.broadcast %mul3A_37 : f32 to vector<16xf32>
      %mul3A_39 = arith.mulf %mul3A_38, %add3A_31 : vector<16xf32>
      %mul3A_40 = arith.mulf %mul3A_39, %bitcast_convert_type3A_36 : vector<16xf32>
      %mul3A_41 = arith.mulf %mul3A_40, %bitcast_convert_type3A_36 : vector<16xf32>
      %add3A_42 = arith.constant 1.500000e+00 : f32
      %add3A_43 = vector.broadcast %add3A_42 : f32 to vector<16xf32>
      %add3A_44 = arith.addf %add3A_43, %mul3A_41 : vector<16xf32>
      %mul3A_45 = arith.mulf %bitcast_convert_type3A_36, %add3A_44 : vector<16xf32>
      %mul3A_46 = arith.mulf %mul3A_39, %mul3A_45 : vector<16xf32>
      %mul3A_47 = arith.mulf %mul3A_46, %mul3A_45 : vector<16xf32>
      %add3A_48 = arith.constant 1.500000e+00 : f32
      %add3A_49 = vector.broadcast %add3A_48 : f32 to vector<16xf32>
      %add3A_50 = arith.addf %add3A_49, %mul3A_47 : vector<16xf32>
      %mul3A_51 = arith.mulf %mul3A_45, %add3A_50 : vector<16xf32>
      %mul3A_52 = arith.mulf %mul3A_39, %mul3A_51 : vector<16xf32>
      %mul3A_53 = arith.mulf %mul3A_52, %mul3A_51 : vector<16xf32>
      %add3A_54 = arith.constant 1.500000e+00 : f32
      %add3A_55 = vector.broadcast %add3A_54 : f32 to vector<16xf32>
      %add3A_56 = arith.addf %add3A_55, %mul3A_53 : vector<16xf32>
      %mul3A_57 = arith.mulf %mul3A_51, %add3A_56 : vector<16xf32>
      %get3A_58 = arith.index_cast %add3A_22 : i32 to index
      %get3A_59 = tpu.vector_load %arg61[%get3A_58] {strides = array<i32>} : memref<6272xf32, #tpu.memory_space<vmem>>, vector<16xf32>,
      %get3A_60 = vector.shape_cast %get3A_59 : vector<16xf32> to vector<16xf32>
      %mul3A_61 = arith.mulf %mul3A_57, %get3A_60 : vector<16xf32>
      %swap3A = arith.index_cast %add3A_22 : i32 to index
      %swap3A_62 = tpu.vector_load %arg59[%swap3A] {strides = array<i32>} : memref<6272xf32, #tpu.memory_space<vmem>>, vector<16xf32>,
      %swap3A_63 = vector.shape_cast %swap3A_62 : vector<16xf32> to vector<16xf32>
      %swap3A_64 = vector.shape_cast %mul3A_61 : vector<16xf32> to vector<16xf32>
      tpu.vector_store %arg59[%swap3A], %swap3A_64 {strides = array<i32>} : memref<6272xf32, #tpu.memory_space<vmem>>, vector<16xf32>,
      %mul3A_65 = arith.constant 128 : i32
      %mul3A_66 = arith.muli %scan3A_18, %mul3A_65 : i32
      %add3A_67 = arith.constant 16 : i32
      %add3A_68 = arith.addi %mul3A_66, %add3A_67 : i32
      %get3A_69 = arith.index_cast %add3A_68 : i32 to index
      %get3A_70 = tpu.vector_load %arg59[%get3A_69] {strides = array<i32>} : memref<6272xf32, #tpu.memory_space<vmem>>, vector<16xf32>,
      %get3A_71 = vector.shape_cast %get3A_70 : vector<16xf32> to vector<16xf32>
      %get3A_72 = arith.index_cast %add3A_68 : i32 to index
      %get3A_73 = tpu.vector_load %arg60[%get3A_72] {strides = array<i32>} : memref<6272xf32, #tpu.memory_space<vmem>>, vector<16xf32>,
      %get3A_74 = vector.shape_cast %get3A_73 : vector<16xf32> to vector<16xf32>
      %add3A_75 = arith.addf %get3A_71, %get3A_74 : vector<16xf32>
      %add3A_76 = arith.constant 1.000000e+00 : f32
      %add3A_77 = vector.broadcast %add3A_76 : f32 to vector<16xf32>
      %add3A_78 = arith.addf %add3A_75, %add3A_77 : vector<16xf32>
      %bitcast_convert_type3A_79 = tpu.bitcast %add3A_78 : vector<16xf32> -> vector<16xi32>
      %shift_right_logical3A_80 = arith.constant 1 : i32
      %shift_right_logical3A_81 = vector.broadcast %shift_right_logical3A_80 : i32 to vector<16xi32>
      %shift_right_logical3A_82 = arith.shrui %bitcast_convert_type3A_79, %shift_right_logical3A_81 : vector<16xi32>
      %sub3A_83 = arith.constant 1597463007 : i32
      %sub3A_84 = vector.broadcast %sub3A_83 : i32 to vector<16xi32>
      %sub3A_85 = arith.subi %sub3A_84, %shift_right_logical3A_82 : vector<16xi32>
      %bitcast_convert_type3A_86 = tpu.bitcast %sub3A_85 : vector<16xi32> -> vector<16xf32>
      %mul3A_87 = arith.constant -5.000000e-01 : f32
      %mul3A_88 = vector.broadcast %mul3A_87 : f32 to vector<16xf32>
      %mul3A_89 = arith.mulf %mul3A_88, %add3A_78 : vector<16xf32>
      %mul3A_90 = arith.mulf %mul3A_89, %bitcast_convert_type3A_86 : vector<16xf32>
      %mul3A_91 = arith.mulf %mul3A_90, %bitcast_convert_type3A_86 : vector<16xf32>
      %add3A_92 = arith.constant 1.500000e+00 : f32
      %add3A_93 = vector.broadcast %add3A_92 : f32 to vector<16xf32>
      %add3A_94 = arith.addf %add3A_93, %mul3A_91 : vector<16xf32>
      %mul3A_95 = arith.mulf %bitcast_convert_type3A_86, %add3A_94 : vector<16xf32>
      %mul3A_96 = arith.mulf %mul3A_89, %mul3A_95 : vector<16xf32>
      %mul3A_97 = arith.mulf %mul3A_96, %mul3A_95 : vector<16xf32>
      %add3A_98 = arith.constant 1.500000e+00 : f32
      %add3A_99 = vector.broadcast %add3A_98 : f32 to vector<16xf32>
      %add3A_100 = arith.addf %add3A_99, %mul3A_97 : vector<16xf32>
      %mul3A_101 = arith.mulf %mul3A_95, %add3A_100 : vector<16xf32>
      %mul3A_102 = arith.mulf %mul3A_89, %mul3A_101 : vector<16xf32>
      %mul3A_103 = arith.mulf %mul3A_102, %mul3A_101 : vector<16xf32>
      %add3A_104 = arith.constant 1.500000e+00 : f32
      %add3A_105 = vector.broadcast %add3A_104 : f32 to vector<16xf32>
      %add3A_106 = arith.addf %add3A_105, %mul3A_103 : vector<16xf32>
      %mul3A_107 = arith.mulf %mul3A_101, %add3A_106 : vector<16xf32>
      %get3A_108 = arith.index_cast %add3A_68 : i32 to index
      %get3A_109 = tpu.vector_load %arg61[%get3A_108] {strides = array<i32>} : memref<6272xf32, #tpu.memory_space<vmem>>, vector<16xf32>,
      %get3A_110 = vector.shape_cast %get3A_109 : vector<16xf32> to vector<16xf32>
      %mul3A_111 = arith.mulf %mul3A_107, %get3A_110 : vector<16xf32>
      %swap3A_112 = arith.index_cast %add3A_68 : i32 to index
      %swap3A_113 = tpu.vector_load %arg59[%swap3A_112] {strides = array<i32>} : memref<6272xf32, #tpu.memory_space<vmem>>, vector<16xf32>,
      %swap3A_114 = vector.shape_cast %swap3A_113 : vector<16xf32> to vector<16xf32>
      %swap3A_115 = vector.shape_cast %mul3A_111 : vector<16xf32> to vector<16xf32>
      tpu.vector_store %arg59[%swap3A_112], %swap3A_115 {strides = array<i32>} : memref<6272xf32, #tpu.memory_space<vmem>>, vector<16xf32>,
      %mul3A_116 = arith.constant 128 : i32
      %mul3A_117 = arith.muli %scan3A_18, %mul3A_116 : i32
      %add3A_118 = arith.constant 32 : i32
      %add3A_119 = arith.addi %mul3A_117, %add3A_118 : i32
      %get3A_120 = arith.index_cast %add3A_119 : i32 to index
      %get3A_121 = tpu.vector_load %arg59[%get3A_120] {strides = array<i32>} : memref<6272xf32, #tpu.memory_space<vmem>>, vector<16xf32>,
      %get3A_122 = vector.shape_cast %get3A_121 : vector<16xf32> to vector<16xf32>
      %get3A_123 = arith.index_cast %add3A_119 : i32 to index
      %get3A_124 = tpu.vector_load %arg60[%get3A_123] {strides = array<i32>} : memref<6272xf32, #tpu.memory_space<vmem>>, vector<16xf32>,
      %get3A_125 = vector.shape_cast %get3A_124 : vector<16xf32> to vector<16xf32>
      %add3A_126 = arith.addf %get3A_122, %get3A_125 : vector<16xf32>
      %add3A_127 = arith.constant 1.000000e+00 : f32
      %add3A_128 = vector.broadcast %add3A_127 : f32 to vector<16xf32>
      %add3A_129 = arith.addf %add3A_126, %add3A_128 : vector<16xf32>
      %bitcast_convert_type3A_130 = tpu.bitcast %add3A_129 : vector<16xf32> -> vector<16xi32>
      %shift_right_logical3A_131 = arith.constant 1 : i32
      %shift_right_logical3A_132 = vector.broadcast %shift_right_logical3A_131 : i32 to vector<16xi32>
      %shift_right_logical3A_133 = arith.shrui %bitcast_convert_type3A_130, %shift_right_logical3A_132 : vector<16xi32>
      %sub3A_134 = arith.constant 1597463007 : i32
      %sub3A_135 = vector.broadcast %sub3A_134 : i32 to vector<16xi32>
      %sub3A_136 = arith.subi %sub3A_135, %shift_right_logical3A_133 : vector<16xi32>
      %bitcast_convert_type3A_137 = tpu.bitcast %sub3A_136 : vector<16xi32> -> vector<16xf32>
      %mul3A_138 = arith.constant -5.000000e-01 : f32
      %mul3A_139 = vector.broadcast %mul3A_138 : f32 to vector<16xf32>
      %mul3A_140 = arith.mulf %mul3A_139, %add3A_129 : vector<16xf32>
      %mul3A_141 = arith.mulf %mul3A_140, %bitcast_convert_type3A_137 : vector<16xf32>
      %mul3A_142 = arith.mulf %mul3A_141, %bitcast_convert_type3A_137 : vector<16xf32>
      %add3A_143 = arith.constant 1.500000e+00 : f32
      %add3A_144 = vector.broadcast %add3A_143 : f32 to vector<16xf32>
      %add3A_145 = arith.addf %add3A_144, %mul3A_142 : vector<16xf32>
      %mul3A_146 = arith.mulf %bitcast_convert_type3A_137, %add3A_145 : vector<16xf32>
      %mul3A_147 = arith.mulf %mul3A_140, %mul3A_146 : vector<16xf32>
      %mul3A_148 = arith.mulf %mul3A_147, %mul3A_146 : vector<16xf32>
      %add3A_149 = arith.constant 1.500000e+00 : f32
      %add3A_150 = vector.broadcast %add3A_149 : f32 to vector<16xf32>
      %add3A_151 = arith.addf %add3A_150, %mul3A_148 : vector<16xf32>
      %mul3A_152 = arith.mulf %mul3A_146, %add3A_151 : vector<16xf32>
      %mul3A_153 = arith.mulf %mul3A_140, %mul3A_152 : vector<16xf32>
      %mul3A_154 = arith.mulf %mul3A_153, %mul3A_152 : vector<16xf32>
      %add3A_155 = arith.constant 1.500000e+00 : f32
      %add3A_156 = vector.broadcast %add3A_155 : f32 to vector<16xf32>
      %add3A_157 = arith.addf %add3A_156, %mul3A_154 : vector<16xf32>
      %mul3A_158 = arith.mulf %mul3A_152, %add3A_157 : vector<16xf32>
      %get3A_159 = arith.index_cast %add3A_119 : i32 to index
      %get3A_160 = tpu.vector_load %arg61[%get3A_159] {strides = array<i32>} : memref<6272xf32, #tpu.memory_space<vmem>>, vector<16xf32>,
      %get3A_161 = vector.shape_cast %get3A_160 : vector<16xf32> to vector<16xf32>
      %mul3A_162 = arith.mulf %mul3A_158, %get3A_161 : vector<16xf32>
      %swap3A_163 = arith.index_cast %add3A_119 : i32 to index
      %swap3A_164 = tpu.vector_load %arg59[%swap3A_163] {strides = array<i32>} : memref<6272xf32, #tpu.memory_space<vmem>>, vector<16xf32>,
      %swap3A_165 = vector.shape_cast %swap3A_164 : vector<16xf32> to vector<16xf32>
      %swap3A_166 = vector.shape_cast %mul3A_162 : vector<16xf32> to vector<16xf32>
      tpu.vector_store %arg59[%swap3A_163], %swap3A_166 {strides = array<i32>} : memref<6272xf32, #tpu.memory_space<vmem>>, vector<16xf32>,
      %mul3A_167 = arith.constant 128 : i32
      %mul3A_168 = arith.muli %scan3A_18, %mul3A_167 : i32
      %add3A_169 = arith.constant 48 : i32
      %add3A_170 = arith.addi %mul3A_168, %add3A_169 : i32
      %get3A_171 = arith.index_cast %add3A_170 : i32 to index
      %get3A_172 = tpu.vector_load %arg59[%get3A_171] {strides = array<i32>} : memref<6272xf32, #tpu.memory_space<vmem>>, vector<16xf32>,
      %get3A_173 = vector.shape_cast %get3A_172 : vector<16xf32> to vector<16xf32>
      %get3A_174 = arith.index_cast %add3A_170 : i32 to index
      %get3A_175 = tpu.vector_load %arg60[%get3A_174] {strides = array<i32>} : memref<6272xf32, #tpu.memory_space<vmem>>, vector<16xf32>,
      %get3A_176 = vector.shape_cast %get3A_175 : vector<16xf32> to vector<16xf32>
      %add3A_177 = arith.addf %get3A_173, %get3A_176 : vector<16xf32>
      %add3A_178 = arith.constant 1.000000e+00 : f32
      %add3A_179 = vector.broadcast %add3A_178 : f32 to vector<16xf32>
      %add3A_180 = arith.addf %add3A_177, %add3A_179 : vector<16xf32>
      %bitcast_convert_type3A_181 = tpu.bitcast %add3A_180 : vector<16xf32> -> vector<16xi32>
      %shift_right_logical3A_182 = arith.constant 1 : i32
      %shift_right_logical3A_183 = vector.broadcast %shift_right_logical3A_182 : i32 to vector<16xi32>
      %shift_right_logical3A_184 = arith.shrui %bitcast_convert_type3A_181, %shift_right_logical3A_183 : vector<16xi32>
      %sub3A_185 = arith.constant 1597463007 : i32
      %sub3A_186 = vector.broadcast %sub3A_185 : i32 to vector<16xi32>
      %sub3A_187 = arith.subi %sub3A_186, %shift_right_logical3A_184 : vector<16xi32>
      %bitcast_convert_type3A_188 = tpu.bitcast %sub3A_187 : vector<16xi32> -> vector<16xf32>
      %mul3A_189 = arith.constant -5.000000e-01 : f32
      %mul3A_190 = vector.broadcast %mul3A_189 : f32 to vector<16xf32>
      %mul3A_191 = arith.mulf %mul3A_190, %add3A_180 : vector<16xf32>
      %mul3A_192 = arith.mulf %mul3A_191, %bitcast_convert_type3A_188 : vector<16xf32>
      %mul3A_193 = arith.mulf %mul3A_192, %bitcast_convert_type3A_188 : vector<16xf32>
      %add3A_194 = arith.constant 1.500000e+00 : f32
      %add3A_195 = vector.broadcast %add3A_194 : f32 to vector<16xf32>
      %add3A_196 = arith.addf %add3A_195, %mul3A_193 : vector<16xf32>
      %mul3A_197 = arith.mulf %bitcast_convert_type3A_188, %add3A_196 : vector<16xf32>
      %mul3A_198 = arith.mulf %mul3A_191, %mul3A_197 : vector<16xf32>
      %mul3A_199 = arith.mulf %mul3A_198, %mul3A_197 : vector<16xf32>
      %add3A_200 = arith.constant 1.500000e+00 : f32
      %add3A_201 = vector.broadcast %add3A_200 : f32 to vector<16xf32>
      %add3A_202 = arith.addf %add3A_201, %mul3A_199 : vector<16xf32>
      %mul3A_203 = arith.mulf %mul3A_197, %add3A_202 : vector<16xf32>
      %mul3A_204 = arith.mulf %mul3A_191, %mul3A_203 : vector<16xf32>
      %mul3A_205 = arith.mulf %mul3A_204, %mul3A_203 : vector<16xf32>
      %add3A_206 = arith.constant 1.500000e+00 : f32
      %add3A_207 = vector.broadcast %add3A_206 : f32 to vector<16xf32>
      %add3A_208 = arith.addf %add3A_207, %mul3A_205 : vector<16xf32>
      %mul3A_209 = arith.mulf %mul3A_203, %add3A_208 : vector<16xf32>
      %get3A_210 = arith.index_cast %add3A_170 : i32 to index
      %get3A_211 = tpu.vector_load %arg61[%get3A_210] {strides = array<i32>} : memref<6272xf32, #tpu.memory_space<vmem>>, vector<16xf32>,
      %get3A_212 = vector.shape_cast %get3A_211 : vector<16xf32> to vector<16xf32>
      %mul3A_213 = arith.mulf %mul3A_209, %get3A_212 : vector<16xf32>
      %swap3A_214 = arith.index_cast %add3A_170 : i32 to index
      %swap3A_215 = tpu.vector_load %arg59[%swap3A_214] {strides = array<i32>} : memref<6272xf32, #tpu.memory_space<vmem>>, vector<16xf32>,
      %swap3A_216 = vector.shape_cast %swap3A_215 : vector<16xf32> to vector<16xf32>
      %swap3A_217 = vector.shape_cast %mul3A_213 : vector<16xf32> to vector<16xf32>
      tpu.vector_store %arg59[%swap3A_214], %swap3A_217 {strides = array<i32>} : memref<6272xf32, #tpu.memory_space<vmem>>, vector<16xf32>,
      %mul3A_218 = arith.constant 128 : i32
      %mul3A_219 = arith.muli %scan3A_18, %mul3A_218 : i32
      %add3A_220 = arith.constant 64 : i32
      %add3A_221 = arith.addi %mul3A_219, %add3A_220 : i32
      %get3A_222 = arith.index_cast %add3A_221 : i32 to index
      %get3A_223 = tpu.vector_load %arg59[%get3A_222] {strides = array<i32>} : memref<6272xf32, #tpu.memory_space<vmem>>, vector<16xf32>,
      %get3A_224 = vector.shape_cast %get3A_223 : vector<16xf32> to vector<16xf32>
      %get3A_225 = arith.index_cast %add3A_221 : i32 to index
      %get3A_226 = tpu.vector_load %arg60[%get3A_225] {strides = array<i32>} : memref<6272xf32, #tpu.memory_space<vmem>>, vector<16xf32>,
      %get3A_227 = vector.shape_cast %get3A_226 : vector<16xf32> to vector<16xf32>
      %add3A_228 = arith.addf %get3A_224, %get3A_227 : vector<16xf32>
      %add3A_229 = arith.constant 1.000000e+00 : f32
      %add3A_230 = vector.broadcast %add3A_229 : f32 to vector<16xf32>
      %add3A_231 = arith.addf %add3A_228, %add3A_230 : vector<16xf32>
      %bitcast_convert_type3A_232 = tpu.bitcast %add3A_231 : vector<16xf32> -> vector<16xi32>
      %shift_right_logical3A_233 = arith.constant 1 : i32
      %shift_right_logical3A_234 = vector.broadcast %shift_right_logical3A_233 : i32 to vector<16xi32>
      %shift_right_logical3A_235 = arith.shrui %bitcast_convert_type3A_232, %shift_right_logical3A_234 : vector<16xi32>
      %sub3A_236 = arith.constant 1597463007 : i32
      %sub3A_237 = vector.broadcast %sub3A_236 : i32 to vector<16xi32>
      %sub3A_238 = arith.subi %sub3A_237, %shift_right_logical3A_235 : vector<16xi32>
      %bitcast_convert_type3A_239 = tpu.bitcast %sub3A_238 : vector<16xi32> -> vector<16xf32>
      %mul3A_240 = arith.constant -5.000000e-01 : f32
      %mul3A_241 = vector.broadcast %mul3A_240 : f32 to vector<16xf32>
      %mul3A_242 = arith.mulf %mul3A_241, %add3A_231 : vector<16xf32>
      %mul3A_243 = arith.mulf %mul3A_242, %bitcast_convert_type3A_239 : vector<16xf32>
      %mul3A_244 = arith.mulf %mul3A_243, %bitcast_convert_type3A_239 : vector<16xf32>
      %add3A_245 = arith.constant 1.500000e+00 : f32
      %add3A_246 = vector.broadcast %add3A_245 : f32 to vector<16xf32>
      %add3A_247 = arith.addf %add3A_246, %mul3A_244 : vector<16xf32>
      %mul3A_248 = arith.mulf %bitcast_convert_type3A_239, %add3A_247 : vector<16xf32>
      %mul3A_249 = arith.mulf %mul3A_242, %mul3A_248 : vector<16xf32>
      %mul3A_250 = arith.mulf %mul3A_249, %mul3A_248 : vector<16xf32>
      %add3A_251 = arith.constant 1.500000e+00 : f32
      %add3A_252 = vector.broadcast %add3A_251 : f32 to vector<16xf32>
      %add3A_253 = arith.addf %add3A_252, %mul3A_250 : vector<16xf32>
      %mul3A_254 = arith.mulf %mul3A_248, %add3A_253 : vector<16xf32>
      %mul3A_255 = arith.mulf %mul3A_242, %mul3A_254 : vector<16xf32>
      %mul3A_256 = arith.mulf %mul3A_255, %mul3A_254 : vector<16xf32>
      %add3A_257 = arith.constant 1.500000e+00 : f32
      %add3A_258 = vector.broadcast %add3A_257 : f32 to vector<16xf32>
      %add3A_259 = arith.addf %add3A_258, %mul3A_256 : vector<16xf32>
      %mul3A_260 = arith.mulf %mul3A_254, %add3A_259 : vector<16xf32>
      %get3A_261 = arith.index_cast %add3A_221 : i32 to index
      %get3A_262 = tpu.vector_load %arg61[%get3A_261] {strides = array<i32>} : memref<6272xf32, #tpu.memory_space<vmem>>, vector<16xf32>,
      %get3A_263 = vector.shape_cast %get3A_262 : vector<16xf32> to vector<16xf32>
      %mul3A_264 = arith.mulf %mul3A_260, %get3A_263 : vector<16xf32>
      %swap3A_265 = arith.index_cast %add3A_221 : i32 to index
      %swap3A_266 = tpu.vector_load %arg59[%swap3A_265] {strides = array<i32>} : memref<6272xf32, #tpu.memory_space<vmem>>, vector<16xf32>,
      %swap3A_267 = vector.shape_cast %swap3A_266 : vector<16xf32> to vector<16xf32>
      %swap3A_268 = vector.shape_cast %mul3A_264 : vector<16xf32> to vector<16xf32>
      tpu.vector_store %arg59[%swap3A_265], %swap3A_268 {strides = array<i32>} : memref<6272xf32, #tpu.memory_space<vmem>>, vector<16xf32>,
      %mul3A_269 = arith.constant 128 : i32
      %mul3A_270 = arith.muli %scan3A_18, %mul3A_269 : i32
      %add3A_271 = arith.constant 80 : i32
      %add3A_272 = arith.addi %mul3A_270, %add3A_271 : i32
      %get3A_273 = arith.index_cast %add3A_272 : i32 to index
      %get3A_274 = tpu.vector_load %arg59[%get3A_273] {strides = array<i32>} : memref<6272xf32, #tpu.memory_space<vmem>>, vector<16xf32>,
      %get3A_275 = vector.shape_cast %get3A_274 : vector<16xf32> to vector<16xf32>
      %get3A_276 = arith.index_cast %add3A_272 : i32 to index
      %get3A_277 = tpu.vector_load %arg60[%get3A_276] {strides = array<i32>} : memref<6272xf32, #tpu.memory_space<vmem>>, vector<16xf32>,
      %get3A_278 = vector.shape_cast %get3A_277 : vector<16xf32> to vector<16xf32>
      %add3A_279 = arith.addf %get3A_275, %get3A_278 : vector<16xf32>
      %add3A_280 = arith.constant 1.000000e+00 : f32
      %add3A_281 = vector.broadcast %add3A_280 : f32 to vector<16xf32>
      %add3A_282 = arith.addf %add3A_279, %add3A_281 : vector<16xf32>
      %bitcast_convert_type3A_283 = tpu.bitcast %add3A_282 : vector<16xf32> -> vector<16xi32>
      %shift_right_logical3A_284 = arith.constant 1 : i32
      %shift_right_logical3A_285 = vector.broadcast %shift_right_logical3A_284 : i32 to vector<16xi32>
      %shift_right_logical3A_286 = arith.shrui %bitcast_convert_type3A_283, %shift_right_logical3A_285 : vector<16xi32>
      %sub3A_287 = arith.constant 1597463007 : i32
      %sub3A_288 = vector.broadcast %sub3A_287 : i32 to vector<16xi32>
      %sub3A_289 = arith.subi %sub3A_288, %shift_right_logical3A_286 : vector<16xi32>
      %bitcast_convert_type3A_290 = tpu.bitcast %sub3A_289 : vector<16xi32> -> vector<16xf32>
      %mul3A_291 = arith.constant -5.000000e-01 : f32
      %mul3A_292 = vector.broadcast %mul3A_291 : f32 to vector<16xf32>
      %mul3A_293 = arith.mulf %mul3A_292, %add3A_282 : vector<16xf32>
      %mul3A_294 = arith.mulf %mul3A_293, %bitcast_convert_type3A_290 : vector<16xf32>
      %mul3A_295 = arith.mulf %mul3A_294, %bitcast_convert_type3A_290 : vector<16xf32>
      %add3A_296 = arith.constant 1.500000e+00 : f32
      %add3A_297 = vector.broadcast %add3A_296 : f32 to vector<16xf32>
      %add3A_298 = arith.addf %add3A_297, %mul3A_295 : vector<16xf32>
      %mul3A_299 = arith.mulf %bitcast_convert_type3A_290, %add3A_298 : vector<16xf32>
      %mul3A_300 = arith.mulf %mul3A_293, %mul3A_299 : vector<16xf32>
      %mul3A_301 = arith.mulf %mul3A_300, %mul3A_299 : vector<16xf32>
      %add3A_302 = arith.constant 1.500000e+00 : f32
      %add3A_303 = vector.broadcast %add3A_302 : f32 to vector<16xf32>
      %add3A_304 = arith.addf %add3A_303, %mul3A_301 : vector<16xf32>
      %mul3A_305 = arith.mulf %mul3A_299, %add3A_304 : vector<16xf32>
      %mul3A_306 = arith.mulf %mul3A_293, %mul3A_305 : vector<16xf32>
      %mul3A_307 = arith.mulf %mul3A_306, %mul3A_305 : vector<16xf32>
      %add3A_308 = arith.constant 1.500000e+00 : f32
      %add3A_309 = vector.broadcast %add3A_308 : f32 to vector<16xf32>
      %add3A_310 = arith.addf %add3A_309, %mul3A_307 : vector<16xf32>
      %mul3A_311 = arith.mulf %mul3A_305, %add3A_310 : vector<16xf32>
      %get3A_312 = arith.index_cast %add3A_272 : i32 to index
      %get3A_313 = tpu.vector_load %arg61[%get3A_312] {strides = array<i32>} : memref<6272xf32, #tpu.memory_space<vmem>>, vector<16xf32>,
      %get3A_314 = vector.shape_cast %get3A_313 : vector<16xf32> to vector<16xf32>
      %mul3A_315 = arith.mulf %mul3A_311, %get3A_314 : vector<16xf32>
      %swap3A_316 = arith.index_cast %add3A_272 : i32 to index
      %swap3A_317 = tpu.vector_load %arg59[%swap3A_316] {strides = array<i32>} : memref<6272xf32, #tpu.memory_space<vmem>>, vector<16xf32>,
      %swap3A_318 = vector.shape_cast %swap3A_317 : vector<16xf32> to vector<16xf32>
      %swap3A_319 = vector.shape_cast %mul3A_315 : vector<16xf32> to vector<16xf32>
      tpu.vector_store %arg59[%swap3A_316], %swap3A_319 {strides = array<i32>} : memref<6272xf32, #tpu.memory_space<vmem>>, vector<16xf32>,
      %mul3A_320 = arith.constant 128 : i32
      %mul3A_321 = arith.muli %scan3A_18, %mul3A_320 : i32
      %add3A_322 = arith.constant 96 : i32
      %add3A_323 = arith.addi %mul3A_321, %add3A_322 : i32
      %get3A_324 = arith.index_cast %add3A_323 : i32 to index
      %get3A_325 = tpu.vector_load %arg59[%get3A_324] {strides = array<i32>} : memref<6272xf32, #tpu.memory_space<vmem>>, vector<16xf32>,
      %get3A_326 = vector.shape_cast %get3A_325 : vector<16xf32> to vector<16xf32>
      %get3A_327 = arith.index_cast %add3A_323 : i32 to index
      %get3A_328 = tpu.vector_load %arg60[%get3A_327] {strides = array<i32>} : memref<6272xf32, #tpu.memory_space<vmem>>, vector<16xf32>,
      %get3A_329 = vector.shape_cast %get3A_328 : vector<16xf32> to vector<16xf32>
      %add3A_330 = arith.addf %get3A_326, %get3A_329 : vector<16xf32>
      %add3A_331 = arith.constant 1.000000e+00 : f32
      %add3A_332 = vector.broadcast %add3A_331 : f32 to vector<16xf32>
      %add3A_333 = arith.addf %add3A_330, %add3A_332 : vector<16xf32>
      %bitcast_convert_type3A_334 = tpu.bitcast %add3A_333 : vector<16xf32> -> vector<16xi32>
      %shift_right_logical3A_335 = arith.constant 1 : i32
      %shift_right_logical3A_336 = vector.broadcast %shift_right_logical3A_335 : i32 to vector<16xi32>
      %shift_right_logical3A_337 = arith.shrui %bitcast_convert_type3A_334, %shift_right_logical3A_336 : vector<16xi32>
      %sub3A_338 = arith.constant 1597463007 : i32
      %sub3A_339 = vector.broadcast %sub3A_338 : i32 to vector<16xi32>
      %sub3A_340 = arith.subi %sub3A_339, %shift_right_logical3A_337 : vector<16xi32>
      %bitcast_convert_type3A_341 = tpu.bitcast %sub3A_340 : vector<16xi32> -> vector<16xf32>
      %mul3A_342 = arith.constant -5.000000e-01 : f32
      %mul3A_343 = vector.broadcast %mul3A_342 : f32 to vector<16xf32>
      %mul3A_344 = arith.mulf %mul3A_343, %add3A_333 : vector<16xf32>
      %mul3A_345 = arith.mulf %mul3A_344, %bitcast_convert_type3A_341 : vector<16xf32>
      %mul3A_346 = arith.mulf %mul3A_345, %bitcast_convert_type3A_341 : vector<16xf32>
      %add3A_347 = arith.constant 1.500000e+00 : f32
      %add3A_348 = vector.broadcast %add3A_347 : f32 to vector<16xf32>
      %add3A_349 = arith.addf %add3A_348, %mul3A_346 : vector<16xf32>
      %mul3A_350 = arith.mulf %bitcast_convert_type3A_341, %add3A_349 : vector<16xf32>
      %mul3A_351 = arith.mulf %mul3A_344, %mul3A_350 : vector<16xf32>
      %mul3A_352 = arith.mulf %mul3A_351, %mul3A_350 : vector<16xf32>
      %add3A_353 = arith.constant 1.500000e+00 : f32
      %add3A_354 = vector.broadcast %add3A_353 : f32 to vector<16xf32>
      %add3A_355 = arith.addf %add3A_354, %mul3A_352 : vector<16xf32>
      %mul3A_356 = arith.mulf %mul3A_350, %add3A_355 : vector<16xf32>
      %mul3A_357 = arith.mulf %mul3A_344, %mul3A_356 : vector<16xf32>
      %mul3A_358 = arith.mulf %mul3A_357, %mul3A_356 : vector<16xf32>
      %add3A_359 = arith.constant 1.500000e+00 : f32
      %add3A_360 = vector.broadcast %add3A_359 : f32 to vector<16xf32>
      %add3A_361 = arith.addf %add3A_360, %mul3A_358 : vector<16xf32>
      %mul3A_362 = arith.mulf %mul3A_356, %add3A_361 : vector<16xf32>
      %get3A_363 = arith.index_cast %add3A_323 : i32 to index
      %get3A_364 = tpu.vector_load %arg61[%get3A_363] {strides = array<i32>} : memref<6272xf32, #tpu.memory_space<vmem>>, vector<16xf32>,
      %get3A_365 = vector.shape_cast %get3A_364 : vector<16xf32> to vector<16xf32>
      %mul3A_366 = arith.mulf %mul3A_362, %get3A_365 : vector<16xf32>
      %swap3A_367 = arith.index_cast %add3A_323 : i32 to index
      %swap3A_368 = tpu.vector_load %arg59[%swap3A_367] {strides = array<i32>} : memref<6272xf32, #tpu.memory_space<vmem>>, vector<16xf32>,
      %swap3A_369 = vector.shape_cast %swap3A_368 : vector<16xf32> to vector<16xf32>
      %swap3A_370 = vector.shape_cast %mul3A_366 : vector<16xf32> to vector<16xf32>
      tpu.vector_store %arg59[%swap3A_367], %swap3A_370 {strides = array<i32>} : memref<6272xf32, #tpu.memory_space<vmem>>, vector<16xf32>,
      %mul3A_371 = arith.constant 128 : i32
      %mul3A_372 = arith.muli %scan3A_18, %mul3A_371 : i32
      %add3A_373 = arith.constant 112 : i32
      %add3A_374 = arith.addi %mul3A_372, %add3A_373 : i32
      %get3A_375 = arith.index_cast %add3A_374 : i32 to index
      %get3A_376 = tpu.vector_load %arg59[%get3A_375] {strides = array<i32>} : memref<6272xf32, #tpu.memory_space<vmem>>, vector<16xf32>,
      %get3A_377 = vector.shape_cast %get3A_376 : vector<16xf32> to vector<16xf32>
      %get3A_378 = arith.index_cast %add3A_374 : i32 to index
      %get3A_379 = tpu.vector_load %arg60[%get3A_378] {strides = array<i32>} : memref<6272xf32, #tpu.memory_space<vmem>>, vector<16xf32>,
      %get3A_380 = vector.shape_cast %get3A_379 : vector<16xf32> to vector<16xf32>
      %add3A_381 = arith.addf %get3A_377, %get3A_380 : vector<16xf32>
      %add3A_382 = arith.constant 1.000000e+00 : f32
      %add3A_383 = vector.broadcast %add3A_382 : f32 to vector<16xf32>
      %add3A_384 = arith.addf %add3A_381, %add3A_383 : vector<16xf32>
      %bitcast_convert_type3A_385 = tpu.bitcast %add3A_384 : vector<16xf32> -> vector<16xi32>
      %shift_right_logical3A_386 = arith.constant 1 : i32
      %shift_right_logical3A_387 = vector.broadcast %shift_right_logical3A_386 : i32 to vector<16xi32>
      %shift_right_logical3A_388 = arith.shrui %bitcast_convert_type3A_385, %shift_right_logical3A_387 : vector<16xi32>
      %sub3A_389 = arith.constant 1597463007 : i32
      %sub3A_390 = vector.broadcast %sub3A_389 : i32 to vector<16xi32>
      %sub3A_391 = arith.subi %sub3A_390, %shift_right_logical3A_388 : vector<16xi32>
      %bitcast_convert_type3A_392 = tpu.bitcast %sub3A_391 : vector<16xi32> -> vector<16xf32>
      %mul3A_393 = arith.constant -5.000000e-01 : f32
      %mul3A_394 = vector.broadcast %mul3A_393 : f32 to vector<16xf32>
      %mul3A_395 = arith.mulf %mul3A_394, %add3A_384 : vector<16xf32>
      %mul3A_396 = arith.mulf %mul3A_395, %bitcast_convert_type3A_392 : vector<16xf32>
      %mul3A_397 = arith.mulf %mul3A_396, %bitcast_convert_type3A_392 : vector<16xf32>
      %add3A_398 = arith.constant 1.500000e+00 : f32
      %add3A_399 = vector.broadcast %add3A_398 : f32 to vector<16xf32>
      %add3A_400 = arith.addf %add3A_399, %mul3A_397 : vector<16xf32>
      %mul3A_401 = arith.mulf %bitcast_convert_type3A_392, %add3A_400 : vector<16xf32>
      %mul3A_402 = arith.mulf %mul3A_395, %mul3A_401 : vector<16xf32>
      %mul3A_403 = arith.mulf %mul3A_402, %mul3A_401 : vector<16xf32>
      %add3A_404 = arith.constant 1.500000e+00 : f32
      %add3A_405 = vector.broadcast %add3A_404 : f32 to vector<16xf32>
      %add3A_406 = arith.addf %add3A_405, %mul3A_403 : vector<16xf32>
      %mul3A_407 = arith.mulf %mul3A_401, %add3A_406 : vector<16xf32>
      %mul3A_408 = arith.mulf %mul3A_395, %mul3A_407 : vector<16xf32>
      %mul3A_409 = arith.mulf %mul3A_408, %mul3A_407 : vector<16xf32>
      %add3A_410 = arith.constant 1.500000e+00 : f32
      %add3A_411 = vector.broadcast %add3A_410 : f32 to vector<16xf32>
      %add3A_412 = arith.addf %add3A_411, %mul3A_409 : vector<16xf32>
      %mul3A_413 = arith.mulf %mul3A_407, %add3A_412 : vector<16xf32>
      %get3A_414 = arith.index_cast %add3A_374 : i32 to index
      %get3A_415 = tpu.vector_load %arg61[%get3A_414] {strides = array<i32>} : memref<6272xf32, #tpu.memory_space<vmem>>, vector<16xf32>,
      %get3A_416 = vector.shape_cast %get3A_415 : vector<16xf32> to vector<16xf32>
      %mul3A_417 = arith.mulf %mul3A_413, %get3A_416 : vector<16xf32>
      %swap3A_418 = arith.index_cast %add3A_374 : i32 to index
      %swap3A_419 = tpu.vector_load %arg59[%swap3A_418] {strides = array<i32>} : memref<6272xf32, #tpu.memory_space<vmem>>, vector<16xf32>,
      %swap3A_420 = vector.shape_cast %swap3A_419 : vector<16xf32> to vector<16xf32>
      %swap3A_421 = vector.shape_cast %mul3A_417 : vector<16xf32> to vector<16xf32>
      tpu.vector_store %arg59[%swap3A_418], %swap3A_421 {strides = array<i32>} : memref<6272xf32, #tpu.memory_space<vmem>>, vector<16xf32>,
    }
    %scan3A_8 = arith.constant 49 : i32
    "tpu.region"() ({
      %run_scoped3A_18 = tpu.sem_alloc : memref<!tpu.dma_semaphore, #tpu.memory_space<semaphore_mem>>
      %dma_start3A = tpu.memref_slice %arg29[%mul3A_2] : memref<100352xf32, #tpu.memory_space<vmem_shared>> -> memref<6272xf32, #tpu.memory_space<vmem_shared>>
      %dma_start3A_19 = tpu.memref_slice %arg29[%mul3A_2] : memref<100352xf32, #tpu.memory_space<vmem_shared>> -> memref<6272xf32, #tpu.memory_space<vmem_shared>>
      tpu.enqueue_dma source(%arg59 : memref<6272xf32, #tpu.memory_space<vmem>>) target(%dma_start3A_19 : memref<6272xf32, #tpu.memory_space<vmem_shared>>) target_semaphore(%run_scoped3A_18 : memref<!tpu.dma_semaphore, #tpu.memory_space<semaphore_mem>>)
      %dma_wait3A = tpu.memref_slice %arg29[%mul3A_2] : memref<100352xf32, #tpu.memory_space<vmem_shared>> -> memref<6272xf32, #tpu.memory_space<vmem_shared>>
      %dma_wait3A_20 = tpu.memref_slice %arg29[%mul3A_2] : memref<100352xf32, #tpu.memory_space<vmem_shared>> -> memref<6272xf32, #tpu.memory_space<vmem_shared>>
      tpu.wait_dma2 semaphore(%run_scoped3A_18 : memref<!tpu.dma_semaphore, #tpu.memory_space<semaphore_mem>>) src(%arg59 : memref<6272xf32, #tpu.memory_space<vmem>>) dst(%dma_wait3A_20 : memref<6272xf32, #tpu.memory_space<vmem_shared>>)
      tpu.yield
    }) : () -> ()
    "tpu.region"() ({
      %run_scoped3A_18 = tpu.sem_alloc : memref<!tpu.dma_semaphore, #tpu.memory_space<semaphore_mem>>
      %dma_start3A = tpu.memref_slice %arg30[%mul3A_2] : memref<100352xf32, #tpu.memory_space<vmem_shared>> -> memref<6272xf32, #tpu.memory_space<vmem_shared>>
      %dma_start3A_19 = tpu.memref_slice %arg6[%mul3A_2] : memref<100352xf32, #tpu.memory_space<hbm>> -> memref<6272xf32, #tpu.memory_space<hbm>>
      tpu.enqueue_dma source(%dma_start3A_19 : memref<6272xf32, #tpu.memory_space<hbm>>) target(%dma_start3A : memref<6272xf32, #tpu.memory_space<vmem_shared>>) target_semaphore(%run_scoped3A_18 : memref<!tpu.dma_semaphore, #tpu.memory_space<semaphore_mem>>)
      %dma_wait3A = tpu.memref_slice %arg30[%mul3A_2] : memref<100352xf32, #tpu.memory_space<vmem_shared>> -> memref<6272xf32, #tpu.memory_space<vmem_shared>>
      %dma_wait3A_20 = tpu.memref_slice %arg6[%mul3A_2] : memref<100352xf32, #tpu.memory_space<hbm>> -> memref<6272xf32, #tpu.memory_space<hbm>>
      tpu.wait_dma2 semaphore(%run_scoped3A_18 : memref<!tpu.dma_semaphore, #tpu.memory_space<semaphore_mem>>) src(%dma_wait3A_20 : memref<6272xf32, #tpu.memory_space<hbm>>) dst(%dma_wait3A : memref<6272xf32, #tpu.memory_space<vmem_shared>>)
      tpu.yield
    }) : () -> ()
    %barrier3A = arith.constant 0 : index
    tpu.barrier barrier_id(%barrier3A)
    %mul3A_9 = arith.constant 100352 : i32
    %mul3A_10 = arith.muli %add3A, %mul3A_9 : i32
    %scan3A_11 = arith.constant 0 : i32
    %scan3A_12 = arith.constant 0 : i32
    %scan3A_13 = arith.constant 7 : i32
    %scan3A_14 = arith.addi %scan3A_12, %scan3A_13 : i32
    %scan3A_15 = arith.constant 1 : i32
    scf.for %scan3A_18 = %scan3A_12 to %scan3A_14 step %scan3A_15  : i32 {
      %mul3A_19 = arith.constant 14336 : i32
      %mul3A_20 = arith.muli %scan3A_18, %mul3A_19 : i32
      %add3A_21 = arith.addi %mul3A_10, %mul3A_20 : i32
      %add3A_22 = arith.constant 0 : i32
      %add3A_23 = arith.addi %add3A_21, %add3A_22 : i32
      %dma_start3A = tpu.memref_slice %arg2[%add3A_23] : memref<3211264xi32, #tpu.memory_space<hbm>> -> memref<2048xi32, #tpu.memory_space<hbm>>
      %dma_start3A_24 = tpu.memref_slice %arg2[%add3A_23] : memref<3211264xi32, #tpu.memory_space<hbm>> -> memref<2048xi32, #tpu.memory_space<hbm>>
      tpu.enqueue_dma source(%dma_start3A_24 : memref<2048xi32, #tpu.memory_space<hbm>>) target(%arg8 : memref<2048xi32, #tpu.memory_space<vmem>>) target_semaphore(%arg31 : memref<!tpu.dma_semaphore, #tpu.memory_space<semaphore_mem>>)
      %dma_start3A_25 = tpu.memref_slice %arg3[%add3A_23] : memref<3211264xi32, #tpu.memory_space<hbm>> -> memref<2048xi32, #tpu.memory_space<hbm>>
      %dma_start3A_26 = tpu.memref_slice %arg3[%add3A_23] : memref<3211264xi32, #tpu.memory_space<hbm>> -> memref<2048xi32, #tpu.memory_space<hbm>>
      tpu.enqueue_dma source(%dma_start3A_26 : memref<2048xi32, #tpu.memory_space<hbm>>) target(%arg15 : memref<2048xi32, #tpu.memory_space<vmem>>) target_semaphore(%arg32 : memref<!tpu.dma_semaphore, #tpu.memory_space<semaphore_mem>>)
      %add3A_27 = arith.constant 2048 : i32
      %add3A_28 = arith.addi %add3A_21, %add3A_27 : i32
      %dma_start3A_29 = tpu.memref_slice %arg2[%add3A_28] : memref<3211264xi32, #tpu.memory_space<hbm>> -> memref<2048xi32, #tpu.memory_space<hbm>>
      %dma_start3A_30 = tpu.memref_slice %arg2[%add3A_28] : memref<3211264xi32, #tpu.memory_space<hbm>> -> memref<2048xi32, #tpu.memory_space<hbm>>
      tpu.enqueue_dma source(%dma_start3A_30 : memref<2048xi32, #tpu.memory_space<hbm>>) target(%arg9 : memref<2048xi32, #tpu.memory_space<vmem>>) target_semaphore(%arg33 : memref<!tpu.dma_semaphore, #tpu.memory_space<semaphore_mem>>)
      %dma_start3A_31 = tpu.memref_slice %arg3[%add3A_28] : memref<3211264xi32, #tpu.memory_space<hbm>> -> memref<2048xi32, #tpu.memory_space<hbm>>
      %dma_start3A_32 = tpu.memref_slice %arg3[%add3A_28] : memref<3211264xi32, #tpu.memory_space<hbm>> -> memref<2048xi32, #tpu.memory_space<hbm>>
      tpu.enqueue_dma source(%dma_start3A_32 : memref<2048xi32, #tpu.memory_space<hbm>>) target(%arg16 : memref<2048xi32, #tpu.memory_space<vmem>>) target_semaphore(%arg34 : memref<!tpu.dma_semaphore, #tpu.memory_space<semaphore_mem>>)
      %add3A_33 = arith.constant 4096 : i32
      %add3A_34 = arith.addi %add3A_21, %add3A_33 : i32
      %dma_start3A_35 = tpu.memref_slice %arg2[%add3A_34] : memref<3211264xi32, #tpu.memory_space<hbm>> -> memref<2048xi32, #tpu.memory_space<hbm>>
      %dma_start3A_36 = tpu.memref_slice %arg2[%add3A_34] : memref<3211264xi32, #tpu.memory_space<hbm>> -> memref<2048xi32, #tpu.memory_space<hbm>>
      tpu.enqueue_dma source(%dma_start3A_36 : memref<2048xi32, #tpu.memory_space<hbm>>) target(%arg10 : memref<2048xi32, #tpu.memory_space<vmem>>) target_semaphore(%arg35 : memref<!tpu.dma_semaphore, #tpu.memory_space<semaphore_mem>>)
      %dma_start3A_37 = tpu.memref_slice %arg3[%add3A_34] : memref<3211264xi32, #tpu.memory_space<hbm>> -> memref<2048xi32, #tpu.memory_space<hbm>>
      %dma_start3A_38 = tpu.memref_slice %arg3[%add3A_34] : memref<3211264xi32, #tpu.memory_space<hbm>> -> memref<2048xi32, #tpu.memory_space<hbm>>
      tpu.enqueue_dma source(%dma_start3A_38 : memref<2048xi32, #tpu.memory_space<hbm>>) target(%arg17 : memref<2048xi32, #tpu.memory_space<vmem>>) target_semaphore(%arg36 : memref<!tpu.dma_semaphore, #tpu.memory_space<semaphore_mem>>)
      %add3A_39 = arith.constant 6144 : i32
      %add3A_40 = arith.addi %add3A_21, %add3A_39 : i32
      %dma_start3A_41 = tpu.memref_slice %arg2[%add3A_40] : memref<3211264xi32, #tpu.memory_space<hbm>> -> memref<2048xi32, #tpu.memory_space<hbm>>
      %dma_start3A_42 = tpu.memref_slice %arg2[%add3A_40] : memref<3211264xi32, #tpu.memory_space<hbm>> -> memref<2048xi32, #tpu.memory_space<hbm>>
      tpu.enqueue_dma source(%dma_start3A_42 : memref<2048xi32, #tpu.memory_space<hbm>>) target(%arg11 : memref<2048xi32, #tpu.memory_space<vmem>>) target_semaphore(%arg37 : memref<!tpu.dma_semaphore, #tpu.memory_space<semaphore_mem>>)
      %dma_start3A_43 = tpu.memref_slice %arg3[%add3A_40] : memref<3211264xi32, #tpu.memory_space<hbm>> -> memref<2048xi32, #tpu.memory_space<hbm>>
      %dma_start3A_44 = tpu.memref_slice %arg3[%add3A_40] : memref<3211264xi32, #tpu.memory_space<hbm>> -> memref<2048xi32, #tpu.memory_space<hbm>>
      tpu.enqueue_dma source(%dma_start3A_44 : memref<2048xi32, #tpu.memory_space<hbm>>) target(%arg18 : memref<2048xi32, #tpu.memory_space<vmem>>) target_semaphore(%arg38 : memref<!tpu.dma_semaphore, #tpu.memory_space<semaphore_mem>>)
      %add3A_45 = arith.constant 8192 : i32
      %add3A_46 = arith.addi %add3A_21, %add3A_45 : i32
      %dma_start3A_47 = tpu.memref_slice %arg2[%add3A_46] : memref<3211264xi32, #tpu.memory_space<hbm>> -> memref<2048xi32, #tpu.memory_space<hbm>>
      %dma_start3A_48 = tpu.memref_slice %arg2[%add3A_46] : memref<3211264xi32, #tpu.memory_space<hbm>> -> memref<2048xi32, #tpu.memory_space<hbm>>
      tpu.enqueue_dma source(%dma_start3A_48 : memref<2048xi32, #tpu.memory_space<hbm>>) target(%arg12 : memref<2048xi32, #tpu.memory_space<vmem>>) target_semaphore(%arg39 : memref<!tpu.dma_semaphore, #tpu.memory_space<semaphore_mem>>)
      %dma_start3A_49 = tpu.memref_slice %arg3[%add3A_46] : memref<3211264xi32, #tpu.memory_space<hbm>> -> memref<2048xi32, #tpu.memory_space<hbm>>
      %dma_start3A_50 = tpu.memref_slice %arg3[%add3A_46] : memref<3211264xi32, #tpu.memory_space<hbm>> -> memref<2048xi32, #tpu.memory_space<hbm>>
      tpu.enqueue_dma source(%dma_start3A_50 : memref<2048xi32, #tpu.memory_space<hbm>>) target(%arg19 : memref<2048xi32, #tpu.memory_space<vmem>>) target_semaphore(%arg40 : memref<!tpu.dma_semaphore, #tpu.memory_space<semaphore_mem>>)
      %add3A_51 = arith.constant 10240 : i32
      %add3A_52 = arith.addi %add3A_21, %add3A_51 : i32
      %dma_start3A_53 = tpu.memref_slice %arg2[%add3A_52] : memref<3211264xi32, #tpu.memory_space<hbm>> -> memref<2048xi32, #tpu.memory_space<hbm>>
      %dma_start3A_54 = tpu.memref_slice %arg2[%add3A_52] : memref<3211264xi32, #tpu.memory_space<hbm>> -> memref<2048xi32, #tpu.memory_space<hbm>>
      tpu.enqueue_dma source(%dma_start3A_54 : memref<2048xi32, #tpu.memory_space<hbm>>) target(%arg13 : memref<2048xi32, #tpu.memory_space<vmem>>) target_semaphore(%arg41 : memref<!tpu.dma_semaphore, #tpu.memory_space<semaphore_mem>>)
      %dma_start3A_55 = tpu.memref_slice %arg3[%add3A_52] : memref<3211264xi32, #tpu.memory_space<hbm>> -> memref<2048xi32, #tpu.memory_space<hbm>>
      %dma_start3A_56 = tpu.memref_slice %arg3[%add3A_52] : memref<3211264xi32, #tpu.memory_space<hbm>> -> memref<2048xi32, #tpu.memory_space<hbm>>
      tpu.enqueue_dma source(%dma_start3A_56 : memref<2048xi32, #tpu.memory_space<hbm>>) target(%arg20 : memref<2048xi32, #tpu.memory_space<vmem>>) target_semaphore(%arg42 : memref<!tpu.dma_semaphore, #tpu.memory_space<semaphore_mem>>)
      %add3A_57 = arith.constant 12288 : i32
      %add3A_58 = arith.addi %add3A_21, %add3A_57 : i32
      %dma_start3A_59 = tpu.memref_slice %arg2[%add3A_58] : memref<3211264xi32, #tpu.memory_space<hbm>> -> memref<2048xi32, #tpu.memory_space<hbm>>
      %dma_start3A_60 = tpu.memref_slice %arg2[%add3A_58] : memref<3211264xi32, #tpu.memory_space<hbm>> -> memref<2048xi32, #tpu.memory_space<hbm>>
      tpu.enqueue_dma source(%dma_start3A_60 : memref<2048xi32, #tpu.memory_space<hbm>>) target(%arg14 : memref<2048xi32, #tpu.memory_space<vmem>>) target_semaphore(%arg43 : memref<!tpu.dma_semaphore, #tpu.memory_space<semaphore_mem>>)
      %dma_start3A_61 = tpu.memref_slice %arg3[%add3A_58] : memref<3211264xi32, #tpu.memory_space<hbm>> -> memref<2048xi32, #tpu.memory_space<hbm>>
      %dma_start3A_62 = tpu.memref_slice %arg3[%add3A_58] : memref<3211264xi32, #tpu.memory_space<hbm>> -> memref<2048xi32, #tpu.memory_space<hbm>>
      tpu.enqueue_dma source(%dma_start3A_62 : memref<2048xi32, #tpu.memory_space<hbm>>) target(%arg21 : memref<2048xi32, #tpu.memory_space<vmem>>) target_semaphore(%arg44 : memref<!tpu.dma_semaphore, #tpu.memory_space<semaphore_mem>>)
      %dma_wait3A = tpu.memref_slice %arg2[%add3A_23] : memref<3211264xi32, #tpu.memory_space<hbm>> -> memref<2048xi32, #tpu.memory_space<hbm>>
      %dma_wait3A_63 = tpu.memref_slice %arg2[%add3A_23] : memref<3211264xi32, #tpu.memory_space<hbm>> -> memref<2048xi32, #tpu.memory_space<hbm>>
      tpu.wait_dma2 semaphore(%arg31 : memref<!tpu.dma_semaphore, #tpu.memory_space<semaphore_mem>>) src(%dma_wait3A_63 : memref<2048xi32, #tpu.memory_space<hbm>>) dst(%arg8 : memref<2048xi32, #tpu.memory_space<vmem>>)
      %dma_start3A_64 = arith.constant 0 : i32
      %dma_start3A_65 = tpu.memref_slice %arg29[%dma_start3A_64] : memref<100352xf32, #tpu.memory_space<vmem_shared>> -> memref<100352xf32, #tpu.memory_space<vmem_shared>>
      tpu.enqueue_indirect_dma source(%dma_start3A_65 : memref<100352xf32, #tpu.memory_space<vmem_shared>>) target(%arg22 : memref<2048xf32, #tpu.memory_space<vmem>>) offsets(%arg8 : memref<2048xi32, #tpu.memory_space<vmem>>) semaphore(%arg45 : memref<!tpu.dma_semaphore, #tpu.memory_space<semaphore_mem>>)
      %dma_wait3A_66 = tpu.memref_slice %arg2[%add3A_28] : memref<3211264xi32, #tpu.memory_space<hbm>> -> memref<2048xi32, #tpu.memory_space<hbm>>
      %dma_wait3A_67 = tpu.memref_slice %arg2[%add3A_28] : memref<3211264xi32, #tpu.memory_space<hbm>> -> memref<2048xi32, #tpu.memory_space<hbm>>
      tpu.wait_dma2 semaphore(%arg33 : memref<!tpu.dma_semaphore, #tpu.memory_space<semaphore_mem>>) src(%dma_wait3A_67 : memref<2048xi32, #tpu.memory_space<hbm>>) dst(%arg9 : memref<2048xi32, #tpu.memory_space<vmem>>)
      %dma_start3A_68 = arith.constant 0 : i32
      %dma_start3A_69 = tpu.memref_slice %arg29[%dma_start3A_68] : memref<100352xf32, #tpu.memory_space<vmem_shared>> -> memref<100352xf32, #tpu.memory_space<vmem_shared>>
      tpu.enqueue_indirect_dma source(%dma_start3A_69 : memref<100352xf32, #tpu.memory_space<vmem_shared>>) target(%arg23 : memref<2048xf32, #tpu.memory_space<vmem>>) offsets(%arg9 : memref<2048xi32, #tpu.memory_space<vmem>>) semaphore(%arg46 : memref<!tpu.dma_semaphore, #tpu.memory_space<semaphore_mem>>)
      %dma_wait3A_70 = tpu.memref_slice %arg2[%add3A_34] : memref<3211264xi32, #tpu.memory_space<hbm>> -> memref<2048xi32, #tpu.memory_space<hbm>>
      %dma_wait3A_71 = tpu.memref_slice %arg2[%add3A_34] : memref<3211264xi32, #tpu.memory_space<hbm>> -> memref<2048xi32, #tpu.memory_space<hbm>>
      tpu.wait_dma2 semaphore(%arg35 : memref<!tpu.dma_semaphore, #tpu.memory_space<semaphore_mem>>) src(%dma_wait3A_71 : memref<2048xi32, #tpu.memory_space<hbm>>) dst(%arg10 : memref<2048xi32, #tpu.memory_space<vmem>>)
      %dma_start3A_72 = arith.constant 0 : i32
      %dma_start3A_73 = tpu.memref_slice %arg29[%dma_start3A_72] : memref<100352xf32, #tpu.memory_space<vmem_shared>> -> memref<100352xf32, #tpu.memory_space<vmem_shared>>
      tpu.enqueue_indirect_dma source(%dma_start3A_73 : memref<100352xf32, #tpu.memory_space<vmem_shared>>) target(%arg24 : memref<2048xf32, #tpu.memory_space<vmem>>) offsets(%arg10 : memref<2048xi32, #tpu.memory_space<vmem>>) semaphore(%arg47 : memref<!tpu.dma_semaphore, #tpu.memory_space<semaphore_mem>>)
      %dma_wait3A_74 = tpu.memref_slice %arg2[%add3A_40] : memref<3211264xi32, #tpu.memory_space<hbm>> -> memref<2048xi32, #tpu.memory_space<hbm>>
      %dma_wait3A_75 = tpu.memref_slice %arg2[%add3A_40] : memref<3211264xi32, #tpu.memory_space<hbm>> -> memref<2048xi32, #tpu.memory_space<hbm>>
      tpu.wait_dma2 semaphore(%arg37 : memref<!tpu.dma_semaphore, #tpu.memory_space<semaphore_mem>>) src(%dma_wait3A_75 : memref<2048xi32, #tpu.memory_space<hbm>>) dst(%arg11 : memref<2048xi32, #tpu.memory_space<vmem>>)
      %dma_start3A_76 = arith.constant 0 : i32
      %dma_start3A_77 = tpu.memref_slice %arg29[%dma_start3A_76] : memref<100352xf32, #tpu.memory_space<vmem_shared>> -> memref<100352xf32, #tpu.memory_space<vmem_shared>>
      tpu.enqueue_indirect_dma source(%dma_start3A_77 : memref<100352xf32, #tpu.memory_space<vmem_shared>>) target(%arg25 : memref<2048xf32, #tpu.memory_space<vmem>>) offsets(%arg11 : memref<2048xi32, #tpu.memory_space<vmem>>) semaphore(%arg48 : memref<!tpu.dma_semaphore, #tpu.memory_space<semaphore_mem>>)
      %dma_wait3A_78 = tpu.memref_slice %arg2[%add3A_46] : memref<3211264xi32, #tpu.memory_space<hbm>> -> memref<2048xi32, #tpu.memory_space<hbm>>
      %dma_wait3A_79 = tpu.memref_slice %arg2[%add3A_46] : memref<3211264xi32, #tpu.memory_space<hbm>> -> memref<2048xi32, #tpu.memory_space<hbm>>
      tpu.wait_dma2 semaphore(%arg39 : memref<!tpu.dma_semaphore, #tpu.memory_space<semaphore_mem>>) src(%dma_wait3A_79 : memref<2048xi32, #tpu.memory_space<hbm>>) dst(%arg12 : memref<2048xi32, #tpu.memory_space<vmem>>)
      %dma_start3A_80 = arith.constant 0 : i32
      %dma_start3A_81 = tpu.memref_slice %arg29[%dma_start3A_80] : memref<100352xf32, #tpu.memory_space<vmem_shared>> -> memref<100352xf32, #tpu.memory_space<vmem_shared>>
      tpu.enqueue_indirect_dma source(%dma_start3A_81 : memref<100352xf32, #tpu.memory_space<vmem_shared>>) target(%arg26 : memref<2048xf32, #tpu.memory_space<vmem>>) offsets(%arg12 : memref<2048xi32, #tpu.memory_space<vmem>>) semaphore(%arg49 : memref<!tpu.dma_semaphore, #tpu.memory_space<semaphore_mem>>)
      %dma_wait3A_82 = tpu.memref_slice %arg2[%add3A_52] : memref<3211264xi32, #tpu.memory_space<hbm>> -> memref<2048xi32, #tpu.memory_space<hbm>>
      %dma_wait3A_83 = tpu.memref_slice %arg2[%add3A_52] : memref<3211264xi32, #tpu.memory_space<hbm>> -> memref<2048xi32, #tpu.memory_space<hbm>>
      tpu.wait_dma2 semaphore(%arg41 : memref<!tpu.dma_semaphore, #tpu.memory_space<semaphore_mem>>) src(%dma_wait3A_83 : memref<2048xi32, #tpu.memory_space<hbm>>) dst(%arg13 : memref<2048xi32, #tpu.memory_space<vmem>>)
      %dma_start3A_84 = arith.constant 0 : i32
      %dma_start3A_85 = tpu.memref_slice %arg29[%dma_start3A_84] : memref<100352xf32, #tpu.memory_space<vmem_shared>> -> memref<100352xf32, #tpu.memory_space<vmem_shared>>
      tpu.enqueue_indirect_dma source(%dma_start3A_85 : memref<100352xf32, #tpu.memory_space<vmem_shared>>) target(%arg27 : memref<2048xf32, #tpu.memory_space<vmem>>) offsets(%arg13 : memref<2048xi32, #tpu.memory_space<vmem>>) semaphore(%arg50 : memref<!tpu.dma_semaphore, #tpu.memory_space<semaphore_mem>>)
      %dma_wait3A_86 = tpu.memref_slice %arg2[%add3A_58] : memref<3211264xi32, #tpu.memory_space<hbm>> -> memref<2048xi32, #tpu.memory_space<hbm>>
      %dma_wait3A_87 = tpu.memref_slice %arg2[%add3A_58] : memref<3211264xi32, #tpu.memory_space<hbm>> -> memref<2048xi32, #tpu.memory_space<hbm>>
      tpu.wait_dma2 semaphore(%arg43 : memref<!tpu.dma_semaphore, #tpu.memory_space<semaphore_mem>>) src(%dma_wait3A_87 : memref<2048xi32, #tpu.memory_space<hbm>>) dst(%arg14 : memref<2048xi32, #tpu.memory_space<vmem>>)
      %dma_start3A_88 = arith.constant 0 : i32
      %dma_start3A_89 = tpu.memref_slice %arg29[%dma_start3A_88] : memref<100352xf32, #tpu.memory_space<vmem_shared>> -> memref<100352xf32, #tpu.memory_space<vmem_shared>>
      tpu.enqueue_indirect_dma source(%dma_start3A_89 : memref<100352xf32, #tpu.memory_space<vmem_shared>>) target(%arg28 : memref<2048xf32, #tpu.memory_space<vmem>>) offsets(%arg14 : memref<2048xi32, #tpu.memory_space<vmem>>) semaphore(%arg51 : memref<!tpu.dma_semaphore, #tpu.memory_space<semaphore_mem>>)
      %dma_wait3A_90 = arith.constant 0 : i32
      %dma_wait3A_91 = tpu.memref_slice %arg29[%dma_wait3A_90] : memref<100352xf32, #tpu.memory_space<vmem_shared>> -> memref<100352xf32, #tpu.memory_space<vmem_shared>>
      tpu.wait_indirect_dma semaphore(%arg45 : memref<!tpu.dma_semaphore, #tpu.memory_space<semaphore_mem>>) src(%dma_wait3A_91 : memref<100352xf32, #tpu.memory_space<vmem_shared>>) dst(%arg22 : memref<2048xf32, #tpu.memory_space<vmem>>)
      %dma_wait3A_92 = tpu.memref_slice %arg3[%add3A_23] : memref<3211264xi32, #tpu.memory_space<hbm>> -> memref<2048xi32, #tpu.memory_space<hbm>>
      %dma_wait3A_93 = tpu.memref_slice %arg3[%add3A_23] : memref<3211264xi32, #tpu.memory_space<hbm>> -> memref<2048xi32, #tpu.memory_space<hbm>>
      tpu.wait_dma2 semaphore(%arg32 : memref<!tpu.dma_semaphore, #tpu.memory_space<semaphore_mem>>) src(%dma_wait3A_93 : memref<2048xi32, #tpu.memory_space<hbm>>) dst(%arg15 : memref<2048xi32, #tpu.memory_space<vmem>>)
      %dma_start3A_94 = arith.constant 0 : i32
      %dma_start3A_95 = tpu.memref_slice %arg30[%dma_start3A_94] : memref<100352xf32, #tpu.memory_space<vmem_shared>> -> memref<100352xf32, #tpu.memory_space<vmem_shared>>
      tpu.enqueue_indirect_dma source(%arg22 : memref<2048xf32, #tpu.memory_space<vmem>>) target(%dma_start3A_95 : memref<100352xf32, #tpu.memory_space<vmem_shared>>) offsets(%arg15 : memref<2048xi32, #tpu.memory_space<vmem>>) semaphore(%arg52 : memref<!tpu.dma_semaphore, #tpu.memory_space<semaphore_mem>>) {add = true}
      %dma_wait3A_96 = arith.constant 0 : i32
      %dma_wait3A_97 = tpu.memref_slice %arg29[%dma_wait3A_96] : memref<100352xf32, #tpu.memory_space<vmem_shared>> -> memref<100352xf32, #tpu.memory_space<vmem_shared>>
      tpu.wait_indirect_dma semaphore(%arg46 : memref<!tpu.dma_semaphore, #tpu.memory_space<semaphore_mem>>) src(%dma_wait3A_97 : memref<100352xf32, #tpu.memory_space<vmem_shared>>) dst(%arg23 : memref<2048xf32, #tpu.memory_space<vmem>>)
      %dma_wait3A_98 = tpu.memref_slice %arg3[%add3A_28] : memref<3211264xi32, #tpu.memory_space<hbm>> -> memref<2048xi32, #tpu.memory_space<hbm>>
      %dma_wait3A_99 = tpu.memref_slice %arg3[%add3A_28] : memref<3211264xi32, #tpu.memory_space<hbm>> -> memref<2048xi32, #tpu.memory_space<hbm>>
      tpu.wait_dma2 semaphore(%arg34 : memref<!tpu.dma_semaphore, #tpu.memory_space<semaphore_mem>>) src(%dma_wait3A_99 : memref<2048xi32, #tpu.memory_space<hbm>>) dst(%arg16 : memref<2048xi32, #tpu.memory_space<vmem>>)
      %dma_start3A_100 = arith.constant 0 : i32
      %dma_start3A_101 = tpu.memref_slice %arg30[%dma_start3A_100] : memref<100352xf32, #tpu.memory_space<vmem_shared>> -> memref<100352xf32, #tpu.memory_space<vmem_shared>>
      tpu.enqueue_indirect_dma source(%arg23 : memref<2048xf32, #tpu.memory_space<vmem>>) target(%dma_start3A_101 : memref<100352xf32, #tpu.memory_space<vmem_shared>>) offsets(%arg16 : memref<2048xi32, #tpu.memory_space<vmem>>) semaphore(%arg53 : memref<!tpu.dma_semaphore, #tpu.memory_space<semaphore_mem>>) {add = true}
      %dma_wait3A_102 = arith.constant 0 : i32
      %dma_wait3A_103 = tpu.memref_slice %arg29[%dma_wait3A_102] : memref<100352xf32, #tpu.memory_space<vmem_shared>> -> memref<100352xf32, #tpu.memory_space<vmem_shared>>
      tpu.wait_indirect_dma semaphore(%arg47 : memref<!tpu.dma_semaphore, #tpu.memory_space<semaphore_mem>>) src(%dma_wait3A_103 : memref<100352xf32, #tpu.memory_space<vmem_shared>>) dst(%arg24 : memref<2048xf32, #tpu.memory_space<vmem>>)
      %dma_wait3A_104 = tpu.memref_slice %arg3[%add3A_34] : memref<3211264xi32, #tpu.memory_space<hbm>> -> memref<2048xi32, #tpu.memory_space<hbm>>
      %dma_wait3A_105 = tpu.memref_slice %arg3[%add3A_34] : memref<3211264xi32, #tpu.memory_space<hbm>> -> memref<2048xi32, #tpu.memory_space<hbm>>
      tpu.wait_dma2 semaphore(%arg36 : memref<!tpu.dma_semaphore, #tpu.memory_space<semaphore_mem>>) src(%dma_wait3A_105 : memref<2048xi32, #tpu.memory_space<hbm>>) dst(%arg17 : memref<2048xi32, #tpu.memory_space<vmem>>)
      %dma_start3A_106 = arith.constant 0 : i32
      %dma_start3A_107 = tpu.memref_slice %arg30[%dma_start3A_106] : memref<100352xf32, #tpu.memory_space<vmem_shared>> -> memref<100352xf32, #tpu.memory_space<vmem_shared>>
      tpu.enqueue_indirect_dma source(%arg24 : memref<2048xf32, #tpu.memory_space<vmem>>) target(%dma_start3A_107 : memref<100352xf32, #tpu.memory_space<vmem_shared>>) offsets(%arg17 : memref<2048xi32, #tpu.memory_space<vmem>>) semaphore(%arg54 : memref<!tpu.dma_semaphore, #tpu.memory_space<semaphore_mem>>) {add = true}
      %dma_wait3A_108 = arith.constant 0 : i32
      %dma_wait3A_109 = tpu.memref_slice %arg29[%dma_wait3A_108] : memref<100352xf32, #tpu.memory_space<vmem_shared>> -> memref<100352xf32, #tpu.memory_space<vmem_shared>>
      tpu.wait_indirect_dma semaphore(%arg48 : memref<!tpu.dma_semaphore, #tpu.memory_space<semaphore_mem>>) src(%dma_wait3A_109 : memref<100352xf32, #tpu.memory_space<vmem_shared>>) dst(%arg25 : memref<2048xf32, #tpu.memory_space<vmem>>)
      %dma_wait3A_110 = tpu.memref_slice %arg3[%add3A_40] : memref<3211264xi32, #tpu.memory_space<hbm>> -> memref<2048xi32, #tpu.memory_space<hbm>>
      %dma_wait3A_111 = tpu.memref_slice %arg3[%add3A_40] : memref<3211264xi32, #tpu.memory_space<hbm>> -> memref<2048xi32, #tpu.memory_space<hbm>>
      tpu.wait_dma2 semaphore(%arg38 : memref<!tpu.dma_semaphore, #tpu.memory_space<semaphore_mem>>) src(%dma_wait3A_111 : memref<2048xi32, #tpu.memory_space<hbm>>) dst(%arg18 : memref<2048xi32, #tpu.memory_space<vmem>>)
      %dma_start3A_112 = arith.constant 0 : i32
      %dma_start3A_113 = tpu.memref_slice %arg30[%dma_start3A_112] : memref<100352xf32, #tpu.memory_space<vmem_shared>> -> memref<100352xf32, #tpu.memory_space<vmem_shared>>
      tpu.enqueue_indirect_dma source(%arg25 : memref<2048xf32, #tpu.memory_space<vmem>>) target(%dma_start3A_113 : memref<100352xf32, #tpu.memory_space<vmem_shared>>) offsets(%arg18 : memref<2048xi32, #tpu.memory_space<vmem>>) semaphore(%arg55 : memref<!tpu.dma_semaphore, #tpu.memory_space<semaphore_mem>>) {add = true}
      %dma_wait3A_114 = arith.constant 0 : i32
      %dma_wait3A_115 = tpu.memref_slice %arg29[%dma_wait3A_114] : memref<100352xf32, #tpu.memory_space<vmem_shared>> -> memref<100352xf32, #tpu.memory_space<vmem_shared>>
      tpu.wait_indirect_dma semaphore(%arg49 : memref<!tpu.dma_semaphore, #tpu.memory_space<semaphore_mem>>) src(%dma_wait3A_115 : memref<100352xf32, #tpu.memory_space<vmem_shared>>) dst(%arg26 : memref<2048xf32, #tpu.memory_space<vmem>>)
      %dma_wait3A_116 = tpu.memref_slice %arg3[%add3A_46] : memref<3211264xi32, #tpu.memory_space<hbm>> -> memref<2048xi32, #tpu.memory_space<hbm>>
      %dma_wait3A_117 = tpu.memref_slice %arg3[%add3A_46] : memref<3211264xi32, #tpu.memory_space<hbm>> -> memref<2048xi32, #tpu.memory_space<hbm>>
      tpu.wait_dma2 semaphore(%arg40 : memref<!tpu.dma_semaphore, #tpu.memory_space<semaphore_mem>>) src(%dma_wait3A_117 : memref<2048xi32, #tpu.memory_space<hbm>>) dst(%arg19 : memref<2048xi32, #tpu.memory_space<vmem>>)
      %dma_start3A_118 = arith.constant 0 : i32
      %dma_start3A_119 = tpu.memref_slice %arg30[%dma_start3A_118] : memref<100352xf32, #tpu.memory_space<vmem_shared>> -> memref<100352xf32, #tpu.memory_space<vmem_shared>>
      tpu.enqueue_indirect_dma source(%arg26 : memref<2048xf32, #tpu.memory_space<vmem>>) target(%dma_start3A_119 : memref<100352xf32, #tpu.memory_space<vmem_shared>>) offsets(%arg19 : memref<2048xi32, #tpu.memory_space<vmem>>) semaphore(%arg56 : memref<!tpu.dma_semaphore, #tpu.memory_space<semaphore_mem>>) {add = true}
      %dma_wait3A_120 = arith.constant 0 : i32
      %dma_wait3A_121 = tpu.memref_slice %arg29[%dma_wait3A_120] : memref<100352xf32, #tpu.memory_space<vmem_shared>> -> memref<100352xf32, #tpu.memory_space<vmem_shared>>
      tpu.wait_indirect_dma semaphore(%arg50 : memref<!tpu.dma_semaphore, #tpu.memory_space<semaphore_mem>>) src(%dma_wait3A_121 : memref<100352xf32, #tpu.memory_space<vmem_shared>>) dst(%arg27 : memref<2048xf32, #tpu.memory_space<vmem>>)
      %dma_wait3A_122 = tpu.memref_slice %arg3[%add3A_52] : memref<3211264xi32, #tpu.memory_space<hbm>> -> memref<2048xi32, #tpu.memory_space<hbm>>
      %dma_wait3A_123 = tpu.memref_slice %arg3[%add3A_52] : memref<3211264xi32, #tpu.memory_space<hbm>> -> memref<2048xi32, #tpu.memory_space<hbm>>
      tpu.wait_dma2 semaphore(%arg42 : memref<!tpu.dma_semaphore, #tpu.memory_space<semaphore_mem>>) src(%dma_wait3A_123 : memref<2048xi32, #tpu.memory_space<hbm>>) dst(%arg20 : memref<2048xi32, #tpu.memory_space<vmem>>)
      %dma_start3A_124 = arith.constant 0 : i32
      %dma_start3A_125 = tpu.memref_slice %arg30[%dma_start3A_124] : memref<100352xf32, #tpu.memory_space<vmem_shared>> -> memref<100352xf32, #tpu.memory_space<vmem_shared>>
      tpu.enqueue_indirect_dma source(%arg27 : memref<2048xf32, #tpu.memory_space<vmem>>) target(%dma_start3A_125 : memref<100352xf32, #tpu.memory_space<vmem_shared>>) offsets(%arg20 : memref<2048xi32, #tpu.memory_space<vmem>>) semaphore(%arg57 : memref<!tpu.dma_semaphore, #tpu.memory_space<semaphore_mem>>) {add = true}
      %dma_wait3A_126 = arith.constant 0 : i32
      %dma_wait3A_127 = tpu.memref_slice %arg29[%dma_wait3A_126] : memref<100352xf32, #tpu.memory_space<vmem_shared>> -> memref<100352xf32, #tpu.memory_space<vmem_shared>>
      tpu.wait_indirect_dma semaphore(%arg51 : memref<!tpu.dma_semaphore, #tpu.memory_space<semaphore_mem>>) src(%dma_wait3A_127 : memref<100352xf32, #tpu.memory_space<vmem_shared>>) dst(%arg28 : memref<2048xf32, #tpu.memory_space<vmem>>)
      %dma_wait3A_128 = tpu.memref_slice %arg3[%add3A_58] : memref<3211264xi32, #tpu.memory_space<hbm>> -> memref<2048xi32, #tpu.memory_space<hbm>>
      %dma_wait3A_129 = tpu.memref_slice %arg3[%add3A_58] : memref<3211264xi32, #tpu.memory_space<hbm>> -> memref<2048xi32, #tpu.memory_space<hbm>>
      tpu.wait_dma2 semaphore(%arg44 : memref<!tpu.dma_semaphore, #tpu.memory_space<semaphore_mem>>) src(%dma_wait3A_129 : memref<2048xi32, #tpu.memory_space<hbm>>) dst(%arg21 : memref<2048xi32, #tpu.memory_space<vmem>>)
      %dma_start3A_130 = arith.constant 0 : i32
      %dma_start3A_131 = tpu.memref_slice %arg30[%dma_start3A_130] : memref<100352xf32, #tpu.memory_space<vmem_shared>> -> memref<100352xf32, #tpu.memory_space<vmem_shared>>
      tpu.enqueue_indirect_dma source(%arg28 : memref<2048xf32, #tpu.memory_space<vmem>>) target(%dma_start3A_131 : memref<100352xf32, #tpu.memory_space<vmem_shared>>) offsets(%arg21 : memref<2048xi32, #tpu.memory_space<vmem>>) semaphore(%arg58 : memref<!tpu.dma_semaphore, #tpu.memory_space<semaphore_mem>>) {add = true}
      %dma_wait3A_132 = arith.constant 0 : i32
      %dma_wait3A_133 = tpu.memref_slice %arg30[%dma_wait3A_132] : memref<100352xf32, #tpu.memory_space<vmem_shared>> -> memref<100352xf32, #tpu.memory_space<vmem_shared>>
      tpu.wait_indirect_dma semaphore(%arg52 : memref<!tpu.dma_semaphore, #tpu.memory_space<semaphore_mem>>) src(%arg22 : memref<2048xf32, #tpu.memory_space<vmem>>) dst(%dma_wait3A_133 : memref<100352xf32, #tpu.memory_space<vmem_shared>>)
      %dma_wait3A_134 = arith.constant 0 : i32
      %dma_wait3A_135 = tpu.memref_slice %arg30[%dma_wait3A_134] : memref<100352xf32, #tpu.memory_space<vmem_shared>> -> memref<100352xf32, #tpu.memory_space<vmem_shared>>
      tpu.wait_indirect_dma semaphore(%arg53 : memref<!tpu.dma_semaphore, #tpu.memory_space<semaphore_mem>>) src(%arg23 : memref<2048xf32, #tpu.memory_space<vmem>>) dst(%dma_wait3A_135 : memref<100352xf32, #tpu.memory_space<vmem_shared>>)
      %dma_wait3A_136 = arith.constant 0 : i32
      %dma_wait3A_137 = tpu.memref_slice %arg30[%dma_wait3A_136] : memref<100352xf32, #tpu.memory_space<vmem_shared>> -> memref<100352xf32, #tpu.memory_space<vmem_shared>>
      tpu.wait_indirect_dma semaphore(%arg54 : memref<!tpu.dma_semaphore, #tpu.memory_space<semaphore_mem>>) src(%arg24 : memref<2048xf32, #tpu.memory_space<vmem>>) dst(%dma_wait3A_137 : memref<100352xf32, #tpu.memory_space<vmem_shared>>)
      %dma_wait3A_138 = arith.constant 0 : i32
      %dma_wait3A_139 = tpu.memref_slice %arg30[%dma_wait3A_138] : memref<100352xf32, #tpu.memory_space<vmem_shared>> -> memref<100352xf32, #tpu.memory_space<vmem_shared>>
      tpu.wait_indirect_dma semaphore(%arg55 : memref<!tpu.dma_semaphore, #tpu.memory_space<semaphore_mem>>) src(%arg25 : memref<2048xf32, #tpu.memory_space<vmem>>) dst(%dma_wait3A_139 : memref<100352xf32, #tpu.memory_space<vmem_shared>>)
      %dma_wait3A_140 = arith.constant 0 : i32
      %dma_wait3A_141 = tpu.memref_slice %arg30[%dma_wait3A_140] : memref<100352xf32, #tpu.memory_space<vmem_shared>> -> memref<100352xf32, #tpu.memory_space<vmem_shared>>
      tpu.wait_indirect_dma semaphore(%arg56 : memref<!tpu.dma_semaphore, #tpu.memory_space<semaphore_mem>>) src(%arg26 : memref<2048xf32, #tpu.memory_space<vmem>>) dst(%dma_wait3A_141 : memref<100352xf32, #tpu.memory_space<vmem_shared>>)
      %dma_wait3A_142 = arith.constant 0 : i32
      %dma_wait3A_143 = tpu.memref_slice %arg30[%dma_wait3A_142] : memref<100352xf32, #tpu.memory_space<vmem_shared>> -> memref<100352xf32, #tpu.memory_space<vmem_shared>>
      tpu.wait_indirect_dma semaphore(%arg57 : memref<!tpu.dma_semaphore, #tpu.memory_space<semaphore_mem>>) src(%arg27 : memref<2048xf32, #tpu.memory_space<vmem>>) dst(%dma_wait3A_143 : memref<100352xf32, #tpu.memory_space<vmem_shared>>)
      %dma_wait3A_144 = arith.constant 0 : i32
      %dma_wait3A_145 = tpu.memref_slice %arg30[%dma_wait3A_144] : memref<100352xf32, #tpu.memory_space<vmem_shared>> -> memref<100352xf32, #tpu.memory_space<vmem_shared>>
      tpu.wait_indirect_dma semaphore(%arg58 : memref<!tpu.dma_semaphore, #tpu.memory_space<semaphore_mem>>) src(%arg28 : memref<2048xf32, #tpu.memory_space<vmem>>) dst(%dma_wait3A_145 : memref<100352xf32, #tpu.memory_space<vmem_shared>>)
    }
    %scan3A_16 = arith.constant 7 : i32
    %barrier3A_17 = arith.constant 0 : index
    tpu.barrier barrier_id(%barrier3A_17)
    "tpu.region"() ({
      %run_scoped3A_18 = tpu.sem_alloc : memref<!tpu.dma_semaphore, #tpu.memory_space<semaphore_mem>>
      %dma_start3A = tpu.memref_slice %arg7[%arg0, %mul3A_2] : memref<2x100352xf32, #tpu.memory_space<hbm>> -> memref<1x6272xf32, #tpu.memory_space<hbm>>
      %dma_start3A_19 = tpu.memref_squeeze %dma_start3A : memref<1x6272xf32, #tpu.memory_space<hbm>> -> memref<6272xf32, #tpu.memory_space<hbm>>
      %dma_start3A_20 = tpu.memref_slice %arg30[%mul3A_2] : memref<100352xf32, #tpu.memory_space<vmem_shared>> -> memref<6272xf32, #tpu.memory_space<vmem_shared>>
      tpu.enqueue_dma source(%dma_start3A_20 : memref<6272xf32, #tpu.memory_space<vmem_shared>>) target(%dma_start3A_19 : memref<6272xf32, #tpu.memory_space<hbm>>) target_semaphore(%run_scoped3A_18 : memref<!tpu.dma_semaphore, #tpu.memory_space<semaphore_mem>>)
      %dma_wait3A = tpu.memref_slice %arg7[%arg0, %mul3A_2] : memref<2x100352xf32, #tpu.memory_space<hbm>> -> memref<1x6272xf32, #tpu.memory_space<hbm>>
      %dma_wait3A_21 = tpu.memref_squeeze %dma_wait3A : memref<1x6272xf32, #tpu.memory_space<hbm>> -> memref<6272xf32, #tpu.memory_space<hbm>>
      %dma_wait3A_22 = tpu.memref_slice %arg30[%mul3A_2] : memref<100352xf32, #tpu.memory_space<vmem_shared>> -> memref<6272xf32, #tpu.memory_space<vmem_shared>>
      tpu.wait_dma2 semaphore(%run_scoped3A_18 : memref<!tpu.dma_semaphore, #tpu.memory_space<semaphore_mem>>) src(%dma_wait3A_22 : memref<6272xf32, #tpu.memory_space<vmem_shared>>) dst(%dma_wait3A_21 : memref<6272xf32, #tpu.memory_space<hbm>>)
      tpu.yield
    }) : () -> ()
    return
  }
}

#map = affine_map<(d0, d1) -> (0)>
#map1 = affine_map<(d0, d1) -> (0, 0)>
module attributes {stable_mosaic.version = 14 : i64} {
  func.func @l2_kernel(%arg0: i32, %arg1: i32, %arg2: memref<3211264xi32, #tpu.memory_space<hbm>>, %arg3: memref<3211264xi32, #tpu.memory_space<hbm>>, %arg4: memref<100352xf32, #tpu.memory_space<hbm>>, %arg5: memref<100352xf32, #tpu.memory_space<hbm>>, %arg6: memref<2x100352xf32, #tpu.memory_space<hbm>>, %arg7: memref<2x100352xf32, #tpu.memory_space<hbm>>, %arg8: memref<2048xi32, #tpu.memory_space<vmem>>, %arg9: memref<2048xi32, #tpu.memory_space<vmem>>, %arg10: memref<2048xi32, #tpu.memory_space<vmem>>, %arg11: memref<2048xi32, #tpu.memory_space<vmem>>, %arg12: memref<2048xi32, #tpu.memory_space<vmem>>, %arg13: memref<2048xi32, #tpu.memory_space<vmem>>, %arg14: memref<2048xi32, #tpu.memory_space<vmem>>, %arg15: memref<2048xi32, #tpu.memory_space<vmem>>, %arg16: memref<2048xi32, #tpu.memory_space<vmem>>, %arg17: memref<2048xi32, #tpu.memory_space<vmem>>, %arg18: memref<2048xi32, #tpu.memory_space<vmem>>, %arg19: memref<2048xi32, #tpu.memory_space<vmem>>, %arg20: memref<2048xi32, #tpu.memory_space<vmem>>, %arg21: memref<2048xi32, #tpu.memory_space<vmem>>, %arg22: memref<2048xf32, #tpu.memory_space<vmem>>, %arg23: memref<2048xf32, #tpu.memory_space<vmem>>, %arg24: memref<2048xf32, #tpu.memory_space<vmem>>, %arg25: memref<2048xf32, #tpu.memory_space<vmem>>, %arg26: memref<2048xf32, #tpu.memory_space<vmem>>, %arg27: memref<2048xf32, #tpu.memory_space<vmem>>, %arg28: memref<2048xf32, #tpu.memory_space<vmem>>, %arg29: memref<2048xf32, #tpu.memory_space<vmem>>, %arg30: memref<2048xf32, #tpu.memory_space<vmem>>, %arg31: memref<2048xf32, #tpu.memory_space<vmem>>, %arg32: memref<2048xf32, #tpu.memory_space<vmem>>, %arg33: memref<2048xf32, #tpu.memory_space<vmem>>, %arg34: memref<2048xf32, #tpu.memory_space<vmem>>, %arg35: memref<2048xf32, #tpu.memory_space<vmem>>, %arg36: memref<2048xf32, #tpu.memory_space<vmem>>, %arg37: memref<2048xf32, #tpu.memory_space<vmem>>, %arg38: memref<2048xf32, #tpu.memory_space<vmem>>, %arg39: memref<2048xf32, #tpu.memory_space<vmem>>, %arg40: memref<2048xf32, #tpu.memory_space<vmem>>, %arg41: memref<2048xf32, #tpu.memory_space<vmem>>, %arg42: memref<2048xf32, #tpu.memory_space<vmem>>, %arg43: memref<100352xf32, #tpu.memory_space<vmem_shared>>, %arg44: memref<100352xf32, #tpu.memory_space<vmem_shared>>, %arg45: memref<100352xf32, #tpu.memory_space<vmem_shared>>, %arg46: memref<!tpu.dma_semaphore, #tpu.memory_space<semaphore_mem>>, %arg47: memref<!tpu.dma_semaphore, #tpu.memory_space<semaphore_mem>>, %arg48: memref<!tpu.dma_semaphore, #tpu.memory_space<semaphore_mem>>, %arg49: memref<!tpu.dma_semaphore, #tpu.memory_space<semaphore_mem>>, %arg50: memref<!tpu.dma_semaphore, #tpu.memory_space<semaphore_mem>>, %arg51: memref<!tpu.dma_semaphore, #tpu.memory_space<semaphore_mem>>, %arg52: memref<!tpu.dma_semaphore, #tpu.memory_space<semaphore_mem>>, %arg53: memref<!tpu.dma_semaphore, #tpu.memory_space<semaphore_mem>>, %arg54: memref<!tpu.dma_semaphore, #tpu.memory_space<semaphore_mem>>, %arg55: memref<!tpu.dma_semaphore, #tpu.memory_space<semaphore_mem>>, %arg56: memref<!tpu.dma_semaphore, #tpu.memory_space<semaphore_mem>>, %arg57: memref<!tpu.dma_semaphore, #tpu.memory_space<semaphore_mem>>, %arg58: memref<!tpu.dma_semaphore, #tpu.memory_space<semaphore_mem>>, %arg59: memref<!tpu.dma_semaphore, #tpu.memory_space<semaphore_mem>>, %arg60: memref<!tpu.dma_semaphore, #tpu.memory_space<semaphore_mem>>, %arg61: memref<!tpu.dma_semaphore, #tpu.memory_space<semaphore_mem>>, %arg62: memref<!tpu.dma_semaphore, #tpu.memory_space<semaphore_mem>>, %arg63: memref<!tpu.dma_semaphore, #tpu.memory_space<semaphore_mem>>, %arg64: memref<!tpu.dma_semaphore, #tpu.memory_space<semaphore_mem>>, %arg65: memref<!tpu.dma_semaphore, #tpu.memory_space<semaphore_mem>>, %arg66: memref<!tpu.dma_semaphore, #tpu.memory_space<semaphore_mem>>, %arg67: memref<!tpu.dma_semaphore, #tpu.memory_space<semaphore_mem>>, %arg68: memref<!tpu.dma_semaphore, #tpu.memory_space<semaphore_mem>>, %arg69: memref<!tpu.dma_semaphore, #tpu.memory_space<semaphore_mem>>, %arg70: memref<!tpu.dma_semaphore, #tpu.memory_space<semaphore_mem>>, %arg71: memref<!tpu.dma_semaphore, #tpu.memory_space<semaphore_mem>>, %arg72: memref<!tpu.dma_semaphore, #tpu.memory_space<semaphore_mem>>, %arg73: memref<!tpu.dma_semaphore, #tpu.memory_space<semaphore_mem>>) attributes {dimension_semantics = [#tpu.dimension_semantics<core_parallel>, #tpu.dimension_semantics<subcore_parallel>], iteration_bounds = array<i64: 2, 16>, scalar_prefetch = 0 : i64, scratch_operands = 66 : i64, tpu.core_type = #tpu.core_type<sc_vector_subcore>, window_params = [{transform_indices = #map}, {transform_indices = #map}, {transform_indices = #map}, {transform_indices = #map}, {transform_indices = #map1}, {transform_indices = #map1}]} {
    %mul3A = arith.constant 16 : i32
    %mul3A_0 = arith.muli %arg0, %mul3A : i32
    %add3A = arith.addi %mul3A_0, %arg1 : i32
    %mul3A_1 = arith.constant 6272 : i32
    %mul3A_2 = arith.muli %arg1, %mul3A_1 : i32
    "tpu.region"() ({
      %run_scoped3A = tpu.sem_alloc : memref<!tpu.dma_semaphore, #tpu.memory_space<semaphore_mem>>
      %dma_start3A = tpu.memref_slice %arg43[%mul3A_2] : memref<100352xf32, #tpu.memory_space<vmem_shared>> -> memref<6272xf32, #tpu.memory_space<vmem_shared>>
      %dma_start3A_12 = tpu.memref_slice %arg4[%mul3A_2] : memref<100352xf32, #tpu.memory_space<hbm>> -> memref<6272xf32, #tpu.memory_space<hbm>>
      tpu.enqueue_dma source(%dma_start3A_12 : memref<6272xf32, #tpu.memory_space<hbm>>) target(%dma_start3A : memref<6272xf32, #tpu.memory_space<vmem_shared>>) target_semaphore(%run_scoped3A : memref<!tpu.dma_semaphore, #tpu.memory_space<semaphore_mem>>)
      %dma_wait3A = tpu.memref_slice %arg43[%mul3A_2] : memref<100352xf32, #tpu.memory_space<vmem_shared>> -> memref<6272xf32, #tpu.memory_space<vmem_shared>>
      %dma_wait3A_13 = tpu.memref_slice %arg4[%mul3A_2] : memref<100352xf32, #tpu.memory_space<hbm>> -> memref<6272xf32, #tpu.memory_space<hbm>>
      tpu.wait_dma2 semaphore(%run_scoped3A : memref<!tpu.dma_semaphore, #tpu.memory_space<semaphore_mem>>) src(%dma_wait3A_13 : memref<6272xf32, #tpu.memory_space<hbm>>) dst(%dma_wait3A : memref<6272xf32, #tpu.memory_space<vmem_shared>>)
      tpu.yield
    }) : () -> ()
    "tpu.region"() ({
      %run_scoped3A = tpu.sem_alloc : memref<!tpu.dma_semaphore, #tpu.memory_space<semaphore_mem>>
      %dma_start3A = tpu.memref_slice %arg44[%mul3A_2] : memref<100352xf32, #tpu.memory_space<vmem_shared>> -> memref<6272xf32, #tpu.memory_space<vmem_shared>>
      %dma_start3A_12 = tpu.memref_slice %arg5[%mul3A_2] : memref<100352xf32, #tpu.memory_space<hbm>> -> memref<6272xf32, #tpu.memory_space<hbm>>
      tpu.enqueue_dma source(%dma_start3A_12 : memref<6272xf32, #tpu.memory_space<hbm>>) target(%dma_start3A : memref<6272xf32, #tpu.memory_space<vmem_shared>>) target_semaphore(%run_scoped3A : memref<!tpu.dma_semaphore, #tpu.memory_space<semaphore_mem>>)
      %dma_wait3A = tpu.memref_slice %arg44[%mul3A_2] : memref<100352xf32, #tpu.memory_space<vmem_shared>> -> memref<6272xf32, #tpu.memory_space<vmem_shared>>
      %dma_wait3A_13 = tpu.memref_slice %arg5[%mul3A_2] : memref<100352xf32, #tpu.memory_space<hbm>> -> memref<6272xf32, #tpu.memory_space<hbm>>
      tpu.wait_dma2 semaphore(%run_scoped3A : memref<!tpu.dma_semaphore, #tpu.memory_space<semaphore_mem>>) src(%dma_wait3A_13 : memref<6272xf32, #tpu.memory_space<hbm>>) dst(%dma_wait3A : memref<6272xf32, #tpu.memory_space<vmem_shared>>)
      tpu.yield
    }) : () -> ()
    "tpu.region"() ({
      %run_scoped3A = tpu.sem_alloc : memref<!tpu.dma_semaphore, #tpu.memory_space<semaphore_mem>>
      %dma_start3A = tpu.memref_slice %arg45[%mul3A_2] : memref<100352xf32, #tpu.memory_space<vmem_shared>> -> memref<6272xf32, #tpu.memory_space<vmem_shared>>
      %dma_start3A_12 = tpu.memref_slice %arg5[%mul3A_2] : memref<100352xf32, #tpu.memory_space<hbm>> -> memref<6272xf32, #tpu.memory_space<hbm>>
      tpu.enqueue_dma source(%dma_start3A_12 : memref<6272xf32, #tpu.memory_space<hbm>>) target(%dma_start3A : memref<6272xf32, #tpu.memory_space<vmem_shared>>) target_semaphore(%run_scoped3A : memref<!tpu.dma_semaphore, #tpu.memory_space<semaphore_mem>>)
      %dma_wait3A = tpu.memref_slice %arg45[%mul3A_2] : memref<100352xf32, #tpu.memory_space<vmem_shared>> -> memref<6272xf32, #tpu.memory_space<vmem_shared>>
      %dma_wait3A_13 = tpu.memref_slice %arg5[%mul3A_2] : memref<100352xf32, #tpu.memory_space<hbm>> -> memref<6272xf32, #tpu.memory_space<hbm>>
      tpu.wait_dma2 semaphore(%run_scoped3A : memref<!tpu.dma_semaphore, #tpu.memory_space<semaphore_mem>>) src(%dma_wait3A_13 : memref<6272xf32, #tpu.memory_space<hbm>>) dst(%dma_wait3A : memref<6272xf32, #tpu.memory_space<vmem_shared>>)
      tpu.yield
    }) : () -> ()
    %barrier3A = arith.constant 0 : index
    tpu.barrier barrier_id(%barrier3A)
    %mul3A_3 = arith.constant 100352 : i32
    %mul3A_4 = arith.muli %add3A, %mul3A_3 : i32
    %scan3A = arith.constant 0 : i32
    %scan3A_5 = arith.constant -65536 : i32
    %scan3A_6 = arith.constant 0 : i32
    %scan3A_7 = arith.constant 7 : i32
    %scan3A_8 = arith.addi %scan3A_6, %scan3A_7 : i32
    %scan3A_9 = arith.constant 1 : i32
    scf.for %scan3A_12 = %scan3A_6 to %scan3A_8 step %scan3A_9  : i32 {
      %mul3A_13 = arith.constant 14336 : i32
      %mul3A_14 = arith.muli %scan3A_12, %mul3A_13 : i32
      %add3A_15 = arith.addi %mul3A_4, %mul3A_14 : i32
      %add3A_16 = arith.constant 0 : i32
      %add3A_17 = arith.addi %add3A_15, %add3A_16 : i32
      %dma_start3A = tpu.memref_slice %arg2[%add3A_17] : memref<3211264xi32, #tpu.memory_space<hbm>> -> memref<2048xi32, #tpu.memory_space<hbm>>
      %dma_start3A_18 = tpu.memref_slice %arg2[%add3A_17] : memref<3211264xi32, #tpu.memory_space<hbm>> -> memref<2048xi32, #tpu.memory_space<hbm>>
      tpu.enqueue_dma source(%dma_start3A_18 : memref<2048xi32, #tpu.memory_space<hbm>>) target(%arg8 : memref<2048xi32, #tpu.memory_space<vmem>>) target_semaphore(%arg46 : memref<!tpu.dma_semaphore, #tpu.memory_space<semaphore_mem>>)
      %dma_start3A_19 = tpu.memref_slice %arg3[%add3A_17] : memref<3211264xi32, #tpu.memory_space<hbm>> -> memref<2048xi32, #tpu.memory_space<hbm>>
      %dma_start3A_20 = tpu.memref_slice %arg3[%add3A_17] : memref<3211264xi32, #tpu.memory_space<hbm>> -> memref<2048xi32, #tpu.memory_space<hbm>>
      tpu.enqueue_dma source(%dma_start3A_20 : memref<2048xi32, #tpu.memory_space<hbm>>) target(%arg15 : memref<2048xi32, #tpu.memory_space<vmem>>) target_semaphore(%arg47 : memref<!tpu.dma_semaphore, #tpu.memory_space<semaphore_mem>>)
      %add3A_21 = arith.constant 2048 : i32
      %add3A_22 = arith.addi %add3A_15, %add3A_21 : i32
      %dma_start3A_23 = tpu.memref_slice %arg2[%add3A_22] : memref<3211264xi32, #tpu.memory_space<hbm>> -> memref<2048xi32, #tpu.memory_space<hbm>>
      %dma_start3A_24 = tpu.memref_slice %arg2[%add3A_22] : memref<3211264xi32, #tpu.memory_space<hbm>> -> memref<2048xi32, #tpu.memory_space<hbm>>
      tpu.enqueue_dma source(%dma_start3A_24 : memref<2048xi32, #tpu.memory_space<hbm>>) target(%arg9 : memref<2048xi32, #tpu.memory_space<vmem>>) target_semaphore(%arg48 : memref<!tpu.dma_semaphore, #tpu.memory_space<semaphore_mem>>)
      %dma_start3A_25 = tpu.memref_slice %arg3[%add3A_22] : memref<3211264xi32, #tpu.memory_space<hbm>> -> memref<2048xi32, #tpu.memory_space<hbm>>
      %dma_start3A_26 = tpu.memref_slice %arg3[%add3A_22] : memref<3211264xi32, #tpu.memory_space<hbm>> -> memref<2048xi32, #tpu.memory_space<hbm>>
      tpu.enqueue_dma source(%dma_start3A_26 : memref<2048xi32, #tpu.memory_space<hbm>>) target(%arg16 : memref<2048xi32, #tpu.memory_space<vmem>>) target_semaphore(%arg49 : memref<!tpu.dma_semaphore, #tpu.memory_space<semaphore_mem>>)
      %add3A_27 = arith.constant 4096 : i32
      %add3A_28 = arith.addi %add3A_15, %add3A_27 : i32
      %dma_start3A_29 = tpu.memref_slice %arg2[%add3A_28] : memref<3211264xi32, #tpu.memory_space<hbm>> -> memref<2048xi32, #tpu.memory_space<hbm>>
      %dma_start3A_30 = tpu.memref_slice %arg2[%add3A_28] : memref<3211264xi32, #tpu.memory_space<hbm>> -> memref<2048xi32, #tpu.memory_space<hbm>>
      tpu.enqueue_dma source(%dma_start3A_30 : memref<2048xi32, #tpu.memory_space<hbm>>) target(%arg10 : memref<2048xi32, #tpu.memory_space<vmem>>) target_semaphore(%arg50 : memref<!tpu.dma_semaphore, #tpu.memory_space<semaphore_mem>>)
      %dma_start3A_31 = tpu.memref_slice %arg3[%add3A_28] : memref<3211264xi32, #tpu.memory_space<hbm>> -> memref<2048xi32, #tpu.memory_space<hbm>>
      %dma_start3A_32 = tpu.memref_slice %arg3[%add3A_28] : memref<3211264xi32, #tpu.memory_space<hbm>> -> memref<2048xi32, #tpu.memory_space<hbm>>
      tpu.enqueue_dma source(%dma_start3A_32 : memref<2048xi32, #tpu.memory_space<hbm>>) target(%arg17 : memref<2048xi32, #tpu.memory_space<vmem>>) target_semaphore(%arg51 : memref<!tpu.dma_semaphore, #tpu.memory_space<semaphore_mem>>)
      %add3A_33 = arith.constant 6144 : i32
      %add3A_34 = arith.addi %add3A_15, %add3A_33 : i32
      %dma_start3A_35 = tpu.memref_slice %arg2[%add3A_34] : memref<3211264xi32, #tpu.memory_space<hbm>> -> memref<2048xi32, #tpu.memory_space<hbm>>
      %dma_start3A_36 = tpu.memref_slice %arg2[%add3A_34] : memref<3211264xi32, #tpu.memory_space<hbm>> -> memref<2048xi32, #tpu.memory_space<hbm>>
      tpu.enqueue_dma source(%dma_start3A_36 : memref<2048xi32, #tpu.memory_space<hbm>>) target(%arg11 : memref<2048xi32, #tpu.memory_space<vmem>>) target_semaphore(%arg52 : memref<!tpu.dma_semaphore, #tpu.memory_space<semaphore_mem>>)
      %dma_start3A_37 = tpu.memref_slice %arg3[%add3A_34] : memref<3211264xi32, #tpu.memory_space<hbm>> -> memref<2048xi32, #tpu.memory_space<hbm>>
      %dma_start3A_38 = tpu.memref_slice %arg3[%add3A_34] : memref<3211264xi32, #tpu.memory_space<hbm>> -> memref<2048xi32, #tpu.memory_space<hbm>>
      tpu.enqueue_dma source(%dma_start3A_38 : memref<2048xi32, #tpu.memory_space<hbm>>) target(%arg18 : memref<2048xi32, #tpu.memory_space<vmem>>) target_semaphore(%arg53 : memref<!tpu.dma_semaphore, #tpu.memory_space<semaphore_mem>>)
      %add3A_39 = arith.constant 8192 : i32
      %add3A_40 = arith.addi %add3A_15, %add3A_39 : i32
      %dma_start3A_41 = tpu.memref_slice %arg2[%add3A_40] : memref<3211264xi32, #tpu.memory_space<hbm>> -> memref<2048xi32, #tpu.memory_space<hbm>>
      %dma_start3A_42 = tpu.memref_slice %arg2[%add3A_40] : memref<3211264xi32, #tpu.memory_space<hbm>> -> memref<2048xi32, #tpu.memory_space<hbm>>
      tpu.enqueue_dma source(%dma_start3A_42 : memref<2048xi32, #tpu.memory_space<hbm>>) target(%arg12 : memref<2048xi32, #tpu.memory_space<vmem>>) target_semaphore(%arg54 : memref<!tpu.dma_semaphore, #tpu.memory_space<semaphore_mem>>)
      %dma_start3A_43 = tpu.memref_slice %arg3[%add3A_40] : memref<3211264xi32, #tpu.memory_space<hbm>> -> memref<2048xi32, #tpu.memory_space<hbm>>
      %dma_start3A_44 = tpu.memref_slice %arg3[%add3A_40] : memref<3211264xi32, #tpu.memory_space<hbm>> -> memref<2048xi32, #tpu.memory_space<hbm>>
      tpu.enqueue_dma source(%dma_start3A_44 : memref<2048xi32, #tpu.memory_space<hbm>>) target(%arg19 : memref<2048xi32, #tpu.memory_space<vmem>>) target_semaphore(%arg55 : memref<!tpu.dma_semaphore, #tpu.memory_space<semaphore_mem>>)
      %add3A_45 = arith.constant 10240 : i32
      %add3A_46 = arith.addi %add3A_15, %add3A_45 : i32
      %dma_start3A_47 = tpu.memref_slice %arg2[%add3A_46] : memref<3211264xi32, #tpu.memory_space<hbm>> -> memref<2048xi32, #tpu.memory_space<hbm>>
      %dma_start3A_48 = tpu.memref_slice %arg2[%add3A_46] : memref<3211264xi32, #tpu.memory_space<hbm>> -> memref<2048xi32, #tpu.memory_space<hbm>>
      tpu.enqueue_dma source(%dma_start3A_48 : memref<2048xi32, #tpu.memory_space<hbm>>) target(%arg13 : memref<2048xi32, #tpu.memory_space<vmem>>) target_semaphore(%arg56 : memref<!tpu.dma_semaphore, #tpu.memory_space<semaphore_mem>>)
      %dma_start3A_49 = tpu.memref_slice %arg3[%add3A_46] : memref<3211264xi32, #tpu.memory_space<hbm>> -> memref<2048xi32, #tpu.memory_space<hbm>>
      %dma_start3A_50 = tpu.memref_slice %arg3[%add3A_46] : memref<3211264xi32, #tpu.memory_space<hbm>> -> memref<2048xi32, #tpu.memory_space<hbm>>
      tpu.enqueue_dma source(%dma_start3A_50 : memref<2048xi32, #tpu.memory_space<hbm>>) target(%arg20 : memref<2048xi32, #tpu.memory_space<vmem>>) target_semaphore(%arg57 : memref<!tpu.dma_semaphore, #tpu.memory_space<semaphore_mem>>)
      %add3A_51 = arith.constant 12288 : i32
      %add3A_52 = arith.addi %add3A_15, %add3A_51 : i32
      %dma_start3A_53 = tpu.memref_slice %arg2[%add3A_52] : memref<3211264xi32, #tpu.memory_space<hbm>> -> memref<2048xi32, #tpu.memory_space<hbm>>
      %dma_start3A_54 = tpu.memref_slice %arg2[%add3A_52] : memref<3211264xi32, #tpu.memory_space<hbm>> -> memref<2048xi32, #tpu.memory_space<hbm>>
      tpu.enqueue_dma source(%dma_start3A_54 : memref<2048xi32, #tpu.memory_space<hbm>>) target(%arg14 : memref<2048xi32, #tpu.memory_space<vmem>>) target_semaphore(%arg58 : memref<!tpu.dma_semaphore, #tpu.memory_space<semaphore_mem>>)
      %dma_start3A_55 = tpu.memref_slice %arg3[%add3A_52] : memref<3211264xi32, #tpu.memory_space<hbm>> -> memref<2048xi32, #tpu.memory_space<hbm>>
      %dma_start3A_56 = tpu.memref_slice %arg3[%add3A_52] : memref<3211264xi32, #tpu.memory_space<hbm>> -> memref<2048xi32, #tpu.memory_space<hbm>>
      tpu.enqueue_dma source(%dma_start3A_56 : memref<2048xi32, #tpu.memory_space<hbm>>) target(%arg21 : memref<2048xi32, #tpu.memory_space<vmem>>) target_semaphore(%arg59 : memref<!tpu.dma_semaphore, #tpu.memory_space<semaphore_mem>>)
      %dma_wait3A = tpu.memref_slice %arg2[%add3A_17] : memref<3211264xi32, #tpu.memory_space<hbm>> -> memref<2048xi32, #tpu.memory_space<hbm>>
      %dma_wait3A_57 = tpu.memref_slice %arg2[%add3A_17] : memref<3211264xi32, #tpu.memory_space<hbm>> -> memref<2048xi32, #tpu.memory_space<hbm>>
      tpu.wait_dma2 semaphore(%arg46 : memref<!tpu.dma_semaphore, #tpu.memory_space<semaphore_mem>>) src(%dma_wait3A_57 : memref<2048xi32, #tpu.memory_space<hbm>>) dst(%arg8 : memref<2048xi32, #tpu.memory_space<vmem>>)
      %dma_start3A_58 = arith.constant 0 : i32
      %dma_start3A_59 = tpu.memref_slice %arg43[%dma_start3A_58] : memref<100352xf32, #tpu.memory_space<vmem_shared>> -> memref<100352xf32, #tpu.memory_space<vmem_shared>>
      tpu.enqueue_indirect_dma source(%dma_start3A_59 : memref<100352xf32, #tpu.memory_space<vmem_shared>>) target(%arg22 : memref<2048xf32, #tpu.memory_space<vmem>>) offsets(%arg8 : memref<2048xi32, #tpu.memory_space<vmem>>) semaphore(%arg60 : memref<!tpu.dma_semaphore, #tpu.memory_space<semaphore_mem>>)
      %dma_wait3A_60 = tpu.memref_slice %arg2[%add3A_22] : memref<3211264xi32, #tpu.memory_space<hbm>> -> memref<2048xi32, #tpu.memory_space<hbm>>
      %dma_wait3A_61 = tpu.memref_slice %arg2[%add3A_22] : memref<3211264xi32, #tpu.memory_space<hbm>> -> memref<2048xi32, #tpu.memory_space<hbm>>
      tpu.wait_dma2 semaphore(%arg48 : memref<!tpu.dma_semaphore, #tpu.memory_space<semaphore_mem>>) src(%dma_wait3A_61 : memref<2048xi32, #tpu.memory_space<hbm>>) dst(%arg9 : memref<2048xi32, #tpu.memory_space<vmem>>)
      %dma_start3A_62 = arith.constant 0 : i32
      %dma_start3A_63 = tpu.memref_slice %arg43[%dma_start3A_62] : memref<100352xf32, #tpu.memory_space<vmem_shared>> -> memref<100352xf32, #tpu.memory_space<vmem_shared>>
      tpu.enqueue_indirect_dma source(%dma_start3A_63 : memref<100352xf32, #tpu.memory_space<vmem_shared>>) target(%arg23 : memref<2048xf32, #tpu.memory_space<vmem>>) offsets(%arg9 : memref<2048xi32, #tpu.memory_space<vmem>>) semaphore(%arg61 : memref<!tpu.dma_semaphore, #tpu.memory_space<semaphore_mem>>)
      %dma_wait3A_64 = tpu.memref_slice %arg2[%add3A_28] : memref<3211264xi32, #tpu.memory_space<hbm>> -> memref<2048xi32, #tpu.memory_space<hbm>>
      %dma_wait3A_65 = tpu.memref_slice %arg2[%add3A_28] : memref<3211264xi32, #tpu.memory_space<hbm>> -> memref<2048xi32, #tpu.memory_space<hbm>>
      tpu.wait_dma2 semaphore(%arg50 : memref<!tpu.dma_semaphore, #tpu.memory_space<semaphore_mem>>) src(%dma_wait3A_65 : memref<2048xi32, #tpu.memory_space<hbm>>) dst(%arg10 : memref<2048xi32, #tpu.memory_space<vmem>>)
      %dma_start3A_66 = arith.constant 0 : i32
      %dma_start3A_67 = tpu.memref_slice %arg43[%dma_start3A_66] : memref<100352xf32, #tpu.memory_space<vmem_shared>> -> memref<100352xf32, #tpu.memory_space<vmem_shared>>
      tpu.enqueue_indirect_dma source(%dma_start3A_67 : memref<100352xf32, #tpu.memory_space<vmem_shared>>) target(%arg24 : memref<2048xf32, #tpu.memory_space<vmem>>) offsets(%arg10 : memref<2048xi32, #tpu.memory_space<vmem>>) semaphore(%arg62 : memref<!tpu.dma_semaphore, #tpu.memory_space<semaphore_mem>>)
      %dma_wait3A_68 = tpu.memref_slice %arg2[%add3A_34] : memref<3211264xi32, #tpu.memory_space<hbm>> -> memref<2048xi32, #tpu.memory_space<hbm>>
      %dma_wait3A_69 = tpu.memref_slice %arg2[%add3A_34] : memref<3211264xi32, #tpu.memory_space<hbm>> -> memref<2048xi32, #tpu.memory_space<hbm>>
      tpu.wait_dma2 semaphore(%arg52 : memref<!tpu.dma_semaphore, #tpu.memory_space<semaphore_mem>>) src(%dma_wait3A_69 : memref<2048xi32, #tpu.memory_space<hbm>>) dst(%arg11 : memref<2048xi32, #tpu.memory_space<vmem>>)
      %dma_start3A_70 = arith.constant 0 : i32
      %dma_start3A_71 = tpu.memref_slice %arg43[%dma_start3A_70] : memref<100352xf32, #tpu.memory_space<vmem_shared>> -> memref<100352xf32, #tpu.memory_space<vmem_shared>>
      tpu.enqueue_indirect_dma source(%dma_start3A_71 : memref<100352xf32, #tpu.memory_space<vmem_shared>>) target(%arg25 : memref<2048xf32, #tpu.memory_space<vmem>>) offsets(%arg11 : memref<2048xi32, #tpu.memory_space<vmem>>) semaphore(%arg63 : memref<!tpu.dma_semaphore, #tpu.memory_space<semaphore_mem>>)
      %dma_wait3A_72 = tpu.memref_slice %arg2[%add3A_40] : memref<3211264xi32, #tpu.memory_space<hbm>> -> memref<2048xi32, #tpu.memory_space<hbm>>
      %dma_wait3A_73 = tpu.memref_slice %arg2[%add3A_40] : memref<3211264xi32, #tpu.memory_space<hbm>> -> memref<2048xi32, #tpu.memory_space<hbm>>
      tpu.wait_dma2 semaphore(%arg54 : memref<!tpu.dma_semaphore, #tpu.memory_space<semaphore_mem>>) src(%dma_wait3A_73 : memref<2048xi32, #tpu.memory_space<hbm>>) dst(%arg12 : memref<2048xi32, #tpu.memory_space<vmem>>)
      %dma_start3A_74 = arith.constant 0 : i32
      %dma_start3A_75 = tpu.memref_slice %arg43[%dma_start3A_74] : memref<100352xf32, #tpu.memory_space<vmem_shared>> -> memref<100352xf32, #tpu.memory_space<vmem_shared>>
      tpu.enqueue_indirect_dma source(%dma_start3A_75 : memref<100352xf32, #tpu.memory_space<vmem_shared>>) target(%arg26 : memref<2048xf32, #tpu.memory_space<vmem>>) offsets(%arg12 : memref<2048xi32, #tpu.memory_space<vmem>>) semaphore(%arg64 : memref<!tpu.dma_semaphore, #tpu.memory_space<semaphore_mem>>)
      %dma_wait3A_76 = tpu.memref_slice %arg2[%add3A_46] : memref<3211264xi32, #tpu.memory_space<hbm>> -> memref<2048xi32, #tpu.memory_space<hbm>>
      %dma_wait3A_77 = tpu.memref_slice %arg2[%add3A_46] : memref<3211264xi32, #tpu.memory_space<hbm>> -> memref<2048xi32, #tpu.memory_space<hbm>>
      tpu.wait_dma2 semaphore(%arg56 : memref<!tpu.dma_semaphore, #tpu.memory_space<semaphore_mem>>) src(%dma_wait3A_77 : memref<2048xi32, #tpu.memory_space<hbm>>) dst(%arg13 : memref<2048xi32, #tpu.memory_space<vmem>>)
      %dma_start3A_78 = arith.constant 0 : i32
      %dma_start3A_79 = tpu.memref_slice %arg43[%dma_start3A_78] : memref<100352xf32, #tpu.memory_space<vmem_shared>> -> memref<100352xf32, #tpu.memory_space<vmem_shared>>
      tpu.enqueue_indirect_dma source(%dma_start3A_79 : memref<100352xf32, #tpu.memory_space<vmem_shared>>) target(%arg27 : memref<2048xf32, #tpu.memory_space<vmem>>) offsets(%arg13 : memref<2048xi32, #tpu.memory_space<vmem>>) semaphore(%arg65 : memref<!tpu.dma_semaphore, #tpu.memory_space<semaphore_mem>>)
      %dma_wait3A_80 = tpu.memref_slice %arg2[%add3A_52] : memref<3211264xi32, #tpu.memory_space<hbm>> -> memref<2048xi32, #tpu.memory_space<hbm>>
      %dma_wait3A_81 = tpu.memref_slice %arg2[%add3A_52] : memref<3211264xi32, #tpu.memory_space<hbm>> -> memref<2048xi32, #tpu.memory_space<hbm>>
      tpu.wait_dma2 semaphore(%arg58 : memref<!tpu.dma_semaphore, #tpu.memory_space<semaphore_mem>>) src(%dma_wait3A_81 : memref<2048xi32, #tpu.memory_space<hbm>>) dst(%arg14 : memref<2048xi32, #tpu.memory_space<vmem>>)
      %dma_start3A_82 = arith.constant 0 : i32
      %dma_start3A_83 = tpu.memref_slice %arg43[%dma_start3A_82] : memref<100352xf32, #tpu.memory_space<vmem_shared>> -> memref<100352xf32, #tpu.memory_space<vmem_shared>>
      tpu.enqueue_indirect_dma source(%dma_start3A_83 : memref<100352xf32, #tpu.memory_space<vmem_shared>>) target(%arg28 : memref<2048xf32, #tpu.memory_space<vmem>>) offsets(%arg14 : memref<2048xi32, #tpu.memory_space<vmem>>) semaphore(%arg66 : memref<!tpu.dma_semaphore, #tpu.memory_space<semaphore_mem>>)
      %dma_wait3A_84 = arith.constant 0 : i32
      %dma_wait3A_85 = tpu.memref_slice %arg43[%dma_wait3A_84] : memref<100352xf32, #tpu.memory_space<vmem_shared>> -> memref<100352xf32, #tpu.memory_space<vmem_shared>>
      tpu.wait_indirect_dma semaphore(%arg60 : memref<!tpu.dma_semaphore, #tpu.memory_space<semaphore_mem>>) src(%dma_wait3A_85 : memref<100352xf32, #tpu.memory_space<vmem_shared>>) dst(%arg22 : memref<2048xf32, #tpu.memory_space<vmem>>)
      %scan3A_86 = arith.constant 0 : i32
      %scan3A_87 = arith.constant 0 : i32
      %scan3A_88 = arith.constant 32 : i32
      %scan3A_89 = arith.addi %scan3A_87, %scan3A_88 : i32
      %scan3A_90 = arith.constant 1 : i32
      scf.for %scan3A_210 = %scan3A_87 to %scan3A_89 step %scan3A_90  : i32 {
        %mul3A_211 = arith.constant 64 : i32
        %mul3A_212 = arith.muli %scan3A_210, %mul3A_211 : i32
        %add3A_213 = arith.constant 0 : i32
        %add3A_214 = arith.addi %mul3A_212, %add3A_213 : i32
        %get3A = arith.index_cast %add3A_214 : i32 to index
        %get3A_215 = tpu.vector_load %arg22[%get3A] {strides = array<i32>} : memref<2048xf32, #tpu.memory_space<vmem>>, vector<16xf32>,
        %get3A_216 = vector.shape_cast %get3A_215 : vector<16xf32> to vector<16xf32>
        %bitcast_convert_type3A = tpu.bitcast %get3A_216 : vector<16xf32> -> vector<16xi32>
        %and3A = vector.broadcast %scan3A_5 : i32 to vector<16xi32>
        %and3A_217 = arith.andi %bitcast_convert_type3A, %and3A : vector<16xi32>
        %bitcast_convert_type3A_218 = tpu.bitcast %and3A_217 : vector<16xi32> -> vector<16xf32>
        %swap3A = arith.index_cast %add3A_214 : i32 to index
        %swap3A_219 = tpu.vector_load %arg29[%swap3A] {strides = array<i32>} : memref<2048xf32, #tpu.memory_space<vmem>>, vector<16xf32>,
        %swap3A_220 = vector.shape_cast %swap3A_219 : vector<16xf32> to vector<16xf32>
        %swap3A_221 = vector.shape_cast %bitcast_convert_type3A_218 : vector<16xf32> to vector<16xf32>
        tpu.vector_store %arg29[%swap3A], %swap3A_221 {strides = array<i32>} : memref<2048xf32, #tpu.memory_space<vmem>>, vector<16xf32>,
        %shift_left3A = arith.constant 16 : i32
        %shift_left3A_222 = vector.broadcast %shift_left3A : i32 to vector<16xi32>
        %shift_left3A_223 = arith.shli %bitcast_convert_type3A, %shift_left3A_222 : vector<16xi32>
        %bitcast_convert_type3A_224 = tpu.bitcast %shift_left3A_223 : vector<16xi32> -> vector<16xf32>
        %swap3A_225 = arith.index_cast %add3A_214 : i32 to index
        %swap3A_226 = tpu.vector_load %arg36[%swap3A_225] {strides = array<i32>} : memref<2048xf32, #tpu.memory_space<vmem>>, vector<16xf32>,
        %swap3A_227 = vector.shape_cast %swap3A_226 : vector<16xf32> to vector<16xf32>
        %swap3A_228 = vector.shape_cast %bitcast_convert_type3A_224 : vector<16xf32> to vector<16xf32>
        tpu.vector_store %arg36[%swap3A_225], %swap3A_228 {strides = array<i32>} : memref<2048xf32, #tpu.memory_space<vmem>>, vector<16xf32>,
        %mul3A_229 = arith.constant 64 : i32
        %mul3A_230 = arith.muli %scan3A_210, %mul3A_229 : i32
        %add3A_231 = arith.constant 16 : i32
        %add3A_232 = arith.addi %mul3A_230, %add3A_231 : i32
        %get3A_233 = arith.index_cast %add3A_232 : i32 to index
        %get3A_234 = tpu.vector_load %arg22[%get3A_233] {strides = array<i32>} : memref<2048xf32, #tpu.memory_space<vmem>>, vector<16xf32>,
        %get3A_235 = vector.shape_cast %get3A_234 : vector<16xf32> to vector<16xf32>
        %bitcast_convert_type3A_236 = tpu.bitcast %get3A_235 : vector<16xf32> -> vector<16xi32>
        %and3A_237 = vector.broadcast %scan3A_5 : i32 to vector<16xi32>
        %and3A_238 = arith.andi %bitcast_convert_type3A_236, %and3A_237 : vector<16xi32>
        %bitcast_convert_type3A_239 = tpu.bitcast %and3A_238 : vector<16xi32> -> vector<16xf32>
        %swap3A_240 = arith.index_cast %add3A_232 : i32 to index
        %swap3A_241 = tpu.vector_load %arg29[%swap3A_240] {strides = array<i32>} : memref<2048xf32, #tpu.memory_space<vmem>>, vector<16xf32>,
        %swap3A_242 = vector.shape_cast %swap3A_241 : vector<16xf32> to vector<16xf32>
        %swap3A_243 = vector.shape_cast %bitcast_convert_type3A_239 : vector<16xf32> to vector<16xf32>
        tpu.vector_store %arg29[%swap3A_240], %swap3A_243 {strides = array<i32>} : memref<2048xf32, #tpu.memory_space<vmem>>, vector<16xf32>,
        %shift_left3A_244 = arith.constant 16 : i32
        %shift_left3A_245 = vector.broadcast %shift_left3A_244 : i32 to vector<16xi32>
        %shift_left3A_246 = arith.shli %bitcast_convert_type3A_236, %shift_left3A_245 : vector<16xi32>
        %bitcast_convert_type3A_247 = tpu.bitcast %shift_left3A_246 : vector<16xi32> -> vector<16xf32>
        %swap3A_248 = arith.index_cast %add3A_232 : i32 to index
        %swap3A_249 = tpu.vector_load %arg36[%swap3A_248] {strides = array<i32>} : memref<2048xf32, #tpu.memory_space<vmem>>, vector<16xf32>,
        %swap3A_250 = vector.shape_cast %swap3A_249 : vector<16xf32> to vector<16xf32>
        %swap3A_251 = vector.shape_cast %bitcast_convert_type3A_247 : vector<16xf32> to vector<16xf32>
        tpu.vector_store %arg36[%swap3A_248], %swap3A_251 {strides = array<i32>} : memref<2048xf32, #tpu.memory_space<vmem>>, vector<16xf32>,
        %mul3A_252 = arith.constant 64 : i32
        %mul3A_253 = arith.muli %scan3A_210, %mul3A_252 : i32
        %add3A_254 = arith.constant 32 : i32
        %add3A_255 = arith.addi %mul3A_253, %add3A_254 : i32
        %get3A_256 = arith.index_cast %add3A_255 : i32 to index
        %get3A_257 = tpu.vector_load %arg22[%get3A_256] {strides = array<i32>} : memref<2048xf32, #tpu.memory_space<vmem>>, vector<16xf32>,
        %get3A_258 = vector.shape_cast %get3A_257 : vector<16xf32> to vector<16xf32>
        %bitcast_convert_type3A_259 = tpu.bitcast %get3A_258 : vector<16xf32> -> vector<16xi32>
        %and3A_260 = vector.broadcast %scan3A_5 : i32 to vector<16xi32>
        %and3A_261 = arith.andi %bitcast_convert_type3A_259, %and3A_260 : vector<16xi32>
        %bitcast_convert_type3A_262 = tpu.bitcast %and3A_261 : vector<16xi32> -> vector<16xf32>
        %swap3A_263 = arith.index_cast %add3A_255 : i32 to index
        %swap3A_264 = tpu.vector_load %arg29[%swap3A_263] {strides = array<i32>} : memref<2048xf32, #tpu.memory_space<vmem>>, vector<16xf32>,
        %swap3A_265 = vector.shape_cast %swap3A_264 : vector<16xf32> to vector<16xf32>
        %swap3A_266 = vector.shape_cast %bitcast_convert_type3A_262 : vector<16xf32> to vector<16xf32>
        tpu.vector_store %arg29[%swap3A_263], %swap3A_266 {strides = array<i32>} : memref<2048xf32, #tpu.memory_space<vmem>>, vector<16xf32>,
        %shift_left3A_267 = arith.constant 16 : i32
        %shift_left3A_268 = vector.broadcast %shift_left3A_267 : i32 to vector<16xi32>
        %shift_left3A_269 = arith.shli %bitcast_convert_type3A_259, %shift_left3A_268 : vector<16xi32>
        %bitcast_convert_type3A_270 = tpu.bitcast %shift_left3A_269 : vector<16xi32> -> vector<16xf32>
        %swap3A_271 = arith.index_cast %add3A_255 : i32 to index
        %swap3A_272 = tpu.vector_load %arg36[%swap3A_271] {strides = array<i32>} : memref<2048xf32, #tpu.memory_space<vmem>>, vector<16xf32>,
        %swap3A_273 = vector.shape_cast %swap3A_272 : vector<16xf32> to vector<16xf32>
        %swap3A_274 = vector.shape_cast %bitcast_convert_type3A_270 : vector<16xf32> to vector<16xf32>
        tpu.vector_store %arg36[%swap3A_271], %swap3A_274 {strides = array<i32>} : memref<2048xf32, #tpu.memory_space<vmem>>, vector<16xf32>,
        %mul3A_275 = arith.constant 64 : i32
        %mul3A_276 = arith.muli %scan3A_210, %mul3A_275 : i32
        %add3A_277 = arith.constant 48 : i32
        %add3A_278 = arith.addi %mul3A_276, %add3A_277 : i32
        %get3A_279 = arith.index_cast %add3A_278 : i32 to index
        %get3A_280 = tpu.vector_load %arg22[%get3A_279] {strides = array<i32>} : memref<2048xf32, #tpu.memory_space<vmem>>, vector<16xf32>,
        %get3A_281 = vector.shape_cast %get3A_280 : vector<16xf32> to vector<16xf32>
        %bitcast_convert_type3A_282 = tpu.bitcast %get3A_281 : vector<16xf32> -> vector<16xi32>
        %and3A_283 = vector.broadcast %scan3A_5 : i32 to vector<16xi32>
        %and3A_284 = arith.andi %bitcast_convert_type3A_282, %and3A_283 : vector<16xi32>
        %bitcast_convert_type3A_285 = tpu.bitcast %and3A_284 : vector<16xi32> -> vector<16xf32>
        %swap3A_286 = arith.index_cast %add3A_278 : i32 to index
        %swap3A_287 = tpu.vector_load %arg29[%swap3A_286] {strides = array<i32>} : memref<2048xf32, #tpu.memory_space<vmem>>, vector<16xf32>,
        %swap3A_288 = vector.shape_cast %swap3A_287 : vector<16xf32> to vector<16xf32>
        %swap3A_289 = vector.shape_cast %bitcast_convert_type3A_285 : vector<16xf32> to vector<16xf32>
        tpu.vector_store %arg29[%swap3A_286], %swap3A_289 {strides = array<i32>} : memref<2048xf32, #tpu.memory_space<vmem>>, vector<16xf32>,
        %shift_left3A_290 = arith.constant 16 : i32
        %shift_left3A_291 = vector.broadcast %shift_left3A_290 : i32 to vector<16xi32>
        %shift_left3A_292 = arith.shli %bitcast_convert_type3A_282, %shift_left3A_291 : vector<16xi32>
        %bitcast_convert_type3A_293 = tpu.bitcast %shift_left3A_292 : vector<16xi32> -> vector<16xf32>
        %swap3A_294 = arith.index_cast %add3A_278 : i32 to index
        %swap3A_295 = tpu.vector_load %arg36[%swap3A_294] {strides = array<i32>} : memref<2048xf32, #tpu.memory_space<vmem>>, vector<16xf32>,
        %swap3A_296 = vector.shape_cast %swap3A_295 : vector<16xf32> to vector<16xf32>
        %swap3A_297 = vector.shape_cast %bitcast_convert_type3A_293 : vector<16xf32> to vector<16xf32>
        tpu.vector_store %arg36[%swap3A_294], %swap3A_297 {strides = array<i32>} : memref<2048xf32, #tpu.memory_space<vmem>>, vector<16xf32>,
      }
      %scan3A_91 = arith.constant 32 : i32
      %dma_wait3A_92 = tpu.memref_slice %arg3[%add3A_17] : memref<3211264xi32, #tpu.memory_space<hbm>> -> memref<2048xi32, #tpu.memory_space<hbm>>
      %dma_wait3A_93 = tpu.memref_slice %arg3[%add3A_17] : memref<3211264xi32, #tpu.memory_space<hbm>> -> memref<2048xi32, #tpu.memory_space<hbm>>
      tpu.wait_dma2 semaphore(%arg47 : memref<!tpu.dma_semaphore, #tpu.memory_space<semaphore_mem>>) src(%dma_wait3A_93 : memref<2048xi32, #tpu.memory_space<hbm>>) dst(%arg15 : memref<2048xi32, #tpu.memory_space<vmem>>)
      %dma_start3A_94 = arith.constant 0 : i32
      %dma_start3A_95 = tpu.memref_slice %arg44[%dma_start3A_94] : memref<100352xf32, #tpu.memory_space<vmem_shared>> -> memref<100352xf32, #tpu.memory_space<vmem_shared>>
      tpu.enqueue_indirect_dma source(%arg29 : memref<2048xf32, #tpu.memory_space<vmem>>) target(%dma_start3A_95 : memref<100352xf32, #tpu.memory_space<vmem_shared>>) offsets(%arg15 : memref<2048xi32, #tpu.memory_space<vmem>>) semaphore(%arg67 : memref<!tpu.dma_semaphore, #tpu.memory_space<semaphore_mem>>) {add = true}
      %dma_start3A_96 = arith.constant 0 : i32
      %dma_start3A_97 = tpu.memref_slice %arg45[%dma_start3A_96] : memref<100352xf32, #tpu.memory_space<vmem_shared>> -> memref<100352xf32, #tpu.memory_space<vmem_shared>>
      tpu.enqueue_indirect_dma source(%arg36 : memref<2048xf32, #tpu.memory_space<vmem>>) target(%dma_start3A_97 : memref<100352xf32, #tpu.memory_space<vmem_shared>>) offsets(%arg15 : memref<2048xi32, #tpu.memory_space<vmem>>) semaphore(%arg67 : memref<!tpu.dma_semaphore, #tpu.memory_space<semaphore_mem>>) {add = true}
      %dma_wait3A_98 = arith.constant 0 : i32
      %dma_wait3A_99 = tpu.memref_slice %arg43[%dma_wait3A_98] : memref<100352xf32, #tpu.memory_space<vmem_shared>> -> memref<100352xf32, #tpu.memory_space<vmem_shared>>
      tpu.wait_indirect_dma semaphore(%arg61 : memref<!tpu.dma_semaphore, #tpu.memory_space<semaphore_mem>>) src(%dma_wait3A_99 : memref<100352xf32, #tpu.memory_space<vmem_shared>>) dst(%arg23 : memref<2048xf32, #tpu.memory_space<vmem>>)
      %scan3A_100 = arith.constant 0 : i32
      %scan3A_101 = arith.constant 0 : i32
      %scan3A_102 = arith.constant 32 : i32
      %scan3A_103 = arith.addi %scan3A_101, %scan3A_102 : i32
      %scan3A_104 = arith.constant 1 : i32
      scf.for %scan3A_210 = %scan3A_101 to %scan3A_103 step %scan3A_104  : i32 {
        %mul3A_211 = arith.constant 64 : i32
        %mul3A_212 = arith.muli %scan3A_210, %mul3A_211 : i32
        %add3A_213 = arith.constant 0 : i32
        %add3A_214 = arith.addi %mul3A_212, %add3A_213 : i32
        %get3A = arith.index_cast %add3A_214 : i32 to index
        %get3A_215 = tpu.vector_load %arg23[%get3A] {strides = array<i32>} : memref<2048xf32, #tpu.memory_space<vmem>>, vector<16xf32>,
        %get3A_216 = vector.shape_cast %get3A_215 : vector<16xf32> to vector<16xf32>
        %bitcast_convert_type3A = tpu.bitcast %get3A_216 : vector<16xf32> -> vector<16xi32>
        %and3A = vector.broadcast %scan3A_5 : i32 to vector<16xi32>
        %and3A_217 = arith.andi %bitcast_convert_type3A, %and3A : vector<16xi32>
        %bitcast_convert_type3A_218 = tpu.bitcast %and3A_217 : vector<16xi32> -> vector<16xf32>
        %swap3A = arith.index_cast %add3A_214 : i32 to index
        %swap3A_219 = tpu.vector_load %arg30[%swap3A] {strides = array<i32>} : memref<2048xf32, #tpu.memory_space<vmem>>, vector<16xf32>,
        %swap3A_220 = vector.shape_cast %swap3A_219 : vector<16xf32> to vector<16xf32>
        %swap3A_221 = vector.shape_cast %bitcast_convert_type3A_218 : vector<16xf32> to vector<16xf32>
        tpu.vector_store %arg30[%swap3A], %swap3A_221 {strides = array<i32>} : memref<2048xf32, #tpu.memory_space<vmem>>, vector<16xf32>,
        %shift_left3A = arith.constant 16 : i32
        %shift_left3A_222 = vector.broadcast %shift_left3A : i32 to vector<16xi32>
        %shift_left3A_223 = arith.shli %bitcast_convert_type3A, %shift_left3A_222 : vector<16xi32>
        %bitcast_convert_type3A_224 = tpu.bitcast %shift_left3A_223 : vector<16xi32> -> vector<16xf32>
        %swap3A_225 = arith.index_cast %add3A_214 : i32 to index
        %swap3A_226 = tpu.vector_load %arg37[%swap3A_225] {strides = array<i32>} : memref<2048xf32, #tpu.memory_space<vmem>>, vector<16xf32>,
        %swap3A_227 = vector.shape_cast %swap3A_226 : vector<16xf32> to vector<16xf32>
        %swap3A_228 = vector.shape_cast %bitcast_convert_type3A_224 : vector<16xf32> to vector<16xf32>
        tpu.vector_store %arg37[%swap3A_225], %swap3A_228 {strides = array<i32>} : memref<2048xf32, #tpu.memory_space<vmem>>, vector<16xf32>,
        %mul3A_229 = arith.constant 64 : i32
        %mul3A_230 = arith.muli %scan3A_210, %mul3A_229 : i32
        %add3A_231 = arith.constant 16 : i32
        %add3A_232 = arith.addi %mul3A_230, %add3A_231 : i32
        %get3A_233 = arith.index_cast %add3A_232 : i32 to index
        %get3A_234 = tpu.vector_load %arg23[%get3A_233] {strides = array<i32>} : memref<2048xf32, #tpu.memory_space<vmem>>, vector<16xf32>,
        %get3A_235 = vector.shape_cast %get3A_234 : vector<16xf32> to vector<16xf32>
        %bitcast_convert_type3A_236 = tpu.bitcast %get3A_235 : vector<16xf32> -> vector<16xi32>
        %and3A_237 = vector.broadcast %scan3A_5 : i32 to vector<16xi32>
        %and3A_238 = arith.andi %bitcast_convert_type3A_236, %and3A_237 : vector<16xi32>
        %bitcast_convert_type3A_239 = tpu.bitcast %and3A_238 : vector<16xi32> -> vector<16xf32>
        %swap3A_240 = arith.index_cast %add3A_232 : i32 to index
        %swap3A_241 = tpu.vector_load %arg30[%swap3A_240] {strides = array<i32>} : memref<2048xf32, #tpu.memory_space<vmem>>, vector<16xf32>,
        %swap3A_242 = vector.shape_cast %swap3A_241 : vector<16xf32> to vector<16xf32>
        %swap3A_243 = vector.shape_cast %bitcast_convert_type3A_239 : vector<16xf32> to vector<16xf32>
        tpu.vector_store %arg30[%swap3A_240], %swap3A_243 {strides = array<i32>} : memref<2048xf32, #tpu.memory_space<vmem>>, vector<16xf32>,
        %shift_left3A_244 = arith.constant 16 : i32
        %shift_left3A_245 = vector.broadcast %shift_left3A_244 : i32 to vector<16xi32>
        %shift_left3A_246 = arith.shli %bitcast_convert_type3A_236, %shift_left3A_245 : vector<16xi32>
        %bitcast_convert_type3A_247 = tpu.bitcast %shift_left3A_246 : vector<16xi32> -> vector<16xf32>
        %swap3A_248 = arith.index_cast %add3A_232 : i32 to index
        %swap3A_249 = tpu.vector_load %arg37[%swap3A_248] {strides = array<i32>} : memref<2048xf32, #tpu.memory_space<vmem>>, vector<16xf32>,
        %swap3A_250 = vector.shape_cast %swap3A_249 : vector<16xf32> to vector<16xf32>
        %swap3A_251 = vector.shape_cast %bitcast_convert_type3A_247 : vector<16xf32> to vector<16xf32>
        tpu.vector_store %arg37[%swap3A_248], %swap3A_251 {strides = array<i32>} : memref<2048xf32, #tpu.memory_space<vmem>>, vector<16xf32>,
        %mul3A_252 = arith.constant 64 : i32
        %mul3A_253 = arith.muli %scan3A_210, %mul3A_252 : i32
        %add3A_254 = arith.constant 32 : i32
        %add3A_255 = arith.addi %mul3A_253, %add3A_254 : i32
        %get3A_256 = arith.index_cast %add3A_255 : i32 to index
        %get3A_257 = tpu.vector_load %arg23[%get3A_256] {strides = array<i32>} : memref<2048xf32, #tpu.memory_space<vmem>>, vector<16xf32>,
        %get3A_258 = vector.shape_cast %get3A_257 : vector<16xf32> to vector<16xf32>
        %bitcast_convert_type3A_259 = tpu.bitcast %get3A_258 : vector<16xf32> -> vector<16xi32>
        %and3A_260 = vector.broadcast %scan3A_5 : i32 to vector<16xi32>
        %and3A_261 = arith.andi %bitcast_convert_type3A_259, %and3A_260 : vector<16xi32>
        %bitcast_convert_type3A_262 = tpu.bitcast %and3A_261 : vector<16xi32> -> vector<16xf32>
        %swap3A_263 = arith.index_cast %add3A_255 : i32 to index
        %swap3A_264 = tpu.vector_load %arg30[%swap3A_263] {strides = array<i32>} : memref<2048xf32, #tpu.memory_space<vmem>>, vector<16xf32>,
        %swap3A_265 = vector.shape_cast %swap3A_264 : vector<16xf32> to vector<16xf32>
        %swap3A_266 = vector.shape_cast %bitcast_convert_type3A_262 : vector<16xf32> to vector<16xf32>
        tpu.vector_store %arg30[%swap3A_263], %swap3A_266 {strides = array<i32>} : memref<2048xf32, #tpu.memory_space<vmem>>, vector<16xf32>,
        %shift_left3A_267 = arith.constant 16 : i32
        %shift_left3A_268 = vector.broadcast %shift_left3A_267 : i32 to vector<16xi32>
        %shift_left3A_269 = arith.shli %bitcast_convert_type3A_259, %shift_left3A_268 : vector<16xi32>
        %bitcast_convert_type3A_270 = tpu.bitcast %shift_left3A_269 : vector<16xi32> -> vector<16xf32>
        %swap3A_271 = arith.index_cast %add3A_255 : i32 to index
        %swap3A_272 = tpu.vector_load %arg37[%swap3A_271] {strides = array<i32>} : memref<2048xf32, #tpu.memory_space<vmem>>, vector<16xf32>,
        %swap3A_273 = vector.shape_cast %swap3A_272 : vector<16xf32> to vector<16xf32>
        %swap3A_274 = vector.shape_cast %bitcast_convert_type3A_270 : vector<16xf32> to vector<16xf32>
        tpu.vector_store %arg37[%swap3A_271], %swap3A_274 {strides = array<i32>} : memref<2048xf32, #tpu.memory_space<vmem>>, vector<16xf32>,
        %mul3A_275 = arith.constant 64 : i32
        %mul3A_276 = arith.muli %scan3A_210, %mul3A_275 : i32
        %add3A_277 = arith.constant 48 : i32
        %add3A_278 = arith.addi %mul3A_276, %add3A_277 : i32
        %get3A_279 = arith.index_cast %add3A_278 : i32 to index
        %get3A_280 = tpu.vector_load %arg23[%get3A_279] {strides = array<i32>} : memref<2048xf32, #tpu.memory_space<vmem>>, vector<16xf32>,
        %get3A_281 = vector.shape_cast %get3A_280 : vector<16xf32> to vector<16xf32>
        %bitcast_convert_type3A_282 = tpu.bitcast %get3A_281 : vector<16xf32> -> vector<16xi32>
        %and3A_283 = vector.broadcast %scan3A_5 : i32 to vector<16xi32>
        %and3A_284 = arith.andi %bitcast_convert_type3A_282, %and3A_283 : vector<16xi32>
        %bitcast_convert_type3A_285 = tpu.bitcast %and3A_284 : vector<16xi32> -> vector<16xf32>
        %swap3A_286 = arith.index_cast %add3A_278 : i32 to index
        %swap3A_287 = tpu.vector_load %arg30[%swap3A_286] {strides = array<i32>} : memref<2048xf32, #tpu.memory_space<vmem>>, vector<16xf32>,
        %swap3A_288 = vector.shape_cast %swap3A_287 : vector<16xf32> to vector<16xf32>
        %swap3A_289 = vector.shape_cast %bitcast_convert_type3A_285 : vector<16xf32> to vector<16xf32>
        tpu.vector_store %arg30[%swap3A_286], %swap3A_289 {strides = array<i32>} : memref<2048xf32, #tpu.memory_space<vmem>>, vector<16xf32>,
        %shift_left3A_290 = arith.constant 16 : i32
        %shift_left3A_291 = vector.broadcast %shift_left3A_290 : i32 to vector<16xi32>
        %shift_left3A_292 = arith.shli %bitcast_convert_type3A_282, %shift_left3A_291 : vector<16xi32>
        %bitcast_convert_type3A_293 = tpu.bitcast %shift_left3A_292 : vector<16xi32> -> vector<16xf32>
        %swap3A_294 = arith.index_cast %add3A_278 : i32 to index
        %swap3A_295 = tpu.vector_load %arg37[%swap3A_294] {strides = array<i32>} : memref<2048xf32, #tpu.memory_space<vmem>>, vector<16xf32>,
        %swap3A_296 = vector.shape_cast %swap3A_295 : vector<16xf32> to vector<16xf32>
        %swap3A_297 = vector.shape_cast %bitcast_convert_type3A_293 : vector<16xf32> to vector<16xf32>
        tpu.vector_store %arg37[%swap3A_294], %swap3A_297 {strides = array<i32>} : memref<2048xf32, #tpu.memory_space<vmem>>, vector<16xf32>,
      }
      %scan3A_105 = arith.constant 32 : i32
      %dma_wait3A_106 = tpu.memref_slice %arg3[%add3A_22] : memref<3211264xi32, #tpu.memory_space<hbm>> -> memref<2048xi32, #tpu.memory_space<hbm>>
      %dma_wait3A_107 = tpu.memref_slice %arg3[%add3A_22] : memref<3211264xi32, #tpu.memory_space<hbm>> -> memref<2048xi32, #tpu.memory_space<hbm>>
      tpu.wait_dma2 semaphore(%arg49 : memref<!tpu.dma_semaphore, #tpu.memory_space<semaphore_mem>>) src(%dma_wait3A_107 : memref<2048xi32, #tpu.memory_space<hbm>>) dst(%arg16 : memref<2048xi32, #tpu.memory_space<vmem>>)
      %dma_start3A_108 = arith.constant 0 : i32
      %dma_start3A_109 = tpu.memref_slice %arg44[%dma_start3A_108] : memref<100352xf32, #tpu.memory_space<vmem_shared>> -> memref<100352xf32, #tpu.memory_space<vmem_shared>>
      tpu.enqueue_indirect_dma source(%arg30 : memref<2048xf32, #tpu.memory_space<vmem>>) target(%dma_start3A_109 : memref<100352xf32, #tpu.memory_space<vmem_shared>>) offsets(%arg16 : memref<2048xi32, #tpu.memory_space<vmem>>) semaphore(%arg68 : memref<!tpu.dma_semaphore, #tpu.memory_space<semaphore_mem>>) {add = true}
      %dma_start3A_110 = arith.constant 0 : i32
      %dma_start3A_111 = tpu.memref_slice %arg45[%dma_start3A_110] : memref<100352xf32, #tpu.memory_space<vmem_shared>> -> memref<100352xf32, #tpu.memory_space<vmem_shared>>
      tpu.enqueue_indirect_dma source(%arg37 : memref<2048xf32, #tpu.memory_space<vmem>>) target(%dma_start3A_111 : memref<100352xf32, #tpu.memory_space<vmem_shared>>) offsets(%arg16 : memref<2048xi32, #tpu.memory_space<vmem>>) semaphore(%arg68 : memref<!tpu.dma_semaphore, #tpu.memory_space<semaphore_mem>>) {add = true}
      %dma_wait3A_112 = arith.constant 0 : i32
      %dma_wait3A_113 = tpu.memref_slice %arg43[%dma_wait3A_112] : memref<100352xf32, #tpu.memory_space<vmem_shared>> -> memref<100352xf32, #tpu.memory_space<vmem_shared>>
      tpu.wait_indirect_dma semaphore(%arg62 : memref<!tpu.dma_semaphore, #tpu.memory_space<semaphore_mem>>) src(%dma_wait3A_113 : memref<100352xf32, #tpu.memory_space<vmem_shared>>) dst(%arg24 : memref<2048xf32, #tpu.memory_space<vmem>>)
      %scan3A_114 = arith.constant 0 : i32
      %scan3A_115 = arith.constant 0 : i32
      %scan3A_116 = arith.constant 32 : i32
      %scan3A_117 = arith.addi %scan3A_115, %scan3A_116 : i32
      %scan3A_118 = arith.constant 1 : i32
      scf.for %scan3A_210 = %scan3A_115 to %scan3A_117 step %scan3A_118  : i32 {
        %mul3A_211 = arith.constant 64 : i32
        %mul3A_212 = arith.muli %scan3A_210, %mul3A_211 : i32
        %add3A_213 = arith.constant 0 : i32
        %add3A_214 = arith.addi %mul3A_212, %add3A_213 : i32
        %get3A = arith.index_cast %add3A_214 : i32 to index
        %get3A_215 = tpu.vector_load %arg24[%get3A] {strides = array<i32>} : memref<2048xf32, #tpu.memory_space<vmem>>, vector<16xf32>,
        %get3A_216 = vector.shape_cast %get3A_215 : vector<16xf32> to vector<16xf32>
        %bitcast_convert_type3A = tpu.bitcast %get3A_216 : vector<16xf32> -> vector<16xi32>
        %and3A = vector.broadcast %scan3A_5 : i32 to vector<16xi32>
        %and3A_217 = arith.andi %bitcast_convert_type3A, %and3A : vector<16xi32>
        %bitcast_convert_type3A_218 = tpu.bitcast %and3A_217 : vector<16xi32> -> vector<16xf32>
        %swap3A = arith.index_cast %add3A_214 : i32 to index
        %swap3A_219 = tpu.vector_load %arg31[%swap3A] {strides = array<i32>} : memref<2048xf32, #tpu.memory_space<vmem>>, vector<16xf32>,
        %swap3A_220 = vector.shape_cast %swap3A_219 : vector<16xf32> to vector<16xf32>
        %swap3A_221 = vector.shape_cast %bitcast_convert_type3A_218 : vector<16xf32> to vector<16xf32>
        tpu.vector_store %arg31[%swap3A], %swap3A_221 {strides = array<i32>} : memref<2048xf32, #tpu.memory_space<vmem>>, vector<16xf32>,
        %shift_left3A = arith.constant 16 : i32
        %shift_left3A_222 = vector.broadcast %shift_left3A : i32 to vector<16xi32>
        %shift_left3A_223 = arith.shli %bitcast_convert_type3A, %shift_left3A_222 : vector<16xi32>
        %bitcast_convert_type3A_224 = tpu.bitcast %shift_left3A_223 : vector<16xi32> -> vector<16xf32>
        %swap3A_225 = arith.index_cast %add3A_214 : i32 to index
        %swap3A_226 = tpu.vector_load %arg38[%swap3A_225] {strides = array<i32>} : memref<2048xf32, #tpu.memory_space<vmem>>, vector<16xf32>,
        %swap3A_227 = vector.shape_cast %swap3A_226 : vector<16xf32> to vector<16xf32>
        %swap3A_228 = vector.shape_cast %bitcast_convert_type3A_224 : vector<16xf32> to vector<16xf32>
        tpu.vector_store %arg38[%swap3A_225], %swap3A_228 {strides = array<i32>} : memref<2048xf32, #tpu.memory_space<vmem>>, vector<16xf32>,
        %mul3A_229 = arith.constant 64 : i32
        %mul3A_230 = arith.muli %scan3A_210, %mul3A_229 : i32
        %add3A_231 = arith.constant 16 : i32
        %add3A_232 = arith.addi %mul3A_230, %add3A_231 : i32
        %get3A_233 = arith.index_cast %add3A_232 : i32 to index
        %get3A_234 = tpu.vector_load %arg24[%get3A_233] {strides = array<i32>} : memref<2048xf32, #tpu.memory_space<vmem>>, vector<16xf32>,
        %get3A_235 = vector.shape_cast %get3A_234 : vector<16xf32> to vector<16xf32>
        %bitcast_convert_type3A_236 = tpu.bitcast %get3A_235 : vector<16xf32> -> vector<16xi32>
        %and3A_237 = vector.broadcast %scan3A_5 : i32 to vector<16xi32>
        %and3A_238 = arith.andi %bitcast_convert_type3A_236, %and3A_237 : vector<16xi32>
        %bitcast_convert_type3A_239 = tpu.bitcast %and3A_238 : vector<16xi32> -> vector<16xf32>
        %swap3A_240 = arith.index_cast %add3A_232 : i32 to index
        %swap3A_241 = tpu.vector_load %arg31[%swap3A_240] {strides = array<i32>} : memref<2048xf32, #tpu.memory_space<vmem>>, vector<16xf32>,
        %swap3A_242 = vector.shape_cast %swap3A_241 : vector<16xf32> to vector<16xf32>
        %swap3A_243 = vector.shape_cast %bitcast_convert_type3A_239 : vector<16xf32> to vector<16xf32>
        tpu.vector_store %arg31[%swap3A_240], %swap3A_243 {strides = array<i32>} : memref<2048xf32, #tpu.memory_space<vmem>>, vector<16xf32>,
        %shift_left3A_244 = arith.constant 16 : i32
        %shift_left3A_245 = vector.broadcast %shift_left3A_244 : i32 to vector<16xi32>
        %shift_left3A_246 = arith.shli %bitcast_convert_type3A_236, %shift_left3A_245 : vector<16xi32>
        %bitcast_convert_type3A_247 = tpu.bitcast %shift_left3A_246 : vector<16xi32> -> vector<16xf32>
        %swap3A_248 = arith.index_cast %add3A_232 : i32 to index
        %swap3A_249 = tpu.vector_load %arg38[%swap3A_248] {strides = array<i32>} : memref<2048xf32, #tpu.memory_space<vmem>>, vector<16xf32>,
        %swap3A_250 = vector.shape_cast %swap3A_249 : vector<16xf32> to vector<16xf32>
        %swap3A_251 = vector.shape_cast %bitcast_convert_type3A_247 : vector<16xf32> to vector<16xf32>
        tpu.vector_store %arg38[%swap3A_248], %swap3A_251 {strides = array<i32>} : memref<2048xf32, #tpu.memory_space<vmem>>, vector<16xf32>,
        %mul3A_252 = arith.constant 64 : i32
        %mul3A_253 = arith.muli %scan3A_210, %mul3A_252 : i32
        %add3A_254 = arith.constant 32 : i32
        %add3A_255 = arith.addi %mul3A_253, %add3A_254 : i32
        %get3A_256 = arith.index_cast %add3A_255 : i32 to index
        %get3A_257 = tpu.vector_load %arg24[%get3A_256] {strides = array<i32>} : memref<2048xf32, #tpu.memory_space<vmem>>, vector<16xf32>,
        %get3A_258 = vector.shape_cast %get3A_257 : vector<16xf32> to vector<16xf32>
        %bitcast_convert_type3A_259 = tpu.bitcast %get3A_258 : vector<16xf32> -> vector<16xi32>
        %and3A_260 = vector.broadcast %scan3A_5 : i32 to vector<16xi32>
        %and3A_261 = arith.andi %bitcast_convert_type3A_259, %and3A_260 : vector<16xi32>
        %bitcast_convert_type3A_262 = tpu.bitcast %and3A_261 : vector<16xi32> -> vector<16xf32>
        %swap3A_263 = arith.index_cast %add3A_255 : i32 to index
        %swap3A_264 = tpu.vector_load %arg31[%swap3A_263] {strides = array<i32>} : memref<2048xf32, #tpu.memory_space<vmem>>, vector<16xf32>,
        %swap3A_265 = vector.shape_cast %swap3A_264 : vector<16xf32> to vector<16xf32>
        %swap3A_266 = vector.shape_cast %bitcast_convert_type3A_262 : vector<16xf32> to vector<16xf32>
        tpu.vector_store %arg31[%swap3A_263], %swap3A_266 {strides = array<i32>} : memref<2048xf32, #tpu.memory_space<vmem>>, vector<16xf32>,
        %shift_left3A_267 = arith.constant 16 : i32
        %shift_left3A_268 = vector.broadcast %shift_left3A_267 : i32 to vector<16xi32>
        %shift_left3A_269 = arith.shli %bitcast_convert_type3A_259, %shift_left3A_268 : vector<16xi32>
        %bitcast_convert_type3A_270 = tpu.bitcast %shift_left3A_269 : vector<16xi32> -> vector<16xf32>
        %swap3A_271 = arith.index_cast %add3A_255 : i32 to index
        %swap3A_272 = tpu.vector_load %arg38[%swap3A_271] {strides = array<i32>} : memref<2048xf32, #tpu.memory_space<vmem>>, vector<16xf32>,
        %swap3A_273 = vector.shape_cast %swap3A_272 : vector<16xf32> to vector<16xf32>
        %swap3A_274 = vector.shape_cast %bitcast_convert_type3A_270 : vector<16xf32> to vector<16xf32>
        tpu.vector_store %arg38[%swap3A_271], %swap3A_274 {strides = array<i32>} : memref<2048xf32, #tpu.memory_space<vmem>>, vector<16xf32>,
        %mul3A_275 = arith.constant 64 : i32
        %mul3A_276 = arith.muli %scan3A_210, %mul3A_275 : i32
        %add3A_277 = arith.constant 48 : i32
        %add3A_278 = arith.addi %mul3A_276, %add3A_277 : i32
        %get3A_279 = arith.index_cast %add3A_278 : i32 to index
        %get3A_280 = tpu.vector_load %arg24[%get3A_279] {strides = array<i32>} : memref<2048xf32, #tpu.memory_space<vmem>>, vector<16xf32>,
        %get3A_281 = vector.shape_cast %get3A_280 : vector<16xf32> to vector<16xf32>
        %bitcast_convert_type3A_282 = tpu.bitcast %get3A_281 : vector<16xf32> -> vector<16xi32>
        %and3A_283 = vector.broadcast %scan3A_5 : i32 to vector<16xi32>
        %and3A_284 = arith.andi %bitcast_convert_type3A_282, %and3A_283 : vector<16xi32>
        %bitcast_convert_type3A_285 = tpu.bitcast %and3A_284 : vector<16xi32> -> vector<16xf32>
        %swap3A_286 = arith.index_cast %add3A_278 : i32 to index
        %swap3A_287 = tpu.vector_load %arg31[%swap3A_286] {strides = array<i32>} : memref<2048xf32, #tpu.memory_space<vmem>>, vector<16xf32>,
        %swap3A_288 = vector.shape_cast %swap3A_287 : vector<16xf32> to vector<16xf32>
        %swap3A_289 = vector.shape_cast %bitcast_convert_type3A_285 : vector<16xf32> to vector<16xf32>
        tpu.vector_store %arg31[%swap3A_286], %swap3A_289 {strides = array<i32>} : memref<2048xf32, #tpu.memory_space<vmem>>, vector<16xf32>,
        %shift_left3A_290 = arith.constant 16 : i32
        %shift_left3A_291 = vector.broadcast %shift_left3A_290 : i32 to vector<16xi32>
        %shift_left3A_292 = arith.shli %bitcast_convert_type3A_282, %shift_left3A_291 : vector<16xi32>
        %bitcast_convert_type3A_293 = tpu.bitcast %shift_left3A_292 : vector<16xi32> -> vector<16xf32>
        %swap3A_294 = arith.index_cast %add3A_278 : i32 to index
        %swap3A_295 = tpu.vector_load %arg38[%swap3A_294] {strides = array<i32>} : memref<2048xf32, #tpu.memory_space<vmem>>, vector<16xf32>,
        %swap3A_296 = vector.shape_cast %swap3A_295 : vector<16xf32> to vector<16xf32>
        %swap3A_297 = vector.shape_cast %bitcast_convert_type3A_293 : vector<16xf32> to vector<16xf32>
        tpu.vector_store %arg38[%swap3A_294], %swap3A_297 {strides = array<i32>} : memref<2048xf32, #tpu.memory_space<vmem>>, vector<16xf32>,
      }
      %scan3A_119 = arith.constant 32 : i32
      %dma_wait3A_120 = tpu.memref_slice %arg3[%add3A_28] : memref<3211264xi32, #tpu.memory_space<hbm>> -> memref<2048xi32, #tpu.memory_space<hbm>>
      %dma_wait3A_121 = tpu.memref_slice %arg3[%add3A_28] : memref<3211264xi32, #tpu.memory_space<hbm>> -> memref<2048xi32, #tpu.memory_space<hbm>>
      tpu.wait_dma2 semaphore(%arg51 : memref<!tpu.dma_semaphore, #tpu.memory_space<semaphore_mem>>) src(%dma_wait3A_121 : memref<2048xi32, #tpu.memory_space<hbm>>) dst(%arg17 : memref<2048xi32, #tpu.memory_space<vmem>>)
      %dma_start3A_122 = arith.constant 0 : i32
      %dma_start3A_123 = tpu.memref_slice %arg44[%dma_start3A_122] : memref<100352xf32, #tpu.memory_space<vmem_shared>> -> memref<100352xf32, #tpu.memory_space<vmem_shared>>
      tpu.enqueue_indirect_dma source(%arg31 : memref<2048xf32, #tpu.memory_space<vmem>>) target(%dma_start3A_123 : memref<100352xf32, #tpu.memory_space<vmem_shared>>) offsets(%arg17 : memref<2048xi32, #tpu.memory_space<vmem>>) semaphore(%arg69 : memref<!tpu.dma_semaphore, #tpu.memory_space<semaphore_mem>>) {add = true}
      %dma_start3A_124 = arith.constant 0 : i32
      %dma_start3A_125 = tpu.memref_slice %arg45[%dma_start3A_124] : memref<100352xf32, #tpu.memory_space<vmem_shared>> -> memref<100352xf32, #tpu.memory_space<vmem_shared>>
      tpu.enqueue_indirect_dma source(%arg38 : memref<2048xf32, #tpu.memory_space<vmem>>) target(%dma_start3A_125 : memref<100352xf32, #tpu.memory_space<vmem_shared>>) offsets(%arg17 : memref<2048xi32, #tpu.memory_space<vmem>>) semaphore(%arg69 : memref<!tpu.dma_semaphore, #tpu.memory_space<semaphore_mem>>) {add = true}
      %dma_wait3A_126 = arith.constant 0 : i32
      %dma_wait3A_127 = tpu.memref_slice %arg43[%dma_wait3A_126] : memref<100352xf32, #tpu.memory_space<vmem_shared>> -> memref<100352xf32, #tpu.memory_space<vmem_shared>>
      tpu.wait_indirect_dma semaphore(%arg63 : memref<!tpu.dma_semaphore, #tpu.memory_space<semaphore_mem>>) src(%dma_wait3A_127 : memref<100352xf32, #tpu.memory_space<vmem_shared>>) dst(%arg25 : memref<2048xf32, #tpu.memory_space<vmem>>)
      %scan3A_128 = arith.constant 0 : i32
      %scan3A_129 = arith.constant 0 : i32
      %scan3A_130 = arith.constant 32 : i32
      %scan3A_131 = arith.addi %scan3A_129, %scan3A_130 : i32
      %scan3A_132 = arith.constant 1 : i32
      scf.for %scan3A_210 = %scan3A_129 to %scan3A_131 step %scan3A_132  : i32 {
        %mul3A_211 = arith.constant 64 : i32
        %mul3A_212 = arith.muli %scan3A_210, %mul3A_211 : i32
        %add3A_213 = arith.constant 0 : i32
        %add3A_214 = arith.addi %mul3A_212, %add3A_213 : i32
        %get3A = arith.index_cast %add3A_214 : i32 to index
        %get3A_215 = tpu.vector_load %arg25[%get3A] {strides = array<i32>} : memref<2048xf32, #tpu.memory_space<vmem>>, vector<16xf32>,
        %get3A_216 = vector.shape_cast %get3A_215 : vector<16xf32> to vector<16xf32>
        %bitcast_convert_type3A = tpu.bitcast %get3A_216 : vector<16xf32> -> vector<16xi32>
        %and3A = vector.broadcast %scan3A_5 : i32 to vector<16xi32>
        %and3A_217 = arith.andi %bitcast_convert_type3A, %and3A : vector<16xi32>
        %bitcast_convert_type3A_218 = tpu.bitcast %and3A_217 : vector<16xi32> -> vector<16xf32>
        %swap3A = arith.index_cast %add3A_214 : i32 to index
        %swap3A_219 = tpu.vector_load %arg32[%swap3A] {strides = array<i32>} : memref<2048xf32, #tpu.memory_space<vmem>>, vector<16xf32>,
        %swap3A_220 = vector.shape_cast %swap3A_219 : vector<16xf32> to vector<16xf32>
        %swap3A_221 = vector.shape_cast %bitcast_convert_type3A_218 : vector<16xf32> to vector<16xf32>
        tpu.vector_store %arg32[%swap3A], %swap3A_221 {strides = array<i32>} : memref<2048xf32, #tpu.memory_space<vmem>>, vector<16xf32>,
        %shift_left3A = arith.constant 16 : i32
        %shift_left3A_222 = vector.broadcast %shift_left3A : i32 to vector<16xi32>
        %shift_left3A_223 = arith.shli %bitcast_convert_type3A, %shift_left3A_222 : vector<16xi32>
        %bitcast_convert_type3A_224 = tpu.bitcast %shift_left3A_223 : vector<16xi32> -> vector<16xf32>
        %swap3A_225 = arith.index_cast %add3A_214 : i32 to index
        %swap3A_226 = tpu.vector_load %arg39[%swap3A_225] {strides = array<i32>} : memref<2048xf32, #tpu.memory_space<vmem>>, vector<16xf32>,
        %swap3A_227 = vector.shape_cast %swap3A_226 : vector<16xf32> to vector<16xf32>
        %swap3A_228 = vector.shape_cast %bitcast_convert_type3A_224 : vector<16xf32> to vector<16xf32>
        tpu.vector_store %arg39[%swap3A_225], %swap3A_228 {strides = array<i32>} : memref<2048xf32, #tpu.memory_space<vmem>>, vector<16xf32>,
        %mul3A_229 = arith.constant 64 : i32
        %mul3A_230 = arith.muli %scan3A_210, %mul3A_229 : i32
        %add3A_231 = arith.constant 16 : i32
        %add3A_232 = arith.addi %mul3A_230, %add3A_231 : i32
        %get3A_233 = arith.index_cast %add3A_232 : i32 to index
        %get3A_234 = tpu.vector_load %arg25[%get3A_233] {strides = array<i32>} : memref<2048xf32, #tpu.memory_space<vmem>>, vector<16xf32>,
        %get3A_235 = vector.shape_cast %get3A_234 : vector<16xf32> to vector<16xf32>
        %bitcast_convert_type3A_236 = tpu.bitcast %get3A_235 : vector<16xf32> -> vector<16xi32>
        %and3A_237 = vector.broadcast %scan3A_5 : i32 to vector<16xi32>
        %and3A_238 = arith.andi %bitcast_convert_type3A_236, %and3A_237 : vector<16xi32>
        %bitcast_convert_type3A_239 = tpu.bitcast %and3A_238 : vector<16xi32> -> vector<16xf32>
        %swap3A_240 = arith.index_cast %add3A_232 : i32 to index
        %swap3A_241 = tpu.vector_load %arg32[%swap3A_240] {strides = array<i32>} : memref<2048xf32, #tpu.memory_space<vmem>>, vector<16xf32>,
        %swap3A_242 = vector.shape_cast %swap3A_241 : vector<16xf32> to vector<16xf32>
        %swap3A_243 = vector.shape_cast %bitcast_convert_type3A_239 : vector<16xf32> to vector<16xf32>
        tpu.vector_store %arg32[%swap3A_240], %swap3A_243 {strides = array<i32>} : memref<2048xf32, #tpu.memory_space<vmem>>, vector<16xf32>,
        %shift_left3A_244 = arith.constant 16 : i32
        %shift_left3A_245 = vector.broadcast %shift_left3A_244 : i32 to vector<16xi32>
        %shift_left3A_246 = arith.shli %bitcast_convert_type3A_236, %shift_left3A_245 : vector<16xi32>
        %bitcast_convert_type3A_247 = tpu.bitcast %shift_left3A_246 : vector<16xi32> -> vector<16xf32>
        %swap3A_248 = arith.index_cast %add3A_232 : i32 to index
        %swap3A_249 = tpu.vector_load %arg39[%swap3A_248] {strides = array<i32>} : memref<2048xf32, #tpu.memory_space<vmem>>, vector<16xf32>,
        %swap3A_250 = vector.shape_cast %swap3A_249 : vector<16xf32> to vector<16xf32>
        %swap3A_251 = vector.shape_cast %bitcast_convert_type3A_247 : vector<16xf32> to vector<16xf32>
        tpu.vector_store %arg39[%swap3A_248], %swap3A_251 {strides = array<i32>} : memref<2048xf32, #tpu.memory_space<vmem>>, vector<16xf32>,
        %mul3A_252 = arith.constant 64 : i32
        %mul3A_253 = arith.muli %scan3A_210, %mul3A_252 : i32
        %add3A_254 = arith.constant 32 : i32
        %add3A_255 = arith.addi %mul3A_253, %add3A_254 : i32
        %get3A_256 = arith.index_cast %add3A_255 : i32 to index
        %get3A_257 = tpu.vector_load %arg25[%get3A_256] {strides = array<i32>} : memref<2048xf32, #tpu.memory_space<vmem>>, vector<16xf32>,
        %get3A_258 = vector.shape_cast %get3A_257 : vector<16xf32> to vector<16xf32>
        %bitcast_convert_type3A_259 = tpu.bitcast %get3A_258 : vector<16xf32> -> vector<16xi32>
        %and3A_260 = vector.broadcast %scan3A_5 : i32 to vector<16xi32>
        %and3A_261 = arith.andi %bitcast_convert_type3A_259, %and3A_260 : vector<16xi32>
        %bitcast_convert_type3A_262 = tpu.bitcast %and3A_261 : vector<16xi32> -> vector<16xf32>
        %swap3A_263 = arith.index_cast %add3A_255 : i32 to index
        %swap3A_264 = tpu.vector_load %arg32[%swap3A_263] {strides = array<i32>} : memref<2048xf32, #tpu.memory_space<vmem>>, vector<16xf32>,
        %swap3A_265 = vector.shape_cast %swap3A_264 : vector<16xf32> to vector<16xf32>
        %swap3A_266 = vector.shape_cast %bitcast_convert_type3A_262 : vector<16xf32> to vector<16xf32>
        tpu.vector_store %arg32[%swap3A_263], %swap3A_266 {strides = array<i32>} : memref<2048xf32, #tpu.memory_space<vmem>>, vector<16xf32>,
        %shift_left3A_267 = arith.constant 16 : i32
        %shift_left3A_268 = vector.broadcast %shift_left3A_267 : i32 to vector<16xi32>
        %shift_left3A_269 = arith.shli %bitcast_convert_type3A_259, %shift_left3A_268 : vector<16xi32>
        %bitcast_convert_type3A_270 = tpu.bitcast %shift_left3A_269 : vector<16xi32> -> vector<16xf32>
        %swap3A_271 = arith.index_cast %add3A_255 : i32 to index
        %swap3A_272 = tpu.vector_load %arg39[%swap3A_271] {strides = array<i32>} : memref<2048xf32, #tpu.memory_space<vmem>>, vector<16xf32>,
        %swap3A_273 = vector.shape_cast %swap3A_272 : vector<16xf32> to vector<16xf32>
        %swap3A_274 = vector.shape_cast %bitcast_convert_type3A_270 : vector<16xf32> to vector<16xf32>
        tpu.vector_store %arg39[%swap3A_271], %swap3A_274 {strides = array<i32>} : memref<2048xf32, #tpu.memory_space<vmem>>, vector<16xf32>,
        %mul3A_275 = arith.constant 64 : i32
        %mul3A_276 = arith.muli %scan3A_210, %mul3A_275 : i32
        %add3A_277 = arith.constant 48 : i32
        %add3A_278 = arith.addi %mul3A_276, %add3A_277 : i32
        %get3A_279 = arith.index_cast %add3A_278 : i32 to index
        %get3A_280 = tpu.vector_load %arg25[%get3A_279] {strides = array<i32>} : memref<2048xf32, #tpu.memory_space<vmem>>, vector<16xf32>,
        %get3A_281 = vector.shape_cast %get3A_280 : vector<16xf32> to vector<16xf32>
        %bitcast_convert_type3A_282 = tpu.bitcast %get3A_281 : vector<16xf32> -> vector<16xi32>
        %and3A_283 = vector.broadcast %scan3A_5 : i32 to vector<16xi32>
        %and3A_284 = arith.andi %bitcast_convert_type3A_282, %and3A_283 : vector<16xi32>
        %bitcast_convert_type3A_285 = tpu.bitcast %and3A_284 : vector<16xi32> -> vector<16xf32>
        %swap3A_286 = arith.index_cast %add3A_278 : i32 to index
        %swap3A_287 = tpu.vector_load %arg32[%swap3A_286] {strides = array<i32>} : memref<2048xf32, #tpu.memory_space<vmem>>, vector<16xf32>,
        %swap3A_288 = vector.shape_cast %swap3A_287 : vector<16xf32> to vector<16xf32>
        %swap3A_289 = vector.shape_cast %bitcast_convert_type3A_285 : vector<16xf32> to vector<16xf32>
        tpu.vector_store %arg32[%swap3A_286], %swap3A_289 {strides = array<i32>} : memref<2048xf32, #tpu.memory_space<vmem>>, vector<16xf32>,
        %shift_left3A_290 = arith.constant 16 : i32
        %shift_left3A_291 = vector.broadcast %shift_left3A_290 : i32 to vector<16xi32>
        %shift_left3A_292 = arith.shli %bitcast_convert_type3A_282, %shift_left3A_291 : vector<16xi32>
        %bitcast_convert_type3A_293 = tpu.bitcast %shift_left3A_292 : vector<16xi32> -> vector<16xf32>
        %swap3A_294 = arith.index_cast %add3A_278 : i32 to index
        %swap3A_295 = tpu.vector_load %arg39[%swap3A_294] {strides = array<i32>} : memref<2048xf32, #tpu.memory_space<vmem>>, vector<16xf32>,
        %swap3A_296 = vector.shape_cast %swap3A_295 : vector<16xf32> to vector<16xf32>
        %swap3A_297 = vector.shape_cast %bitcast_convert_type3A_293 : vector<16xf32> to vector<16xf32>
        tpu.vector_store %arg39[%swap3A_294], %swap3A_297 {strides = array<i32>} : memref<2048xf32, #tpu.memory_space<vmem>>, vector<16xf32>,
      }
      %scan3A_133 = arith.constant 32 : i32
      %dma_wait3A_134 = tpu.memref_slice %arg3[%add3A_34] : memref<3211264xi32, #tpu.memory_space<hbm>> -> memref<2048xi32, #tpu.memory_space<hbm>>
      %dma_wait3A_135 = tpu.memref_slice %arg3[%add3A_34] : memref<3211264xi32, #tpu.memory_space<hbm>> -> memref<2048xi32, #tpu.memory_space<hbm>>
      tpu.wait_dma2 semaphore(%arg53 : memref<!tpu.dma_semaphore, #tpu.memory_space<semaphore_mem>>) src(%dma_wait3A_135 : memref<2048xi32, #tpu.memory_space<hbm>>) dst(%arg18 : memref<2048xi32, #tpu.memory_space<vmem>>)
      %dma_start3A_136 = arith.constant 0 : i32
      %dma_start3A_137 = tpu.memref_slice %arg44[%dma_start3A_136] : memref<100352xf32, #tpu.memory_space<vmem_shared>> -> memref<100352xf32, #tpu.memory_space<vmem_shared>>
      tpu.enqueue_indirect_dma source(%arg32 : memref<2048xf32, #tpu.memory_space<vmem>>) target(%dma_start3A_137 : memref<100352xf32, #tpu.memory_space<vmem_shared>>) offsets(%arg18 : memref<2048xi32, #tpu.memory_space<vmem>>) semaphore(%arg70 : memref<!tpu.dma_semaphore, #tpu.memory_space<semaphore_mem>>) {add = true}
      %dma_start3A_138 = arith.constant 0 : i32
      %dma_start3A_139 = tpu.memref_slice %arg45[%dma_start3A_138] : memref<100352xf32, #tpu.memory_space<vmem_shared>> -> memref<100352xf32, #tpu.memory_space<vmem_shared>>
      tpu.enqueue_indirect_dma source(%arg39 : memref<2048xf32, #tpu.memory_space<vmem>>) target(%dma_start3A_139 : memref<100352xf32, #tpu.memory_space<vmem_shared>>) offsets(%arg18 : memref<2048xi32, #tpu.memory_space<vmem>>) semaphore(%arg70 : memref<!tpu.dma_semaphore, #tpu.memory_space<semaphore_mem>>) {add = true}
      %dma_wait3A_140 = arith.constant 0 : i32
      %dma_wait3A_141 = tpu.memref_slice %arg43[%dma_wait3A_140] : memref<100352xf32, #tpu.memory_space<vmem_shared>> -> memref<100352xf32, #tpu.memory_space<vmem_shared>>
      tpu.wait_indirect_dma semaphore(%arg64 : memref<!tpu.dma_semaphore, #tpu.memory_space<semaphore_mem>>) src(%dma_wait3A_141 : memref<100352xf32, #tpu.memory_space<vmem_shared>>) dst(%arg26 : memref<2048xf32, #tpu.memory_space<vmem>>)
      %scan3A_142 = arith.constant 0 : i32
      %scan3A_143 = arith.constant 0 : i32
      %scan3A_144 = arith.constant 32 : i32
      %scan3A_145 = arith.addi %scan3A_143, %scan3A_144 : i32
      %scan3A_146 = arith.constant 1 : i32
      scf.for %scan3A_210 = %scan3A_143 to %scan3A_145 step %scan3A_146  : i32 {
        %mul3A_211 = arith.constant 64 : i32
        %mul3A_212 = arith.muli %scan3A_210, %mul3A_211 : i32
        %add3A_213 = arith.constant 0 : i32
        %add3A_214 = arith.addi %mul3A_212, %add3A_213 : i32
        %get3A = arith.index_cast %add3A_214 : i32 to index
        %get3A_215 = tpu.vector_load %arg26[%get3A] {strides = array<i32>} : memref<2048xf32, #tpu.memory_space<vmem>>, vector<16xf32>,
        %get3A_216 = vector.shape_cast %get3A_215 : vector<16xf32> to vector<16xf32>
        %bitcast_convert_type3A = tpu.bitcast %get3A_216 : vector<16xf32> -> vector<16xi32>
        %and3A = vector.broadcast %scan3A_5 : i32 to vector<16xi32>
        %and3A_217 = arith.andi %bitcast_convert_type3A, %and3A : vector<16xi32>
        %bitcast_convert_type3A_218 = tpu.bitcast %and3A_217 : vector<16xi32> -> vector<16xf32>
        %swap3A = arith.index_cast %add3A_214 : i32 to index
        %swap3A_219 = tpu.vector_load %arg33[%swap3A] {strides = array<i32>} : memref<2048xf32, #tpu.memory_space<vmem>>, vector<16xf32>,
        %swap3A_220 = vector.shape_cast %swap3A_219 : vector<16xf32> to vector<16xf32>
        %swap3A_221 = vector.shape_cast %bitcast_convert_type3A_218 : vector<16xf32> to vector<16xf32>
        tpu.vector_store %arg33[%swap3A], %swap3A_221 {strides = array<i32>} : memref<2048xf32, #tpu.memory_space<vmem>>, vector<16xf32>,
        %shift_left3A = arith.constant 16 : i32
        %shift_left3A_222 = vector.broadcast %shift_left3A : i32 to vector<16xi32>
        %shift_left3A_223 = arith.shli %bitcast_convert_type3A, %shift_left3A_222 : vector<16xi32>
        %bitcast_convert_type3A_224 = tpu.bitcast %shift_left3A_223 : vector<16xi32> -> vector<16xf32>
        %swap3A_225 = arith.index_cast %add3A_214 : i32 to index
        %swap3A_226 = tpu.vector_load %arg40[%swap3A_225] {strides = array<i32>} : memref<2048xf32, #tpu.memory_space<vmem>>, vector<16xf32>,
        %swap3A_227 = vector.shape_cast %swap3A_226 : vector<16xf32> to vector<16xf32>
        %swap3A_228 = vector.shape_cast %bitcast_convert_type3A_224 : vector<16xf32> to vector<16xf32>
        tpu.vector_store %arg40[%swap3A_225], %swap3A_228 {strides = array<i32>} : memref<2048xf32, #tpu.memory_space<vmem>>, vector<16xf32>,
        %mul3A_229 = arith.constant 64 : i32
        %mul3A_230 = arith.muli %scan3A_210, %mul3A_229 : i32
        %add3A_231 = arith.constant 16 : i32
        %add3A_232 = arith.addi %mul3A_230, %add3A_231 : i32
        %get3A_233 = arith.index_cast %add3A_232 : i32 to index
        %get3A_234 = tpu.vector_load %arg26[%get3A_233] {strides = array<i32>} : memref<2048xf32, #tpu.memory_space<vmem>>, vector<16xf32>,
        %get3A_235 = vector.shape_cast %get3A_234 : vector<16xf32> to vector<16xf32>
        %bitcast_convert_type3A_236 = tpu.bitcast %get3A_235 : vector<16xf32> -> vector<16xi32>
        %and3A_237 = vector.broadcast %scan3A_5 : i32 to vector<16xi32>
        %and3A_238 = arith.andi %bitcast_convert_type3A_236, %and3A_237 : vector<16xi32>
        %bitcast_convert_type3A_239 = tpu.bitcast %and3A_238 : vector<16xi32> -> vector<16xf32>
        %swap3A_240 = arith.index_cast %add3A_232 : i32 to index
        %swap3A_241 = tpu.vector_load %arg33[%swap3A_240] {strides = array<i32>} : memref<2048xf32, #tpu.memory_space<vmem>>, vector<16xf32>,
        %swap3A_242 = vector.shape_cast %swap3A_241 : vector<16xf32> to vector<16xf32>
        %swap3A_243 = vector.shape_cast %bitcast_convert_type3A_239 : vector<16xf32> to vector<16xf32>
        tpu.vector_store %arg33[%swap3A_240], %swap3A_243 {strides = array<i32>} : memref<2048xf32, #tpu.memory_space<vmem>>, vector<16xf32>,
        %shift_left3A_244 = arith.constant 16 : i32
        %shift_left3A_245 = vector.broadcast %shift_left3A_244 : i32 to vector<16xi32>
        %shift_left3A_246 = arith.shli %bitcast_convert_type3A_236, %shift_left3A_245 : vector<16xi32>
        %bitcast_convert_type3A_247 = tpu.bitcast %shift_left3A_246 : vector<16xi32> -> vector<16xf32>
        %swap3A_248 = arith.index_cast %add3A_232 : i32 to index
        %swap3A_249 = tpu.vector_load %arg40[%swap3A_248] {strides = array<i32>} : memref<2048xf32, #tpu.memory_space<vmem>>, vector<16xf32>,
        %swap3A_250 = vector.shape_cast %swap3A_249 : vector<16xf32> to vector<16xf32>
        %swap3A_251 = vector.shape_cast %bitcast_convert_type3A_247 : vector<16xf32> to vector<16xf32>
        tpu.vector_store %arg40[%swap3A_248], %swap3A_251 {strides = array<i32>} : memref<2048xf32, #tpu.memory_space<vmem>>, vector<16xf32>,
        %mul3A_252 = arith.constant 64 : i32
        %mul3A_253 = arith.muli %scan3A_210, %mul3A_252 : i32
        %add3A_254 = arith.constant 32 : i32
        %add3A_255 = arith.addi %mul3A_253, %add3A_254 : i32
        %get3A_256 = arith.index_cast %add3A_255 : i32 to index
        %get3A_257 = tpu.vector_load %arg26[%get3A_256] {strides = array<i32>} : memref<2048xf32, #tpu.memory_space<vmem>>, vector<16xf32>,
        %get3A_258 = vector.shape_cast %get3A_257 : vector<16xf32> to vector<16xf32>
        %bitcast_convert_type3A_259 = tpu.bitcast %get3A_258 : vector<16xf32> -> vector<16xi32>
        %and3A_260 = vector.broadcast %scan3A_5 : i32 to vector<16xi32>
        %and3A_261 = arith.andi %bitcast_convert_type3A_259, %and3A_260 : vector<16xi32>
        %bitcast_convert_type3A_262 = tpu.bitcast %and3A_261 : vector<16xi32> -> vector<16xf32>
        %swap3A_263 = arith.index_cast %add3A_255 : i32 to index
        %swap3A_264 = tpu.vector_load %arg33[%swap3A_263] {strides = array<i32>} : memref<2048xf32, #tpu.memory_space<vmem>>, vector<16xf32>,
        %swap3A_265 = vector.shape_cast %swap3A_264 : vector<16xf32> to vector<16xf32>
        %swap3A_266 = vector.shape_cast %bitcast_convert_type3A_262 : vector<16xf32> to vector<16xf32>
        tpu.vector_store %arg33[%swap3A_263], %swap3A_266 {strides = array<i32>} : memref<2048xf32, #tpu.memory_space<vmem>>, vector<16xf32>,
        %shift_left3A_267 = arith.constant 16 : i32
        %shift_left3A_268 = vector.broadcast %shift_left3A_267 : i32 to vector<16xi32>
        %shift_left3A_269 = arith.shli %bitcast_convert_type3A_259, %shift_left3A_268 : vector<16xi32>
        %bitcast_convert_type3A_270 = tpu.bitcast %shift_left3A_269 : vector<16xi32> -> vector<16xf32>
        %swap3A_271 = arith.index_cast %add3A_255 : i32 to index
        %swap3A_272 = tpu.vector_load %arg40[%swap3A_271] {strides = array<i32>} : memref<2048xf32, #tpu.memory_space<vmem>>, vector<16xf32>,
        %swap3A_273 = vector.shape_cast %swap3A_272 : vector<16xf32> to vector<16xf32>
        %swap3A_274 = vector.shape_cast %bitcast_convert_type3A_270 : vector<16xf32> to vector<16xf32>
        tpu.vector_store %arg40[%swap3A_271], %swap3A_274 {strides = array<i32>} : memref<2048xf32, #tpu.memory_space<vmem>>, vector<16xf32>,
        %mul3A_275 = arith.constant 64 : i32
        %mul3A_276 = arith.muli %scan3A_210, %mul3A_275 : i32
        %add3A_277 = arith.constant 48 : i32
        %add3A_278 = arith.addi %mul3A_276, %add3A_277 : i32
        %get3A_279 = arith.index_cast %add3A_278 : i32 to index
        %get3A_280 = tpu.vector_load %arg26[%get3A_279] {strides = array<i32>} : memref<2048xf32, #tpu.memory_space<vmem>>, vector<16xf32>,
        %get3A_281 = vector.shape_cast %get3A_280 : vector<16xf32> to vector<16xf32>
        %bitcast_convert_type3A_282 = tpu.bitcast %get3A_281 : vector<16xf32> -> vector<16xi32>
        %and3A_283 = vector.broadcast %scan3A_5 : i32 to vector<16xi32>
        %and3A_284 = arith.andi %bitcast_convert_type3A_282, %and3A_283 : vector<16xi32>
        %bitcast_convert_type3A_285 = tpu.bitcast %and3A_284 : vector<16xi32> -> vector<16xf32>
        %swap3A_286 = arith.index_cast %add3A_278 : i32 to index
        %swap3A_287 = tpu.vector_load %arg33[%swap3A_286] {strides = array<i32>} : memref<2048xf32, #tpu.memory_space<vmem>>, vector<16xf32>,
        %swap3A_288 = vector.shape_cast %swap3A_287 : vector<16xf32> to vector<16xf32>
        %swap3A_289 = vector.shape_cast %bitcast_convert_type3A_285 : vector<16xf32> to vector<16xf32>
        tpu.vector_store %arg33[%swap3A_286], %swap3A_289 {strides = array<i32>} : memref<2048xf32, #tpu.memory_space<vmem>>, vector<16xf32>,
        %shift_left3A_290 = arith.constant 16 : i32
        %shift_left3A_291 = vector.broadcast %shift_left3A_290 : i32 to vector<16xi32>
        %shift_left3A_292 = arith.shli %bitcast_convert_type3A_282, %shift_left3A_291 : vector<16xi32>
        %bitcast_convert_type3A_293 = tpu.bitcast %shift_left3A_292 : vector<16xi32> -> vector<16xf32>
        %swap3A_294 = arith.index_cast %add3A_278 : i32 to index
        %swap3A_295 = tpu.vector_load %arg40[%swap3A_294] {strides = array<i32>} : memref<2048xf32, #tpu.memory_space<vmem>>, vector<16xf32>,
        %swap3A_296 = vector.shape_cast %swap3A_295 : vector<16xf32> to vector<16xf32>
        %swap3A_297 = vector.shape_cast %bitcast_convert_type3A_293 : vector<16xf32> to vector<16xf32>
        tpu.vector_store %arg40[%swap3A_294], %swap3A_297 {strides = array<i32>} : memref<2048xf32, #tpu.memory_space<vmem>>, vector<16xf32>,
      }
      %scan3A_147 = arith.constant 32 : i32
      %dma_wait3A_148 = tpu.memref_slice %arg3[%add3A_40] : memref<3211264xi32, #tpu.memory_space<hbm>> -> memref<2048xi32, #tpu.memory_space<hbm>>
      %dma_wait3A_149 = tpu.memref_slice %arg3[%add3A_40] : memref<3211264xi32, #tpu.memory_space<hbm>> -> memref<2048xi32, #tpu.memory_space<hbm>>
      tpu.wait_dma2 semaphore(%arg55 : memref<!tpu.dma_semaphore, #tpu.memory_space<semaphore_mem>>) src(%dma_wait3A_149 : memref<2048xi32, #tpu.memory_space<hbm>>) dst(%arg19 : memref<2048xi32, #tpu.memory_space<vmem>>)
      %dma_start3A_150 = arith.constant 0 : i32
      %dma_start3A_151 = tpu.memref_slice %arg44[%dma_start3A_150] : memref<100352xf32, #tpu.memory_space<vmem_shared>> -> memref<100352xf32, #tpu.memory_space<vmem_shared>>
      tpu.enqueue_indirect_dma source(%arg33 : memref<2048xf32, #tpu.memory_space<vmem>>) target(%dma_start3A_151 : memref<100352xf32, #tpu.memory_space<vmem_shared>>) offsets(%arg19 : memref<2048xi32, #tpu.memory_space<vmem>>) semaphore(%arg71 : memref<!tpu.dma_semaphore, #tpu.memory_space<semaphore_mem>>) {add = true}
      %dma_start3A_152 = arith.constant 0 : i32
      %dma_start3A_153 = tpu.memref_slice %arg45[%dma_start3A_152] : memref<100352xf32, #tpu.memory_space<vmem_shared>> -> memref<100352xf32, #tpu.memory_space<vmem_shared>>
      tpu.enqueue_indirect_dma source(%arg40 : memref<2048xf32, #tpu.memory_space<vmem>>) target(%dma_start3A_153 : memref<100352xf32, #tpu.memory_space<vmem_shared>>) offsets(%arg19 : memref<2048xi32, #tpu.memory_space<vmem>>) semaphore(%arg71 : memref<!tpu.dma_semaphore, #tpu.memory_space<semaphore_mem>>) {add = true}
      %dma_wait3A_154 = arith.constant 0 : i32
      %dma_wait3A_155 = tpu.memref_slice %arg43[%dma_wait3A_154] : memref<100352xf32, #tpu.memory_space<vmem_shared>> -> memref<100352xf32, #tpu.memory_space<vmem_shared>>
      tpu.wait_indirect_dma semaphore(%arg65 : memref<!tpu.dma_semaphore, #tpu.memory_space<semaphore_mem>>) src(%dma_wait3A_155 : memref<100352xf32, #tpu.memory_space<vmem_shared>>) dst(%arg27 : memref<2048xf32, #tpu.memory_space<vmem>>)
      %scan3A_156 = arith.constant 0 : i32
      %scan3A_157 = arith.constant 0 : i32
      %scan3A_158 = arith.constant 32 : i32
      %scan3A_159 = arith.addi %scan3A_157, %scan3A_158 : i32
      %scan3A_160 = arith.constant 1 : i32
      scf.for %scan3A_210 = %scan3A_157 to %scan3A_159 step %scan3A_160  : i32 {
        %mul3A_211 = arith.constant 64 : i32
        %mul3A_212 = arith.muli %scan3A_210, %mul3A_211 : i32
        %add3A_213 = arith.constant 0 : i32
        %add3A_214 = arith.addi %mul3A_212, %add3A_213 : i32
        %get3A = arith.index_cast %add3A_214 : i32 to index
        %get3A_215 = tpu.vector_load %arg27[%get3A] {strides = array<i32>} : memref<2048xf32, #tpu.memory_space<vmem>>, vector<16xf32>,
        %get3A_216 = vector.shape_cast %get3A_215 : vector<16xf32> to vector<16xf32>
        %bitcast_convert_type3A = tpu.bitcast %get3A_216 : vector<16xf32> -> vector<16xi32>
        %and3A = vector.broadcast %scan3A_5 : i32 to vector<16xi32>
        %and3A_217 = arith.andi %bitcast_convert_type3A, %and3A : vector<16xi32>
        %bitcast_convert_type3A_218 = tpu.bitcast %and3A_217 : vector<16xi32> -> vector<16xf32>
        %swap3A = arith.index_cast %add3A_214 : i32 to index
        %swap3A_219 = tpu.vector_load %arg34[%swap3A] {strides = array<i32>} : memref<2048xf32, #tpu.memory_space<vmem>>, vector<16xf32>,
        %swap3A_220 = vector.shape_cast %swap3A_219 : vector<16xf32> to vector<16xf32>
        %swap3A_221 = vector.shape_cast %bitcast_convert_type3A_218 : vector<16xf32> to vector<16xf32>
        tpu.vector_store %arg34[%swap3A], %swap3A_221 {strides = array<i32>} : memref<2048xf32, #tpu.memory_space<vmem>>, vector<16xf32>,
        %shift_left3A = arith.constant 16 : i32
        %shift_left3A_222 = vector.broadcast %shift_left3A : i32 to vector<16xi32>
        %shift_left3A_223 = arith.shli %bitcast_convert_type3A, %shift_left3A_222 : vector<16xi32>
        %bitcast_convert_type3A_224 = tpu.bitcast %shift_left3A_223 : vector<16xi32> -> vector<16xf32>
        %swap3A_225 = arith.index_cast %add3A_214 : i32 to index
        %swap3A_226 = tpu.vector_load %arg41[%swap3A_225] {strides = array<i32>} : memref<2048xf32, #tpu.memory_space<vmem>>, vector<16xf32>,
        %swap3A_227 = vector.shape_cast %swap3A_226 : vector<16xf32> to vector<16xf32>
        %swap3A_228 = vector.shape_cast %bitcast_convert_type3A_224 : vector<16xf32> to vector<16xf32>
        tpu.vector_store %arg41[%swap3A_225], %swap3A_228 {strides = array<i32>} : memref<2048xf32, #tpu.memory_space<vmem>>, vector<16xf32>,
        %mul3A_229 = arith.constant 64 : i32
        %mul3A_230 = arith.muli %scan3A_210, %mul3A_229 : i32
        %add3A_231 = arith.constant 16 : i32
        %add3A_232 = arith.addi %mul3A_230, %add3A_231 : i32
        %get3A_233 = arith.index_cast %add3A_232 : i32 to index
        %get3A_234 = tpu.vector_load %arg27[%get3A_233] {strides = array<i32>} : memref<2048xf32, #tpu.memory_space<vmem>>, vector<16xf32>,
        %get3A_235 = vector.shape_cast %get3A_234 : vector<16xf32> to vector<16xf32>
        %bitcast_convert_type3A_236 = tpu.bitcast %get3A_235 : vector<16xf32> -> vector<16xi32>
        %and3A_237 = vector.broadcast %scan3A_5 : i32 to vector<16xi32>
        %and3A_238 = arith.andi %bitcast_convert_type3A_236, %and3A_237 : vector<16xi32>
        %bitcast_convert_type3A_239 = tpu.bitcast %and3A_238 : vector<16xi32> -> vector<16xf32>
        %swap3A_240 = arith.index_cast %add3A_232 : i32 to index
        %swap3A_241 = tpu.vector_load %arg34[%swap3A_240] {strides = array<i32>} : memref<2048xf32, #tpu.memory_space<vmem>>, vector<16xf32>,
        %swap3A_242 = vector.shape_cast %swap3A_241 : vector<16xf32> to vector<16xf32>
        %swap3A_243 = vector.shape_cast %bitcast_convert_type3A_239 : vector<16xf32> to vector<16xf32>
        tpu.vector_store %arg34[%swap3A_240], %swap3A_243 {strides = array<i32>} : memref<2048xf32, #tpu.memory_space<vmem>>, vector<16xf32>,
        %shift_left3A_244 = arith.constant 16 : i32
        %shift_left3A_245 = vector.broadcast %shift_left3A_244 : i32 to vector<16xi32>
        %shift_left3A_246 = arith.shli %bitcast_convert_type3A_236, %shift_left3A_245 : vector<16xi32>
        %bitcast_convert_type3A_247 = tpu.bitcast %shift_left3A_246 : vector<16xi32> -> vector<16xf32>
        %swap3A_248 = arith.index_cast %add3A_232 : i32 to index
        %swap3A_249 = tpu.vector_load %arg41[%swap3A_248] {strides = array<i32>} : memref<2048xf32, #tpu.memory_space<vmem>>, vector<16xf32>,
        %swap3A_250 = vector.shape_cast %swap3A_249 : vector<16xf32> to vector<16xf32>
        %swap3A_251 = vector.shape_cast %bitcast_convert_type3A_247 : vector<16xf32> to vector<16xf32>
        tpu.vector_store %arg41[%swap3A_248], %swap3A_251 {strides = array<i32>} : memref<2048xf32, #tpu.memory_space<vmem>>, vector<16xf32>,
        %mul3A_252 = arith.constant 64 : i32
        %mul3A_253 = arith.muli %scan3A_210, %mul3A_252 : i32
        %add3A_254 = arith.constant 32 : i32
        %add3A_255 = arith.addi %mul3A_253, %add3A_254 : i32
        %get3A_256 = arith.index_cast %add3A_255 : i32 to index
        %get3A_257 = tpu.vector_load %arg27[%get3A_256] {strides = array<i32>} : memref<2048xf32, #tpu.memory_space<vmem>>, vector<16xf32>,
        %get3A_258 = vector.shape_cast %get3A_257 : vector<16xf32> to vector<16xf32>
        %bitcast_convert_type3A_259 = tpu.bitcast %get3A_258 : vector<16xf32> -> vector<16xi32>
        %and3A_260 = vector.broadcast %scan3A_5 : i32 to vector<16xi32>
        %and3A_261 = arith.andi %bitcast_convert_type3A_259, %and3A_260 : vector<16xi32>
        %bitcast_convert_type3A_262 = tpu.bitcast %and3A_261 : vector<16xi32> -> vector<16xf32>
        %swap3A_263 = arith.index_cast %add3A_255 : i32 to index
        %swap3A_264 = tpu.vector_load %arg34[%swap3A_263] {strides = array<i32>} : memref<2048xf32, #tpu.memory_space<vmem>>, vector<16xf32>,
        %swap3A_265 = vector.shape_cast %swap3A_264 : vector<16xf32> to vector<16xf32>
        %swap3A_266 = vector.shape_cast %bitcast_convert_type3A_262 : vector<16xf32> to vector<16xf32>
        tpu.vector_store %arg34[%swap3A_263], %swap3A_266 {strides = array<i32>} : memref<2048xf32, #tpu.memory_space<vmem>>, vector<16xf32>,
        %shift_left3A_267 = arith.constant 16 : i32
        %shift_left3A_268 = vector.broadcast %shift_left3A_267 : i32 to vector<16xi32>
        %shift_left3A_269 = arith.shli %bitcast_convert_type3A_259, %shift_left3A_268 : vector<16xi32>
        %bitcast_convert_type3A_270 = tpu.bitcast %shift_left3A_269 : vector<16xi32> -> vector<16xf32>
        %swap3A_271 = arith.index_cast %add3A_255 : i32 to index
        %swap3A_272 = tpu.vector_load %arg41[%swap3A_271] {strides = array<i32>} : memref<2048xf32, #tpu.memory_space<vmem>>, vector<16xf32>,
        %swap3A_273 = vector.shape_cast %swap3A_272 : vector<16xf32> to vector<16xf32>
        %swap3A_274 = vector.shape_cast %bitcast_convert_type3A_270 : vector<16xf32> to vector<16xf32>
        tpu.vector_store %arg41[%swap3A_271], %swap3A_274 {strides = array<i32>} : memref<2048xf32, #tpu.memory_space<vmem>>, vector<16xf32>,
        %mul3A_275 = arith.constant 64 : i32
        %mul3A_276 = arith.muli %scan3A_210, %mul3A_275 : i32
        %add3A_277 = arith.constant 48 : i32
        %add3A_278 = arith.addi %mul3A_276, %add3A_277 : i32
        %get3A_279 = arith.index_cast %add3A_278 : i32 to index
        %get3A_280 = tpu.vector_load %arg27[%get3A_279] {strides = array<i32>} : memref<2048xf32, #tpu.memory_space<vmem>>, vector<16xf32>,
        %get3A_281 = vector.shape_cast %get3A_280 : vector<16xf32> to vector<16xf32>
        %bitcast_convert_type3A_282 = tpu.bitcast %get3A_281 : vector<16xf32> -> vector<16xi32>
        %and3A_283 = vector.broadcast %scan3A_5 : i32 to vector<16xi32>
        %and3A_284 = arith.andi %bitcast_convert_type3A_282, %and3A_283 : vector<16xi32>
        %bitcast_convert_type3A_285 = tpu.bitcast %and3A_284 : vector<16xi32> -> vector<16xf32>
        %swap3A_286 = arith.index_cast %add3A_278 : i32 to index
        %swap3A_287 = tpu.vector_load %arg34[%swap3A_286] {strides = array<i32>} : memref<2048xf32, #tpu.memory_space<vmem>>, vector<16xf32>,
        %swap3A_288 = vector.shape_cast %swap3A_287 : vector<16xf32> to vector<16xf32>
        %swap3A_289 = vector.shape_cast %bitcast_convert_type3A_285 : vector<16xf32> to vector<16xf32>
        tpu.vector_store %arg34[%swap3A_286], %swap3A_289 {strides = array<i32>} : memref<2048xf32, #tpu.memory_space<vmem>>, vector<16xf32>,
        %shift_left3A_290 = arith.constant 16 : i32
        %shift_left3A_291 = vector.broadcast %shift_left3A_290 : i32 to vector<16xi32>
        %shift_left3A_292 = arith.shli %bitcast_convert_type3A_282, %shift_left3A_291 : vector<16xi32>
        %bitcast_convert_type3A_293 = tpu.bitcast %shift_left3A_292 : vector<16xi32> -> vector<16xf32>
        %swap3A_294 = arith.index_cast %add3A_278 : i32 to index
        %swap3A_295 = tpu.vector_load %arg41[%swap3A_294] {strides = array<i32>} : memref<2048xf32, #tpu.memory_space<vmem>>, vector<16xf32>,
        %swap3A_296 = vector.shape_cast %swap3A_295 : vector<16xf32> to vector<16xf32>
        %swap3A_297 = vector.shape_cast %bitcast_convert_type3A_293 : vector<16xf32> to vector<16xf32>
        tpu.vector_store %arg41[%swap3A_294], %swap3A_297 {strides = array<i32>} : memref<2048xf32, #tpu.memory_space<vmem>>, vector<16xf32>,
      }
      %scan3A_161 = arith.constant 32 : i32
      %dma_wait3A_162 = tpu.memref_slice %arg3[%add3A_46] : memref<3211264xi32, #tpu.memory_space<hbm>> -> memref<2048xi32, #tpu.memory_space<hbm>>
      %dma_wait3A_163 = tpu.memref_slice %arg3[%add3A_46] : memref<3211264xi32, #tpu.memory_space<hbm>> -> memref<2048xi32, #tpu.memory_space<hbm>>
      tpu.wait_dma2 semaphore(%arg57 : memref<!tpu.dma_semaphore, #tpu.memory_space<semaphore_mem>>) src(%dma_wait3A_163 : memref<2048xi32, #tpu.memory_space<hbm>>) dst(%arg20 : memref<2048xi32, #tpu.memory_space<vmem>>)
      %dma_start3A_164 = arith.constant 0 : i32
      %dma_start3A_165 = tpu.memref_slice %arg44[%dma_start3A_164] : memref<100352xf32, #tpu.memory_space<vmem_shared>> -> memref<100352xf32, #tpu.memory_space<vmem_shared>>
      tpu.enqueue_indirect_dma source(%arg34 : memref<2048xf32, #tpu.memory_space<vmem>>) target(%dma_start3A_165 : memref<100352xf32, #tpu.memory_space<vmem_shared>>) offsets(%arg20 : memref<2048xi32, #tpu.memory_space<vmem>>) semaphore(%arg72 : memref<!tpu.dma_semaphore, #tpu.memory_space<semaphore_mem>>) {add = true}
      %dma_start3A_166 = arith.constant 0 : i32
      %dma_start3A_167 = tpu.memref_slice %arg45[%dma_start3A_166] : memref<100352xf32, #tpu.memory_space<vmem_shared>> -> memref<100352xf32, #tpu.memory_space<vmem_shared>>
      tpu.enqueue_indirect_dma source(%arg41 : memref<2048xf32, #tpu.memory_space<vmem>>) target(%dma_start3A_167 : memref<100352xf32, #tpu.memory_space<vmem_shared>>) offsets(%arg20 : memref<2048xi32, #tpu.memory_space<vmem>>) semaphore(%arg72 : memref<!tpu.dma_semaphore, #tpu.memory_space<semaphore_mem>>) {add = true}
      %dma_wait3A_168 = arith.constant 0 : i32
      %dma_wait3A_169 = tpu.memref_slice %arg43[%dma_wait3A_168] : memref<100352xf32, #tpu.memory_space<vmem_shared>> -> memref<100352xf32, #tpu.memory_space<vmem_shared>>
      tpu.wait_indirect_dma semaphore(%arg66 : memref<!tpu.dma_semaphore, #tpu.memory_space<semaphore_mem>>) src(%dma_wait3A_169 : memref<100352xf32, #tpu.memory_space<vmem_shared>>) dst(%arg28 : memref<2048xf32, #tpu.memory_space<vmem>>)
      %scan3A_170 = arith.constant 0 : i32
      %scan3A_171 = arith.constant 0 : i32
      %scan3A_172 = arith.constant 32 : i32
      %scan3A_173 = arith.addi %scan3A_171, %scan3A_172 : i32
      %scan3A_174 = arith.constant 1 : i32
      scf.for %scan3A_210 = %scan3A_171 to %scan3A_173 step %scan3A_174  : i32 {
        %mul3A_211 = arith.constant 64 : i32
        %mul3A_212 = arith.muli %scan3A_210, %mul3A_211 : i32
        %add3A_213 = arith.constant 0 : i32
        %add3A_214 = arith.addi %mul3A_212, %add3A_213 : i32
        %get3A = arith.index_cast %add3A_214 : i32 to index
        %get3A_215 = tpu.vector_load %arg28[%get3A] {strides = array<i32>} : memref<2048xf32, #tpu.memory_space<vmem>>, vector<16xf32>,
        %get3A_216 = vector.shape_cast %get3A_215 : vector<16xf32> to vector<16xf32>
        %bitcast_convert_type3A = tpu.bitcast %get3A_216 : vector<16xf32> -> vector<16xi32>
        %and3A = vector.broadcast %scan3A_5 : i32 to vector<16xi32>
        %and3A_217 = arith.andi %bitcast_convert_type3A, %and3A : vector<16xi32>
        %bitcast_convert_type3A_218 = tpu.bitcast %and3A_217 : vector<16xi32> -> vector<16xf32>
        %swap3A = arith.index_cast %add3A_214 : i32 to index
        %swap3A_219 = tpu.vector_load %arg35[%swap3A] {strides = array<i32>} : memref<2048xf32, #tpu.memory_space<vmem>>, vector<16xf32>,
        %swap3A_220 = vector.shape_cast %swap3A_219 : vector<16xf32> to vector<16xf32>
        %swap3A_221 = vector.shape_cast %bitcast_convert_type3A_218 : vector<16xf32> to vector<16xf32>
        tpu.vector_store %arg35[%swap3A], %swap3A_221 {strides = array<i32>} : memref<2048xf32, #tpu.memory_space<vmem>>, vector<16xf32>,
        %shift_left3A = arith.constant 16 : i32
        %shift_left3A_222 = vector.broadcast %shift_left3A : i32 to vector<16xi32>
        %shift_left3A_223 = arith.shli %bitcast_convert_type3A, %shift_left3A_222 : vector<16xi32>
        %bitcast_convert_type3A_224 = tpu.bitcast %shift_left3A_223 : vector<16xi32> -> vector<16xf32>
        %swap3A_225 = arith.index_cast %add3A_214 : i32 to index
        %swap3A_226 = tpu.vector_load %arg42[%swap3A_225] {strides = array<i32>} : memref<2048xf32, #tpu.memory_space<vmem>>, vector<16xf32>,
        %swap3A_227 = vector.shape_cast %swap3A_226 : vector<16xf32> to vector<16xf32>
        %swap3A_228 = vector.shape_cast %bitcast_convert_type3A_224 : vector<16xf32> to vector<16xf32>
        tpu.vector_store %arg42[%swap3A_225], %swap3A_228 {strides = array<i32>} : memref<2048xf32, #tpu.memory_space<vmem>>, vector<16xf32>,
        %mul3A_229 = arith.constant 64 : i32
        %mul3A_230 = arith.muli %scan3A_210, %mul3A_229 : i32
        %add3A_231 = arith.constant 16 : i32
        %add3A_232 = arith.addi %mul3A_230, %add3A_231 : i32
        %get3A_233 = arith.index_cast %add3A_232 : i32 to index
        %get3A_234 = tpu.vector_load %arg28[%get3A_233] {strides = array<i32>} : memref<2048xf32, #tpu.memory_space<vmem>>, vector<16xf32>,
        %get3A_235 = vector.shape_cast %get3A_234 : vector<16xf32> to vector<16xf32>
        %bitcast_convert_type3A_236 = tpu.bitcast %get3A_235 : vector<16xf32> -> vector<16xi32>
        %and3A_237 = vector.broadcast %scan3A_5 : i32 to vector<16xi32>
        %and3A_238 = arith.andi %bitcast_convert_type3A_236, %and3A_237 : vector<16xi32>
        %bitcast_convert_type3A_239 = tpu.bitcast %and3A_238 : vector<16xi32> -> vector<16xf32>
        %swap3A_240 = arith.index_cast %add3A_232 : i32 to index
        %swap3A_241 = tpu.vector_load %arg35[%swap3A_240] {strides = array<i32>} : memref<2048xf32, #tpu.memory_space<vmem>>, vector<16xf32>,
        %swap3A_242 = vector.shape_cast %swap3A_241 : vector<16xf32> to vector<16xf32>
        %swap3A_243 = vector.shape_cast %bitcast_convert_type3A_239 : vector<16xf32> to vector<16xf32>
        tpu.vector_store %arg35[%swap3A_240], %swap3A_243 {strides = array<i32>} : memref<2048xf32, #tpu.memory_space<vmem>>, vector<16xf32>,
        %shift_left3A_244 = arith.constant 16 : i32
        %shift_left3A_245 = vector.broadcast %shift_left3A_244 : i32 to vector<16xi32>
        %shift_left3A_246 = arith.shli %bitcast_convert_type3A_236, %shift_left3A_245 : vector<16xi32>
        %bitcast_convert_type3A_247 = tpu.bitcast %shift_left3A_246 : vector<16xi32> -> vector<16xf32>
        %swap3A_248 = arith.index_cast %add3A_232 : i32 to index
        %swap3A_249 = tpu.vector_load %arg42[%swap3A_248] {strides = array<i32>} : memref<2048xf32, #tpu.memory_space<vmem>>, vector<16xf32>,
        %swap3A_250 = vector.shape_cast %swap3A_249 : vector<16xf32> to vector<16xf32>
        %swap3A_251 = vector.shape_cast %bitcast_convert_type3A_247 : vector<16xf32> to vector<16xf32>
        tpu.vector_store %arg42[%swap3A_248], %swap3A_251 {strides = array<i32>} : memref<2048xf32, #tpu.memory_space<vmem>>, vector<16xf32>,
        %mul3A_252 = arith.constant 64 : i32
        %mul3A_253 = arith.muli %scan3A_210, %mul3A_252 : i32
        %add3A_254 = arith.constant 32 : i32
        %add3A_255 = arith.addi %mul3A_253, %add3A_254 : i32
        %get3A_256 = arith.index_cast %add3A_255 : i32 to index
        %get3A_257 = tpu.vector_load %arg28[%get3A_256] {strides = array<i32>} : memref<2048xf32, #tpu.memory_space<vmem>>, vector<16xf32>,
        %get3A_258 = vector.shape_cast %get3A_257 : vector<16xf32> to vector<16xf32>
        %bitcast_convert_type3A_259 = tpu.bitcast %get3A_258 : vector<16xf32> -> vector<16xi32>
        %and3A_260 = vector.broadcast %scan3A_5 : i32 to vector<16xi32>
        %and3A_261 = arith.andi %bitcast_convert_type3A_259, %and3A_260 : vector<16xi32>
        %bitcast_convert_type3A_262 = tpu.bitcast %and3A_261 : vector<16xi32> -> vector<16xf32>
        %swap3A_263 = arith.index_cast %add3A_255 : i32 to index
        %swap3A_264 = tpu.vector_load %arg35[%swap3A_263] {strides = array<i32>} : memref<2048xf32, #tpu.memory_space<vmem>>, vector<16xf32>,
        %swap3A_265 = vector.shape_cast %swap3A_264 : vector<16xf32> to vector<16xf32>
        %swap3A_266 = vector.shape_cast %bitcast_convert_type3A_262 : vector<16xf32> to vector<16xf32>
        tpu.vector_store %arg35[%swap3A_263], %swap3A_266 {strides = array<i32>} : memref<2048xf32, #tpu.memory_space<vmem>>, vector<16xf32>,
        %shift_left3A_267 = arith.constant 16 : i32
        %shift_left3A_268 = vector.broadcast %shift_left3A_267 : i32 to vector<16xi32>
        %shift_left3A_269 = arith.shli %bitcast_convert_type3A_259, %shift_left3A_268 : vector<16xi32>
        %bitcast_convert_type3A_270 = tpu.bitcast %shift_left3A_269 : vector<16xi32> -> vector<16xf32>
        %swap3A_271 = arith.index_cast %add3A_255 : i32 to index
        %swap3A_272 = tpu.vector_load %arg42[%swap3A_271] {strides = array<i32>} : memref<2048xf32, #tpu.memory_space<vmem>>, vector<16xf32>,
        %swap3A_273 = vector.shape_cast %swap3A_272 : vector<16xf32> to vector<16xf32>
        %swap3A_274 = vector.shape_cast %bitcast_convert_type3A_270 : vector<16xf32> to vector<16xf32>
        tpu.vector_store %arg42[%swap3A_271], %swap3A_274 {strides = array<i32>} : memref<2048xf32, #tpu.memory_space<vmem>>, vector<16xf32>,
        %mul3A_275 = arith.constant 64 : i32
        %mul3A_276 = arith.muli %scan3A_210, %mul3A_275 : i32
        %add3A_277 = arith.constant 48 : i32
        %add3A_278 = arith.addi %mul3A_276, %add3A_277 : i32
        %get3A_279 = arith.index_cast %add3A_278 : i32 to index
        %get3A_280 = tpu.vector_load %arg28[%get3A_279] {strides = array<i32>} : memref<2048xf32, #tpu.memory_space<vmem>>, vector<16xf32>,
        %get3A_281 = vector.shape_cast %get3A_280 : vector<16xf32> to vector<16xf32>
        %bitcast_convert_type3A_282 = tpu.bitcast %get3A_281 : vector<16xf32> -> vector<16xi32>
        %and3A_283 = vector.broadcast %scan3A_5 : i32 to vector<16xi32>
        %and3A_284 = arith.andi %bitcast_convert_type3A_282, %and3A_283 : vector<16xi32>
        %bitcast_convert_type3A_285 = tpu.bitcast %and3A_284 : vector<16xi32> -> vector<16xf32>
        %swap3A_286 = arith.index_cast %add3A_278 : i32 to index
        %swap3A_287 = tpu.vector_load %arg35[%swap3A_286] {strides = array<i32>} : memref<2048xf32, #tpu.memory_space<vmem>>, vector<16xf32>,
        %swap3A_288 = vector.shape_cast %swap3A_287 : vector<16xf32> to vector<16xf32>
        %swap3A_289 = vector.shape_cast %bitcast_convert_type3A_285 : vector<16xf32> to vector<16xf32>
        tpu.vector_store %arg35[%swap3A_286], %swap3A_289 {strides = array<i32>} : memref<2048xf32, #tpu.memory_space<vmem>>, vector<16xf32>,
        %shift_left3A_290 = arith.constant 16 : i32
        %shift_left3A_291 = vector.broadcast %shift_left3A_290 : i32 to vector<16xi32>
        %shift_left3A_292 = arith.shli %bitcast_convert_type3A_282, %shift_left3A_291 : vector<16xi32>
        %bitcast_convert_type3A_293 = tpu.bitcast %shift_left3A_292 : vector<16xi32> -> vector<16xf32>
        %swap3A_294 = arith.index_cast %add3A_278 : i32 to index
        %swap3A_295 = tpu.vector_load %arg42[%swap3A_294] {strides = array<i32>} : memref<2048xf32, #tpu.memory_space<vmem>>, vector<16xf32>,
        %swap3A_296 = vector.shape_cast %swap3A_295 : vector<16xf32> to vector<16xf32>
        %swap3A_297 = vector.shape_cast %bitcast_convert_type3A_293 : vector<16xf32> to vector<16xf32>
        tpu.vector_store %arg42[%swap3A_294], %swap3A_297 {strides = array<i32>} : memref<2048xf32, #tpu.memory_space<vmem>>, vector<16xf32>,
      }
      %scan3A_175 = arith.constant 32 : i32
      %dma_wait3A_176 = tpu.memref_slice %arg3[%add3A_52] : memref<3211264xi32, #tpu.memory_space<hbm>> -> memref<2048xi32, #tpu.memory_space<hbm>>
      %dma_wait3A_177 = tpu.memref_slice %arg3[%add3A_52] : memref<3211264xi32, #tpu.memory_space<hbm>> -> memref<2048xi32, #tpu.memory_space<hbm>>
      tpu.wait_dma2 semaphore(%arg59 : memref<!tpu.dma_semaphore, #tpu.memory_space<semaphore_mem>>) src(%dma_wait3A_177 : memref<2048xi32, #tpu.memory_space<hbm>>) dst(%arg21 : memref<2048xi32, #tpu.memory_space<vmem>>)
      %dma_start3A_178 = arith.constant 0 : i32
      %dma_start3A_179 = tpu.memref_slice %arg44[%dma_start3A_178] : memref<100352xf32, #tpu.memory_space<vmem_shared>> -> memref<100352xf32, #tpu.memory_space<vmem_shared>>
      tpu.enqueue_indirect_dma source(%arg35 : memref<2048xf32, #tpu.memory_space<vmem>>) target(%dma_start3A_179 : memref<100352xf32, #tpu.memory_space<vmem_shared>>) offsets(%arg21 : memref<2048xi32, #tpu.memory_space<vmem>>) semaphore(%arg73 : memref<!tpu.dma_semaphore, #tpu.memory_space<semaphore_mem>>) {add = true}
      %dma_start3A_180 = arith.constant 0 : i32
      %dma_start3A_181 = tpu.memref_slice %arg45[%dma_start3A_180] : memref<100352xf32, #tpu.memory_space<vmem_shared>> -> memref<100352xf32, #tpu.memory_space<vmem_shared>>
      tpu.enqueue_indirect_dma source(%arg42 : memref<2048xf32, #tpu.memory_space<vmem>>) target(%dma_start3A_181 : memref<100352xf32, #tpu.memory_space<vmem_shared>>) offsets(%arg21 : memref<2048xi32, #tpu.memory_space<vmem>>) semaphore(%arg73 : memref<!tpu.dma_semaphore, #tpu.memory_space<semaphore_mem>>) {add = true}
      %dma_wait3A_182 = arith.constant 0 : i32
      %dma_wait3A_183 = tpu.memref_slice %arg44[%dma_wait3A_182] : memref<100352xf32, #tpu.memory_space<vmem_shared>> -> memref<100352xf32, #tpu.memory_space<vmem_shared>>
      tpu.wait_indirect_dma semaphore(%arg67 : memref<!tpu.dma_semaphore, #tpu.memory_space<semaphore_mem>>) src(%arg29 : memref<2048xf32, #tpu.memory_space<vmem>>) dst(%dma_wait3A_183 : memref<100352xf32, #tpu.memory_space<vmem_shared>>)
      %dma_wait3A_184 = arith.constant 0 : i32
      %dma_wait3A_185 = tpu.memref_slice %arg45[%dma_wait3A_184] : memref<100352xf32, #tpu.memory_space<vmem_shared>> -> memref<100352xf32, #tpu.memory_space<vmem_shared>>
      tpu.wait_indirect_dma semaphore(%arg67 : memref<!tpu.dma_semaphore, #tpu.memory_space<semaphore_mem>>) src(%arg36 : memref<2048xf32, #tpu.memory_space<vmem>>) dst(%dma_wait3A_185 : memref<100352xf32, #tpu.memory_space<vmem_shared>>)
      %dma_wait3A_186 = arith.constant 0 : i32
      %dma_wait3A_187 = tpu.memref_slice %arg44[%dma_wait3A_186] : memref<100352xf32, #tpu.memory_space<vmem_shared>> -> memref<100352xf32, #tpu.memory_space<vmem_shared>>
      tpu.wait_indirect_dma semaphore(%arg68 : memref<!tpu.dma_semaphore, #tpu.memory_space<semaphore_mem>>) src(%arg30 : memref<2048xf32, #tpu.memory_space<vmem>>) dst(%dma_wait3A_187 : memref<100352xf32, #tpu.memory_space<vmem_shared>>)
      %dma_wait3A_188 = arith.constant 0 : i32
      %dma_wait3A_189 = tpu.memref_slice %arg45[%dma_wait3A_188] : memref<100352xf32, #tpu.memory_space<vmem_shared>> -> memref<100352xf32, #tpu.memory_space<vmem_shared>>
      tpu.wait_indirect_dma semaphore(%arg68 : memref<!tpu.dma_semaphore, #tpu.memory_space<semaphore_mem>>) src(%arg37 : memref<2048xf32, #tpu.memory_space<vmem>>) dst(%dma_wait3A_189 : memref<100352xf32, #tpu.memory_space<vmem_shared>>)
      %dma_wait3A_190 = arith.constant 0 : i32
      %dma_wait3A_191 = tpu.memref_slice %arg44[%dma_wait3A_190] : memref<100352xf32, #tpu.memory_space<vmem_shared>> -> memref<100352xf32, #tpu.memory_space<vmem_shared>>
      tpu.wait_indirect_dma semaphore(%arg69 : memref<!tpu.dma_semaphore, #tpu.memory_space<semaphore_mem>>) src(%arg31 : memref<2048xf32, #tpu.memory_space<vmem>>) dst(%dma_wait3A_191 : memref<100352xf32, #tpu.memory_space<vmem_shared>>)
      %dma_wait3A_192 = arith.constant 0 : i32
      %dma_wait3A_193 = tpu.memref_slice %arg45[%dma_wait3A_192] : memref<100352xf32, #tpu.memory_space<vmem_shared>> -> memref<100352xf32, #tpu.memory_space<vmem_shared>>
      tpu.wait_indirect_dma semaphore(%arg69 : memref<!tpu.dma_semaphore, #tpu.memory_space<semaphore_mem>>) src(%arg38 : memref<2048xf32, #tpu.memory_space<vmem>>) dst(%dma_wait3A_193 : memref<100352xf32, #tpu.memory_space<vmem_shared>>)
      %dma_wait3A_194 = arith.constant 0 : i32
      %dma_wait3A_195 = tpu.memref_slice %arg44[%dma_wait3A_194] : memref<100352xf32, #tpu.memory_space<vmem_shared>> -> memref<100352xf32, #tpu.memory_space<vmem_shared>>
      tpu.wait_indirect_dma semaphore(%arg70 : memref<!tpu.dma_semaphore, #tpu.memory_space<semaphore_mem>>) src(%arg32 : memref<2048xf32, #tpu.memory_space<vmem>>) dst(%dma_wait3A_195 : memref<100352xf32, #tpu.memory_space<vmem_shared>>)
      %dma_wait3A_196 = arith.constant 0 : i32
      %dma_wait3A_197 = tpu.memref_slice %arg45[%dma_wait3A_196] : memref<100352xf32, #tpu.memory_space<vmem_shared>> -> memref<100352xf32, #tpu.memory_space<vmem_shared>>
      tpu.wait_indirect_dma semaphore(%arg70 : memref<!tpu.dma_semaphore, #tpu.memory_space<semaphore_mem>>) src(%arg39 : memref<2048xf32, #tpu.memory_space<vmem>>) dst(%dma_wait3A_197 : memref<100352xf32, #tpu.memory_space<vmem_shared>>)
      %dma_wait3A_198 = arith.constant 0 : i32
      %dma_wait3A_199 = tpu.memref_slice %arg44[%dma_wait3A_198] : memref<100352xf32, #tpu.memory_space<vmem_shared>> -> memref<100352xf32, #tpu.memory_space<vmem_shared>>
      tpu.wait_indirect_dma semaphore(%arg71 : memref<!tpu.dma_semaphore, #tpu.memory_space<semaphore_mem>>) src(%arg33 : memref<2048xf32, #tpu.memory_space<vmem>>) dst(%dma_wait3A_199 : memref<100352xf32, #tpu.memory_space<vmem_shared>>)
      %dma_wait3A_200 = arith.constant 0 : i32
      %dma_wait3A_201 = tpu.memref_slice %arg45[%dma_wait3A_200] : memref<100352xf32, #tpu.memory_space<vmem_shared>> -> memref<100352xf32, #tpu.memory_space<vmem_shared>>
      tpu.wait_indirect_dma semaphore(%arg71 : memref<!tpu.dma_semaphore, #tpu.memory_space<semaphore_mem>>) src(%arg40 : memref<2048xf32, #tpu.memory_space<vmem>>) dst(%dma_wait3A_201 : memref<100352xf32, #tpu.memory_space<vmem_shared>>)
      %dma_wait3A_202 = arith.constant 0 : i32
      %dma_wait3A_203 = tpu.memref_slice %arg44[%dma_wait3A_202] : memref<100352xf32, #tpu.memory_space<vmem_shared>> -> memref<100352xf32, #tpu.memory_space<vmem_shared>>
      tpu.wait_indirect_dma semaphore(%arg72 : memref<!tpu.dma_semaphore, #tpu.memory_space<semaphore_mem>>) src(%arg34 : memref<2048xf32, #tpu.memory_space<vmem>>) dst(%dma_wait3A_203 : memref<100352xf32, #tpu.memory_space<vmem_shared>>)
      %dma_wait3A_204 = arith.constant 0 : i32
      %dma_wait3A_205 = tpu.memref_slice %arg45[%dma_wait3A_204] : memref<100352xf32, #tpu.memory_space<vmem_shared>> -> memref<100352xf32, #tpu.memory_space<vmem_shared>>
      tpu.wait_indirect_dma semaphore(%arg72 : memref<!tpu.dma_semaphore, #tpu.memory_space<semaphore_mem>>) src(%arg41 : memref<2048xf32, #tpu.memory_space<vmem>>) dst(%dma_wait3A_205 : memref<100352xf32, #tpu.memory_space<vmem_shared>>)
      %dma_wait3A_206 = arith.constant 0 : i32
      %dma_wait3A_207 = tpu.memref_slice %arg44[%dma_wait3A_206] : memref<100352xf32, #tpu.memory_space<vmem_shared>> -> memref<100352xf32, #tpu.memory_space<vmem_shared>>
      tpu.wait_indirect_dma semaphore(%arg73 : memref<!tpu.dma_semaphore, #tpu.memory_space<semaphore_mem>>) src(%arg35 : memref<2048xf32, #tpu.memory_space<vmem>>) dst(%dma_wait3A_207 : memref<100352xf32, #tpu.memory_space<vmem_shared>>)
      %dma_wait3A_208 = arith.constant 0 : i32
      %dma_wait3A_209 = tpu.memref_slice %arg45[%dma_wait3A_208] : memref<100352xf32, #tpu.memory_space<vmem_shared>> -> memref<100352xf32, #tpu.memory_space<vmem_shared>>
      tpu.wait_indirect_dma semaphore(%arg73 : memref<!tpu.dma_semaphore, #tpu.memory_space<semaphore_mem>>) src(%arg42 : memref<2048xf32, #tpu.memory_space<vmem>>) dst(%dma_wait3A_209 : memref<100352xf32, #tpu.memory_space<vmem_shared>>)
    }
    %scan3A_10 = arith.constant 7 : i32
    %barrier3A_11 = arith.constant 0 : index
    tpu.barrier barrier_id(%barrier3A_11)
    "tpu.region"() ({
      %run_scoped3A = tpu.sem_alloc : memref<!tpu.dma_semaphore, #tpu.memory_space<semaphore_mem>>
      %dma_start3A = tpu.memref_slice %arg6[%arg0, %mul3A_2] : memref<2x100352xf32, #tpu.memory_space<hbm>> -> memref<1x6272xf32, #tpu.memory_space<hbm>>
      %dma_start3A_12 = tpu.memref_squeeze %dma_start3A : memref<1x6272xf32, #tpu.memory_space<hbm>> -> memref<6272xf32, #tpu.memory_space<hbm>>
      %dma_start3A_13 = tpu.memref_slice %arg44[%mul3A_2] : memref<100352xf32, #tpu.memory_space<vmem_shared>> -> memref<6272xf32, #tpu.memory_space<vmem_shared>>
      tpu.enqueue_dma source(%dma_start3A_13 : memref<6272xf32, #tpu.memory_space<vmem_shared>>) target(%dma_start3A_12 : memref<6272xf32, #tpu.memory_space<hbm>>) target_semaphore(%run_scoped3A : memref<!tpu.dma_semaphore, #tpu.memory_space<semaphore_mem>>)
      %dma_wait3A = tpu.memref_slice %arg6[%arg0, %mul3A_2] : memref<2x100352xf32, #tpu.memory_space<hbm>> -> memref<1x6272xf32, #tpu.memory_space<hbm>>
      %dma_wait3A_14 = tpu.memref_squeeze %dma_wait3A : memref<1x6272xf32, #tpu.memory_space<hbm>> -> memref<6272xf32, #tpu.memory_space<hbm>>
      %dma_wait3A_15 = tpu.memref_slice %arg44[%mul3A_2] : memref<100352xf32, #tpu.memory_space<vmem_shared>> -> memref<6272xf32, #tpu.memory_space<vmem_shared>>
      tpu.wait_dma2 semaphore(%run_scoped3A : memref<!tpu.dma_semaphore, #tpu.memory_space<semaphore_mem>>) src(%dma_wait3A_15 : memref<6272xf32, #tpu.memory_space<vmem_shared>>) dst(%dma_wait3A_14 : memref<6272xf32, #tpu.memory_space<hbm>>)
      tpu.yield
    }) : () -> ()
    "tpu.region"() ({
      %run_scoped3A = tpu.sem_alloc : memref<!tpu.dma_semaphore, #tpu.memory_space<semaphore_mem>>
      %dma_start3A = tpu.memref_slice %arg7[%arg0, %mul3A_2] : memref<2x100352xf32, #tpu.memory_space<hbm>> -> memref<1x6272xf32, #tpu.memory_space<hbm>>
      %dma_start3A_12 = tpu.memref_squeeze %dma_start3A : memref<1x6272xf32, #tpu.memory_space<hbm>> -> memref<6272xf32, #tpu.memory_space<hbm>>
      %dma_start3A_13 = tpu.memref_slice %arg45[%mul3A_2] : memref<100352xf32, #tpu.memory_space<vmem_shared>> -> memref<6272xf32, #tpu.memory_space<vmem_shared>>
      tpu.enqueue_dma source(%dma_start3A_13 : memref<6272xf32, #tpu.memory_space<vmem_shared>>) target(%dma_start3A_12 : memref<6272xf32, #tpu.memory_space<hbm>>) target_semaphore(%run_scoped3A : memref<!tpu.dma_semaphore, #tpu.memory_space<semaphore_mem>>)
      %dma_wait3A = tpu.memref_slice %arg7[%arg0, %mul3A_2] : memref<2x100352xf32, #tpu.memory_space<hbm>> -> memref<1x6272xf32, #tpu.memory_space<hbm>>
      %dma_wait3A_14 = tpu.memref_squeeze %dma_wait3A : memref<1x6272xf32, #tpu.memory_space<hbm>> -> memref<6272xf32, #tpu.memory_space<hbm>>
      %dma_wait3A_15 = tpu.memref_slice %arg45[%mul3A_2] : memref<100352xf32, #tpu.memory_space<vmem_shared>> -> memref<6272xf32, #tpu.memory_space<vmem_shared>>
      tpu.wait_dma2 semaphore(%run_scoped3A : memref<!tpu.dma_semaphore, #tpu.memory_space<semaphore_mem>>) src(%dma_wait3A_15 : memref<6272xf32, #tpu.memory_space<vmem_shared>>) dst(%dma_wait3A_14 : memref<6272xf32, #tpu.memory_space<hbm>>)
      tpu.yield
    }) : () -> ()
    return
  }
}

#map = affine_map<(d0, d1) -> (0)>
#map1 = affine_map<(d0, d1) -> (0, 0)>
module attributes {stable_mosaic.version = 14 : i64} {
  func.func @deg_kernel(%arg0: i32, %arg1: i32, %arg2: memref<3211264xi32, #tpu.memory_space<hbm>>, %arg3: memref<2048xf32, #tpu.memory_space<hbm>>, %arg4: memref<100352xf32, #tpu.memory_space<hbm>>, %arg5: memref<2x100352xf32, #tpu.memory_space<hbm>>, %arg6: memref<2048xi32, #tpu.memory_space<vmem>>, %arg7: memref<2048xi32, #tpu.memory_space<vmem>>, %arg8: memref<2048xi32, #tpu.memory_space<vmem>>, %arg9: memref<2048xi32, #tpu.memory_space<vmem>>, %arg10: memref<2048xi32, #tpu.memory_space<vmem>>, %arg11: memref<2048xi32, #tpu.memory_space<vmem>>, %arg12: memref<2048xi32, #tpu.memory_space<vmem>>, %arg13: memref<2048xf32, #tpu.memory_space<vmem>>, %arg14: memref<100352xf32, #tpu.memory_space<vmem_shared>>, %arg15: memref<!tpu.dma_semaphore, #tpu.memory_space<semaphore_mem>>, %arg16: memref<!tpu.dma_semaphore, #tpu.memory_space<semaphore_mem>>, %arg17: memref<!tpu.dma_semaphore, #tpu.memory_space<semaphore_mem>>, %arg18: memref<!tpu.dma_semaphore, #tpu.memory_space<semaphore_mem>>, %arg19: memref<!tpu.dma_semaphore, #tpu.memory_space<semaphore_mem>>, %arg20: memref<!tpu.dma_semaphore, #tpu.memory_space<semaphore_mem>>, %arg21: memref<!tpu.dma_semaphore, #tpu.memory_space<semaphore_mem>>, %arg22: memref<!tpu.dma_semaphore, #tpu.memory_space<semaphore_mem>>, %arg23: memref<!tpu.dma_semaphore, #tpu.memory_space<semaphore_mem>>, %arg24: memref<!tpu.dma_semaphore, #tpu.memory_space<semaphore_mem>>, %arg25: memref<!tpu.dma_semaphore, #tpu.memory_space<semaphore_mem>>, %arg26: memref<!tpu.dma_semaphore, #tpu.memory_space<semaphore_mem>>, %arg27: memref<!tpu.dma_semaphore, #tpu.memory_space<semaphore_mem>>, %arg28: memref<!tpu.dma_semaphore, #tpu.memory_space<semaphore_mem>>) attributes {dimension_semantics = [#tpu.dimension_semantics<core_parallel>, #tpu.dimension_semantics<subcore_parallel>], iteration_bounds = array<i64: 2, 16>, scalar_prefetch = 0 : i64, scratch_operands = 23 : i64, tpu.core_type = #tpu.core_type<sc_vector_subcore>, window_params = [{transform_indices = #map}, {transform_indices = #map}, {transform_indices = #map}, {transform_indices = #map1}]} {
    %mul3A = arith.constant 16 : i32
    %mul3A_0 = arith.muli %arg0, %mul3A : i32
    %add3A = arith.addi %mul3A_0, %arg1 : i32
    %mul3A_1 = arith.constant 6272 : i32
    %mul3A_2 = arith.muli %arg1, %mul3A_1 : i32
    %mul3A_3 = arith.constant 6272 : i32
    %mul3A_4 = arith.muli %arg1, %mul3A_3 : i32
    "tpu.region"() ({
      %run_scoped3A = tpu.sem_alloc : memref<!tpu.dma_semaphore, #tpu.memory_space<semaphore_mem>>
      %dma_start3A = tpu.memref_slice %arg14[%mul3A_4] : memref<100352xf32, #tpu.memory_space<vmem_shared>> -> memref<6272xf32, #tpu.memory_space<vmem_shared>>
      %dma_start3A_17 = tpu.memref_slice %arg4[%mul3A_2] : memref<100352xf32, #tpu.memory_space<hbm>> -> memref<6272xf32, #tpu.memory_space<hbm>>
      tpu.enqueue_dma source(%dma_start3A_17 : memref<6272xf32, #tpu.memory_space<hbm>>) target(%dma_start3A : memref<6272xf32, #tpu.memory_space<vmem_shared>>) target_semaphore(%run_scoped3A : memref<!tpu.dma_semaphore, #tpu.memory_space<semaphore_mem>>)
      %dma_wait3A = tpu.memref_slice %arg14[%mul3A_4] : memref<100352xf32, #tpu.memory_space<vmem_shared>> -> memref<6272xf32, #tpu.memory_space<vmem_shared>>
      %dma_wait3A_18 = tpu.memref_slice %arg4[%mul3A_2] : memref<100352xf32, #tpu.memory_space<hbm>> -> memref<6272xf32, #tpu.memory_space<hbm>>
      tpu.wait_dma2 semaphore(%run_scoped3A : memref<!tpu.dma_semaphore, #tpu.memory_space<semaphore_mem>>) src(%dma_wait3A_18 : memref<6272xf32, #tpu.memory_space<hbm>>) dst(%dma_wait3A : memref<6272xf32, #tpu.memory_space<vmem_shared>>)
      tpu.yield
    }) : () -> ()
    "tpu.region"() ({
      %run_scoped3A = tpu.sem_alloc : memref<!tpu.dma_semaphore, #tpu.memory_space<semaphore_mem>>
      tpu.enqueue_dma source(%arg3 : memref<2048xf32, #tpu.memory_space<hbm>>) target(%arg13 : memref<2048xf32, #tpu.memory_space<vmem>>) target_semaphore(%run_scoped3A : memref<!tpu.dma_semaphore, #tpu.memory_space<semaphore_mem>>)
      tpu.wait_dma2 semaphore(%run_scoped3A : memref<!tpu.dma_semaphore, #tpu.memory_space<semaphore_mem>>) src(%arg3 : memref<2048xf32, #tpu.memory_space<hbm>>) dst(%arg13 : memref<2048xf32, #tpu.memory_space<vmem>>)
      tpu.yield
    }) : () -> ()
    %barrier3A = arith.constant 0 : index
    tpu.barrier barrier_id(%barrier3A)
    %mul3A_5 = arith.constant 100352 : i32
    %mul3A_6 = arith.muli %add3A, %mul3A_5 : i32
    %scan3A = arith.constant 0 : i32
    %scan3A_7 = arith.constant 0 : i32
    %scan3A_8 = arith.constant 7 : i32
    %scan3A_9 = arith.addi %scan3A_7, %scan3A_8 : i32
    %scan3A_10 = arith.constant 1 : i32
    scf.for %scan3A_17 = %scan3A_7 to %scan3A_9 step %scan3A_10  : i32 {
      %mul3A_18 = arith.constant 14336 : i32
      %mul3A_19 = arith.muli %scan3A_17, %mul3A_18 : i32
      %add3A_20 = arith.addi %mul3A_6, %mul3A_19 : i32
      %add3A_21 = arith.constant 0 : i32
      %add3A_22 = arith.addi %add3A_20, %add3A_21 : i32
      %dma_start3A = tpu.memref_slice %arg2[%add3A_22] : memref<3211264xi32, #tpu.memory_space<hbm>> -> memref<2048xi32, #tpu.memory_space<hbm>>
      %dma_start3A_23 = tpu.memref_slice %arg2[%add3A_22] : memref<3211264xi32, #tpu.memory_space<hbm>> -> memref<2048xi32, #tpu.memory_space<hbm>>
      tpu.enqueue_dma source(%dma_start3A_23 : memref<2048xi32, #tpu.memory_space<hbm>>) target(%arg6 : memref<2048xi32, #tpu.memory_space<vmem>>) target_semaphore(%arg15 : memref<!tpu.dma_semaphore, #tpu.memory_space<semaphore_mem>>)
      %add3A_24 = arith.constant 2048 : i32
      %add3A_25 = arith.addi %add3A_20, %add3A_24 : i32
      %dma_start3A_26 = tpu.memref_slice %arg2[%add3A_25] : memref<3211264xi32, #tpu.memory_space<hbm>> -> memref<2048xi32, #tpu.memory_space<hbm>>
      %dma_start3A_27 = tpu.memref_slice %arg2[%add3A_25] : memref<3211264xi32, #tpu.memory_space<hbm>> -> memref<2048xi32, #tpu.memory_space<hbm>>
      tpu.enqueue_dma source(%dma_start3A_27 : memref<2048xi32, #tpu.memory_space<hbm>>) target(%arg7 : memref<2048xi32, #tpu.memory_space<vmem>>) target_semaphore(%arg16 : memref<!tpu.dma_semaphore, #tpu.memory_space<semaphore_mem>>)
      %add3A_28 = arith.constant 4096 : i32
      %add3A_29 = arith.addi %add3A_20, %add3A_28 : i32
      %dma_start3A_30 = tpu.memref_slice %arg2[%add3A_29] : memref<3211264xi32, #tpu.memory_space<hbm>> -> memref<2048xi32, #tpu.memory_space<hbm>>
      %dma_start3A_31 = tpu.memref_slice %arg2[%add3A_29] : memref<3211264xi32, #tpu.memory_space<hbm>> -> memref<2048xi32, #tpu.memory_space<hbm>>
      tpu.enqueue_dma source(%dma_start3A_31 : memref<2048xi32, #tpu.memory_space<hbm>>) target(%arg8 : memref<2048xi32, #tpu.memory_space<vmem>>) target_semaphore(%arg17 : memref<!tpu.dma_semaphore, #tpu.memory_space<semaphore_mem>>)
      %add3A_32 = arith.constant 6144 : i32
      %add3A_33 = arith.addi %add3A_20, %add3A_32 : i32
      %dma_start3A_34 = tpu.memref_slice %arg2[%add3A_33] : memref<3211264xi32, #tpu.memory_space<hbm>> -> memref<2048xi32, #tpu.memory_space<hbm>>
      %dma_start3A_35 = tpu.memref_slice %arg2[%add3A_33] : memref<3211264xi32, #tpu.memory_space<hbm>> -> memref<2048xi32, #tpu.memory_space<hbm>>
      tpu.enqueue_dma source(%dma_start3A_35 : memref<2048xi32, #tpu.memory_space<hbm>>) target(%arg9 : memref<2048xi32, #tpu.memory_space<vmem>>) target_semaphore(%arg18 : memref<!tpu.dma_semaphore, #tpu.memory_space<semaphore_mem>>)
      %add3A_36 = arith.constant 8192 : i32
      %add3A_37 = arith.addi %add3A_20, %add3A_36 : i32
      %dma_start3A_38 = tpu.memref_slice %arg2[%add3A_37] : memref<3211264xi32, #tpu.memory_space<hbm>> -> memref<2048xi32, #tpu.memory_space<hbm>>
      %dma_start3A_39 = tpu.memref_slice %arg2[%add3A_37] : memref<3211264xi32, #tpu.memory_space<hbm>> -> memref<2048xi32, #tpu.memory_space<hbm>>
      tpu.enqueue_dma source(%dma_start3A_39 : memref<2048xi32, #tpu.memory_space<hbm>>) target(%arg10 : memref<2048xi32, #tpu.memory_space<vmem>>) target_semaphore(%arg19 : memref<!tpu.dma_semaphore, #tpu.memory_space<semaphore_mem>>)
      %add3A_40 = arith.constant 10240 : i32
      %add3A_41 = arith.addi %add3A_20, %add3A_40 : i32
      %dma_start3A_42 = tpu.memref_slice %arg2[%add3A_41] : memref<3211264xi32, #tpu.memory_space<hbm>> -> memref<2048xi32, #tpu.memory_space<hbm>>
      %dma_start3A_43 = tpu.memref_slice %arg2[%add3A_41] : memref<3211264xi32, #tpu.memory_space<hbm>> -> memref<2048xi32, #tpu.memory_space<hbm>>
      tpu.enqueue_dma source(%dma_start3A_43 : memref<2048xi32, #tpu.memory_space<hbm>>) target(%arg11 : memref<2048xi32, #tpu.memory_space<vmem>>) target_semaphore(%arg20 : memref<!tpu.dma_semaphore, #tpu.memory_space<semaphore_mem>>)
      %add3A_44 = arith.constant 12288 : i32
      %add3A_45 = arith.addi %add3A_20, %add3A_44 : i32
      %dma_start3A_46 = tpu.memref_slice %arg2[%add3A_45] : memref<3211264xi32, #tpu.memory_space<hbm>> -> memref<2048xi32, #tpu.memory_space<hbm>>
      %dma_start3A_47 = tpu.memref_slice %arg2[%add3A_45] : memref<3211264xi32, #tpu.memory_space<hbm>> -> memref<2048xi32, #tpu.memory_space<hbm>>
      tpu.enqueue_dma source(%dma_start3A_47 : memref<2048xi32, #tpu.memory_space<hbm>>) target(%arg12 : memref<2048xi32, #tpu.memory_space<vmem>>) target_semaphore(%arg21 : memref<!tpu.dma_semaphore, #tpu.memory_space<semaphore_mem>>)
      %dma_wait3A = tpu.memref_slice %arg2[%add3A_22] : memref<3211264xi32, #tpu.memory_space<hbm>> -> memref<2048xi32, #tpu.memory_space<hbm>>
      %dma_wait3A_48 = tpu.memref_slice %arg2[%add3A_22] : memref<3211264xi32, #tpu.memory_space<hbm>> -> memref<2048xi32, #tpu.memory_space<hbm>>
      tpu.wait_dma2 semaphore(%arg15 : memref<!tpu.dma_semaphore, #tpu.memory_space<semaphore_mem>>) src(%dma_wait3A_48 : memref<2048xi32, #tpu.memory_space<hbm>>) dst(%arg6 : memref<2048xi32, #tpu.memory_space<vmem>>)
      %dma_start3A_49 = arith.constant 0 : i32
      %dma_start3A_50 = tpu.memref_slice %arg14[%dma_start3A_49] : memref<100352xf32, #tpu.memory_space<vmem_shared>> -> memref<100352xf32, #tpu.memory_space<vmem_shared>>
      tpu.enqueue_indirect_dma source(%arg13 : memref<2048xf32, #tpu.memory_space<vmem>>) target(%dma_start3A_50 : memref<100352xf32, #tpu.memory_space<vmem_shared>>) offsets(%arg6 : memref<2048xi32, #tpu.memory_space<vmem>>) semaphore(%arg22 : memref<!tpu.dma_semaphore, #tpu.memory_space<semaphore_mem>>) {add = true}
      %dma_wait3A_51 = tpu.memref_slice %arg2[%add3A_25] : memref<3211264xi32, #tpu.memory_space<hbm>> -> memref<2048xi32, #tpu.memory_space<hbm>>
      %dma_wait3A_52 = tpu.memref_slice %arg2[%add3A_25] : memref<3211264xi32, #tpu.memory_space<hbm>> -> memref<2048xi32, #tpu.memory_space<hbm>>
      tpu.wait_dma2 semaphore(%arg16 : memref<!tpu.dma_semaphore, #tpu.memory_space<semaphore_mem>>) src(%dma_wait3A_52 : memref<2048xi32, #tpu.memory_space<hbm>>) dst(%arg7 : memref<2048xi32, #tpu.memory_space<vmem>>)
      %dma_start3A_53 = arith.constant 0 : i32
      %dma_start3A_54 = tpu.memref_slice %arg14[%dma_start3A_53] : memref<100352xf32, #tpu.memory_space<vmem_shared>> -> memref<100352xf32, #tpu.memory_space<vmem_shared>>
      tpu.enqueue_indirect_dma source(%arg13 : memref<2048xf32, #tpu.memory_space<vmem>>) target(%dma_start3A_54 : memref<100352xf32, #tpu.memory_space<vmem_shared>>) offsets(%arg7 : memref<2048xi32, #tpu.memory_space<vmem>>) semaphore(%arg23 : memref<!tpu.dma_semaphore, #tpu.memory_space<semaphore_mem>>) {add = true}
      %dma_wait3A_55 = tpu.memref_slice %arg2[%add3A_29] : memref<3211264xi32, #tpu.memory_space<hbm>> -> memref<2048xi32, #tpu.memory_space<hbm>>
      %dma_wait3A_56 = tpu.memref_slice %arg2[%add3A_29] : memref<3211264xi32, #tpu.memory_space<hbm>> -> memref<2048xi32, #tpu.memory_space<hbm>>
      tpu.wait_dma2 semaphore(%arg17 : memref<!tpu.dma_semaphore, #tpu.memory_space<semaphore_mem>>) src(%dma_wait3A_56 : memref<2048xi32, #tpu.memory_space<hbm>>) dst(%arg8 : memref<2048xi32, #tpu.memory_space<vmem>>)
      %dma_start3A_57 = arith.constant 0 : i32
      %dma_start3A_58 = tpu.memref_slice %arg14[%dma_start3A_57] : memref<100352xf32, #tpu.memory_space<vmem_shared>> -> memref<100352xf32, #tpu.memory_space<vmem_shared>>
      tpu.enqueue_indirect_dma source(%arg13 : memref<2048xf32, #tpu.memory_space<vmem>>) target(%dma_start3A_58 : memref<100352xf32, #tpu.memory_space<vmem_shared>>) offsets(%arg8 : memref<2048xi32, #tpu.memory_space<vmem>>) semaphore(%arg24 : memref<!tpu.dma_semaphore, #tpu.memory_space<semaphore_mem>>) {add = true}
      %dma_wait3A_59 = tpu.memref_slice %arg2[%add3A_33] : memref<3211264xi32, #tpu.memory_space<hbm>> -> memref<2048xi32, #tpu.memory_space<hbm>>
      %dma_wait3A_60 = tpu.memref_slice %arg2[%add3A_33] : memref<3211264xi32, #tpu.memory_space<hbm>> -> memref<2048xi32, #tpu.memory_space<hbm>>
      tpu.wait_dma2 semaphore(%arg18 : memref<!tpu.dma_semaphore, #tpu.memory_space<semaphore_mem>>) src(%dma_wait3A_60 : memref<2048xi32, #tpu.memory_space<hbm>>) dst(%arg9 : memref<2048xi32, #tpu.memory_space<vmem>>)
      %dma_start3A_61 = arith.constant 0 : i32
      %dma_start3A_62 = tpu.memref_slice %arg14[%dma_start3A_61] : memref<100352xf32, #tpu.memory_space<vmem_shared>> -> memref<100352xf32, #tpu.memory_space<vmem_shared>>
      tpu.enqueue_indirect_dma source(%arg13 : memref<2048xf32, #tpu.memory_space<vmem>>) target(%dma_start3A_62 : memref<100352xf32, #tpu.memory_space<vmem_shared>>) offsets(%arg9 : memref<2048xi32, #tpu.memory_space<vmem>>) semaphore(%arg25 : memref<!tpu.dma_semaphore, #tpu.memory_space<semaphore_mem>>) {add = true}
      %dma_wait3A_63 = tpu.memref_slice %arg2[%add3A_37] : memref<3211264xi32, #tpu.memory_space<hbm>> -> memref<2048xi32, #tpu.memory_space<hbm>>
      %dma_wait3A_64 = tpu.memref_slice %arg2[%add3A_37] : memref<3211264xi32, #tpu.memory_space<hbm>> -> memref<2048xi32, #tpu.memory_space<hbm>>
      tpu.wait_dma2 semaphore(%arg19 : memref<!tpu.dma_semaphore, #tpu.memory_space<semaphore_mem>>) src(%dma_wait3A_64 : memref<2048xi32, #tpu.memory_space<hbm>>) dst(%arg10 : memref<2048xi32, #tpu.memory_space<vmem>>)
      %dma_start3A_65 = arith.constant 0 : i32
      %dma_start3A_66 = tpu.memref_slice %arg14[%dma_start3A_65] : memref<100352xf32, #tpu.memory_space<vmem_shared>> -> memref<100352xf32, #tpu.memory_space<vmem_shared>>
      tpu.enqueue_indirect_dma source(%arg13 : memref<2048xf32, #tpu.memory_space<vmem>>) target(%dma_start3A_66 : memref<100352xf32, #tpu.memory_space<vmem_shared>>) offsets(%arg10 : memref<2048xi32, #tpu.memory_space<vmem>>) semaphore(%arg26 : memref<!tpu.dma_semaphore, #tpu.memory_space<semaphore_mem>>) {add = true}
      %dma_wait3A_67 = tpu.memref_slice %arg2[%add3A_41] : memref<3211264xi32, #tpu.memory_space<hbm>> -> memref<2048xi32, #tpu.memory_space<hbm>>
      %dma_wait3A_68 = tpu.memref_slice %arg2[%add3A_41] : memref<3211264xi32, #tpu.memory_space<hbm>> -> memref<2048xi32, #tpu.memory_space<hbm>>
      tpu.wait_dma2 semaphore(%arg20 : memref<!tpu.dma_semaphore, #tpu.memory_space<semaphore_mem>>) src(%dma_wait3A_68 : memref<2048xi32, #tpu.memory_space<hbm>>) dst(%arg11 : memref<2048xi32, #tpu.memory_space<vmem>>)
      %dma_start3A_69 = arith.constant 0 : i32
      %dma_start3A_70 = tpu.memref_slice %arg14[%dma_start3A_69] : memref<100352xf32, #tpu.memory_space<vmem_shared>> -> memref<100352xf32, #tpu.memory_space<vmem_shared>>
      tpu.enqueue_indirect_dma source(%arg13 : memref<2048xf32, #tpu.memory_space<vmem>>) target(%dma_start3A_70 : memref<100352xf32, #tpu.memory_space<vmem_shared>>) offsets(%arg11 : memref<2048xi32, #tpu.memory_space<vmem>>) semaphore(%arg27 : memref<!tpu.dma_semaphore, #tpu.memory_space<semaphore_mem>>) {add = true}
      %dma_wait3A_71 = tpu.memref_slice %arg2[%add3A_45] : memref<3211264xi32, #tpu.memory_space<hbm>> -> memref<2048xi32, #tpu.memory_space<hbm>>
      %dma_wait3A_72 = tpu.memref_slice %arg2[%add3A_45] : memref<3211264xi32, #tpu.memory_space<hbm>> -> memref<2048xi32, #tpu.memory_space<hbm>>
      tpu.wait_dma2 semaphore(%arg21 : memref<!tpu.dma_semaphore, #tpu.memory_space<semaphore_mem>>) src(%dma_wait3A_72 : memref<2048xi32, #tpu.memory_space<hbm>>) dst(%arg12 : memref<2048xi32, #tpu.memory_space<vmem>>)
      %dma_start3A_73 = arith.constant 0 : i32
      %dma_start3A_74 = tpu.memref_slice %arg14[%dma_start3A_73] : memref<100352xf32, #tpu.memory_space<vmem_shared>> -> memref<100352xf32, #tpu.memory_space<vmem_shared>>
      tpu.enqueue_indirect_dma source(%arg13 : memref<2048xf32, #tpu.memory_space<vmem>>) target(%dma_start3A_74 : memref<100352xf32, #tpu.memory_space<vmem_shared>>) offsets(%arg12 : memref<2048xi32, #tpu.memory_space<vmem>>) semaphore(%arg28 : memref<!tpu.dma_semaphore, #tpu.memory_space<semaphore_mem>>) {add = true}
      %dma_wait3A_75 = arith.constant 0 : i32
      %dma_wait3A_76 = tpu.memref_slice %arg14[%dma_wait3A_75] : memref<100352xf32, #tpu.memory_space<vmem_shared>> -> memref<100352xf32, #tpu.memory_space<vmem_shared>>
      tpu.wait_indirect_dma semaphore(%arg22 : memref<!tpu.dma_semaphore, #tpu.memory_space<semaphore_mem>>) src(%arg13 : memref<2048xf32, #tpu.memory_space<vmem>>) dst(%dma_wait3A_76 : memref<100352xf32, #tpu.memory_space<vmem_shared>>)
      %dma_wait3A_77 = arith.constant 0 : i32
      %dma_wait3A_78 = tpu.memref_slice %arg14[%dma_wait3A_77] : memref<100352xf32, #tpu.memory_space<vmem_shared>> -> memref<100352xf32, #tpu.memory_space<vmem_shared>>
      tpu.wait_indirect_dma semaphore(%arg23 : memref<!tpu.dma_semaphore, #tpu.memory_space<semaphore_mem>>) src(%arg13 : memref<2048xf32, #tpu.memory_space<vmem>>) dst(%dma_wait3A_78 : memref<100352xf32, #tpu.memory_space<vmem_shared>>)
      %dma_wait3A_79 = arith.constant 0 : i32
      %dma_wait3A_80 = tpu.memref_slice %arg14[%dma_wait3A_79] : memref<100352xf32, #tpu.memory_space<vmem_shared>> -> memref<100352xf32, #tpu.memory_space<vmem_shared>>
      tpu.wait_indirect_dma semaphore(%arg24 : memref<!tpu.dma_semaphore, #tpu.memory_space<semaphore_mem>>) src(%arg13 : memref<2048xf32, #tpu.memory_space<vmem>>) dst(%dma_wait3A_80 : memref<100352xf32, #tpu.memory_space<vmem_shared>>)
      %dma_wait3A_81 = arith.constant 0 : i32
      %dma_wait3A_82 = tpu.memref_slice %arg14[%dma_wait3A_81] : memref<100352xf32, #tpu.memory_space<vmem_shared>> -> memref<100352xf32, #tpu.memory_space<vmem_shared>>
      tpu.wait_indirect_dma semaphore(%arg25 : memref<!tpu.dma_semaphore, #tpu.memory_space<semaphore_mem>>) src(%arg13 : memref<2048xf32, #tpu.memory_space<vmem>>) dst(%dma_wait3A_82 : memref<100352xf32, #tpu.memory_space<vmem_shared>>)
      %dma_wait3A_83 = arith.constant 0 : i32
      %dma_wait3A_84 = tpu.memref_slice %arg14[%dma_wait3A_83] : memref<100352xf32, #tpu.memory_space<vmem_shared>> -> memref<100352xf32, #tpu.memory_space<vmem_shared>>
      tpu.wait_indirect_dma semaphore(%arg26 : memref<!tpu.dma_semaphore, #tpu.memory_space<semaphore_mem>>) src(%arg13 : memref<2048xf32, #tpu.memory_space<vmem>>) dst(%dma_wait3A_84 : memref<100352xf32, #tpu.memory_space<vmem_shared>>)
      %dma_wait3A_85 = arith.constant 0 : i32
      %dma_wait3A_86 = tpu.memref_slice %arg14[%dma_wait3A_85] : memref<100352xf32, #tpu.memory_space<vmem_shared>> -> memref<100352xf32, #tpu.memory_space<vmem_shared>>
      tpu.wait_indirect_dma semaphore(%arg27 : memref<!tpu.dma_semaphore, #tpu.memory_space<semaphore_mem>>) src(%arg13 : memref<2048xf32, #tpu.memory_space<vmem>>) dst(%dma_wait3A_86 : memref<100352xf32, #tpu.memory_space<vmem_shared>>)
      %dma_wait3A_87 = arith.constant 0 : i32
      %dma_wait3A_88 = tpu.memref_slice %arg14[%dma_wait3A_87] : memref<100352xf32, #tpu.memory_space<vmem_shared>> -> memref<100352xf32, #tpu.memory_space<vmem_shared>>
      tpu.wait_indirect_dma semaphore(%arg28 : memref<!tpu.dma_semaphore, #tpu.memory_space<semaphore_mem>>) src(%arg13 : memref<2048xf32, #tpu.memory_space<vmem>>) dst(%dma_wait3A_88 : memref<100352xf32, #tpu.memory_space<vmem_shared>>)
    }
    %scan3A_11 = arith.constant 7 : i32
    %barrier3A_12 = arith.constant 0 : index
    tpu.barrier barrier_id(%barrier3A_12)
    %mul3A_13 = arith.constant 6272 : i32
    %mul3A_14 = arith.muli %arg1, %mul3A_13 : i32
    %mul3A_15 = arith.constant 6272 : i32
    %mul3A_16 = arith.muli %arg1, %mul3A_15 : i32
    "tpu.region"() ({
      %run_scoped3A = tpu.sem_alloc : memref<!tpu.dma_semaphore, #tpu.memory_space<semaphore_mem>>
      %dma_start3A = tpu.memref_slice %arg5[%arg0, %mul3A_16] : memref<2x100352xf32, #tpu.memory_space<hbm>> -> memref<1x6272xf32, #tpu.memory_space<hbm>>
      %dma_start3A_17 = tpu.memref_squeeze %dma_start3A : memref<1x6272xf32, #tpu.memory_space<hbm>> -> memref<6272xf32, #tpu.memory_space<hbm>>
      %dma_start3A_18 = tpu.memref_slice %arg14[%mul3A_14] : memref<100352xf32, #tpu.memory_space<vmem_shared>> -> memref<6272xf32, #tpu.memory_space<vmem_shared>>
      tpu.enqueue_dma source(%dma_start3A_18 : memref<6272xf32, #tpu.memory_space<vmem_shared>>) target(%dma_start3A_17 : memref<6272xf32, #tpu.memory_space<hbm>>) target_semaphore(%run_scoped3A : memref<!tpu.dma_semaphore, #tpu.memory_space<semaphore_mem>>)
      %dma_wait3A = tpu.memref_slice %arg5[%arg0, %mul3A_16] : memref<2x100352xf32, #tpu.memory_space<hbm>> -> memref<1x6272xf32, #tpu.memory_space<hbm>>
      %dma_wait3A_19 = tpu.memref_squeeze %dma_wait3A : memref<1x6272xf32, #tpu.memory_space<hbm>> -> memref<6272xf32, #tpu.memory_space<hbm>>
      %dma_wait3A_20 = tpu.memref_slice %arg14[%mul3A_14] : memref<100352xf32, #tpu.memory_space<vmem_shared>> -> memref<6272xf32, #tpu.memory_space<vmem_shared>>
      tpu.wait_dma2 semaphore(%run_scoped3A : memref<!tpu.dma_semaphore, #tpu.memory_space<semaphore_mem>>) src(%dma_wait3A_20 : memref<6272xf32, #tpu.memory_space<vmem_shared>>) dst(%dma_wait3A_19 : memref<6272xf32, #tpu.memory_space<hbm>>)
      tpu.yield
    }) : () -> ()
    return
  }
}

module attributes {stable_mosaic.version = 14 : i64} {
  func.func @body(%arg0: memref<2x784x128xf32, #tpu.memory_space<vmem>>, %arg1: memref<784x128xf32, #tpu.memory_space<vmem>>, %arg2: memref<2x784x128xf32, #tpu.memory_space<vmem>>, %arg3: memref<1x16xf32, #tpu.memory_space<smem>>, %arg4: memref<1x16xf32, #tpu.memory_space<smem>>, %arg5: memref<16x2xf32, #tpu.memory_space<smem>>, %arg6: memref<784x128xf32, #tpu.memory_space<vmem>>, %arg7: memref<784x128xf32, #tpu.memory_space<vmem>>, %arg8: memref<784x128xf32, #tpu.memory_space<vmem>>, %arg9: memref<784x128xf32, #tpu.memory_space<vmem>>) attributes {dimension_semantics = [], scalar_prefetch = 0 : i64, scratch_operands = 0 : i64, tpu.core_type = #tpu.core_type<tc>} {
    %get3A = arith.constant 0 : index
    %get3A_0 = arith.constant 0 : index
    %get3A_1 = arith.constant 0 : index
    %get3A_2 = vector.load %arg0[%get3A, %get3A_0, %get3A_1] : memref<2x784x128xf32, #tpu.memory_space<vmem>>, vector<1x784x128xf32>
    %get3A_3 = vector.shape_cast %get3A_2 : vector<1x784x128xf32> to vector<784x128xf32>
    %get3A_4 = arith.constant 1 : index
    %get3A_5 = arith.constant 0 : index
    %get3A_6 = arith.constant 0 : index
    %get3A_7 = vector.load %arg0[%get3A_4, %get3A_5, %get3A_6] : memref<2x784x128xf32, #tpu.memory_space<vmem>>, vector<1x784x128xf32>
    %get3A_8 = vector.shape_cast %get3A_7 : vector<1x784x128xf32> to vector<784x128xf32>
    %add3A = arith.addf %get3A_3, %get3A_8 : vector<784x128xf32>
    %add3A_9 = arith.constant 1.000000e+00 : f32
    %add3A_10 = vector.broadcast %add3A_9 : f32 to vector<784x128xf32>
    %add3A_11 = arith.addf %add3A, %add3A_10 : vector<784x128xf32>
    %rsqrt3A = math.rsqrt %add3A_11 : vector<784x128xf32>
    %get3A_12 = arith.constant 0 : index
    %get3A_13 = arith.constant 0 : index
    %get3A_14 = vector.load %arg1[%get3A_12, %get3A_13] : memref<784x128xf32, #tpu.memory_space<vmem>>, vector<784x128xf32>
    %mul3A = arith.mulf %rsqrt3A, %get3A_14 : vector<784x128xf32>
    %get3A_15 = arith.constant 0 : index
    %get3A_16 = arith.constant 0 : index
    %get3A_17 = arith.constant 0 : index
    %get3A_18 = vector.load %arg2[%get3A_15, %get3A_16, %get3A_17] : memref<2x784x128xf32, #tpu.memory_space<vmem>>, vector<1x784x128xf32>
    %get3A_19 = vector.shape_cast %get3A_18 : vector<1x784x128xf32> to vector<784x128xf32>
    %get3A_20 = arith.constant 1 : index
    %get3A_21 = arith.constant 0 : index
    %get3A_22 = arith.constant 0 : index
    %get3A_23 = vector.load %arg2[%get3A_20, %get3A_21, %get3A_22] : memref<2x784x128xf32, #tpu.memory_space<vmem>>, vector<1x784x128xf32>
    %get3A_24 = vector.shape_cast %get3A_23 : vector<1x784x128xf32> to vector<784x128xf32>
    %add3A_25 = arith.addf %get3A_19, %get3A_24 : vector<784x128xf32>
    %add3A_26 = arith.addf %add3A_25, %mul3A : vector<784x128xf32>
    %mul3A_27 = arith.mulf %rsqrt3A, %add3A_26 : vector<784x128xf32>
    %broadcast_in_dim3A = arith.constant 0.000000e+00 : f32
    %broadcast_in_dim3A_28 = vector.broadcast %broadcast_in_dim3A : f32 to vector<784x128xf32>
    %broadcast_in_dim3A_29 = arith.constant 0.000000e+00 : f32
    %broadcast_in_dim3A_30 = vector.broadcast %broadcast_in_dim3A_29 : f32 to vector<784x128xf32>
    %get3A_31 = arith.constant 0 : index
    %get3A_32 = arith.constant 0 : index
    %get3A_33 = memref.load %arg3[%get3A_31, %get3A_32] : memref<1x16xf32, #tpu.memory_space<smem>>
    %mul3A_34 = vector.broadcast %get3A_33 : f32 to vector<784x128xf32>
    %mul3A_35 = arith.mulf %mul3A_27, %mul3A_34 : vector<784x128xf32>
    %get3A_36 = arith.constant 0 : index
    %get3A_37 = arith.constant 0 : index
    %get3A_38 = memref.load %arg4[%get3A_36, %get3A_37] : memref<1x16xf32, #tpu.memory_space<smem>>
    %add3A_39 = vector.broadcast %get3A_38 : f32 to vector<784x128xf32>
    %add3A_40 = arith.addf %mul3A_35, %add3A_39 : vector<784x128xf32>
    %max3A = arith.constant 0.000000e+00 : f32
    %max3A_41 = vector.broadcast %max3A : f32 to vector<784x128xf32>
    %max3A_42 = arith.maximumf %add3A_40, %max3A_41 : vector<784x128xf32>
    %get3A_43 = arith.constant 0 : index
    %get3A_44 = arith.constant 0 : index
    %get3A_45 = memref.load %arg5[%get3A_43, %get3A_44] : memref<16x2xf32, #tpu.memory_space<smem>>
    %mul3A_46 = vector.broadcast %get3A_45 : f32 to vector<784x128xf32>
    %mul3A_47 = arith.mulf %max3A_42, %mul3A_46 : vector<784x128xf32>
    %add3A_48 = arith.addf %broadcast_in_dim3A_28, %mul3A_47 : vector<784x128xf32>
    %get3A_49 = arith.constant 0 : index
    %get3A_50 = arith.constant 1 : index
    %get3A_51 = memref.load %arg5[%get3A_49, %get3A_50] : memref<16x2xf32, #tpu.memory_space<smem>>
    %mul3A_52 = vector.broadcast %get3A_51 : f32 to vector<784x128xf32>
    %mul3A_53 = arith.mulf %max3A_42, %mul3A_52 : vector<784x128xf32>
    %add3A_54 = arith.addf %broadcast_in_dim3A_30, %mul3A_53 : vector<784x128xf32>
    %get3A_55 = arith.constant 0 : index
    %get3A_56 = arith.constant 1 : index
    %get3A_57 = memref.load %arg3[%get3A_55, %get3A_56] : memref<1x16xf32, #tpu.memory_space<smem>>
    %mul3A_58 = vector.broadcast %get3A_57 : f32 to vector<784x128xf32>
    %mul3A_59 = arith.mulf %mul3A_27, %mul3A_58 : vector<784x128xf32>
    %get3A_60 = arith.constant 0 : index
    %get3A_61 = arith.constant 1 : index
    %get3A_62 = memref.load %arg4[%get3A_60, %get3A_61] : memref<1x16xf32, #tpu.memory_space<smem>>
    %add3A_63 = vector.broadcast %get3A_62 : f32 to vector<784x128xf32>
    %add3A_64 = arith.addf %mul3A_59, %add3A_63 : vector<784x128xf32>
    %max3A_65 = arith.constant 0.000000e+00 : f32
    %max3A_66 = vector.broadcast %max3A_65 : f32 to vector<784x128xf32>
    %max3A_67 = arith.maximumf %add3A_64, %max3A_66 : vector<784x128xf32>
    %get3A_68 = arith.constant 1 : index
    %get3A_69 = arith.constant 0 : index
    %get3A_70 = memref.load %arg5[%get3A_68, %get3A_69] : memref<16x2xf32, #tpu.memory_space<smem>>
    %mul3A_71 = vector.broadcast %get3A_70 : f32 to vector<784x128xf32>
    %mul3A_72 = arith.mulf %max3A_67, %mul3A_71 : vector<784x128xf32>
    %add3A_73 = arith.addf %add3A_48, %mul3A_72 : vector<784x128xf32>
    %get3A_74 = arith.constant 1 : index
    %get3A_75 = arith.constant 1 : index
    %get3A_76 = memref.load %arg5[%get3A_74, %get3A_75] : memref<16x2xf32, #tpu.memory_space<smem>>
    %mul3A_77 = vector.broadcast %get3A_76 : f32 to vector<784x128xf32>
    %mul3A_78 = arith.mulf %max3A_67, %mul3A_77 : vector<784x128xf32>
    %add3A_79 = arith.addf %add3A_54, %mul3A_78 : vector<784x128xf32>
    %get3A_80 = arith.constant 0 : index
    %get3A_81 = arith.constant 2 : index
    %get3A_82 = memref.load %arg3[%get3A_80, %get3A_81] : memref<1x16xf32, #tpu.memory_space<smem>>
    %mul3A_83 = vector.broadcast %get3A_82 : f32 to vector<784x128xf32>
    %mul3A_84 = arith.mulf %mul3A_27, %mul3A_83 : vector<784x128xf32>
    %get3A_85 = arith.constant 0 : index
    %get3A_86 = arith.constant 2 : index
    %get3A_87 = memref.load %arg4[%get3A_85, %get3A_86] : memref<1x16xf32, #tpu.memory_space<smem>>
    %add3A_88 = vector.broadcast %get3A_87 : f32 to vector<784x128xf32>
    %add3A_89 = arith.addf %mul3A_84, %add3A_88 : vector<784x128xf32>
    %max3A_90 = arith.constant 0.000000e+00 : f32
    %max3A_91 = vector.broadcast %max3A_90 : f32 to vector<784x128xf32>
    %max3A_92 = arith.maximumf %add3A_89, %max3A_91 : vector<784x128xf32>
    %get3A_93 = arith.constant 2 : index
    %get3A_94 = arith.constant 0 : index
    %get3A_95 = memref.load %arg5[%get3A_93, %get3A_94] : memref<16x2xf32, #tpu.memory_space<smem>>
    %mul3A_96 = vector.broadcast %get3A_95 : f32 to vector<784x128xf32>
    %mul3A_97 = arith.mulf %max3A_92, %mul3A_96 : vector<784x128xf32>
    %add3A_98 = arith.addf %add3A_73, %mul3A_97 : vector<784x128xf32>
    %get3A_99 = arith.constant 2 : index
    %get3A_100 = arith.constant 1 : index
    %get3A_101 = memref.load %arg5[%get3A_99, %get3A_100] : memref<16x2xf32, #tpu.memory_space<smem>>
    %mul3A_102 = vector.broadcast %get3A_101 : f32 to vector<784x128xf32>
    %mul3A_103 = arith.mulf %max3A_92, %mul3A_102 : vector<784x128xf32>
    %add3A_104 = arith.addf %add3A_79, %mul3A_103 : vector<784x128xf32>
    %get3A_105 = arith.constant 0 : index
    %get3A_106 = arith.constant 3 : index
    %get3A_107 = memref.load %arg3[%get3A_105, %get3A_106] : memref<1x16xf32, #tpu.memory_space<smem>>
    %mul3A_108 = vector.broadcast %get3A_107 : f32 to vector<784x128xf32>
    %mul3A_109 = arith.mulf %mul3A_27, %mul3A_108 : vector<784x128xf32>
    %get3A_110 = arith.constant 0 : index
    %get3A_111 = arith.constant 3 : index
    %get3A_112 = memref.load %arg4[%get3A_110, %get3A_111] : memref<1x16xf32, #tpu.memory_space<smem>>
    %add3A_113 = vector.broadcast %get3A_112 : f32 to vector<784x128xf32>
    %add3A_114 = arith.addf %mul3A_109, %add3A_113 : vector<784x128xf32>
    %max3A_115 = arith.constant 0.000000e+00 : f32
    %max3A_116 = vector.broadcast %max3A_115 : f32 to vector<784x128xf32>
    %max3A_117 = arith.maximumf %add3A_114, %max3A_116 : vector<784x128xf32>
    %get3A_118 = arith.constant 3 : index
    %get3A_119 = arith.constant 0 : index
    %get3A_120 = memref.load %arg5[%get3A_118, %get3A_119] : memref<16x2xf32, #tpu.memory_space<smem>>
    %mul3A_121 = vector.broadcast %get3A_120 : f32 to vector<784x128xf32>
    %mul3A_122 = arith.mulf %max3A_117, %mul3A_121 : vector<784x128xf32>
    %add3A_123 = arith.addf %add3A_98, %mul3A_122 : vector<784x128xf32>
    %get3A_124 = arith.constant 3 : index
    %get3A_125 = arith.constant 1 : index
    %get3A_126 = memref.load %arg5[%get3A_124, %get3A_125] : memref<16x2xf32, #tpu.memory_space<smem>>
    %mul3A_127 = vector.broadcast %get3A_126 : f32 to vector<784x128xf32>
    %mul3A_128 = arith.mulf %max3A_117, %mul3A_127 : vector<784x128xf32>
    %add3A_129 = arith.addf %add3A_104, %mul3A_128 : vector<784x128xf32>
    %get3A_130 = arith.constant 0 : index
    %get3A_131 = arith.constant 4 : index
    %get3A_132 = memref.load %arg3[%get3A_130, %get3A_131] : memref<1x16xf32, #tpu.memory_space<smem>>
    %mul3A_133 = vector.broadcast %get3A_132 : f32 to vector<784x128xf32>
    %mul3A_134 = arith.mulf %mul3A_27, %mul3A_133 : vector<784x128xf32>
    %get3A_135 = arith.constant 0 : index
    %get3A_136 = arith.constant 4 : index
    %get3A_137 = memref.load %arg4[%get3A_135, %get3A_136] : memref<1x16xf32, #tpu.memory_space<smem>>
    %add3A_138 = vector.broadcast %get3A_137 : f32 to vector<784x128xf32>
    %add3A_139 = arith.addf %mul3A_134, %add3A_138 : vector<784x128xf32>
    %max3A_140 = arith.constant 0.000000e+00 : f32
    %max3A_141 = vector.broadcast %max3A_140 : f32 to vector<784x128xf32>
    %max3A_142 = arith.maximumf %add3A_139, %max3A_141 : vector<784x128xf32>
    %get3A_143 = arith.constant 4 : index
    %get3A_144 = arith.constant 0 : index
    %get3A_145 = memref.load %arg5[%get3A_143, %get3A_144] : memref<16x2xf32, #tpu.memory_space<smem>>
    %mul3A_146 = vector.broadcast %get3A_145 : f32 to vector<784x128xf32>
    %mul3A_147 = arith.mulf %max3A_142, %mul3A_146 : vector<784x128xf32>
    %add3A_148 = arith.addf %add3A_123, %mul3A_147 : vector<784x128xf32>
    %get3A_149 = arith.constant 4 : index
    %get3A_150 = arith.constant 1 : index
    %get3A_151 = memref.load %arg5[%get3A_149, %get3A_150] : memref<16x2xf32, #tpu.memory_space<smem>>
    %mul3A_152 = vector.broadcast %get3A_151 : f32 to vector<784x128xf32>
    %mul3A_153 = arith.mulf %max3A_142, %mul3A_152 : vector<784x128xf32>
    %add3A_154 = arith.addf %add3A_129, %mul3A_153 : vector<784x128xf32>
    %get3A_155 = arith.constant 0 : index
    %get3A_156 = arith.constant 5 : index
    %get3A_157 = memref.load %arg3[%get3A_155, %get3A_156] : memref<1x16xf32, #tpu.memory_space<smem>>
    %mul3A_158 = vector.broadcast %get3A_157 : f32 to vector<784x128xf32>
    %mul3A_159 = arith.mulf %mul3A_27, %mul3A_158 : vector<784x128xf32>
    %get3A_160 = arith.constant 0 : index
    %get3A_161 = arith.constant 5 : index
    %get3A_162 = memref.load %arg4[%get3A_160, %get3A_161] : memref<1x16xf32, #tpu.memory_space<smem>>
    %add3A_163 = vector.broadcast %get3A_162 : f32 to vector<784x128xf32>
    %add3A_164 = arith.addf %mul3A_159, %add3A_163 : vector<784x128xf32>
    %max3A_165 = arith.constant 0.000000e+00 : f32
    %max3A_166 = vector.broadcast %max3A_165 : f32 to vector<784x128xf32>
    %max3A_167 = arith.maximumf %add3A_164, %max3A_166 : vector<784x128xf32>
    %get3A_168 = arith.constant 5 : index
    %get3A_169 = arith.constant 0 : index
    %get3A_170 = memref.load %arg5[%get3A_168, %get3A_169] : memref<16x2xf32, #tpu.memory_space<smem>>
    %mul3A_171 = vector.broadcast %get3A_170 : f32 to vector<784x128xf32>
    %mul3A_172 = arith.mulf %max3A_167, %mul3A_171 : vector<784x128xf32>
    %add3A_173 = arith.addf %add3A_148, %mul3A_172 : vector<784x128xf32>
    %get3A_174 = arith.constant 5 : index
    %get3A_175 = arith.constant 1 : index
    %get3A_176 = memref.load %arg5[%get3A_174, %get3A_175] : memref<16x2xf32, #tpu.memory_space<smem>>
    %mul3A_177 = vector.broadcast %get3A_176 : f32 to vector<784x128xf32>
    %mul3A_178 = arith.mulf %max3A_167, %mul3A_177 : vector<784x128xf32>
    %add3A_179 = arith.addf %add3A_154, %mul3A_178 : vector<784x128xf32>
    %get3A_180 = arith.constant 0 : index
    %get3A_181 = arith.constant 6 : index
    %get3A_182 = memref.load %arg3[%get3A_180, %get3A_181] : memref<1x16xf32, #tpu.memory_space<smem>>
    %mul3A_183 = vector.broadcast %get3A_182 : f32 to vector<784x128xf32>
    %mul3A_184 = arith.mulf %mul3A_27, %mul3A_183 : vector<784x128xf32>
    %get3A_185 = arith.constant 0 : index
    %get3A_186 = arith.constant 6 : index
    %get3A_187 = memref.load %arg4[%get3A_185, %get3A_186] : memref<1x16xf32, #tpu.memory_space<smem>>
    %add3A_188 = vector.broadcast %get3A_187 : f32 to vector<784x128xf32>
    %add3A_189 = arith.addf %mul3A_184, %add3A_188 : vector<784x128xf32>
    %max3A_190 = arith.constant 0.000000e+00 : f32
    %max3A_191 = vector.broadcast %max3A_190 : f32 to vector<784x128xf32>
    %max3A_192 = arith.maximumf %add3A_189, %max3A_191 : vector<784x128xf32>
    %get3A_193 = arith.constant 6 : index
    %get3A_194 = arith.constant 0 : index
    %get3A_195 = memref.load %arg5[%get3A_193, %get3A_194] : memref<16x2xf32, #tpu.memory_space<smem>>
    %mul3A_196 = vector.broadcast %get3A_195 : f32 to vector<784x128xf32>
    %mul3A_197 = arith.mulf %max3A_192, %mul3A_196 : vector<784x128xf32>
    %add3A_198 = arith.addf %add3A_173, %mul3A_197 : vector<784x128xf32>
    %get3A_199 = arith.constant 6 : index
    %get3A_200 = arith.constant 1 : index
    %get3A_201 = memref.load %arg5[%get3A_199, %get3A_200] : memref<16x2xf32, #tpu.memory_space<smem>>
    %mul3A_202 = vector.broadcast %get3A_201 : f32 to vector<784x128xf32>
    %mul3A_203 = arith.mulf %max3A_192, %mul3A_202 : vector<784x128xf32>
    %add3A_204 = arith.addf %add3A_179, %mul3A_203 : vector<784x128xf32>
    %get3A_205 = arith.constant 0 : index
    %get3A_206 = arith.constant 7 : index
    %get3A_207 = memref.load %arg3[%get3A_205, %get3A_206] : memref<1x16xf32, #tpu.memory_space<smem>>
    %mul3A_208 = vector.broadcast %get3A_207 : f32 to vector<784x128xf32>
    %mul3A_209 = arith.mulf %mul3A_27, %mul3A_208 : vector<784x128xf32>
    %get3A_210 = arith.constant 0 : index
    %get3A_211 = arith.constant 7 : index
    %get3A_212 = memref.load %arg4[%get3A_210, %get3A_211] : memref<1x16xf32, #tpu.memory_space<smem>>
    %add3A_213 = vector.broadcast %get3A_212 : f32 to vector<784x128xf32>
    %add3A_214 = arith.addf %mul3A_209, %add3A_213 : vector<784x128xf32>
    %max3A_215 = arith.constant 0.000000e+00 : f32
    %max3A_216 = vector.broadcast %max3A_215 : f32 to vector<784x128xf32>
    %max3A_217 = arith.maximumf %add3A_214, %max3A_216 : vector<784x128xf32>
    %get3A_218 = arith.constant 7 : index
    %get3A_219 = arith.constant 0 : index
    %get3A_220 = memref.load %arg5[%get3A_218, %get3A_219] : memref<16x2xf32, #tpu.memory_space<smem>>
    %mul3A_221 = vector.broadcast %get3A_220 : f32 to vector<784x128xf32>
    %mul3A_222 = arith.mulf %max3A_217, %mul3A_221 : vector<784x128xf32>
    %add3A_223 = arith.addf %add3A_198, %mul3A_222 : vector<784x128xf32>
    %get3A_224 = arith.constant 7 : index
    %get3A_225 = arith.constant 1 : index
    %get3A_226 = memref.load %arg5[%get3A_224, %get3A_225] : memref<16x2xf32, #tpu.memory_space<smem>>
    %mul3A_227 = vector.broadcast %get3A_226 : f32 to vector<784x128xf32>
    %mul3A_228 = arith.mulf %max3A_217, %mul3A_227 : vector<784x128xf32>
    %add3A_229 = arith.addf %add3A_204, %mul3A_228 : vector<784x128xf32>
    %get3A_230 = arith.constant 0 : index
    %get3A_231 = arith.constant 8 : index
    %get3A_232 = memref.load %arg3[%get3A_230, %get3A_231] : memref<1x16xf32, #tpu.memory_space<smem>>
    %mul3A_233 = vector.broadcast %get3A_232 : f32 to vector<784x128xf32>
    %mul3A_234 = arith.mulf %mul3A_27, %mul3A_233 : vector<784x128xf32>
    %get3A_235 = arith.constant 0 : index
    %get3A_236 = arith.constant 8 : index
    %get3A_237 = memref.load %arg4[%get3A_235, %get3A_236] : memref<1x16xf32, #tpu.memory_space<smem>>
    %add3A_238 = vector.broadcast %get3A_237 : f32 to vector<784x128xf32>
    %add3A_239 = arith.addf %mul3A_234, %add3A_238 : vector<784x128xf32>
    %max3A_240 = arith.constant 0.000000e+00 : f32
    %max3A_241 = vector.broadcast %max3A_240 : f32 to vector<784x128xf32>
    %max3A_242 = arith.maximumf %add3A_239, %max3A_241 : vector<784x128xf32>
    %get3A_243 = arith.constant 8 : index
    %get3A_244 = arith.constant 0 : index
    %get3A_245 = memref.load %arg5[%get3A_243, %get3A_244] : memref<16x2xf32, #tpu.memory_space<smem>>
    %mul3A_246 = vector.broadcast %get3A_245 : f32 to vector<784x128xf32>
    %mul3A_247 = arith.mulf %max3A_242, %mul3A_246 : vector<784x128xf32>
    %add3A_248 = arith.addf %add3A_223, %mul3A_247 : vector<784x128xf32>
    %get3A_249 = arith.constant 8 : index
    %get3A_250 = arith.constant 1 : index
    %get3A_251 = memref.load %arg5[%get3A_249, %get3A_250] : memref<16x2xf32, #tpu.memory_space<smem>>
    %mul3A_252 = vector.broadcast %get3A_251 : f32 to vector<784x128xf32>
    %mul3A_253 = arith.mulf %max3A_242, %mul3A_252 : vector<784x128xf32>
    %add3A_254 = arith.addf %add3A_229, %mul3A_253 : vector<784x128xf32>
    %get3A_255 = arith.constant 0 : index
    %get3A_256 = arith.constant 9 : index
    %get3A_257 = memref.load %arg3[%get3A_255, %get3A_256] : memref<1x16xf32, #tpu.memory_space<smem>>
    %mul3A_258 = vector.broadcast %get3A_257 : f32 to vector<784x128xf32>
    %mul3A_259 = arith.mulf %mul3A_27, %mul3A_258 : vector<784x128xf32>
    %get3A_260 = arith.constant 0 : index
    %get3A_261 = arith.constant 9 : index
    %get3A_262 = memref.load %arg4[%get3A_260, %get3A_261] : memref<1x16xf32, #tpu.memory_space<smem>>
    %add3A_263 = vector.broadcast %get3A_262 : f32 to vector<784x128xf32>
    %add3A_264 = arith.addf %mul3A_259, %add3A_263 : vector<784x128xf32>
    %max3A_265 = arith.constant 0.000000e+00 : f32
    %max3A_266 = vector.broadcast %max3A_265 : f32 to vector<784x128xf32>
    %max3A_267 = arith.maximumf %add3A_264, %max3A_266 : vector<784x128xf32>
    %get3A_268 = arith.constant 9 : index
    %get3A_269 = arith.constant 0 : index
    %get3A_270 = memref.load %arg5[%get3A_268, %get3A_269] : memref<16x2xf32, #tpu.memory_space<smem>>
    %mul3A_271 = vector.broadcast %get3A_270 : f32 to vector<784x128xf32>
    %mul3A_272 = arith.mulf %max3A_267, %mul3A_271 : vector<784x128xf32>
    %add3A_273 = arith.addf %add3A_248, %mul3A_272 : vector<784x128xf32>
    %get3A_274 = arith.constant 9 : index
    %get3A_275 = arith.constant 1 : index
    %get3A_276 = memref.load %arg5[%get3A_274, %get3A_275] : memref<16x2xf32, #tpu.memory_space<smem>>
    %mul3A_277 = vector.broadcast %get3A_276 : f32 to vector<784x128xf32>
    %mul3A_278 = arith.mulf %max3A_267, %mul3A_277 : vector<784x128xf32>
    %add3A_279 = arith.addf %add3A_254, %mul3A_278 : vector<784x128xf32>
    %get3A_280 = arith.constant 0 : index
    %get3A_281 = arith.constant 10 : index
    %get3A_282 = memref.load %arg3[%get3A_280, %get3A_281] : memref<1x16xf32, #tpu.memory_space<smem>>
    %mul3A_283 = vector.broadcast %get3A_282 : f32 to vector<784x128xf32>
    %mul3A_284 = arith.mulf %mul3A_27, %mul3A_283 : vector<784x128xf32>
    %get3A_285 = arith.constant 0 : index
    %get3A_286 = arith.constant 10 : index
    %get3A_287 = memref.load %arg4[%get3A_285, %get3A_286] : memref<1x16xf32, #tpu.memory_space<smem>>
    %add3A_288 = vector.broadcast %get3A_287 : f32 to vector<784x128xf32>
    %add3A_289 = arith.addf %mul3A_284, %add3A_288 : vector<784x128xf32>
    %max3A_290 = arith.constant 0.000000e+00 : f32
    %max3A_291 = vector.broadcast %max3A_290 : f32 to vector<784x128xf32>
    %max3A_292 = arith.maximumf %add3A_289, %max3A_291 : vector<784x128xf32>
    %get3A_293 = arith.constant 10 : index
    %get3A_294 = arith.constant 0 : index
    %get3A_295 = memref.load %arg5[%get3A_293, %get3A_294] : memref<16x2xf32, #tpu.memory_space<smem>>
    %mul3A_296 = vector.broadcast %get3A_295 : f32 to vector<784x128xf32>
    %mul3A_297 = arith.mulf %max3A_292, %mul3A_296 : vector<784x128xf32>
    %add3A_298 = arith.addf %add3A_273, %mul3A_297 : vector<784x128xf32>
    %get3A_299 = arith.constant 10 : index
    %get3A_300 = arith.constant 1 : index
    %get3A_301 = memref.load %arg5[%get3A_299, %get3A_300] : memref<16x2xf32, #tpu.memory_space<smem>>
    %mul3A_302 = vector.broadcast %get3A_301 : f32 to vector<784x128xf32>
    %mul3A_303 = arith.mulf %max3A_292, %mul3A_302 : vector<784x128xf32>
    %add3A_304 = arith.addf %add3A_279, %mul3A_303 : vector<784x128xf32>
    %get3A_305 = arith.constant 0 : index
    %get3A_306 = arith.constant 11 : index
    %get3A_307 = memref.load %arg3[%get3A_305, %get3A_306] : memref<1x16xf32, #tpu.memory_space<smem>>
    %mul3A_308 = vector.broadcast %get3A_307 : f32 to vector<784x128xf32>
    %mul3A_309 = arith.mulf %mul3A_27, %mul3A_308 : vector<784x128xf32>
    %get3A_310 = arith.constant 0 : index
    %get3A_311 = arith.constant 11 : index
    %get3A_312 = memref.load %arg4[%get3A_310, %get3A_311] : memref<1x16xf32, #tpu.memory_space<smem>>
    %add3A_313 = vector.broadcast %get3A_312 : f32 to vector<784x128xf32>
    %add3A_314 = arith.addf %mul3A_309, %add3A_313 : vector<784x128xf32>
    %max3A_315 = arith.constant 0.000000e+00 : f32
    %max3A_316 = vector.broadcast %max3A_315 : f32 to vector<784x128xf32>
    %max3A_317 = arith.maximumf %add3A_314, %max3A_316 : vector<784x128xf32>
    %get3A_318 = arith.constant 11 : index
    %get3A_319 = arith.constant 0 : index
    %get3A_320 = memref.load %arg5[%get3A_318, %get3A_319] : memref<16x2xf32, #tpu.memory_space<smem>>
    %mul3A_321 = vector.broadcast %get3A_320 : f32 to vector<784x128xf32>
    %mul3A_322 = arith.mulf %max3A_317, %mul3A_321 : vector<784x128xf32>
    %add3A_323 = arith.addf %add3A_298, %mul3A_322 : vector<784x128xf32>
    %get3A_324 = arith.constant 11 : index
    %get3A_325 = arith.constant 1 : index
    %get3A_326 = memref.load %arg5[%get3A_324, %get3A_325] : memref<16x2xf32, #tpu.memory_space<smem>>
    %mul3A_327 = vector.broadcast %get3A_326 : f32 to vector<784x128xf32>
    %mul3A_328 = arith.mulf %max3A_317, %mul3A_327 : vector<784x128xf32>
    %add3A_329 = arith.addf %add3A_304, %mul3A_328 : vector<784x128xf32>
    %get3A_330 = arith.constant 0 : index
    %get3A_331 = arith.constant 12 : index
    %get3A_332 = memref.load %arg3[%get3A_330, %get3A_331] : memref<1x16xf32, #tpu.memory_space<smem>>
    %mul3A_333 = vector.broadcast %get3A_332 : f32 to vector<784x128xf32>
    %mul3A_334 = arith.mulf %mul3A_27, %mul3A_333 : vector<784x128xf32>
    %get3A_335 = arith.constant 0 : index
    %get3A_336 = arith.constant 12 : index
    %get3A_337 = memref.load %arg4[%get3A_335, %get3A_336] : memref<1x16xf32, #tpu.memory_space<smem>>
    %add3A_338 = vector.broadcast %get3A_337 : f32 to vector<784x128xf32>
    %add3A_339 = arith.addf %mul3A_334, %add3A_338 : vector<784x128xf32>
    %max3A_340 = arith.constant 0.000000e+00 : f32
    %max3A_341 = vector.broadcast %max3A_340 : f32 to vector<784x128xf32>
    %max3A_342 = arith.maximumf %add3A_339, %max3A_341 : vector<784x128xf32>
    %get3A_343 = arith.constant 12 : index
    %get3A_344 = arith.constant 0 : index
    %get3A_345 = memref.load %arg5[%get3A_343, %get3A_344] : memref<16x2xf32, #tpu.memory_space<smem>>
    %mul3A_346 = vector.broadcast %get3A_345 : f32 to vector<784x128xf32>
    %mul3A_347 = arith.mulf %max3A_342, %mul3A_346 : vector<784x128xf32>
    %add3A_348 = arith.addf %add3A_323, %mul3A_347 : vector<784x128xf32>
    %get3A_349 = arith.constant 12 : index
    %get3A_350 = arith.constant 1 : index
    %get3A_351 = memref.load %arg5[%get3A_349, %get3A_350] : memref<16x2xf32, #tpu.memory_space<smem>>
    %mul3A_352 = vector.broadcast %get3A_351 : f32 to vector<784x128xf32>
    %mul3A_353 = arith.mulf %max3A_342, %mul3A_352 : vector<784x128xf32>
    %add3A_354 = arith.addf %add3A_329, %mul3A_353 : vector<784x128xf32>
    %get3A_355 = arith.constant 0 : index
    %get3A_356 = arith.constant 13 : index
    %get3A_357 = memref.load %arg3[%get3A_355, %get3A_356] : memref<1x16xf32, #tpu.memory_space<smem>>
    %mul3A_358 = vector.broadcast %get3A_357 : f32 to vector<784x128xf32>
    %mul3A_359 = arith.mulf %mul3A_27, %mul3A_358 : vector<784x128xf32>
    %get3A_360 = arith.constant 0 : index
    %get3A_361 = arith.constant 13 : index
    %get3A_362 = memref.load %arg4[%get3A_360, %get3A_361] : memref<1x16xf32, #tpu.memory_space<smem>>
    %add3A_363 = vector.broadcast %get3A_362 : f32 to vector<784x128xf32>
    %add3A_364 = arith.addf %mul3A_359, %add3A_363 : vector<784x128xf32>
    %max3A_365 = arith.constant 0.000000e+00 : f32
    %max3A_366 = vector.broadcast %max3A_365 : f32 to vector<784x128xf32>
    %max3A_367 = arith.maximumf %add3A_364, %max3A_366 : vector<784x128xf32>
    %get3A_368 = arith.constant 13 : index
    %get3A_369 = arith.constant 0 : index
    %get3A_370 = memref.load %arg5[%get3A_368, %get3A_369] : memref<16x2xf32, #tpu.memory_space<smem>>
    %mul3A_371 = vector.broadcast %get3A_370 : f32 to vector<784x128xf32>
    %mul3A_372 = arith.mulf %max3A_367, %mul3A_371 : vector<784x128xf32>
    %add3A_373 = arith.addf %add3A_348, %mul3A_372 : vector<784x128xf32>
    %get3A_374 = arith.constant 13 : index
    %get3A_375 = arith.constant 1 : index
    %get3A_376 = memref.load %arg5[%get3A_374, %get3A_375] : memref<16x2xf32, #tpu.memory_space<smem>>
    %mul3A_377 = vector.broadcast %get3A_376 : f32 to vector<784x128xf32>
    %mul3A_378 = arith.mulf %max3A_367, %mul3A_377 : vector<784x128xf32>
    %add3A_379 = arith.addf %add3A_354, %mul3A_378 : vector<784x128xf32>
    %get3A_380 = arith.constant 0 : index
    %get3A_381 = arith.constant 14 : index
    %get3A_382 = memref.load %arg3[%get3A_380, %get3A_381] : memref<1x16xf32, #tpu.memory_space<smem>>
    %mul3A_383 = vector.broadcast %get3A_382 : f32 to vector<784x128xf32>
    %mul3A_384 = arith.mulf %mul3A_27, %mul3A_383 : vector<784x128xf32>
    %get3A_385 = arith.constant 0 : index
    %get3A_386 = arith.constant 14 : index
    %get3A_387 = memref.load %arg4[%get3A_385, %get3A_386] : memref<1x16xf32, #tpu.memory_space<smem>>
    %add3A_388 = vector.broadcast %get3A_387 : f32 to vector<784x128xf32>
    %add3A_389 = arith.addf %mul3A_384, %add3A_388 : vector<784x128xf32>
    %max3A_390 = arith.constant 0.000000e+00 : f32
    %max3A_391 = vector.broadcast %max3A_390 : f32 to vector<784x128xf32>
    %max3A_392 = arith.maximumf %add3A_389, %max3A_391 : vector<784x128xf32>
    %get3A_393 = arith.constant 14 : index
    %get3A_394 = arith.constant 0 : index
    %get3A_395 = memref.load %arg5[%get3A_393, %get3A_394] : memref<16x2xf32, #tpu.memory_space<smem>>
    %mul3A_396 = vector.broadcast %get3A_395 : f32 to vector<784x128xf32>
    %mul3A_397 = arith.mulf %max3A_392, %mul3A_396 : vector<784x128xf32>
    %add3A_398 = arith.addf %add3A_373, %mul3A_397 : vector<784x128xf32>
    %get3A_399 = arith.constant 14 : index
    %get3A_400 = arith.constant 1 : index
    %get3A_401 = memref.load %arg5[%get3A_399, %get3A_400] : memref<16x2xf32, #tpu.memory_space<smem>>
    %mul3A_402 = vector.broadcast %get3A_401 : f32 to vector<784x128xf32>
    %mul3A_403 = arith.mulf %max3A_392, %mul3A_402 : vector<784x128xf32>
    %add3A_404 = arith.addf %add3A_379, %mul3A_403 : vector<784x128xf32>
    %get3A_405 = arith.constant 0 : index
    %get3A_406 = arith.constant 15 : index
    %get3A_407 = memref.load %arg3[%get3A_405, %get3A_406] : memref<1x16xf32, #tpu.memory_space<smem>>
    %mul3A_408 = vector.broadcast %get3A_407 : f32 to vector<784x128xf32>
    %mul3A_409 = arith.mulf %mul3A_27, %mul3A_408 : vector<784x128xf32>
    %get3A_410 = arith.constant 0 : index
    %get3A_411 = arith.constant 15 : index
    %get3A_412 = memref.load %arg4[%get3A_410, %get3A_411] : memref<1x16xf32, #tpu.memory_space<smem>>
    %add3A_413 = vector.broadcast %get3A_412 : f32 to vector<784x128xf32>
    %add3A_414 = arith.addf %mul3A_409, %add3A_413 : vector<784x128xf32>
    %max3A_415 = arith.constant 0.000000e+00 : f32
    %max3A_416 = vector.broadcast %max3A_415 : f32 to vector<784x128xf32>
    %max3A_417 = arith.maximumf %add3A_414, %max3A_416 : vector<784x128xf32>
    %get3A_418 = arith.constant 15 : index
    %get3A_419 = arith.constant 0 : index
    %get3A_420 = memref.load %arg5[%get3A_418, %get3A_419] : memref<16x2xf32, #tpu.memory_space<smem>>
    %mul3A_421 = vector.broadcast %get3A_420 : f32 to vector<784x128xf32>
    %mul3A_422 = arith.mulf %max3A_417, %mul3A_421 : vector<784x128xf32>
    %add3A_423 = arith.addf %add3A_398, %mul3A_422 : vector<784x128xf32>
    %get3A_424 = arith.constant 15 : index
    %get3A_425 = arith.constant 1 : index
    %get3A_426 = memref.load %arg5[%get3A_424, %get3A_425] : memref<16x2xf32, #tpu.memory_space<smem>>
    %mul3A_427 = vector.broadcast %get3A_426 : f32 to vector<784x128xf32>
    %mul3A_428 = arith.mulf %max3A_417, %mul3A_427 : vector<784x128xf32>
    %add3A_429 = arith.addf %add3A_404, %mul3A_428 : vector<784x128xf32>
    %mul3A_430 = arith.mulf %rsqrt3A, %add3A_423 : vector<784x128xf32>
    %mul3A_431 = arith.mulf %rsqrt3A, %add3A_429 : vector<784x128xf32>
    %swap3A = arith.constant 0 : index
    %swap3A_432 = arith.constant 0 : index
    %swap3A_433 = vector.load %arg6[%swap3A, %swap3A_432] : memref<784x128xf32, #tpu.memory_space<vmem>>, vector<784x128xf32>
    tpu.vector_store %arg6[%swap3A, %swap3A_432], %mul3A_430 {strides = array<i32>} : memref<784x128xf32, #tpu.memory_space<vmem>>, vector<784x128xf32>,
    %swap3A_434 = arith.constant 0 : index
    %swap3A_435 = arith.constant 0 : index
    %swap3A_436 = vector.load %arg7[%swap3A_434, %swap3A_435] : memref<784x128xf32, #tpu.memory_space<vmem>>, vector<784x128xf32>
    tpu.vector_store %arg7[%swap3A_434, %swap3A_435], %mul3A_431 {strides = array<i32>} : memref<784x128xf32, #tpu.memory_space<vmem>>, vector<784x128xf32>,
    %swap3A_437 = arith.constant 0 : index
    %swap3A_438 = arith.constant 0 : index
    %swap3A_439 = vector.load %arg8[%swap3A_437, %swap3A_438] : memref<784x128xf32, #tpu.memory_space<vmem>>, vector<784x128xf32>
    tpu.vector_store %arg8[%swap3A_437, %swap3A_438], %rsqrt3A {strides = array<i32>} : memref<784x128xf32, #tpu.memory_space<vmem>>, vector<784x128xf32>,
    %convert_element_type3A = arith.truncf %mul3A_430 : vector<784x128xf32> to vector<784x128xbf16>
    %bitcast_convert_type3A = tpu.bitcast %convert_element_type3A : vector<784x128xbf16> -> vector<784x128xi16>
    %convert_element_type3A_440 = arith.truncf %mul3A_431 : vector<784x128xf32> to vector<784x128xbf16>
    %bitcast_convert_type3A_441 = tpu.bitcast %convert_element_type3A_440 : vector<784x128xbf16> -> vector<784x128xi16>
    %convert_element_type3A_442 = arith.extui %bitcast_convert_type3A : vector<784x128xi16> to vector<784x128xi32>
    %shift_left3A = arith.constant 16 : i32
    %shift_left3A_443 = vector.broadcast %shift_left3A : i32 to vector<784x128xi32>
    %shift_left3A_444 = arith.shli %convert_element_type3A_442, %shift_left3A_443 : vector<784x128xi32>
    %convert_element_type3A_445 = arith.extui %bitcast_convert_type3A_441 : vector<784x128xi16> to vector<784x128xi32>
    %or3A = arith.ori %shift_left3A_444, %convert_element_type3A_445 : vector<784x128xi32>
    %bitcast_convert_type3A_446 = tpu.bitcast %or3A : vector<784x128xi32> -> vector<784x128xf32>
    %swap3A_447 = arith.constant 0 : index
    %swap3A_448 = arith.constant 0 : index
    %swap3A_449 = vector.load %arg9[%swap3A_447, %swap3A_448] : memref<784x128xf32, #tpu.memory_space<vmem>>, vector<784x128xf32>
    tpu.vector_store %arg9[%swap3A_447, %swap3A_448], %bitcast_convert_type3A_446 {strides = array<i32>} : memref<784x128xf32, #tpu.memory_space<vmem>>, vector<784x128xf32>,
    return
  }
}

module attributes {stable_mosaic.version = 14 : i64} {
  func.func @body(%arg0: memref<2x784x128xf32, #tpu.memory_space<vmem>>, %arg1: memref<2x784x128xf32, #tpu.memory_space<vmem>>, %arg2: memref<784x128xf32, #tpu.memory_space<vmem>>, %arg3: memref<784x128xf32, #tpu.memory_space<vmem>>, %arg4: memref<784x128xf32, #tpu.memory_space<vmem>>, %arg5: memref<1x2xf32, #tpu.memory_space<smem>>, %arg6: memref<784x128xf32, #tpu.memory_space<vmem>>, %arg7: memref<784x128xf32, #tpu.memory_space<vmem>>) attributes {dimension_semantics = [], scalar_prefetch = 0 : i64, scratch_operands = 0 : i64, tpu.core_type = #tpu.core_type<tc>} {
    %get3A = arith.constant 0 : index
    %get3A_0 = arith.constant 0 : index
    %get3A_1 = vector.load %arg4[%get3A, %get3A_0] : memref<784x128xf32, #tpu.memory_space<vmem>>, vector<784x128xf32>
    %get3A_2 = arith.constant 0 : index
    %get3A_3 = arith.constant 0 : index
    %get3A_4 = arith.constant 0 : index
    %get3A_5 = vector.load %arg0[%get3A_2, %get3A_3, %get3A_4] : memref<2x784x128xf32, #tpu.memory_space<vmem>>, vector<1x784x128xf32>
    %get3A_6 = vector.shape_cast %get3A_5 : vector<1x784x128xf32> to vector<784x128xf32>
    %get3A_7 = arith.constant 1 : index
    %get3A_8 = arith.constant 0 : index
    %get3A_9 = arith.constant 0 : index
    %get3A_10 = vector.load %arg0[%get3A_7, %get3A_8, %get3A_9] : memref<2x784x128xf32, #tpu.memory_space<vmem>>, vector<1x784x128xf32>
    %get3A_11 = vector.shape_cast %get3A_10 : vector<1x784x128xf32> to vector<784x128xf32>
    %add3A = arith.addf %get3A_6, %get3A_11 : vector<784x128xf32>
    %get3A_12 = arith.constant 0 : index
    %get3A_13 = arith.constant 0 : index
    %get3A_14 = vector.load %arg2[%get3A_12, %get3A_13] : memref<784x128xf32, #tpu.memory_space<vmem>>, vector<784x128xf32>
    %add3A_15 = arith.addf %add3A, %get3A_14 : vector<784x128xf32>
    %mul3A = arith.mulf %get3A_1, %add3A_15 : vector<784x128xf32>
    %get3A_16 = arith.constant 0 : index
    %get3A_17 = arith.constant 0 : index
    %get3A_18 = memref.load %arg5[%get3A_16, %get3A_17] : memref<1x2xf32, #tpu.memory_space<smem>>
    %add3A_19 = vector.broadcast %get3A_18 : f32 to vector<784x128xf32>
    %add3A_20 = arith.addf %mul3A, %add3A_19 : vector<784x128xf32>
    %get3A_21 = arith.constant 0 : index
    %get3A_22 = arith.constant 0 : index
    %get3A_23 = arith.constant 0 : index
    %get3A_24 = vector.load %arg1[%get3A_21, %get3A_22, %get3A_23] : memref<2x784x128xf32, #tpu.memory_space<vmem>>, vector<1x784x128xf32>
    %get3A_25 = vector.shape_cast %get3A_24 : vector<1x784x128xf32> to vector<784x128xf32>
    %get3A_26 = arith.constant 1 : index
    %get3A_27 = arith.constant 0 : index
    %get3A_28 = arith.constant 0 : index
    %get3A_29 = vector.load %arg1[%get3A_26, %get3A_27, %get3A_28] : memref<2x784x128xf32, #tpu.memory_space<vmem>>, vector<1x784x128xf32>
    %get3A_30 = vector.shape_cast %get3A_29 : vector<1x784x128xf32> to vector<784x128xf32>
    %add3A_31 = arith.addf %get3A_25, %get3A_30 : vector<784x128xf32>
    %get3A_32 = arith.constant 0 : index
    %get3A_33 = arith.constant 0 : index
    %get3A_34 = vector.load %arg3[%get3A_32, %get3A_33] : memref<784x128xf32, #tpu.memory_space<vmem>>, vector<784x128xf32>
    %add3A_35 = arith.addf %add3A_31, %get3A_34 : vector<784x128xf32>
    %mul3A_36 = arith.mulf %get3A_1, %add3A_35 : vector<784x128xf32>
    %get3A_37 = arith.constant 0 : index
    %get3A_38 = arith.constant 1 : index
    %get3A_39 = memref.load %arg5[%get3A_37, %get3A_38] : memref<1x2xf32, #tpu.memory_space<smem>>
    %add3A_40 = vector.broadcast %get3A_39 : f32 to vector<784x128xf32>
    %add3A_41 = arith.addf %mul3A_36, %add3A_40 : vector<784x128xf32>
    %max3A = arith.maximumf %add3A_20, %add3A_41 : vector<784x128xf32>
    %sub3A = arith.subf %add3A_20, %max3A : vector<784x128xf32>
    %exp3A = math.exp %sub3A : vector<784x128xf32>
    %sub3A_42 = arith.subf %add3A_41, %max3A : vector<784x128xf32>
    %exp3A_43 = math.exp %sub3A_42 : vector<784x128xf32>
    %add3A_44 = arith.addf %exp3A, %exp3A_43 : vector<784x128xf32>
    %log3A = math.log %add3A_44 : vector<784x128xf32>
    %add3A_45 = arith.addf %max3A, %log3A : vector<784x128xf32>
    %sub3A_46 = arith.subf %add3A_20, %add3A_45 : vector<784x128xf32>
    %swap3A = arith.constant 0 : index
    %swap3A_47 = arith.constant 0 : index
    %swap3A_48 = vector.load %arg6[%swap3A, %swap3A_47] : memref<784x128xf32, #tpu.memory_space<vmem>>, vector<784x128xf32>
    tpu.vector_store %arg6[%swap3A, %swap3A_47], %sub3A_46 {strides = array<i32>} : memref<784x128xf32, #tpu.memory_space<vmem>>, vector<784x128xf32>,
    %sub3A_49 = arith.subf %add3A_41, %add3A_45 : vector<784x128xf32>
    %swap3A_50 = arith.constant 0 : index
    %swap3A_51 = arith.constant 0 : index
    %swap3A_52 = vector.load %arg7[%swap3A_50, %swap3A_51] : memref<784x128xf32, #tpu.memory_space<vmem>>, vector<784x128xf32>
    tpu.vector_store %arg7[%swap3A_50, %swap3A_51], %sub3A_49 {strides = array<i32>} : memref<784x128xf32, #tpu.memory_space<vmem>>, vector<784x128xf32>,
    return
  }
}

</mosaic_0001>

<sc_bundles>
// kernel: kernel.10.cloned.1.call-start
scs
__scs_entry_jumppad:
0x0: {  	(pc) =	sbr.rel $0x88, $3  }
0x1: {  	(tag) =	ssettag $0x0;
	lr =	simm.s32 $0x1  }
0x2: {  	[smem:$0x3F9B] =	sst lr;
	_ =	strace $0xD0000000  }
0x3: {  	_ = 	snop  }
0x4: {  	_ = 	snop  }
0x5: {  	_ = 	snop  }
0x6: {  	_ = 	snop  }
0x7: {  	_ = 	snop  }
__scs_overlays_trampoline_lowered:
0x8: {  	[smem:$0x3FAA] =	sst s0  }
0x9: {  	[smem:$0x3FAB] =	sst s1  }
0xa: {  	[smem:$0x3FAC] =	sst s2  }
0xb: {  	[smem:$0x3FAD] =	sst s3  }
0xc: {  	[smem:$0x3FAE] =	sst s4  }
0xd: {  	[smem:$0x3FAF] =	sst s5  }
0xe: {  	[smem:$0x3FB0] =	sst s6  }
0xf: {  	[smem:$0x3FB1] =	sst s7  }
0x10: {  	[smem:$0x3FB2] =	sst s8  }
0x11: {  	[smem:$0x3FB3] =	sst s9;
	s0 =	simm.s32 @!p0 $0x0  }
0x12: {  	s1 =	sld [smem:$0x3F99];
	s0 =	simm.s32 @p0 $0x1  }
0x13: {  	[smem:$0x3FB4] =	sst s0;
	s0 =	simm.s32 @!p1 $0x0  }
0x14: {  	s2 =	sld [smem:$0x3F98];
	s0 =	simm.s32 @p1 $0x1  }
0x15: {  	[smem:$0x3FB5] =	sst s0;
	s0 =	simm.s32 @!p2 $0x0  }
0x16: {  	s3 =	sld [smem:$0x3FDB];
	s0 =	simm.s32 @p2 $0x1  }
0x17: {  	s4 =	simm.s32 $0x1BF5;
	[smem:$0x3FB7] =	sst s0  }
0x18: {  	s0 =	sld [smem:$0x3F9A];
	_ =	swait.ge [sflag:s4], $0x0  }
0x19: {  	s7 =	sld [smem:$0x3F9B]  }
0x1a: {  	s8 =	sadd.s32 $0xFFFFE003, lr  }
0x1b: {  	s9 =	sadd.s32 $0xFFFFFEF7, lr;
	s5 =	simm.s32 $0xFFFFFFFF;
	p2 =	slt.u32 s8, $0xFFFFF086  }
0x1c: {  	p1 =	slt.u32 s9, $0xF7A;
	s5 =	simm.s32 @!p2 $0x0  }
0x1d: {  	s5 =	simm.s32 @p1 $0x1;
	p0 =	seq.s32 s7, s2  }
0x1e: {  	s7 =	smul.u32 @!p0 $0xF7A, s2;
	p2 =	seq.s32 @!p0 s5, $0x0  }
0x1f: {  	s9 =	smul.u32 $0xF7A, s1;
	s8 =	simm.s32 @!p0 $0x1BF5;
	p2 =	por !p2, p0  }
0x20: {  	[sflag:s8] =	ssyncset.s32 @!p0 $0xFFFFF086;
	s6 =	sadd.s32 @!p0 s3, s7;
	s7 =	simm.s32 @!p0 $0x108  }
0x21: {  	s3 =	sadd.s32 s3, s9;
	s6 =	sadd.s32 @!p0 $0x88, s6;
	s7 =	simm.s32 @p2 $0x1082  }
0x22: {  	[simem:s7], [sflag:s8] =	dma.local @!p0 [hbm:s6], $0xF7A  }
0x23: {  	s9 =	sor.u32 $0xD0000000, s2;
	s6 =	simm.s32 $0x108;
	_ =	swait.ge @!p0 [sflag:s8], $0x0  }
0x24: {  	s3 =	sadd.s32 $0x88, s3;
	s6 =	simm.s32 @!p1 $0x1082;
	[sflag:s4] =	ssyncset.s32 $0xFFFFF086  }
0x25: {  	[simem:s6], [sflag:s4] =	dma.local [hbm:s3], $0xF7A  }
0x26: {  	[smem:$0x3F9B] =	sst s1;
	(tag) =	ssettag s2;
	_ =	strace s9  }
0x27: {  	s1 =	sld [smem:$0x3FAB]  }
0x28: {  	s2 =	sld [smem:$0x3FAC]  }
0x29: {  	s4 =	sld [smem:$0x3FAE]  }
0x2a: {  	p0 =	seq.s32 s5, $0x0;
	s5 =	sld [smem:$0x3FAF]  }
0x2b: {  	s6 =	sld [smem:$0x3FB0]  }
0x2c: {  	s7 =	sld [smem:$0x3FB1]  }
0x2d: {  	s3 =	simm.s32 $0x108;
	s8 =	sld [smem:$0x3FB2]  }
0x2e: {  	s3 =	simm.s32 @!p0 $0x1082;
	s9 =	sld [smem:$0x3FB3]  }
0x2f: {  	lr =	sadd.s32 s0, s3;
	s0 =	sld [smem:$0x3FAA]  }
0x30: {  	s3 =	sld [smem:$0x3FAD]  }
0x31: {  	[smem:$0x3FB6] =	sst s10  }
0x32: {  	s10 =	sld [smem:$0x3FB4];
	_ =	sdelay $0x3  }
0x33: {  	p0 =	seq.s32 s10, $0x1;
	s10 =	sld [smem:$0x3FB6];
	_ =	sdelay $0x3  }
0x34: {  	[smem:$0x3FB6] =	sst s10  }
0x35: {  	s10 =	sld [smem:$0x3FB5];
	_ =	sdelay $0x3  }
0x36: {  	p1 =	seq.s32 s10, $0x1;
	s10 =	sld [smem:$0x3FB6];
	_ =	sdelay $0x3  }
0x37: {  	[smem:$0x3FB6] =	sst s10  }
0x38: {  	s10 =	sld [smem:$0x3FB7]  }
0x39: {  	_ = 	snop;
	(pc) =	sbr.ind lr, $3  }
0x3a: {  	_ = 	snop  }
0x3b: {  	_ = 	snop  }
0x3c: {  	p2 =	seq.s32 s10, $0x1;
	s10 =	sld [smem:$0x3FB6]  }
0x3d: {  	_ =	shalt  }
0x3e: {  	_ =	shalt  }
0x3f: {  	_ =	shalt  }
0x40: {  	_ =	shalt  }
0x41: {  	_ =	shalt  }
0x42: {  	_ =	shalt  }
0x43: {  	_ =	shalt  }
0x44: {  	_ =	shalt  }
0x45: {  	_ =	shalt  }
0x46: {  	_ =	shalt  }
0x47: {  	_ =	shalt  }
0x48: {  	_ =	shalt  }
0x49: {  	_ =	shalt  }
0x4a: {  	_ =	shalt  }
0x4b: {  	_ =	shalt  }
0x4c: {  	_ =	shalt  }
0x4d: {  	_ =	shalt  }
0x4e: {  	_ =	shalt  }
0x4f: {  	_ =	shalt  }
0x50: {  	_ =	shalt  }
0x51: {  	_ =	shalt  }
0x52: {  	_ =	shalt  }
0x53: {  	_ =	shalt  }
0x54: {  	_ =	shalt  }
0x55: {  	_ =	shalt  }
0x56: {  	_ =	shalt  }
0x57: {  	_ =	shalt  }
0x58: {  	_ =	shalt  }
0x59: {  	_ =	shalt  }
0x5a: {  	_ =	shalt  }
0x5b: {  	_ =	shalt  }
0x5c: {  	_ =	shalt  }
0x5d: {  	_ =	shalt  }
0x5e: {  	_ =	shalt  }
0x5f: {  	_ =	shalt  }
0x60: {  	_ =	shalt  }
0x61: {  	_ =	shalt  }
0x62: {  	_ =	shalt  }
0x63: {  	_ =	shalt  }
0x64: {  	_ =	shalt  }
0x65: {  	_ =	shalt  }
0x66: {  	_ =	shalt  }
0x67: {  	_ =	shalt  }
0x68: {  	_ =	shalt  }
0x69: {  	_ =	shalt  }
0x6a: {  	_ =	shalt  }
0x6b: {  	_ =	shalt  }
0x6c: {  	_ =	shalt  }
0x6d: {  	_ =	shalt  }
0x6e: {  	_ =	shalt  }
0x6f: {  	_ =	shalt  }
0x70: {  	_ =	shalt  }
0x71: {  	_ =	shalt  }
0x72: {  	_ =	shalt  }
0x73: {  	_ =	shalt  }
0x74: {  	_ =	shalt  }
0x75: {  	_ =	shalt  }
0x76: {  	_ =	shalt  }
0x77: {  	_ =	shalt  }
0x78: {  	_ =	shalt  }
0x79: {  	_ =	shalt  }
0x7a: {  	_ =	shalt  }
0x7b: {  	_ =	shalt  }
0x7c: {  	_ =	shalt  }
0x7d: {  	_ =	shalt  }
0x7e: {  	_ =	shalt  }
0x7f: {  	_ =	shalt  }
0x80: {  	_ =	shalt  }
0x81: {  	_ =	shalt  }
0x82: {  	_ =	shalt  }
0x83: {  	_ =	shalt  }
0x84: {  	_ =	shalt  }
0x85: {  	_ =	shalt  }
0x86: {  	_ =	shalt  }
0x87: {  	_ =	shalt  }
.Lfunc_end0:
.L_simem_size_0:
called_computation.1_lowered:
.L_overlay_start_0:
0x88: {  	s2 =	sld [smem:$0x3FD9]  }
0x89: {  	s3 =	sld [smem:$0x3FFE];
	_ =	sdelay $0x1  }
0x8a: {  	s1 =	srdreg.scid  }
0x8b: {  	s0 =	sand.u32 $0x1, s1  }
0x8c: {  	s17 =	sshll.u32 s0, $0xA;
	s2 =	sadd.s32 s3, s2  }
0x8d: {  	s2 =	sadd.s32 s2, s17  }
0x8e: {  	[smem:$0x3FC2] =	sst s2  }
0x8f: {  	_ = 	snop  }
0x90: {  	s2 =	sld [smem:$0x3FD0];
	(tm) =	ssettm $0x1  }
0x91: {  	s18 =	sld [smem:$0x3FFB];
	_ =	sdelay $0x3  }
0x92: {  	_ =	strace s18  }
0x93: {  	s3 =	sld [smem:$0x3FFC];
	_ =	sdelay $0x3  }
0x94: {  	_ =	strace s3  }
0x95: {  	s3 =	sld [smem:$0x3FFD];
	_ =	sdelay $0x3  }
0x96: {  	_ =	strace s3  }
0x97: {  	_ =	strace $0x8FFFFFFF  }
0x98: {  	s19 =	sld [smem:$0x3FDB];
	_ =	sdelay $0x1  }
0x99: {  	s4 =	simm.s32 $_scs_section_size  }
0x9a: {  	s5 =	simm.s32 $_size__tile_overlayer_lowered;
	s6 =	simm.s32 $_tile_overlayer_lowered  }
0x9b: {  	s22 =	simm.s32 $0x1BFF;
	s21 =	sshll.u32 s6, $0x1;
	s3 =	sadd.s32 s4, s19  }
0x9c: {  	s7 =	simm.s32 $0x0;
	s20 =	sshll.u32 s5, $0x1;
	s5 =	sadd.s32 s21, s3  }
0x9d: {  	[timem:s7], [sflag:s22] =	dma.local [hbm:s5], s20  }
0x9e: {  	_ =	swait.ge [sflag:s22], s20  }
0x9f: {  	s4 =	ssub.s32 $0x0, s20;
	[sflag:s22] =	ssyncset.done $0x0  }
0xa0: {  	[sflag:s22] =	ssyncadd.s32 s4;
	_ =	sdelay $0x1  }
0xa1: {  	s23 =	simm.s32 $0x1B8B  }
0xa2: {  	_ =	swait.ge [sflag:s23], $0x1  }
0xa3: {  	[sflag:s23] =	ssyncset.done $0x0  }
0xa4: {  	s25 =	simm.s32 $0x1B8E;
	s24 =	sld [smem:$0x3FFE];
	[sflag:s23] =	ssyncadd.s32 $0xFFFFFFFF  }
0xa5: {  	s26 =	simm.s32 $execute0_lowered;
	[smem:$0x3FD2] =	sst s25  }
0xa6: {  	s5 =	sshll.u32 s26, $0x1;
	_ =	strace $0x80000049;
	[dreg:$0x1] =	wrdreg $0xFFFFFFFF  }
0xa7: {  	s28 =	simm.s32 $_size_execute0_lowered;
	s3 =	sadd.s32 s3, s5;
	[dreg:$0x0] =	wrdreg $0x0  }
0xa8: {  	s5 =	sshll.u32 s28, $0x1;
	[dreg:$0x2] =	wrdreg s3  }
0xa9: {  	[dreg:$0x3] =	wrdreg s5  }
0xaa: {  	[dreg:$0x4] =	wrdreg $0xC0  }
0xab: {  	_ =	task [dreg:s7], $0x5FFFF  }
0xac: {  	[dreg:$0x1] =	wrdreg $0xFFFFFFFF  }
0xad: {  	[dreg:$0x0] =	wrdreg $0x60  }
0xae: {  	[dreg:$0x2] =	wrdreg s24  }
0xaf: {  	[dreg:$0x3] =	wrdreg s2  }
0xb0: {  	[dreg:$0x4] =	wrdreg $0xA8000  }
0xb1: {  	[dreg:$0x5] =	wrdreg $0xC0800  }
0xb2: {  	[dreg:$0x6] =	wrdreg $0x9  }
0xb3: {  	_ =	task.clear_ibuf [dreg:s7], $0x7FFFF;
	_ =	strace $0x90000049  }
0xb4: {  	s29 =	simm.s32 $0x9;
	_ =	strace $0x8000004B  }
0xb5: {  	_ =	swait.ge [sflag:s29], $0x1  }
0xb6: {  	[sflag:s29] =	ssyncadd.s32 $0xFFFFFFFF  }
0xb7: {  	_ =	strace $0x9000004B  }
0xb8: {  	_ =	sfence  }
0xb9: {  	s30 =	sld [smem:$0x0];
	_ =	sdelay $0x2  }
0xba: {  	s31 =	sshll.u32 s1, $0xD;
	s1 =	sshrl.u32 s1, $0x2  }
0xbb: {  	s3 =	sand.u32 $0x4000, s31;
	s1 =	sadd.s32 s1, s30  }
0xbc: {  	s0 =	sor.u32 s3, s0;
	s1 =	sshll.u32 s1, $0x11  }
0xbd: {  	s0 =	sor.u32 s1, s0  }
0xbe: {  	s0 =	sadd.s32 $0x8F2B, s0  }
0xbf: {  	[sflag:s0] =	ssyncadd.remote.s32 $0x1  }
0xc0: {  	_ =	sfence.sel $0xFFFF  }
0xc1: {  	[dreg:$0x0] =	wrdreg $0xFFFFFFFF;
	(pc) =	sbr.abs _section_cstart, $3  }
0xc2: {  	[dreg:$0x1] =	wrdreg $0xFFFFFFFF  }
0xc3: {  	_ =	task.clear_ibuf [dreg:s7], $0x2FFFF;
	_ =	strace $0x9FFFFFFF  }
0xc4: {  	(tm) =	ssettm $0x7FFFFFFF  }
0xc5: {  	_ =	shalt  }
tec
execute0_lowered:
.L_overlay_start_1:
0x0: {  	(tag) =	ssettag $0x1  }
0x1: {  	s1 =	rddreg [dreg:$0x0]  }
0x2: {  	s5 =	rddreg [dreg:$0x1]  }
0x3: {  	s2 =	rddreg [dreg:$0x2]  }
0x4: {  	s3 =	rddreg [dreg:$0x3];
	s4 =	simm.s32 $0x0;
	s15 =	stileid.u32  }
0x5: {  	s9 =	srdreg.scid;
	s29 =	simm.s32 $0x11;
	s28 =	simm.s32 $0x15  }
0x6: {  	s31 =	simm.s32 $0xE;
	s30 =	simm.s32 $0x16;
	s6 =	smul.u32 $0x3100, s15  }
0x7: {  	[smem:$0x7FF] =	sst s4;
	s7 =	smul.u32 $0x1880, s15;
	s0 =	sadd.s32 $0x64600, s1  }
0x8: {  	s8 =	sadd.s32 $0x2600, s1;
	s9 =	sand.u32 $0x1, s9;
	s15 =	smul.u32 $0x18800, s15  }
0x9: {  	_ =	strace $0x8000004A;
	s13 =	sshll.u32 s9, $0x7;
	s26 =	ssub.s32 $0x2, s9  }
0xa: {  	s9 =	smul.u32 $0x188000, s9;
	s10 =	sshrl.u32 s6, $0x3;
	s11 =	sshrl.u32 s7, $0x3  }
0xb: {  	s6 =	sor.u32 s13, s6;
	s14 =	sshrl.u32 s26, $0x1;
	s17 =	sadd.s32 s7, s2  }
0xc: {  	s7 =	sadd.s32 s7, s3;
	s10 =	sadd.s32 s10, s1;
	s12 =	sadd.s32 s11, s1  }
0xd: {  	s6 =	sshrl.u32 s6, $0x3;
	s9 =	sadd.s32 s15, s9;
	[dreg:$0x16] =	wrdreg s17  }
0xe: {  	[dreg:$0x17] =	wrdreg s7;
	s5 =	sadd.s32 s5, s11;
	s1 =	sadd.s32 s6, s1  }
0xf: {  	s6 =	ssub.s32 s26, s14;
	s14 =	sadd.s32 $0xC6800, s10;
	[dreg:$0x18] =	wrdreg s5  }
0x10: {  	s10 =	sadd.s32 $0xC6810, s10;
	s16 =	sadd.s32 $0xCCA00, s12;
	[dreg:$0x13] =	wrdreg s14  }
0x11: {  	s18 =	sshrl.u32 s9, $0x3;
	s20 =	sadd.s32 $0x3000, s9;
	[dreg:$0x14] =	wrdreg s10  }
0x12: {  	s24 =	sadd.s32 $0x2800, s9;
	[dreg:$0x15] =	wrdreg s16;
	s19 =	sadd.s32 s18, s8  }
0x13: {  	s11 =	sadd.s32 $0x2000, s9;
	s21 =	sadd.s32 s18, s0;
	[dreg:$0x5] =	wrdreg s19  }
0x14: {  	s22 =	sshrl.u32 s20, $0x3;
	s1 =	sadd.s32 $0xCFC00, s1;
	[dreg:$0x6] =	wrdreg s21  }
0x15: {  	s15 =	sadd.s32 $0x1800, s9;
	s23 =	sadd.s32 s22, s8;
	[dreg:$0x19] =	wrdreg s1  }
0x16: {  	s26 =	sshrl.u32 s24, $0x3;
	s25 =	sadd.s32 s22, s0;
	[dreg:$0x7] =	wrdreg s23  }
0x17: {  	s13 =	sshrl.u32 s11, $0x3;
	s10 =	sadd.s32 s26, s8;
	[dreg:$0x8] =	wrdreg s25  }
0x18: {  	s17 =	sshrl.u32 s15, $0x3;
	s12 =	sadd.s32 s26, s0;
	[dreg:$0x9] =	wrdreg s10  }
0x19: {  	s11 =	simm.s32 $0x1D;
	s14 =	sadd.s32 s13, s8;
	[dreg:$0xa] =	wrdreg s12  }
0x1a: {  	s16 =	sadd.s32 s13, s0;
	s18 =	sadd.s32 s17, s8;
	[dreg:$0xb] =	wrdreg s14  }
0x1b: {  	s19 =	sadd.s32 $0x1000, s9;
	s20 =	sadd.s32 s17, s0;
	[dreg:$0xc] =	wrdreg s16  }
0x1c: {  	s9 =	sadd.s32 $0x800, s9;
	s26 =	smax.u32 s6, $0x1;
	[dreg:$0xd] =	wrdreg s18  }
0x1d: {  	s21 =	sshrl.u32 s19, $0x3;
	[dreg:$0xe] =	wrdreg s20;
	s24 =	sshrl.u32 s9, $0x3  }
0x1e: {  	[dreg:$0x1a] =	wrdreg s26;
	s10 =	simm.s32 $0xD900;
	s22 =	sadd.s32 s21, s8  }
0x1f: {  	s20 =	simm.s32 $0x800;
	s23 =	sadd.s32 s21, s0;
	[dreg:$0xf] =	wrdreg s22  }
0x20: {  	s26 =	simm.s32 $0xD;
	s25 =	sadd.s32 s24, s8;
	[dreg:$0x10] =	wrdreg s23  }
0x21: {  	s0 =	sadd.s32 s24, s0;
	s24 =	simm.s32 $0x4;
	[dreg:$0x11] =	wrdreg s25  }
0x22: {  	[dreg:$0x12] =	wrdreg s0;
	s0 =	simm.s32 $0x0;
	s25 =	simm.s32 $0xC  }
.LBB2_1:
0x23: {  	[dreg:$0x1b] =	wrdreg s0  }
0x24: {  	s1 =	rddreg [dreg:$0x13];
	s6 =	simm.s32 $0x80;
	s8 =	simm.s32 $0x100  }
0x25: {  	[tilespmem:s10], [sflag:$0x1D] =	stream.strided.gather [hbm4b:s1+s6], $0x1880, s8, s6, $0x38;
	[tilespmem:$0x12280] =	vst v63  }
0x26: {  	_ =	swait.ge [sflag:s11], $0x1880  }
0x27: {  	[sflag:s11] =	ssyncset.done $0x0  }
0x28: {  	s14 =	simm.s32 $0xF180;
	s21 =	rddreg [dreg:$0x14];
	[sflag:s11] =	ssyncadd.s32 $0xFFFFE780  }
0x29: {  	[tilespmem:s14], [sflag:$0x1D] =	stream.strided.gather [hbm4b:s21+s6], $0x1880, s8, s6, $0x38;
	[tilespmem:$0x12280] =	vst v63  }
0x2a: {  	_ =	swait.ge [sflag:s11], $0x1880  }
0x2b: {  	[sflag:s11] =	ssyncset.done $0x0  }
0x2c: {  	s23 =	simm.s32 $0x10A00;
	s22 =	rddreg [dreg:$0x15];
	[sflag:s11] =	ssyncadd.s32 $0xFFFFE780  }
0x2d: {  	[tilespmem:s23], [sflag:$0x1D] =	stream.linear.gather [hbm4b:s22+s4], $0x1880, $0x38;
	[tilespmem:$0x12280] =	vst v63  }
0x2e: {  	_ =	swait.ge [sflag:s11], $0x1880  }
0x2f: {  	[sflag:s11] =	ssyncset.done $0x0  }
0x30: {  	s1 =	simm.s32 $0x0;
	[sflag:s11] =	ssyncadd.s32 $0xFFFFE780  }
0x31: {  	v0 =	vld [tilespmem:s1+$0xF1E0]  }
0x32: {  	v1 =	vld [tilespmem:s1+$0xD960]  }
0x33: {  	v2 =	vld [tilespmem:s1+$0xF1D0]  }
0x34: {  	v3 =	vld [tilespmem:s1+$0xD950]  }
0x35: {  	v5 =	vld [tilespmem:s1+$0xF190]  }
0x36: {  	v8 =	vld [tilespmem:s1+$0xD910]  }
0x37: {  	v4 =	vld [tilespmem:s1+$0xF180]  }
0x38: {  	v0 =	vadd.f32 v0, v1;
	v1 =	vld [tilespmem:s1+$0xD900]  }
0x39: {  	v6 =	vld [tilespmem:s1+$0xF1B0]  }
0x3a: {  	v7 =	vld [tilespmem:s1+$0xD930];
	v2 =	vadd.f32 v2, v3;
	v0 =	vadd.f32 $1.000000000e+00, v0  }
0x3b: {  	v8 =	vadd.f32 v5, v8  }
0x3c: {  	v11 =	vld [tilespmem:s1+$0xD970];
	v2 =	vadd.f32 $1.000000000e+00, v2;
	v3 =	vshrl.u32 v0, $0x1;
	v0 =	vmul.f32 $-5.000000000e-01, v0  }
0x3d: {  	v8 =	vadd.f32 $1.000000000e+00, v8;
	v3 =	vsub.s32 $0x5F3759DF, v3;
	v1 =	vadd.f32 v4, v1;
	v4 =	vld [tilespmem:s1+$0xF1F0]  }
0x3e: {  	v12 =	vld [tilespmem:s1+$0xF1A0];
	v10 =	vshrl.u32 v2, $0x1;
	v13 =	vmul.f32 $-5.000000000e-01, v2;
	v9 =	vmul.f32 v3, v0  }
0x3f: {  	v15 =	vld [tilespmem:s1+$0xD920];
	v2 =	vadd.f32 v6, v7;
	v10 =	vsub.s32 $0x5F3759DF, v10;
	v1 =	vadd.f32 $1.000000000e+00, v1  }
0x40: {  	v18 =	vshrl.u32 v8, $0x1;
	v14 =	vmul.f32 v10, v13;
	v9 =	vmul.f32 v3, v9  }
0x41: {  	v2 =	vadd.f32 $1.000000000e+00, v2;
	v7 =	vshrl.u32 v1, $0x1;
	v5 =	vmul.f32 $-5.000000000e-01, v1;
	v1 =	vld [tilespmem:s1+$0xD940]  }
0x42: {  	v6 =	vadd.f32 $1.500000000e+00, v9;
	v9 =	vld [tilespmem:s1+$0xF1C0];
	v7 =	vsub.s32 $0x5F3759DF, v7;
	v4 =	vadd.f32 v4, v11  }
0x43: {  	v16 =	vshrl.u32 v2, $0x1;
	v14 =	vmul.f32 v10, v14;
	v11 =	vmul.f32 v7, v5  }
0x44: {  	v6 =	vmul.f32 v3, v6;
	v17 =	vadd.f32 $1.000000000e+00, v4;
	v4 =	vadd.f32 v12, v15  }
0x45: {  	v16 =	vsub.s32 $0x5F3759DF, v16;
	v3 =	vmul.f32 $-5.000000000e-01, v2;
	v11 =	vmul.f32 v7, v11  }
0x46: {  	v2 =	vmul.f32 v6, v0;
	v15 =	vadd.f32 $1.000000000e+00, v4;
	v4 =	vmul.f32 $-5.000000000e-01, v8  }
0x47: {  	v1 =	vadd.f32 v9, v1;
	v9 =	vadd.f32 $1.500000000e+00, v14;
	v14 =	vmul.f32 v16, v3  }
0x48: {  	v11 =	vadd.f32 $1.500000000e+00, v11;
	v12 =	vmul.f32 v2, v6;
	v2 =	vmul.f32 $-5.000000000e-01, v17  }
0x49: {  	v18 =	vsub.s32 $0x5F3759DF, v18;
	v10 =	vmul.f32 v10, v9;
	v8 =	vmul.f32 v16, v14  }
0x4a: {  	v21 =	vshrl.u32 v15, $0x1;
	v7 =	vmul.f32 v7, v11;
	v11 =	vmul.f32 v18, v4  }
0x4b: {  	v9 =	vadd.f32 $1.500000000e+00, v12;
	v12 =	vadd.f32 $1.000000000e+00, v1;
	v1 =	vmul.f32 $-5.000000000e-01, v15  }
0x4c: {  	v8 =	vadd.f32 $1.500000000e+00, v8;
	v14 =	vmul.f32 v10, v13;
	v19 =	vmul.f32 v7, v5  }
0x4d: {  	v15 =	vshrl.u32 v12, $0x1;
	v22 =	vmul.f32 v9, v6;
	v6 =	vmul.f32 $-5.000000000e-01, v12  }
0x4e: {  	v9 =	vmul.f32 v16, v8;
	v8 =	vshrl.u32 v17, $0x1;
	v14 =	vmul.f32 v14, v10  }
0x4f: {  	v12 =	vsub.s32 $0x5F3759DF, v8;
	v8 =	vmul.f32 v18, v11;
	v11 =	vsub.s32 $0x5F3759DF, v15  }
0x50: {  	v0 =	vmul.f32 v22, v0;
	v15 =	vmul.f32 v19, v7;
	v14 =	vadd.f32 $1.500000000e+00, v14  }
0x51: {  	v16 =	vmul.f32 v12, v2;
	v19 =	vmul.f32 v11, v6;
	v17 =	vadd.f32 $1.500000000e+00, v8  }
0x52: {  	v0 =	vmul.f32 v0, v22;
	v14 =	vmul.f32 v14, v10  }
0x53: {  	v8 =	vadd.f32 $1.500000000e+00, v15;
	v15 =	vmul.f32 v12, v16;
	v10 =	vmul.f32 v18, v17;
	v17 =	vld [tilespmem:s1+$0x10A60]  }
0x54: {  	v16 =	vmul.f32 v9, v3;
	v23 =	vadd.f32 $1.500000000e+00, v0  }
0x55: {  	v19 =	vmul.f32 v11, v19;
	v20 =	vmul.f32 v14, v13;
	v18 =	vadd.f32 $1.500000000e+00, v15  }
0x56: {  	s6 =	simm.s32 $0x200;
	v0 =	vld [tilespmem:s1+$0x10A50];
	v13 =	vsub.s32 $0x5F3759DF, v21;
	v15 =	vmul.f32 v10, v4;
	v21 =	vmul.f32 v23, v22  }
.LBB2_2:
0x57: {  	s8 =	sshra.s32 s6, $0x2;
	p0 =	sne.s32 s6, $0x6000;
	s6 =	sadd.s32 $0x200, s6;
	v22 =	vmul.f32 v8, v7;
	v7 =	vmul.f32 v20, v14  }
0x58: {  	v19 =	vadd.f32 $1.500000000e+00, v19;
	v12 =	vmul.f32 v12, v18;
	v8 =	vld [tilespmem:s8+$0xF1F0];
	v17 =	vmul.f32 v21, v17  }
0x59: {  	v20 =	vmul.f32 v13, v1;
	v16 =	vmul.f32 v16, v9;
	v18 =	vld [tilespmem:s8+$0xF190];
	v21 =	vadd.f32 $1.500000000e+00, v7  }
0x5a: {  	v5 =	vmul.f32 v22, v5;
	v11 =	vmul.f32 v11, v19;
	v7 =	vld [tilespmem:s8+$0xF1A0];
	[tilespmem:s1+$0xD960] =	vst v17  }
0x5b: {  	v16 =	vadd.f32 $1.500000000e+00, v16;
	v19 =	vmul.f32 v12, v2;
	v17 =	vld [tilespmem:s8+$0xF180];
	v14 =	vmul.f32 v21, v14  }
0x5c: {  	v15 =	vmul.f32 v15, v10;
	v20 =	vmul.f32 v13, v20;
	v21 =	vld [tilespmem:s8+$0xF1B0]  }
0x5d: {  	v9 =	vmul.f32 v16, v9;
	v23 =	vld [tilespmem:s8+$0xF1E0];
	v14 =	vmul.f32 v14, v0  }
0x5e: {  	v16 =	vadd.f32 $1.500000000e+00, v20;
	v20 =	vmul.f32 v11, v6;
	v19 =	vmul.f32 v19, v12;
	v0 =	vld [tilespmem:s8+$0x10A50]  }
0x5f: {  	v15 =	vadd.f32 $1.500000000e+00, v15;
	v3 =	vmul.f32 v9, v3;
	[tilespmem:s1+$0xD950] =	vst v14  }
0x60: {  	v13 =	vmul.f32 v13, v16;
	v16 =	vadd.f32 $1.500000000e+00, v19;
	v14 =	vmul.f32 v20, v11  }
0x61: {  	v5 =	vmul.f32 v5, v22;
	v3 =	vmul.f32 v3, v9  }
0x62: {  	v10 =	vmul.f32 v15, v10;
	v15 =	vmul.f32 v13, v1;
	v14 =	vadd.f32 $1.500000000e+00, v14;
	v19 =	vld [tilespmem:s1+$0x10A70]  }
0x63: {  	v5 =	vadd.f32 $1.500000000e+00, v5;
	v12 =	vmul.f32 v16, v12;
	v20 =	vld [tilespmem:s8+$0xD960]  }
0x64: {  	v4 =	vmul.f32 v10, v4;
	v3 =	vadd.f32 $1.500000000e+00, v3;
	v11 =	vmul.f32 v14, v11;
	v16 =	vld [tilespmem:s1+$0x10A00]  }
0x65: {  	v2 =	vmul.f32 v12, v2;
	v14 =	vmul.f32 v15, v13;
	v15 =	vld [tilespmem:s1+$0x10A30]  }
0x66: {  	v4 =	vmul.f32 v4, v10;
	v6 =	vmul.f32 v11, v6;
	v24 =	vld [tilespmem:s8+$0xF1D0]  }
0x67: {  	v5 =	vmul.f32 v5, v22;
	v2 =	vmul.f32 v2, v12;
	v14 =	vadd.f32 $1.500000000e+00, v14;
	v25 =	vld [tilespmem:s8+$0xD950]  }
0x68: {  	v4 =	vadd.f32 $1.500000000e+00, v4;
	v3 =	vmul.f32 v3, v9;
	v20 =	vadd.f32 v23, v20;
	v22 =	vld [tilespmem:s1+$0x10A10]  }
0x69: {  	v2 =	vadd.f32 $1.500000000e+00, v2;
	v9 =	vmul.f32 v14, v13;
	v5 =	vmul.f32 v5, v16  }
0x6a: {  	v4 =	vmul.f32 v4, v10;
	v6 =	vmul.f32 v6, v11;
	v13 =	vadd.f32 $1.000000000e+00, v20  }
0x6b: {  	v2 =	vmul.f32 v2, v12;
	v3 =	vmul.f32 v3, v15;
	[tilespmem:s1+$0xD900] =	vst v5  }
0x6c: {  	v1 =	vmul.f32 v9, v1;
	v5 =	vld [tilespmem:s8+$0xD900];
	v10 =	vadd.f32 v24, v25;
	v12 =	vshrl.u32 v13, $0x1  }
0x6d: {  	v2 =	vmul.f32 v2, v19;
	v12 =	vsub.s32 $0x5F3759DF, v12;
	v4 =	vmul.f32 v4, v22;
	v14 =	vld [tilespmem:s1+$0x10A20]  }
0x6e: {  	v1 =	vmul.f32 v1, v9;
	v13 =	vmul.f32 $-5.000000000e-01, v13;
	v10 =	vadd.f32 $1.000000000e+00, v10;
	[tilespmem:s1+$0xD930] =	vst v3;
	v3 =	vld [tilespmem:s1+$0x10A40]  }
0x6f: {  	v15 =	vld [tilespmem:s8+$0xD930];
	[tilespmem:s1+$0xD910] =	vst v4;
	v4 =	vadd.f32 $1.500000000e+00, v6  }
0x70: {  	v1 =	vadd.f32 $1.500000000e+00, v1;
	v19 =	vmul.f32 v12, v13;
	v6 =	vld [tilespmem:s8+$0xD910];
	v16 =	vshrl.u32 v10, $0x1;
	[tilespmem:s1+$0xD970] =	vst v2  }
0x71: {  	v20 =	vmul.f32 $-5.000000000e-01, v10;
	v2 =	vadd.f32 v17, v5;
	v4 =	vmul.f32 v4, v11  }
0x72: {  	v1 =	vmul.f32 v1, v9;
	v10 =	vsub.s32 $0x5F3759DF, v16;
	v5 =	vmul.f32 v12, v19;
	v11 =	vld [tilespmem:s8+$0xD970]  }
0x73: {  	v2 =	vadd.f32 $1.000000000e+00, v2;
	v3 =	vmul.f32 v4, v3  }
0x74: {  	v1 =	vmul.f32 v1, v14;
	v9 =	vadd.f32 $1.500000000e+00, v5;
	v4 =	vadd.f32 v21, v15  }
0x75: {  	v16 =	vmul.f32 v10, v20;
	v14 =	vshrl.u32 v2, $0x1;
	v6 =	vadd.f32 v18, v6;
	v15 =	vld [tilespmem:s8+$0xF1C0];
	[tilespmem:s1+$0xD940] =	vst v3  }
0x76: {  	v5 =	vmul.f32 $-5.000000000e-01, v2;
	v9 =	vmul.f32 v12, v9;
	v2 =	vadd.f32 $1.000000000e+00, v4;
	v4 =	vld [tilespmem:s8+$0xD940];
	[tilespmem:s1+$0xD920] =	vst v1;
	s1 =	smov.u32 s8  }
0x77: {  	v1 =	vsub.s32 $0x5F3759DF, v14;
	v6 =	vadd.f32 $1.000000000e+00, v6;
	v12 =	vld [tilespmem:s1+$0xD920];
	v8 =	vadd.f32 v8, v11  }
0x78: {  	v11 =	vmul.f32 v1, v5;
	v14 =	vshrl.u32 v2, $0x1;
	v3 =	vmul.f32 $-5.000000000e-01, v2  }
0x79: {  	v2 =	vmul.f32 v9, v13;
	v14 =	vsub.s32 $0x5F3759DF, v14  }
0x7a: {  	v16 =	vmul.f32 v10, v16;
	v11 =	vmul.f32 v1, v11;
	v8 =	vadd.f32 $1.000000000e+00, v8  }
0x7b: {  	v17 =	vshrl.u32 v6, $0x1;
	v15 =	vadd.f32 v15, v4  }
0x7c: {  	v4 =	vadd.f32 v7, v12;
	v7 =	vadd.f32 $1.500000000e+00, v16;
	v12 =	vmul.f32 v2, v9  }
0x7d: {  	v11 =	vadd.f32 $1.500000000e+00, v11;
	v16 =	vmul.f32 v14, v3;
	v2 =	vmul.f32 $-5.000000000e-01, v8  }
0x7e: {  	v18 =	vadd.f32 $1.000000000e+00, v4;
	v10 =	vmul.f32 v10, v7;
	v12 =	vadd.f32 $1.500000000e+00, v12  }
0x7f: {  	v15 =	vadd.f32 $1.000000000e+00, v15;
	v4 =	vmul.f32 $-5.000000000e-01, v6;
	v6 =	vmul.f32 v14, v16  }
0x80: {  	v7 =	vmul.f32 v1, v11;
	v16 =	vsub.s32 $0x5F3759DF, v17;
	v1 =	vmul.f32 $-5.000000000e-01, v18  }
0x81: {  	v11 =	vmul.f32 v16, v4;
	v6 =	vadd.f32 $1.500000000e+00, v6;
	v17 =	vmul.f32 v10, v20  }
0x82: {  	v21 =	vshrl.u32 v18, $0x1;
	v18 =	vshrl.u32 v15, $0x1;
	v22 =	vmul.f32 v12, v9  }
0x83: {  	v8 =	vshrl.u32 v8, $0x1;
	v19 =	vmul.f32 v7, v5;
	v9 =	vmul.f32 v14, v6  }
0x84: {  	v12 =	vsub.s32 $0x5F3759DF, v8;
	v6 =	vmul.f32 $-5.000000000e-01, v15;
	v14 =	vmul.f32 v17, v10  }
0x85: {  	v8 =	vmul.f32 v16, v11;
	v11 =	vsub.s32 $0x5F3759DF, v18;
	v13 =	vmul.f32 v22, v13  }
0x86: {  	v15 =	vmul.f32 v19, v7;
	v18 =	vmul.f32 v12, v2;
	v14 =	vadd.f32 $1.500000000e+00, v14  }
.Ltmp0:
0x87: {  	v19 =	vadd.f32 $1.500000000e+00, v8;
	v23 =	vmul.f32 v11, v6;
	v13 =	vmul.f32 v13, v22;
	(pc) =	sbr.rel @p0 .LBB2_2-.Ltmp0, $4  }
0x88: {  	v8 =	vadd.f32 $1.500000000e+00, v15;
	v15 =	vmul.f32 v12, v18;
	v14 =	vmul.f32 v14, v10;
	v17 =	vld [tilespmem:s1+$0x10A60]  }
0x89: {  	v10 =	vmul.f32 v16, v19;
	v16 =	vmul.f32 v9, v3;
	v24 =	vadd.f32 $1.500000000e+00, v13  }
0x8a: {  	v19 =	vmul.f32 v11, v23;
	v18 =	vadd.f32 $1.500000000e+00, v15;
	v20 =	vmul.f32 v14, v20  }
0x8b: {  	v13 =	vsub.s32 $0x5F3759DF, v21;
	v15 =	vmul.f32 v10, v4;
	v21 =	vmul.f32 v24, v22  }
0x8c: {  	v7 =	vmul.f32 v8, v7  }
0x8d: {  	v37 =	vmul.f32 v20, v14;
	v38 =	vmul.f32 v13, v1  }
0x8e: {  	v16 =	vmul.f32 v16, v9;
	v12 =	vmul.f32 v12, v18  }
0x8f: {  	v19 =	vadd.f32 $1.500000000e+00, v19;
	v15 =	vmul.f32 v15, v10;
	v39 =	vmul.f32 v13, v38  }
0x90: {  	v8 =	vadd.f32 $1.500000000e+00, v37;
	v5 =	vmul.f32 v7, v5;
	v16 =	vadd.f32 $1.500000000e+00, v16  }
0x91: {  	v11 =	vmul.f32 v11, v19;
	v40 =	vmul.f32 v12, v2;
	v42 =	vadd.f32 $1.500000000e+00, v39  }
0x92: {  	v8 =	vmul.f32 v8, v14;
	v41 =	vmul.f32 v16, v9  }
0x93: {  	v15 =	vadd.f32 $1.500000000e+00, v15;
	v43 =	vmul.f32 v11, v6;
	v44 =	vmul.f32 v13, v42  }
0x94: {  	v14 =	vmul.f32 v40, v12;
	v45 =	vmul.f32 v5, v7  }
0x95: {  	v50 =	vmul.f32 v15, v10;
	v48 =	vmul.f32 v44, v1  }
0x96: {  	v0 =	vmul.f32 v8, v0;
	v46 =	vmul.f32 v43, v11  }
0x97: {  	v3 =	vmul.f32 v41, v3;
	v47 =	vadd.f32 $1.500000000e+00, v14;
	v51 =	vmul.f32 v48, v44  }
0x98: {  	v4 =	vmul.f32 v50, v4;
	[tilespmem:s1+$0xD950] =	vst v0;
	v0 =	vadd.f32 $1.500000000e+00, v45;
	v5 =	vadd.f32 $1.500000000e+00, v46  }
0x99: {  	v3 =	vmul.f32 v3, v41;
	v8 =	vmul.f32 v47, v12;
	v54 =	vadd.f32 $1.500000000e+00, v51  }
0x9a: {  	v49 =	vld [tilespmem:s1+$0x10A00];
	v0 =	vmul.f32 v0, v7;
	v5 =	vmul.f32 v5, v11  }
0x9b: {  	v53 =	vmul.f32 v8, v2;
	v7 =	vmul.f32 v54, v44  }
0x9c: {  	v52 =	vld [tilespmem:s1+$0x10A30];
	v4 =	vmul.f32 v4, v50;
	v3 =	vadd.f32 $1.500000000e+00, v3;
	v57 =	vmul.f32 v5, v6  }
0x9d: {  	v56 =	vld [tilespmem:s1+$0x10A10];
	v2 =	vmul.f32 v53, v8;
	v59 =	vmul.f32 v7, v1  }
0x9e: {  	v55 =	vld [tilespmem:s1+$0x10A70];
	v4 =	vadd.f32 $1.500000000e+00, v4;
	v3 =	vmul.f32 v3, v41;
	v6 =	vmul.f32 v57, v5  }
0x9f: {  	v62 =	vld [tilespmem:s1+$0x10A40];
	v0 =	vmul.f32 v0, v49;
	v61 =	vadd.f32 $1.500000000e+00, v2;
	v1 =	vmul.f32 v59, v7  }
0xa0: {  	v60 =	vld [tilespmem:s1+$0x10A20];
	v17 =	vmul.f32 v21, v17;
	v4 =	vmul.f32 v4, v50;
	v6 =	vadd.f32 $1.500000000e+00, v6  }
0xa1: {  	[tilespmem:s1+$0xD900] =	vst v0;
	v58 =	vmul.f32 v3, v52;
	v0 =	vmul.f32 v61, v8;
	v1 =	vadd.f32 $1.500000000e+00, v1  }
0xa2: {  	[tilespmem:s1+$0xD960] =	vst v17;
	v4 =	vmul.f32 v4, v56;
	v5 =	vmul.f32 v6, v5  }
0xa3: {  	[tilespmem:s1+$0xD930] =	vst v58;
	v0 =	vmul.f32 v0, v55;
	v1 =	vmul.f32 v1, v7  }
0xa4: {  	[tilespmem:s1+$0xD910] =	vst v4;
	v2 =	vmul.f32 v5, v62  }
0xa5: {  	[tilespmem:s1+$0xD970] =	vst v0;
	v63 =	vmul.f32 v1, v60  }
0xa6: {  	s6 =	stileid.u32;
	[tilespmem:s1+$0xD940] =	vst v2  }
0xa7: {  	s5 =	rddreg [dreg:$0x16];
	[tilespmem:s1+$0xD920] =	vst v63;
	s1 =	sshll.u32 s6, $0x6  }
0xa8: {  	[spmem:s5] =	stream.linear.scatter [tilespmem:s10], [sflag:$0x1D], $0x1880, $0x38;
	[tilespmem:$0x12280] =	vst v63  }
0xa9: {  	s0 =	sor.u32 $0x1C1D, s1  }
0xaa: {  	_ =	swait.ge [sflag:s11], $0x1880;
	[dreg:$0x1c] =	wrdreg s0  }
0xab: {  	s7 =	rddreg [dreg:$0x17]  }
0xac: {  	[sflag:s11] =	ssyncset.done $0x0;
	s8 =	rddreg [dreg:$0x18];
	s5 =	sshrl.u32 s7, $0x3  }
0xad: {  	[sflag:s11] =	ssyncadd.s32 $0xFFFFE780;
	[dreg:$0x1d] =	wrdreg s5  }
0xae: {  	[spmem:s5], [sflag:s0] =	dma.local [hbm:s8], $0x310  }
0xaf: {  	_ =	swait.ge [sflag:s11], $0x310  }
0xb0: {  	[sflag:s11] =	ssyncset.done $0x0  }
0xb1: {  	[sflag:s11] =	ssyncadd.s32 $0xFFFFFCF0  }
0xb2: {  	[bflag:$0x0] =	sbarrier.arrive $0xFFFF  }
0xb3: {  	s9 =	rddreg [dreg:$0x6]  }
0xb4: {  	s6 =	rddreg [dreg:$0x5];
	s1 =	sadd.s32 $0x0, s9  }
0xb5: {  	[tilespmem:s4], [sflag:$0x1] =	stream.linear.gather [hbm4b:s1+s4], $0x800, $0x38;
	[tilespmem:$0x12280] =	vst v63  }
0xb6: {  	s12 =	simm.s32 $0x3800;
	s8 =	rddreg [dreg:$0x12];
	s10 =	sadd.s32 $0x0, s6  }
0xb7: {  	[tilespmem:s12], [sflag:$0x2] =	stream.linear.gather [hbm4b:s10+s4], $0x800, $0x38;
	[tilespmem:$0x12280] =	vst v63  }
0xb8: {  	s11 =	rddreg [dreg:$0x11];
	s13 =	sadd.s32 $0x0, s8  }
0xb9: {  	[tilespmem:s20], [sflag:$0x3] =	stream.linear.gather [hbm4b:s13+s4], $0x800, $0x38;
	[tilespmem:$0x12280] =	vst v63  }
0xba: {  	s14 =	rddreg [dreg:$0x10];
	s15 =	sadd.s32 $0x0, s11;
	s11 =	simm.s32 $0x4000  }
0xbb: {  	[tilespmem:s11], [sflag:$0x4] =	stream.linear.gather [hbm4b:s15+s4], $0x800, $0x38;
	[tilespmem:$0x12280] =	vst v63  }
0xbc: {  	s16 =	rddreg [dreg:$0xf];
	s17 =	sadd.s32 $0x0, s14;
	s13 =	simm.s32 $0x1000  }
0xbd: {  	[tilespmem:s13], [sflag:$0x5] =	stream.linear.gather [hbm4b:s17+s4], $0x800, $0x38;
	[tilespmem:$0x12280] =	vst v63  }
0xbe: {  	s18 =	rddreg [dreg:$0xe];
	s19 =	sadd.s32 $0x0, s16;
	s9 =	simm.s32 $0x4800  }
0xbf: {  	[tilespmem:s9], [sflag:$0x6] =	stream.linear.gather [hbm4b:s19+s4], $0x800, $0x38;
	[tilespmem:$0x12280] =	vst v63  }
0xc0: {  	s21 =	rddreg [dreg:$0xd];
	s22 =	sadd.s32 $0x0, s18;
	s14 =	simm.s32 $0x1800  }
0xc1: {  	[tilespmem:s14], [sflag:$0x7] =	stream.linear.gather [hbm4b:s22+s4], $0x800, $0x38;
	[tilespmem:$0x12280] =	vst v63  }
0xc2: {  	s7 =	simm.s32 $0x5000;
	s23 =	rddreg [dreg:$0xc];
	s0 =	sadd.s32 $0x0, s21  }
0xc3: {  	[tilespmem:s7], [sflag:$0x8] =	stream.linear.gather [hbm4b:s0+s4], $0x800, $0x38;
	[tilespmem:$0x12280] =	vst v63  }
0xc4: {  	s5 =	rddreg [dreg:$0xb];
	s8 =	sadd.s32 $0x0, s23;
	s18 =	simm.s32 $0x2000  }
0xc5: {  	[tilespmem:s18], [sflag:$0x9] =	stream.linear.gather [hbm4b:s8+s4], $0x800, $0x38;
	[tilespmem:$0x12280] =	vst v63  }
0xc6: {  	s10 =	rddreg [dreg:$0xa];
	s15 =	sadd.s32 $0x0, s5;
	s5 =	simm.s32 $0x5800  }
0xc7: {  	[tilespmem:s5], [sflag:$0xA] =	stream.linear.gather [hbm4b:s15+s4], $0x800, $0x38;
	[tilespmem:$0x12280] =	vst v63  }
0xc8: {  	s16 =	rddreg [dreg:$0x9];
	s17 =	sadd.s32 $0x0, s10;
	s19 =	simm.s32 $0x2800  }
0xc9: {  	[tilespmem:s19], [sflag:$0xB] =	stream.linear.gather [hbm4b:s17+s4], $0x800, $0x38;
	[tilespmem:$0x12280] =	vst v63  }
0xca: {  	s21 =	rddreg [dreg:$0x8];
	s10 =	simm.s32 $0x6000;
	s22 =	sadd.s32 $0x0, s16  }
0xcb: {  	[tilespmem:s10], [sflag:$0xC] =	stream.linear.gather [hbm4b:s22+s4], $0x800, $0x38;
	[tilespmem:$0x12280] =	vst v63  }
0xcc: {  	s23 =	rddreg [dreg:$0x7];
	s0 =	sadd.s32 $0x0, s21;
	s8 =	simm.s32 $0x3000  }
0xcd: {  	[tilespmem:s8], [sflag:$0xD] =	stream.linear.gather [hbm4b:s0+s4], $0x800, $0x38;
	[tilespmem:$0x12280] =	vst v63  }
0xce: {  	s6 =	simm.s32 $0x6800;
	s16 =	simm.s32 $0x1;
	s15 =	sadd.s32 $0x0, s23  }
0xcf: {  	[tilespmem:s6], [sflag:$0xE] =	stream.linear.gather [hbm4b:s15+s4], $0x800, $0x38;
	[tilespmem:$0x12280] =	vst v63  }
0xd0: {  	_ =	swait.ge [sflag:s16], $0x800  }
0xd1: {  	[sflag:s16] =	ssyncset.done $0x0  }
0xd2: {  	s17 =	simm.s32 $0x3;
	s0 =	simm.s32 $0x7000;
	[sflag:s16] =	ssyncadd.s32 $0xFFFFF800  }
0xd3: {  	[tilespmem:s0], [sflag:$0xF] =	stream.indirect.gather [spmem:s2], $0x1, s4, s20, $0xb8;
	[tilespmem:$0x12280] =	vst v63  }
0xd4: {  	_ =	swait.ge [sflag:s17], $0x800  }
0xd5: {  	[sflag:s17] =	ssyncset.done $0x0  }
0xd6: {  	s21 =	simm.s32 $0x5;
	[sflag:s17] =	ssyncadd.s32 $0xFFFFF800;
	s17 =	simm.s32 $0x7800  }
0xd7: {  	[tilespmem:s17], [sflag:$0x10] =	stream.indirect.gather [spmem:s2], $0x1, s20, s20, $0xb8;
	[tilespmem:$0x12280] =	vst v63  }
0xd8: {  	_ =	swait.ge [sflag:s21], $0x800  }
0xd9: {  	[sflag:s21] =	ssyncset.done $0x0  }
0xda: {  	s22 =	simm.s32 $0x7;
	s16 =	simm.s32 $0x8000;
	[sflag:s21] =	ssyncadd.s32 $0xFFFFF800  }
0xdb: {  	[tilespmem:s16], [sflag:$0x11] =	stream.indirect.gather [spmem:s2], $0x1, s13, s20, $0xb8;
	[tilespmem:$0x12280] =	vst v63  }
0xdc: {  	_ =	swait.ge [sflag:s22], $0x800  }
0xdd: {  	[sflag:s22] =	ssyncset.done $0x0  }
0xde: {  	s23 =	simm.s32 $0x9;
	s15 =	simm.s32 $0x8800;
	[sflag:s22] =	ssyncadd.s32 $0xFFFFF800  }
0xdf: {  	[tilespmem:s15], [sflag:$0x12] =	stream.indirect.gather [spmem:s2], $0x1, s14, s20, $0xb8;
	[tilespmem:$0x12280] =	vst v63  }
0xe0: {  	_ =	swait.ge [sflag:s23], $0x800  }
0xe1: {  	[sflag:s23] =	ssyncset.done $0x0  }
0xe2: {  	s13 =	simm.s32 $0xB;
	s14 =	simm.s32 $0x9000;
	[sflag:s23] =	ssyncadd.s32 $0xFFFFF800  }
0xe3: {  	[tilespmem:s14], [sflag:$0x13] =	stream.indirect.gather [spmem:s2], $0x1, s18, s20, $0xb8;
	[tilespmem:$0x12280] =	vst v63  }
0xe4: {  	_ =	swait.ge [sflag:s13], $0x800  }
0xe5: {  	[sflag:s13] =	ssyncset.done $0x0  }
0xe6: {  	s18 =	simm.s32 $0x9800;
	[sflag:s13] =	ssyncadd.s32 $0xFFFFF800  }
0xe7: {  	[tilespmem:s18], [sflag:$0x14] =	stream.indirect.gather [spmem:s2], $0x1, s19, s20, $0xb8;
	[tilespmem:$0x12280] =	vst v63  }
0xe8: {  	_ =	swait.ge [sflag:s26], $0x800  }
0xe9: {  	[sflag:s26] =	ssyncset.done $0x0  }
0xea: {  	s21 =	simm.s32 $0xF;
	s19 =	simm.s32 $0xA000;
	[sflag:s26] =	ssyncadd.s32 $0xFFFFF800  }
0xeb: {  	[tilespmem:s19], [sflag:$0x15] =	stream.indirect.gather [spmem:s2], $0x1, s8, s20, $0xb8;
	[tilespmem:$0x12280] =	vst v63  }
0xec: {  	_ =	swait.ge [sflag:s21], $0x800  }
0xed: {  	[sflag:s21] =	ssyncset.done $0x0  }
0xee: {  	s22 =	simm.s32 $0x2;
	[sflag:s21] =	ssyncadd.s32 $0xFFFFF800  }
0xef: {  	_ =	swait.ge [sflag:s22], $0x800  }
0xf0: {  	[sflag:s22] =	ssyncset.done $0x0  }
0xf1: {  	s23 =	simm.s32 $0x10;
	[sflag:s22] =	ssyncadd.s32 $0xFFFFF800  }
0xf2: {  	[spmem:s3] =	stream.indirect.scatter.add.f32 [tilespmem:s0], [sflag:$0x16], $0x1, s12, s20, $0xb8;
	[tilespmem:$0x12280] =	vst v63  }
0xf3: {  	_ =	swait.ge [sflag:s23], $0x800  }
0xf4: {  	[sflag:s23] =	ssyncset.done $0x0  }
0xf5: {  	[sflag:s23] =	ssyncadd.s32 $0xFFFFF800  }
0xf6: {  	_ =	swait.ge [sflag:s24], $0x800  }
0xf7: {  	[sflag:s24] =	ssyncset.done $0x0  }
0xf8: {  	[sflag:s24] =	ssyncadd.s32 $0xFFFFF800  }
0xf9: {  	[spmem:s3] =	stream.indirect.scatter.add.f32 [tilespmem:s17], [sflag:$0x17], $0x1, s11, s20, $0xb8;
	[tilespmem:$0x12280] =	vst v63  }
0xfa: {  	_ =	swait.ge [sflag:s29], $0x800  }
0xfb: {  	[sflag:s29] =	ssyncset.done $0x0  }
0xfc: {  	s8 =	simm.s32 $0x6;
	[sflag:s29] =	ssyncadd.s32 $0xFFFFF800  }
0xfd: {  	_ =	swait.ge [sflag:s8], $0x800  }
0xfe: {  	[sflag:s8] =	ssyncset.done $0x0  }
0xff: {  	s11 =	simm.s32 $0x12;
	[sflag:s8] =	ssyncadd.s32 $0xFFFFF800  }
0x100: {  	[spmem:s3] =	stream.indirect.scatter.add.f32 [tilespmem:s16], [sflag:$0x18], $0x1, s9, s20, $0xb8;
	[tilespmem:$0x12280] =	vst v63  }
0x101: {  	_ =	swait.ge [sflag:s11], $0x800  }
0x102: {  	[sflag:s11] =	ssyncset.done $0x0  }
0x103: {  	s12 =	simm.s32 $0x8;
	[sflag:s11] =	ssyncadd.s32 $0xFFFFF800  }
0x104: {  	_ =	swait.ge [sflag:s12], $0x800  }
0x105: {  	[sflag:s12] =	ssyncset.done $0x0  }
0x106: {  	[sflag:s12] =	ssyncadd.s32 $0xFFFFF800  }
0x107: {  	[spmem:s3] =	stream.indirect.scatter.add.f32 [tilespmem:s15], [sflag:$0x19], $0x1, s7, s20, $0xb8;
	[tilespmem:$0x12280] =	vst v63  }
0x108: {  	s15 =	simm.s32 $0x13  }
0x109: {  	_ =	swait.ge [sflag:s15], $0x800  }
0x10a: {  	[sflag:s15] =	ssyncset.done $0x0  }
0x10b: {  	s16 =	simm.s32 $0xA;
	[sflag:s15] =	ssyncadd.s32 $0xFFFFF800  }
0x10c: {  	_ =	swait.ge [sflag:s16], $0x800  }
0x10d: {  	[sflag:s16] =	ssyncset.done $0x0  }
0x10e: {  	s17 =	simm.s32 $0x14;
	[sflag:s16] =	ssyncadd.s32 $0xFFFFF800  }
0x10f: {  	[spmem:s3] =	stream.indirect.scatter.add.f32 [tilespmem:s14], [sflag:$0x1A], $0x1, s5, s20, $0xb8;
	[tilespmem:$0x12280] =	vst v63  }
0x110: {  	_ =	swait.ge [sflag:s17], $0x800  }
0x111: {  	[sflag:s17] =	ssyncset.done $0x0  }
0x112: {  	[sflag:s17] =	ssyncadd.s32 $0xFFFFF800  }
0x113: {  	_ =	swait.ge [sflag:s25], $0x800  }
0x114: {  	[sflag:s25] =	ssyncset.done $0x0  }
0x115: {  	[sflag:s25] =	ssyncadd.s32 $0xFFFFF800  }
0x116: {  	[spmem:s3] =	stream.indirect.scatter.add.f32 [tilespmem:s18], [sflag:$0x1B], $0x1, s10, s20, $0xb8;
	[tilespmem:$0x12280] =	vst v63  }
0x117: {  	_ =	swait.ge [sflag:s28], $0x800  }
0x118: {  	[sflag:s28] =	ssyncset.done $0x0  }
0x119: {  	[sflag:s28] =	ssyncadd.s32 $0xFFFFF800  }
0x11a: {  	_ =	swait.ge [sflag:s31], $0x800  }
0x11b: {  	[sflag:s31] =	ssyncset.done $0x0  }
0x11c: {  	[sflag:s31] =	ssyncadd.s32 $0xFFFFF800  }
0x11d: {  	[spmem:s3] =	stream.indirect.scatter.add.f32 [tilespmem:s19], [sflag:$0x1C], $0x1, s6, s20, $0xb8;
	[tilespmem:$0x12280] =	vst v63  }
0x11e: {  	_ =	swait.ge [sflag:s30], $0x800  }
0x11f: {  	[sflag:s30] =	ssyncset.done $0x0  }
0x120: {  	s18 =	simm.s32 $0x17;
	[sflag:s30] =	ssyncadd.s32 $0xFFFFF800  }
0x121: {  	_ =	swait.ge [sflag:s18], $0x800  }
0x122: {  	[sflag:s18] =	ssyncset.done $0x0  }
0x123: {  	s19 =	simm.s32 $0x18;
	[sflag:s18] =	ssyncadd.s32 $0xFFFFF800  }
0x124: {  	_ =	swait.ge [sflag:s19], $0x800  }
0x125: {  	[sflag:s19] =	ssyncset.done $0x0  }
0x126: {  	s21 =	simm.s32 $0x19;
	[sflag:s19] =	ssyncadd.s32 $0xFFFFF800  }
0x127: {  	_ =	swait.ge [sflag:s21], $0x800  }
0x128: {  	[sflag:s21] =	ssyncset.done $0x0  }
0x129: {  	s22 =	simm.s32 $0x1A;
	[sflag:s21] =	ssyncadd.s32 $0xFFFFF800  }
0x12a: {  	_ =	swait.ge [sflag:s22], $0x800  }
0x12b: {  	[sflag:s22] =	ssyncset.done $0x0  }
0x12c: {  	s23 =	simm.s32 $0x1B;
	[sflag:s22] =	ssyncadd.s32 $0xFFFFF800  }
0x12d: {  	_ =	swait.ge [sflag:s23], $0x800  }
0x12e: {  	[sflag:s23] =	ssyncset.done $0x0  }
0x12f: {  	s8 =	simm.s32 $0x1C;
	[sflag:s23] =	ssyncadd.s32 $0xFFFFF800  }
0x130: {  	s1 =	simm.s32 $0x700;
	_ =	swait.ge [sflag:s8], $0x800  }
0x131: {  	s6 =	simm.s32 $0xE00;
	s10 =	rddreg [dreg:$0x6];
	[sflag:s8] =	ssyncset.done $0x0  }
.LBB2_4:
0x132: {  	[sflag:s8] =	ssyncadd.s32 $0xFFFFF800;
	s14 =	rddreg [dreg:$0x5];
	s10 =	sadd.s32 s1, s10  }
0x133: {  	[tilespmem:s4], [sflag:$0x1] =	stream.linear.gather [hbm4b:s10+s4], $0x800, $0x38;
	[tilespmem:$0x12280] =	vst v63  }
0x134: {  	s11 =	rddreg [dreg:$0x12];
	s13 =	simm.s32 $0x3800;
	s9 =	sadd.s32 s1, s14  }
0x135: {  	[tilespmem:s13], [sflag:$0x2] =	stream.linear.gather [hbm4b:s9+s4], $0x800, $0x38;
	[tilespmem:$0x12280] =	vst v63  }
0x136: {  	s12 =	rddreg [dreg:$0x11];
	s15 =	sadd.s32 s1, s11  }
0x137: {  	[tilespmem:s20], [sflag:$0x3] =	stream.linear.gather [hbm4b:s15+s4], $0x800, $0x38;
	[tilespmem:$0x12280] =	vst v63  }
0x138: {  	s16 =	rddreg [dreg:$0x10];
	s17 =	sadd.s32 s1, s12;
	s12 =	simm.s32 $0x4000  }
0x139: {  	[tilespmem:s12], [sflag:$0x4] =	stream.linear.gather [hbm4b:s17+s4], $0x800, $0x38;
	[tilespmem:$0x12280] =	vst v63  }
0x13a: {  	s18 =	rddreg [dreg:$0xf];
	s19 =	sadd.s32 s1, s16;
	s15 =	simm.s32 $0x1000  }
0x13b: {  	[tilespmem:s15], [sflag:$0x5] =	stream.linear.gather [hbm4b:s19+s4], $0x800, $0x38;
	[tilespmem:$0x12280] =	vst v63  }
0x13c: {  	s21 =	rddreg [dreg:$0xe];
	s22 =	sadd.s32 s1, s18;
	s9 =	simm.s32 $0x4800  }
0x13d: {  	[tilespmem:s9], [sflag:$0x6] =	stream.linear.gather [hbm4b:s22+s4], $0x800, $0x38;
	[tilespmem:$0x12280] =	vst v63  }
0x13e: {  	s23 =	rddreg [dreg:$0xd];
	s0 =	sadd.s32 s1, s21;
	s16 =	simm.s32 $0x1800  }
0x13f: {  	[tilespmem:s16], [sflag:$0x7] =	stream.linear.gather [hbm4b:s0+s4], $0x800, $0x38;
	[tilespmem:$0x12280] =	vst v63  }
0x140: {  	s5 =	rddreg [dreg:$0xc];
	s7 =	simm.s32 $0x5000;
	s17 =	sadd.s32 s1, s23  }
0x141: {  	[tilespmem:s7], [sflag:$0x8] =	stream.linear.gather [hbm4b:s17+s4], $0x800, $0x38;
	[tilespmem:$0x12280] =	vst v63  }
0x142: {  	s18 =	rddreg [dreg:$0xb];
	s19 =	sadd.s32 s1, s5;
	s22 =	simm.s32 $0x2000  }
0x143: {  	[tilespmem:s22], [sflag:$0x9] =	stream.linear.gather [hbm4b:s19+s4], $0x800, $0x38;
	[tilespmem:$0x12280] =	vst v63  }
0x144: {  	s21 =	rddreg [dreg:$0xa];
	s23 =	sadd.s32 s1, s18;
	s5 =	simm.s32 $0x5800  }
0x145: {  	[tilespmem:s5], [sflag:$0xA] =	stream.linear.gather [hbm4b:s23+s4], $0x800, $0x38;
	[tilespmem:$0x12280] =	vst v63  }
0x146: {  	s11 =	sadd.s32 s1, s21;
	s0 =	rddreg [dreg:$0x9];
	s23 =	simm.s32 $0x2800  }
0x147: {  	[tilespmem:s23], [sflag:$0xB] =	stream.linear.gather [hbm4b:s11+s4], $0x800, $0x38;
	[tilespmem:$0x12280] =	vst v63  }
0x148: {  	s18 =	sadd.s32 s1, s0;
	s0 =	simm.s32 $0x6000;
	s17 =	rddreg [dreg:$0x8]  }
0x149: {  	[tilespmem:s0], [sflag:$0xC] =	stream.linear.gather [hbm4b:s18+s4], $0x800, $0x38;
	[tilespmem:$0x12280] =	vst v63  }
0x14a: {  	s21 =	sadd.s32 s1, s17;
	s19 =	rddreg [dreg:$0x7];
	s11 =	simm.s32 $0x3000  }
0x14b: {  	[tilespmem:s11], [sflag:$0xD] =	stream.linear.gather [hbm4b:s21+s4], $0x800, $0x38;
	[tilespmem:$0x12280] =	vst v63  }
0x14c: {  	s14 =	simm.s32 $0x6800;
	s17 =	sadd.s32 s1, s19;
	s18 =	simm.s32 $0x1  }
0x14d: {  	[tilespmem:s14], [sflag:$0xE] =	stream.linear.gather [hbm4b:s17+s4], $0x800, $0x38;
	[tilespmem:$0x12280] =	vst v63  }
0x14e: {  	_ =	swait.ge [sflag:s18], $0x800  }
0x14f: {  	[sflag:s18] =	ssyncset.done $0x0  }
0x150: {  	s10 =	simm.s32 $0x7000;
	s17 =	simm.s32 $0x3;
	[sflag:s18] =	ssyncadd.s32 $0xFFFFF800  }
0x151: {  	[tilespmem:s10], [sflag:$0xF] =	stream.indirect.gather [spmem:s2], $0x1, s4, s20, $0xb8;
	[tilespmem:$0x12280] =	vst v63  }
0x152: {  	_ =	swait.ge [sflag:s17], $0x800  }
0x153: {  	[sflag:s17] =	ssyncset.done $0x0  }
0x154: {  	s19 =	simm.s32 $0x5;
	s21 =	simm.s32 $0x7800;
	[sflag:s17] =	ssyncadd.s32 $0xFFFFF800  }
0x155: {  	[tilespmem:s21], [sflag:$0x10] =	stream.indirect.gather [spmem:s2], $0x1, s20, s20, $0xb8;
	[tilespmem:$0x12280] =	vst v63  }
0x156: {  	_ =	swait.ge [sflag:s19], $0x800  }
0x157: {  	[sflag:s19] =	ssyncset.done $0x0  }
0x158: {  	s18 =	simm.s32 $0x7;
	[sflag:s19] =	ssyncadd.s32 $0xFFFFF800;
	s19 =	simm.s32 $0x8000  }
0x159: {  	[tilespmem:s19], [sflag:$0x11] =	stream.indirect.gather [spmem:s2], $0x1, s15, s20, $0xb8;
	[tilespmem:$0x12280] =	vst v63  }
0x15a: {  	_ =	swait.ge [sflag:s18], $0x800  }
0x15b: {  	[sflag:s18] =	ssyncset.done $0x0  }
0x15c: {  	s17 =	simm.s32 $0x9;
	[sflag:s18] =	ssyncadd.s32 $0xFFFFF800;
	s18 =	simm.s32 $0x8800  }
0x15d: {  	[tilespmem:s18], [sflag:$0x12] =	stream.indirect.gather [spmem:s2], $0x1, s16, s20, $0xb8;
	[tilespmem:$0x12280] =	vst v63  }
0x15e: {  	_ =	swait.ge [sflag:s17], $0x800  }
0x15f: {  	[sflag:s17] =	ssyncset.done $0x0  }
0x160: {  	[sflag:s17] =	ssyncadd.s32 $0xFFFFF800;
	s17 =	simm.s32 $0x9000  }
0x161: {  	[tilespmem:s17], [sflag:$0x13] =	stream.indirect.gather [spmem:s2], $0x1, s22, s20, $0xb8;
	[tilespmem:$0x12280] =	vst v63  }
0x162: {  	s22 =	simm.s32 $0xB  }
0x163: {  	_ =	swait.ge [sflag:s22], $0x800  }
0x164: {  	[sflag:s22] =	ssyncset.done $0x0  }
0x165: {  	s16 =	simm.s32 $0x9800;
	[sflag:s22] =	ssyncadd.s32 $0xFFFFF800  }
0x166: {  	[tilespmem:s16], [sflag:$0x14] =	stream.indirect.gather [spmem:s2], $0x1, s23, s20, $0xb8;
	[tilespmem:$0x12280] =	vst v63  }
0x167: {  	_ =	swait.ge [sflag:s26], $0x800  }
0x168: {  	[sflag:s26] =	ssyncset.done $0x0  }
0x169: {  	s15 =	simm.s32 $0xA000;
	s23 =	simm.s32 $0xF;
	[sflag:s26] =	ssyncadd.s32 $0xFFFFF800  }
0x16a: {  	[tilespmem:s15], [sflag:$0x15] =	stream.indirect.gather [spmem:s2], $0x1, s11, s20, $0xb8;
	[tilespmem:$0x12280] =	vst v63  }
0x16b: {  	_ =	swait.ge [sflag:s23], $0x800  }
0x16c: {  	[sflag:s23] =	ssyncset.done $0x0  }
0x16d: {  	[sflag:s23] =	ssyncadd.s32 $0xFFFFF800;
	s23 =	simm.s32 $0x2  }
0x16e: {  	_ =	swait.ge [sflag:s23], $0x800  }
0x16f: {  	[sflag:s23] =	ssyncset.done $0x0  }
0x170: {  	[sflag:s23] =	ssyncadd.s32 $0xFFFFF800  }
0x171: {  	[spmem:s3] =	stream.indirect.scatter.add.f32 [tilespmem:s10], [sflag:$0x16], $0x1, s13, s20, $0xb8;
	[tilespmem:$0x12280] =	vst v63  }
0x172: {  	s13 =	simm.s32 $0x10  }
0x173: {  	_ =	swait.ge [sflag:s13], $0x800  }
0x174: {  	[sflag:s13] =	ssyncset.done $0x0  }
0x175: {  	[sflag:s13] =	ssyncadd.s32 $0xFFFFF800  }
0x176: {  	_ =	swait.ge [sflag:s24], $0x800  }
0x177: {  	[sflag:s24] =	ssyncset.done $0x0  }
0x178: {  	[sflag:s24] =	ssyncadd.s32 $0xFFFFF800  }
0x179: {  	[spmem:s3] =	stream.indirect.scatter.add.f32 [tilespmem:s21], [sflag:$0x17], $0x1, s12, s20, $0xb8;
	[tilespmem:$0x12280] =	vst v63  }
0x17a: {  	_ =	swait.ge [sflag:s29], $0x800  }
0x17b: {  	[sflag:s29] =	ssyncset.done $0x0  }
0x17c: {  	s22 =	simm.s32 $0x6;
	[sflag:s29] =	ssyncadd.s32 $0xFFFFF800  }
0x17d: {  	_ =	swait.ge [sflag:s22], $0x800  }
0x17e: {  	[sflag:s22] =	ssyncset.done $0x0  }
0x17f: {  	s23 =	simm.s32 $0x12;
	[sflag:s22] =	ssyncadd.s32 $0xFFFFF800  }
0x180: {  	[spmem:s3] =	stream.indirect.scatter.add.f32 [tilespmem:s19], [sflag:$0x18], $0x1, s9, s20, $0xb8;
	[tilespmem:$0x12280] =	vst v63  }
0x181: {  	_ =	swait.ge [sflag:s23], $0x800  }
0x182: {  	[sflag:s23] =	ssyncset.done $0x0  }
0x183: {  	s10 =	simm.s32 $0x8;
	[sflag:s23] =	ssyncadd.s32 $0xFFFFF800  }
0x184: {  	_ =	swait.ge [sflag:s10], $0x800  }
0x185: {  	[sflag:s10] =	ssyncset.done $0x0  }
0x186: {  	s12 =	simm.s32 $0x13;
	[sflag:s10] =	ssyncadd.s32 $0xFFFFF800  }
0x187: {  	[spmem:s3] =	stream.indirect.scatter.add.f32 [tilespmem:s18], [sflag:$0x19], $0x1, s7, s20, $0xb8;
	[tilespmem:$0x12280] =	vst v63  }
0x188: {  	_ =	swait.ge [sflag:s12], $0x800  }
0x189: {  	[sflag:s12] =	ssyncset.done $0x0  }
0x18a: {  	s13 =	simm.s32 $0xA;
	[sflag:s12] =	ssyncadd.s32 $0xFFFFF800  }
0x18b: {  	_ =	swait.ge [sflag:s13], $0x800  }
0x18c: {  	[sflag:s13] =	ssyncset.done $0x0  }
0x18d: {  	[sflag:s13] =	ssyncadd.s32 $0xFFFFF800  }
0x18e: {  	[spmem:s3] =	stream.indirect.scatter.add.f32 [tilespmem:s17], [sflag:$0x1A], $0x1, s5, s20, $0xb8;
	[tilespmem:$0x12280] =	vst v63  }
0x18f: {  	s17 =	simm.s32 $0x14  }
0x190: {  	_ =	swait.ge [sflag:s17], $0x800  }
0x191: {  	[sflag:s17] =	ssyncset.done $0x0  }
0x192: {  	[sflag:s17] =	ssyncadd.s32 $0xFFFFF800  }
0x193: {  	_ =	swait.ge [sflag:s25], $0x800  }
0x194: {  	[sflag:s25] =	ssyncset.done $0x0  }
0x195: {  	[sflag:s25] =	ssyncadd.s32 $0xFFFFF800  }
0x196: {  	[spmem:s3] =	stream.indirect.scatter.add.f32 [tilespmem:s16], [sflag:$0x1B], $0x1, s0, s20, $0xb8;
	[tilespmem:$0x12280] =	vst v63  }
0x197: {  	_ =	swait.ge [sflag:s28], $0x800  }
0x198: {  	[sflag:s28] =	ssyncset.done $0x0  }
0x199: {  	[sflag:s28] =	ssyncadd.s32 $0xFFFFF800  }
0x19a: {  	_ =	swait.ge [sflag:s31], $0x800  }
0x19b: {  	[sflag:s31] =	ssyncset.done $0x0  }
0x19c: {  	[sflag:s31] =	ssyncadd.s32 $0xFFFFF800  }
0x19d: {  	[spmem:s3] =	stream.indirect.scatter.add.f32 [tilespmem:s15], [sflag:$0x1C], $0x1, s14, s20, $0xb8;
	[tilespmem:$0x12280] =	vst v63  }
0x19e: {  	_ =	swait.ge [sflag:s30], $0x800  }
0x19f: {  	[sflag:s30] =	ssyncset.done $0x0  }
0x1a0: {  	s18 =	simm.s32 $0x17;
	[sflag:s30] =	ssyncadd.s32 $0xFFFFF800  }
0x1a1: {  	_ =	swait.ge [sflag:s18], $0x800  }
0x1a2: {  	[sflag:s18] =	ssyncset.done $0x0  }
0x1a3: {  	s19 =	simm.s32 $0x18;
	[sflag:s18] =	ssyncadd.s32 $0xFFFFF800  }
0x1a4: {  	_ =	swait.ge [sflag:s19], $0x800  }
0x1a5: {  	[sflag:s19] =	ssyncset.done $0x0  }
0x1a6: {  	s21 =	simm.s32 $0x19;
	[sflag:s19] =	ssyncadd.s32 $0xFFFFF800  }
0x1a7: {  	_ =	swait.ge [sflag:s21], $0x800  }
0x1a8: {  	[sflag:s21] =	ssyncset.done $0x0  }
0x1a9: {  	s22 =	simm.s32 $0x1A;
	[sflag:s21] =	ssyncadd.s32 $0xFFFFF800  }
0x1aa: {  	_ =	swait.ge [sflag:s22], $0x800  }
0x1ab: {  	[sflag:s22] =	ssyncset.done $0x0  }
0x1ac: {  	p0 =	sne.s32 s6, $0x2A00;
	s23 =	simm.s32 $0x1B;
	[sflag:s22] =	ssyncadd.s32 $0xFFFFF800  }
.Ltmp1:
0x1ad: {  	_ =	swait.ge [sflag:s23], $0x800;
	(pc) =	sbr.rel @p0 .LBB2_4-.Ltmp1, $4  }
0x1ae: {  	s8 =	smov.u32 s6;
	[sflag:s23] =	ssyncset.done $0x0  }
0x1af: {  	s1 =	smov.u32 s8;
	s8 =	simm.s32 $0x1C;
	[sflag:s23] =	ssyncadd.s32 $0xFFFFF800  }
0x1b0: {  	_ =	swait.ge [sflag:s8], $0x800  }
0x1b1: {  	s6 =	sadd.s32 $0x700, s6;
	s10 =	rddreg [dreg:$0x6];
	[sflag:s8] =	ssyncset.done $0x0  }
0x1b2: {  	s6 =	rddreg [dreg:$0x5];
	[sflag:s8] =	ssyncadd.s32 $0xFFFFF800;
	s17 =	sadd.s32 s1, s10  }
0x1b3: {  	[tilespmem:s4], [sflag:$0x1] =	stream.linear.gather [hbm4b:s17+s4], $0x800, $0x38;
	[tilespmem:$0x12280] =	vst v63  }
0x1b4: {  	s18 =	rddreg [dreg:$0x12];
	s13 =	simm.s32 $0x3800;
	s6 =	sadd.s32 s1, s6  }
0x1b5: {  	[tilespmem:s13], [sflag:$0x2] =	stream.linear.gather [hbm4b:s6+s4], $0x800, $0x38;
	[tilespmem:$0x12280] =	vst v63  }
0x1b6: {  	s19 =	rddreg [dreg:$0x11];
	s8 =	sadd.s32 s1, s18  }
0x1b7: {  	[tilespmem:s20], [sflag:$0x3] =	stream.linear.gather [hbm4b:s8+s4], $0x800, $0x38;
	[tilespmem:$0x12280] =	vst v63  }
0x1b8: {  	s21 =	rddreg [dreg:$0x10];
	s12 =	simm.s32 $0x4000;
	s6 =	sadd.s32 s1, s19  }
0x1b9: {  	[tilespmem:s12], [sflag:$0x4] =	stream.linear.gather [hbm4b:s6+s4], $0x800, $0x38;
	[tilespmem:$0x12280] =	vst v63  }
0x1ba: {  	s22 =	rddreg [dreg:$0xf];
	s15 =	simm.s32 $0x1000;
	s8 =	sadd.s32 s1, s21  }
0x1bb: {  	[tilespmem:s15], [sflag:$0x5] =	stream.linear.gather [hbm4b:s8+s4], $0x800, $0x38;
	[tilespmem:$0x12280] =	vst v63  }
0x1bc: {  	s23 =	rddreg [dreg:$0xe];
	s9 =	simm.s32 $0x4800;
	s6 =	sadd.s32 s1, s22  }
0x1bd: {  	[tilespmem:s9], [sflag:$0x6] =	stream.linear.gather [hbm4b:s6+s4], $0x800, $0x38;
	[tilespmem:$0x12280] =	vst v63  }
0x1be: {  	s0 =	rddreg [dreg:$0xd];
	s18 =	simm.s32 $0x1800;
	s8 =	sadd.s32 s1, s23  }
0x1bf: {  	[tilespmem:s18], [sflag:$0x7] =	stream.linear.gather [hbm4b:s8+s4], $0x800, $0x38;
	[tilespmem:$0x12280] =	vst v63  }
0x1c0: {  	s5 =	rddreg [dreg:$0xc];
	s7 =	simm.s32 $0x5000;
	s6 =	sadd.s32 s1, s0  }
0x1c1: {  	[tilespmem:s7], [sflag:$0x8] =	stream.linear.gather [hbm4b:s6+s4], $0x800, $0x38;
	[tilespmem:$0x12280] =	vst v63  }
0x1c2: {  	s10 =	rddreg [dreg:$0xb];
	s21 =	simm.s32 $0x2000;
	s8 =	sadd.s32 s1, s5  }
0x1c3: {  	[tilespmem:s21], [sflag:$0x9] =	stream.linear.gather [hbm4b:s8+s4], $0x800, $0x38;
	[tilespmem:$0x12280] =	vst v63  }
0x1c4: {  	s16 =	rddreg [dreg:$0xa];
	s5 =	simm.s32 $0x5800;
	s6 =	sadd.s32 s1, s10  }
0x1c5: {  	[tilespmem:s5], [sflag:$0xA] =	stream.linear.gather [hbm4b:s6+s4], $0x800, $0x38;
	[tilespmem:$0x12280] =	vst v63  }
0x1c6: {  	s17 =	rddreg [dreg:$0x9];
	s22 =	simm.s32 $0x2800;
	s8 =	sadd.s32 s1, s16  }
0x1c7: {  	[tilespmem:s22], [sflag:$0xB] =	stream.linear.gather [hbm4b:s8+s4], $0x800, $0x38;
	[tilespmem:$0x12280] =	vst v63  }
0x1c8: {  	s19 =	rddreg [dreg:$0x8];
	s0 =	simm.s32 $0x6000;
	s6 =	sadd.s32 s1, s17  }
0x1c9: {  	[tilespmem:s0], [sflag:$0xC] =	stream.linear.gather [hbm4b:s6+s4], $0x800, $0x38;
	[tilespmem:$0x12280] =	vst v63  }
0x1ca: {  	s23 =	rddreg [dreg:$0x7];
	s8 =	sadd.s32 s1, s19  }
0x1cb: {  	[tilespmem:s11], [sflag:$0xD] =	stream.linear.gather [hbm4b:s8+s4], $0x800, $0x38;
	[tilespmem:$0x12280] =	vst v63  }
0x1cc: {  	s10 =	sadd.s32 s1, s23  }
0x1cd: {  	[tilespmem:s14], [sflag:$0xE] =	stream.linear.gather [hbm4b:s10+s4], $0x800, $0x38;
	[tilespmem:$0x12280] =	vst v63  }
0x1ce: {  	s10 =	simm.s32 $0x1  }
0x1cf: {  	_ =	swait.ge [sflag:s10], $0x800  }
0x1d0: {  	[sflag:s10] =	ssyncset.done $0x0  }
0x1d1: {  	s23 =	simm.s32 $0x7000;
	s16 =	simm.s32 $0x3;
	[sflag:s10] =	ssyncadd.s32 $0xFFFFF800  }
0x1d2: {  	[tilespmem:s23], [sflag:$0xF] =	stream.indirect.gather [spmem:s2], $0x1, s4, s20, $0xb8;
	[tilespmem:$0x12280] =	vst v63  }
0x1d3: {  	_ =	swait.ge [sflag:s16], $0x800  }
0x1d4: {  	[sflag:s16] =	ssyncset.done $0x0  }
0x1d5: {  	s17 =	simm.s32 $0x5;
	s19 =	simm.s32 $0x7800;
	[sflag:s16] =	ssyncadd.s32 $0xFFFFF800  }
0x1d6: {  	[tilespmem:s19], [sflag:$0x10] =	stream.indirect.gather [spmem:s2], $0x1, s20, s20, $0xb8;
	[tilespmem:$0x12280] =	vst v63  }
0x1d7: {  	_ =	swait.ge [sflag:s17], $0x800  }
0x1d8: {  	[sflag:s17] =	ssyncset.done $0x0  }
0x1d9: {  	s6 =	simm.s32 $0x7;
	[sflag:s17] =	ssyncadd.s32 $0xFFFFF800;
	s17 =	simm.s32 $0x8000  }
0x1da: {  	[tilespmem:s17], [sflag:$0x11] =	stream.indirect.gather [spmem:s2], $0x1, s15, s20, $0xb8;
	[tilespmem:$0x12280] =	vst v63  }
0x1db: {  	_ =	swait.ge [sflag:s6], $0x800  }
0x1dc: {  	[sflag:s6] =	ssyncset.done $0x0  }
0x1dd: {  	s16 =	simm.s32 $0x8800;
	s15 =	simm.s32 $0x9;
	[sflag:s6] =	ssyncadd.s32 $0xFFFFF800  }
0x1de: {  	[tilespmem:s16], [sflag:$0x12] =	stream.indirect.gather [spmem:s2], $0x1, s18, s20, $0xb8;
	[tilespmem:$0x12280] =	vst v63  }
0x1df: {  	_ =	swait.ge [sflag:s15], $0x800  }
0x1e0: {  	[sflag:s15] =	ssyncset.done $0x0  }
0x1e1: {  	s18 =	simm.s32 $0xB;
	[sflag:s15] =	ssyncadd.s32 $0xFFFFF800;
	s15 =	simm.s32 $0x9000  }
0x1e2: {  	[tilespmem:s15], [sflag:$0x13] =	stream.indirect.gather [spmem:s2], $0x1, s21, s20, $0xb8;
	[tilespmem:$0x12280] =	vst v63  }
0x1e3: {  	_ =	swait.ge [sflag:s18], $0x800  }
0x1e4: {  	[sflag:s18] =	ssyncset.done $0x0  }
0x1e5: {  	s6 =	simm.s32 $0x9800;
	[sflag:s18] =	ssyncadd.s32 $0xFFFFF800  }
0x1e6: {  	[tilespmem:s6], [sflag:$0x14] =	stream.indirect.gather [spmem:s2], $0x1, s22, s20, $0xb8;
	[tilespmem:$0x12280] =	vst v63  }
0x1e7: {  	_ =	swait.ge [sflag:s26], $0x800  }
0x1e8: {  	[sflag:s26] =	ssyncset.done $0x0  }
0x1e9: {  	s1 =	simm.s32 $0xA000;
	s21 =	simm.s32 $0xF;
	[sflag:s26] =	ssyncadd.s32 $0xFFFFF800  }
0x1ea: {  	[tilespmem:s1], [sflag:$0x15] =	stream.indirect.gather [spmem:s2], $0x1, s11, s20, $0xb8;
	[tilespmem:$0x12280] =	vst v63  }
0x1eb: {  	_ =	swait.ge [sflag:s21], $0x800  }
0x1ec: {  	[sflag:s21] =	ssyncset.done $0x0  }
0x1ed: {  	s22 =	simm.s32 $0x2;
	[sflag:s21] =	ssyncadd.s32 $0xFFFFF800  }
0x1ee: {  	_ =	swait.ge [sflag:s22], $0x800  }
0x1ef: {  	[sflag:s22] =	ssyncset.done $0x0  }
0x1f0: {  	s11 =	simm.s32 $0x10;
	[sflag:s22] =	ssyncadd.s32 $0xFFFFF800  }
0x1f1: {  	[spmem:s3] =	stream.indirect.scatter.add.f32 [tilespmem:s23], [sflag:$0x16], $0x1, s13, s20, $0xb8;
	[tilespmem:$0x12280] =	vst v63  }
0x1f2: {  	_ =	swait.ge [sflag:s11], $0x800  }
0x1f3: {  	[sflag:s11] =	ssyncset.done $0x0  }
0x1f4: {  	[sflag:s11] =	ssyncadd.s32 $0xFFFFF800  }
0x1f5: {  	_ =	swait.ge [sflag:s24], $0x800  }
0x1f6: {  	[sflag:s24] =	ssyncset.done $0x0  }
0x1f7: {  	[sflag:s24] =	ssyncadd.s32 $0xFFFFF800  }
0x1f8: {  	[spmem:s3] =	stream.indirect.scatter.add.f32 [tilespmem:s19], [sflag:$0x17], $0x1, s12, s20, $0xb8;
	[tilespmem:$0x12280] =	vst v63  }
0x1f9: {  	_ =	swait.ge [sflag:s29], $0x800  }
0x1fa: {  	[sflag:s29] =	ssyncset.done $0x0  }
0x1fb: {  	s18 =	simm.s32 $0x6;
	[sflag:s29] =	ssyncadd.s32 $0xFFFFF800  }
0x1fc: {  	_ =	swait.ge [sflag:s18], $0x800  }
0x1fd: {  	[sflag:s18] =	ssyncset.done $0x0  }
0x1fe: {  	s19 =	simm.s32 $0x12;
	[sflag:s18] =	ssyncadd.s32 $0xFFFFF800  }
0x1ff: {  	[spmem:s3] =	stream.indirect.scatter.add.f32 [tilespmem:s17], [sflag:$0x18], $0x1, s9, s20, $0xb8;
	[tilespmem:$0x12280] =	vst v63  }
0x200: {  	_ =	swait.ge [sflag:s19], $0x800  }
0x201: {  	[sflag:s19] =	ssyncset.done $0x0  }
0x202: {  	s21 =	simm.s32 $0x8;
	[sflag:s19] =	ssyncadd.s32 $0xFFFFF800  }
0x203: {  	_ =	swait.ge [sflag:s21], $0x800  }
0x204: {  	[sflag:s21] =	ssyncset.done $0x0  }
0x205: {  	s22 =	simm.s32 $0x13;
	[sflag:s21] =	ssyncadd.s32 $0xFFFFF800  }
0x206: {  	[spmem:s3] =	stream.indirect.scatter.add.f32 [tilespmem:s16], [sflag:$0x19], $0x1, s7, s20, $0xb8;
	[tilespmem:$0x12280] =	vst v63  }
0x207: {  	_ =	swait.ge [sflag:s22], $0x800  }
0x208: {  	[sflag:s22] =	ssyncset.done $0x0  }
0x209: {  	s23 =	simm.s32 $0xA;
	[sflag:s22] =	ssyncadd.s32 $0xFFFFF800  }
0x20a: {  	_ =	swait.ge [sflag:s23], $0x800  }
0x20b: {  	[sflag:s23] =	ssyncset.done $0x0  }
0x20c: {  	s9 =	simm.s32 $0x14;
	[sflag:s23] =	ssyncadd.s32 $0xFFFFF800  }
0x20d: {  	[spmem:s3] =	stream.indirect.scatter.add.f32 [tilespmem:s15], [sflag:$0x1A], $0x1, s5, s20, $0xb8;
	[tilespmem:$0x12280] =	vst v63  }
0x20e: {  	_ =	swait.ge [sflag:s9], $0x800  }
0x20f: {  	[sflag:s9] =	ssyncset.done $0x0  }
0x210: {  	[sflag:s9] =	ssyncadd.s32 $0xFFFFF800  }
0x211: {  	_ =	swait.ge [sflag:s25], $0x800  }
0x212: {  	[sflag:s25] =	ssyncset.done $0x0  }
0x213: {  	[sflag:s25] =	ssyncadd.s32 $0xFFFFF800  }
0x214: {  	[spmem:s3] =	stream.indirect.scatter.add.f32 [tilespmem:s6], [sflag:$0x1B], $0x1, s0, s20, $0xb8;
	[tilespmem:$0x12280] =	vst v63  }
0x215: {  	_ =	swait.ge [sflag:s28], $0x800  }
0x216: {  	[sflag:s28] =	ssyncset.done $0x0  }
0x217: {  	[sflag:s28] =	ssyncadd.s32 $0xFFFFF800  }
0x218: {  	_ =	swait.ge [sflag:s31], $0x800  }
0x219: {  	[sflag:s31] =	ssyncset.done $0x0  }
0x21a: {  	[sflag:s31] =	ssyncadd.s32 $0xFFFFF800  }
0x21b: {  	[spmem:s3] =	stream.indirect.scatter.add.f32 [tilespmem:s1], [sflag:$0x1C], $0x1, s14, s20, $0xb8;
	[tilespmem:$0x12280] =	vst v63  }
0x21c: {  	_ =	swait.ge [sflag:s30], $0x800  }
0x21d: {  	[sflag:s30] =	ssyncset.done $0x0  }
0x21e: {  	s12 =	simm.s32 $0x17;
	[sflag:s30] =	ssyncadd.s32 $0xFFFFF800  }
0x21f: {  	_ =	swait.ge [sflag:s12], $0x800  }
0x220: {  	[sflag:s12] =	ssyncset.done $0x0  }
0x221: {  	s13 =	simm.s32 $0x18;
	[sflag:s12] =	ssyncadd.s32 $0xFFFFF800  }
0x222: {  	_ =	swait.ge [sflag:s13], $0x800  }
0x223: {  	[sflag:s13] =	ssyncset.done $0x0  }
0x224: {  	s14 =	simm.s32 $0x19;
	[sflag:s13] =	ssyncadd.s32 $0xFFFFF800  }
0x225: {  	_ =	swait.ge [sflag:s14], $0x800  }
0x226: {  	[sflag:s14] =	ssyncset.done $0x0  }
0x227: {  	s15 =	simm.s32 $0x1A;
	[sflag:s14] =	ssyncadd.s32 $0xFFFFF800  }
0x228: {  	_ =	swait.ge [sflag:s15], $0x800  }
0x229: {  	[sflag:s15] =	ssyncset.done $0x0  }
0x22a: {  	s16 =	simm.s32 $0x1B;
	[sflag:s15] =	ssyncadd.s32 $0xFFFFF800  }
0x22b: {  	_ =	swait.ge [sflag:s16], $0x800  }
0x22c: {  	[sflag:s16] =	ssyncset.done $0x0  }
0x22d: {  	s8 =	simm.s32 $0x1C;
	[sflag:s16] =	ssyncadd.s32 $0xFFFFF800  }
0x22e: {  	_ =	swait.ge [sflag:s8], $0x800  }
0x22f: {  	[sflag:s8] =	ssyncset.done $0x0  }
0x230: {  	[sflag:s8] =	ssyncadd.s32 $0xFFFFF800  }
0x231: {  	[bflag:$0x0] =	sbarrier.arrive $0xFFFF  }
0x232: {  	s17 =	rddreg [dreg:$0x19]  }
0x233: {  	s19 =	rddreg [dreg:$0x1c]  }
0x234: {  	s18 =	simm.s32 $0x20;
	s21 =	rddreg [dreg:$0x1d]  }
0x235: {  	[hbm:s17@s18], [sflag:s19] =	dma.strided [spmem:s21@s11], $0x310, s10, $0x10   }
0x236: {  	s11 =	simm.s32 $0x1D  }
0x237: {  	_ =	swait.ge [sflag:s11], $0x310  }
0x238: {  	s22 =	rddreg [dreg:$0x1b]  }
0x239: {  	s23 =	rddreg [dreg:$0x1a];
	s0 =	sadd.s32 $0x1, s22  }
0x23a: {  	p0 =	sne.s32 s0, s23  }
.Ltmp2:
0x23b: {  	_ = 	snop;
	(pc) =	sbr.rel @p0 .LBB2_1-.Ltmp2, $3  }
0x23c: {  	_ =	sdelay $0x1  }
0x23d: {  	[sflag:s11] =	ssyncset.done $0x0  }
0x23e: {  	s10 =	simm.s32 $0xD900;
	[sflag:s11] =	ssyncadd.s32 $0xFFFFFCF0  }
0x23f: {  	_ =	sfence.sel $0x180000  }
0x240: {  	[bflag:$0x0] =	sbarrier.arrive $0xFFFF  }
0x241: {  	_ =	strace $0x9000004A  }
0x242: {  	s0 =	stileid.u32;
	[bflag:$0x2] =	sbarrier.arrive $0xFFFF  }
0x243: {  	p0 =	sne.s32 s0, $0x0;
	s0 =	rddreg [dreg:$0x4]  }
0x244: {  	s0 =	sadd.s32 @!p0 $0x100000, s0  }
0x245: {  	[sflag:s0] =	ssyncadd.tile.s32 @!p0 $0x1;
	_ =	shalt  }
.Lfunc_end2:
_tile_overlayer_lowered:
.L_overlay_start_2:
0x246: {  	(tag) =	ssettag $0x2  }
0x247: {  	s0 =	rddreg [dreg:$0x0];
	s2 =	stileid.u32  }
0x248: {  	s1 =	rddreg [dreg:$0x1];
	p0 =	sne.s32 s2, $0x0  }
0x249: {  	s3 =	rddreg [dreg:$0x2];
	[bflag:$0x3] =	sbarrier.arrive $0xFFFF;
	s2 =	simm.s32 @!p0 $0x1C1D  }
0x24a: {  	[timem:s3], [sflag:s2] =	dma.local @!p0 [hbm:s0], s1  }
0x24b: {  	s0 =	simm.s32 @!p0 $0x1D  }
0x24c: {  	_ =	swait.ge @!p0 [sflag:s0], s1  }
0x24d: {  	s1 =	ssub.s32 @!p0 $0x0, s1;
	[sflag:s0] =	ssyncset.done @!p0 $0x0  }
0x24e: {  	[sflag:s0] =	ssyncadd.s32 @!p0 s1  }
0x24f: {  	[bflag:$0x3] =	sbarrier.arrive $0xFFFF  }
0x250: {  	_ =	shalt  }

// kernel: kernel.13.cloned.1.call-start
scs
__scs_entry_jumppad:
0x0: {  	(pc) =	sbr.rel $0x88, $3  }
0x1: {  	(tag) =	ssettag $0x0;
	lr =	simm.s32 $0x1  }
0x2: {  	[smem:$0x3F9B] =	sst lr;
	_ =	strace $0xD0000000  }
0x3: {  	_ = 	snop  }
0x4: {  	_ = 	snop  }
0x5: {  	_ = 	snop  }
0x6: {  	_ = 	snop  }
0x7: {  	_ = 	snop  }
__scs_overlays_trampoline_lowered:
0x8: {  	[smem:$0x3FAA] =	sst s0  }
0x9: {  	[smem:$0x3FAB] =	sst s1  }
0xa: {  	[smem:$0x3FAC] =	sst s2  }
0xb: {  	[smem:$0x3FAD] =	sst s3  }
0xc: {  	[smem:$0x3FAE] =	sst s4  }
0xd: {  	[smem:$0x3FAF] =	sst s5  }
0xe: {  	[smem:$0x3FB0] =	sst s6  }
0xf: {  	[smem:$0x3FB1] =	sst s7  }
0x10: {  	[smem:$0x3FB2] =	sst s8  }
0x11: {  	[smem:$0x3FB3] =	sst s9;
	s0 =	simm.s32 @!p0 $0x0  }
0x12: {  	s1 =	sld [smem:$0x3F99];
	s0 =	simm.s32 @p0 $0x1  }
0x13: {  	[smem:$0x3FB4] =	sst s0;
	s0 =	simm.s32 @!p1 $0x0  }
0x14: {  	s2 =	sld [smem:$0x3F98];
	s0 =	simm.s32 @p1 $0x1  }
0x15: {  	[smem:$0x3FB5] =	sst s0;
	s0 =	simm.s32 @!p2 $0x0  }
0x16: {  	s3 =	sld [smem:$0x3FDB];
	s0 =	simm.s32 @p2 $0x1  }
0x17: {  	s4 =	simm.s32 $0x1BF5;
	[smem:$0x3FB7] =	sst s0  }
0x18: {  	s0 =	sld [smem:$0x3F9A];
	_ =	swait.ge [sflag:s4], $0x0  }
0x19: {  	s7 =	sld [smem:$0x3F9B]  }
0x1a: {  	s8 =	sadd.s32 $0xFFFFE003, lr  }
0x1b: {  	s9 =	sadd.s32 $0xFFFFFEF7, lr;
	s5 =	simm.s32 $0xFFFFFFFF;
	p2 =	slt.u32 s8, $0xFFFFF086  }
0x1c: {  	p1 =	slt.u32 s9, $0xF7A;
	s5 =	simm.s32 @!p2 $0x0  }
0x1d: {  	s5 =	simm.s32 @p1 $0x1;
	p0 =	seq.s32 s7, s2  }
0x1e: {  	s7 =	smul.u32 @!p0 $0xF7A, s2;
	p2 =	seq.s32 @!p0 s5, $0x0  }
0x1f: {  	s9 =	smul.u32 $0xF7A, s1;
	s8 =	simm.s32 @!p0 $0x1BF5;
	p2 =	por !p2, p0  }
0x20: {  	[sflag:s8] =	ssyncset.s32 @!p0 $0xFFFFF086;
	s6 =	sadd.s32 @!p0 s3, s7;
	s7 =	simm.s32 @!p0 $0x108  }
0x21: {  	s3 =	sadd.s32 s3, s9;
	s6 =	sadd.s32 @!p0 $0x88, s6;
	s7 =	simm.s32 @p2 $0x1082  }
0x22: {  	[simem:s7], [sflag:s8] =	dma.local @!p0 [hbm:s6], $0xF7A  }
0x23: {  	s9 =	sor.u32 $0xD0000000, s2;
	s6 =	simm.s32 $0x108;
	_ =	swait.ge @!p0 [sflag:s8], $0x0  }
0x24: {  	s3 =	sadd.s32 $0x88, s3;
	s6 =	simm.s32 @!p1 $0x1082;
	[sflag:s4] =	ssyncset.s32 $0xFFFFF086  }
0x25: {  	[simem:s6], [sflag:s4] =	dma.local [hbm:s3], $0xF7A  }
0x26: {  	[smem:$0x3F9B] =	sst s1;
	(tag) =	ssettag s2;
	_ =	strace s9  }
0x27: {  	s1 =	sld [smem:$0x3FAB]  }
0x28: {  	s2 =	sld [smem:$0x3FAC]  }
0x29: {  	s4 =	sld [smem:$0x3FAE]  }
0x2a: {  	p0 =	seq.s32 s5, $0x0;
	s5 =	sld [smem:$0x3FAF]  }
0x2b: {  	s6 =	sld [smem:$0x3FB0]  }
0x2c: {  	s7 =	sld [smem:$0x3FB1]  }
0x2d: {  	s3 =	simm.s32 $0x108;
	s8 =	sld [smem:$0x3FB2]  }
0x2e: {  	s3 =	simm.s32 @!p0 $0x1082;
	s9 =	sld [smem:$0x3FB3]  }
0x2f: {  	lr =	sadd.s32 s0, s3;
	s0 =	sld [smem:$0x3FAA]  }
0x30: {  	s3 =	sld [smem:$0x3FAD]  }
0x31: {  	[smem:$0x3FB6] =	sst s10  }
0x32: {  	s10 =	sld [smem:$0x3FB4];
	_ =	sdelay $0x3  }
0x33: {  	p0 =	seq.s32 s10, $0x1;
	s10 =	sld [smem:$0x3FB6];
	_ =	sdelay $0x3  }
0x34: {  	[smem:$0x3FB6] =	sst s10  }
0x35: {  	s10 =	sld [smem:$0x3FB5];
	_ =	sdelay $0x3  }
0x36: {  	p1 =	seq.s32 s10, $0x1;
	s10 =	sld [smem:$0x3FB6];
	_ =	sdelay $0x3  }
0x37: {  	[smem:$0x3FB6] =	sst s10  }
0x38: {  	s10 =	sld [smem:$0x3FB7]  }
0x39: {  	_ = 	snop;
	(pc) =	sbr.ind lr, $3  }
0x3a: {  	_ = 	snop  }
0x3b: {  	_ = 	snop  }
0x3c: {  	p2 =	seq.s32 s10, $0x1;
	s10 =	sld [smem:$0x3FB6]  }
0x3d: {  	_ =	shalt  }
0x3e: {  	_ =	shalt  }
0x3f: {  	_ =	shalt  }
0x40: {  	_ =	shalt  }
0x41: {  	_ =	shalt  }
0x42: {  	_ =	shalt  }
0x43: {  	_ =	shalt  }
0x44: {  	_ =	shalt  }
0x45: {  	_ =	shalt  }
0x46: {  	_ =	shalt  }
0x47: {  	_ =	shalt  }
0x48: {  	_ =	shalt  }
0x49: {  	_ =	shalt  }
0x4a: {  	_ =	shalt  }
0x4b: {  	_ =	shalt  }
0x4c: {  	_ =	shalt  }
0x4d: {  	_ =	shalt  }
0x4e: {  	_ =	shalt  }
0x4f: {  	_ =	shalt  }
0x50: {  	_ =	shalt  }
0x51: {  	_ =	shalt  }
0x52: {  	_ =	shalt  }
0x53: {  	_ =	shalt  }
0x54: {  	_ =	shalt  }
0x55: {  	_ =	shalt  }
0x56: {  	_ =	shalt  }
0x57: {  	_ =	shalt  }
0x58: {  	_ =	shalt  }
0x59: {  	_ =	shalt  }
0x5a: {  	_ =	shalt  }
0x5b: {  	_ =	shalt  }
0x5c: {  	_ =	shalt  }
0x5d: {  	_ =	shalt  }
0x5e: {  	_ =	shalt  }
0x5f: {  	_ =	shalt  }
0x60: {  	_ =	shalt  }
0x61: {  	_ =	shalt  }
0x62: {  	_ =	shalt  }
0x63: {  	_ =	shalt  }
0x64: {  	_ =	shalt  }
0x65: {  	_ =	shalt  }
0x66: {  	_ =	shalt  }
0x67: {  	_ =	shalt  }
0x68: {  	_ =	shalt  }
0x69: {  	_ =	shalt  }
0x6a: {  	_ =	shalt  }
0x6b: {  	_ =	shalt  }
0x6c: {  	_ =	shalt  }
0x6d: {  	_ =	shalt  }
0x6e: {  	_ =	shalt  }
0x6f: {  	_ =	shalt  }
0x70: {  	_ =	shalt  }
0x71: {  	_ =	shalt  }
0x72: {  	_ =	shalt  }
0x73: {  	_ =	shalt  }
0x74: {  	_ =	shalt  }
0x75: {  	_ =	shalt  }
0x76: {  	_ =	shalt  }
0x77: {  	_ =	shalt  }
0x78: {  	_ =	shalt  }
0x79: {  	_ =	shalt  }
0x7a: {  	_ =	shalt  }
0x7b: {  	_ =	shalt  }
0x7c: {  	_ =	shalt  }
0x7d: {  	_ =	shalt  }
0x7e: {  	_ =	shalt  }
0x7f: {  	_ =	shalt  }
0x80: {  	_ =	shalt  }
0x81: {  	_ =	shalt  }
0x82: {  	_ =	shalt  }
0x83: {  	_ =	shalt  }
0x84: {  	_ =	shalt  }
0x85: {  	_ =	shalt  }
0x86: {  	_ =	shalt  }
0x87: {  	_ =	shalt  }
.Lfunc_end0:
.L_simem_size_0:
called_computation.2_lowered:
.L_overlay_start_0:
0x88: {  	s2 =	sld [smem:$0x3FD9]  }
0x89: {  	s3 =	sld [smem:$0x3FFE];
	_ =	sdelay $0x1  }
0x8a: {  	s1 =	srdreg.scid  }
0x8b: {  	s0 =	sand.u32 $0x1, s1  }
0x8c: {  	s17 =	sshll.u32 s0, $0xA;
	s2 =	sadd.s32 s3, s2  }
0x8d: {  	s2 =	sadd.s32 s2, s17  }
0x8e: {  	[smem:$0x3FC2] =	sst s2  }
0x8f: {  	_ = 	snop  }
0x90: {  	s2 =	sld [smem:$0x3FD0];
	(tm) =	ssettm $0x1  }
0x91: {  	s18 =	sld [smem:$0x3FFB];
	_ =	sdelay $0x3  }
0x92: {  	_ =	strace s18  }
0x93: {  	s3 =	sld [smem:$0x3FFC];
	_ =	sdelay $0x3  }
0x94: {  	_ =	strace s3  }
0x95: {  	s3 =	sld [smem:$0x3FFD];
	_ =	sdelay $0x3  }
0x96: {  	_ =	strace s3  }
0x97: {  	_ =	strace $0x8FFFFFFF  }
0x98: {  	s19 =	sld [smem:$0x3FDB];
	_ =	sdelay $0x1  }
0x99: {  	s4 =	simm.s32 $_scs_section_size  }
0x9a: {  	s5 =	simm.s32 $_size__tile_overlayer_lowered;
	s6 =	simm.s32 $_tile_overlayer_lowered  }
0x9b: {  	s22 =	simm.s32 $0x1BFF;
	s21 =	sshll.u32 s6, $0x1;
	s3 =	sadd.s32 s4, s19  }
0x9c: {  	s7 =	simm.s32 $0x0;
	s20 =	sshll.u32 s5, $0x1;
	s5 =	sadd.s32 s21, s3  }
0x9d: {  	[timem:s7], [sflag:s22] =	dma.local [hbm:s5], s20  }
0x9e: {  	_ =	swait.ge [sflag:s22], s20  }
0x9f: {  	s4 =	ssub.s32 $0x0, s20;
	[sflag:s22] =	ssyncset.done $0x0  }
0xa0: {  	[sflag:s22] =	ssyncadd.s32 s4;
	_ =	sdelay $0x1  }
0xa1: {  	s23 =	simm.s32 $0x1B8B  }
0xa2: {  	_ =	swait.ge [sflag:s23], $0x1  }
0xa3: {  	[sflag:s23] =	ssyncset.done $0x0  }
0xa4: {  	s25 =	simm.s32 $0x1B8E;
	s24 =	sld [smem:$0x3FFE];
	[sflag:s23] =	ssyncadd.s32 $0xFFFFFFFF  }
0xa5: {  	s26 =	simm.s32 $execute0_lowered;
	[smem:$0x3FD2] =	sst s25  }
0xa6: {  	s5 =	sshll.u32 s26, $0x1;
	_ =	strace $0x8000004C;
	[dreg:$0x1] =	wrdreg $0xFFFFFFFF  }
0xa7: {  	s28 =	simm.s32 $_size_execute0_lowered;
	s3 =	sadd.s32 s3, s5;
	[dreg:$0x0] =	wrdreg $0x0  }
0xa8: {  	s5 =	sshll.u32 s28, $0x1;
	[dreg:$0x2] =	wrdreg s3  }
0xa9: {  	[dreg:$0x3] =	wrdreg s5  }
0xaa: {  	[dreg:$0x4] =	wrdreg $0xC0  }
0xab: {  	_ =	task [dreg:s7], $0x5FFFF  }
0xac: {  	[dreg:$0x1] =	wrdreg $0xFFFFFFFF  }
0xad: {  	[dreg:$0x0] =	wrdreg $0x60  }
0xae: {  	[dreg:$0x2] =	wrdreg s24  }
0xaf: {  	[dreg:$0x3] =	wrdreg s2  }
0xb0: {  	[dreg:$0x4] =	wrdreg $0x118000  }
0xb1: {  	[dreg:$0x5] =	wrdreg $0x130800  }
0xb2: {  	[dreg:$0x6] =	wrdreg $0x149000  }
0xb3: {  	[dreg:$0x7] =	wrdreg $0x9  }
0xb4: {  	_ =	task.clear_ibuf [dreg:s7], $0x8FFFF;
	_ =	strace $0x9000004C  }
0xb5: {  	s29 =	simm.s32 $0x9;
	_ =	strace $0x8000004E  }
0xb6: {  	_ =	swait.ge [sflag:s29], $0x1  }
0xb7: {  	[sflag:s29] =	ssyncadd.s32 $0xFFFFFFFF  }
0xb8: {  	_ =	strace $0x9000004E  }
0xb9: {  	_ =	sfence  }
0xba: {  	s30 =	sld [smem:$0x0];
	_ =	sdelay $0x2  }
0xbb: {  	s31 =	sshll.u32 s1, $0xD;
	s1 =	sshrl.u32 s1, $0x2  }
0xbc: {  	s3 =	sand.u32 $0x4000, s31;
	s1 =	sadd.s32 s1, s30  }
0xbd: {  	s0 =	sor.u32 s3, s0;
	s1 =	sshll.u32 s1, $0x11  }
0xbe: {  	s0 =	sor.u32 s1, s0  }
0xbf: {  	s0 =	sadd.s32 $0x8F2B, s0  }
0xc0: {  	[sflag:s0] =	ssyncadd.remote.s32 $0x1  }
0xc1: {  	_ =	sfence.sel $0xFFFF  }
0xc2: {  	[dreg:$0x0] =	wrdreg $0xFFFFFFFF;
	(pc) =	sbr.abs _section_cstart, $3  }
0xc3: {  	[dreg:$0x1] =	wrdreg $0xFFFFFFFF  }
0xc4: {  	_ =	task.clear_ibuf [dreg:s7], $0x2FFFF;
	_ =	strace $0x9FFFFFFF  }
0xc5: {  	(tm) =	ssettm $0x7FFFFFFF  }
tec
execute0_lowered:
.L_overlay_start_1:
0x0: {  	(tag) =	ssettag $0x1  }
0x1: {  	s0 =	rddreg [dreg:$0x0]  }
0x2: {  	s3 =	rddreg [dreg:$0x1]  }
0x3: {  	s1 =	rddreg [dreg:$0x2]  }
0x4: {  	s2 =	rddreg [dreg:$0x3]  }
0x5: {  	s4 =	rddreg [dreg:$0x4]  }
0x6: {  	s15 =	simm.s32 $0x0;
	s14 =	stileid.u32;
	s7 =	srdreg.scid  }
0x7: {  	s16 =	simm.s32 $0x4800;
	s29 =	simm.s32 $0xA;
	s31 =	simm.s32 $0x14  }
0x8: {  	s28 =	simm.s32 $0x17;
	s30 =	simm.s32 $0x18;
	[smem:$0x7FF] =	sst s15  }
0x9: {  	s5 =	smul.u32 $0x1880, s14;
	s6 =	sadd.s32 $0x64600, s0;
	s8 =	sand.u32 $0x1, s7  }
0xa: {  	s9 =	smul.u32 $0x3100, s14;
	s7 =	sadd.s32 $0x2600, s0;
	s20 =	sshll.u32 s14, $0x6  }
0xb: {  	_ =	strace $0x8000004D;
	s11 =	sshll.u32 s8, $0x7;
	s17 =	ssub.s32 $0x2, s8  }
0xc: {  	s8 =	sshll.u32 s8, $0x4;
	s10 =	sshrl.u32 s5, $0x3;
	s9 =	sor.u32 s11, s9  }
0xd: {  	s13 =	sshrl.u32 s17, $0x1;
	s8 =	sor.u32 s14, s8;
	s19 =	sadd.s32 s5, s1  }
0xe: {  	s21 =	sadd.s32 s5, s2;
	s22 =	sadd.s32 s5, s4;
	s11 =	simm.s32 $0x5000  }
0xf: {  	s14 =	simm.s32 $0x1B;
	s12 =	sadd.s32 s10, s0;
	s9 =	sshrl.u32 s9, $0x3  }
0x10: {  	s18 =	ssub.s32 s17, s13;
	s17 =	sor.u32 $0x1C1D, s20;
	s3 =	sadd.s32 s3, s10  }
0x11: {  	s23 =	smul.u32 $0x18800, s8;
	s26 =	sshrl.u32 s19, $0x3;
	s8 =	sshrl.u32 s21, $0x3  }
0x12: {  	s20 =	simm.s32 $0x800;
	s13 =	simm.s32 $0x10;
	[dreg:$0x9] =	wrdreg s3  }
0x13: {  	s19 =	simm.s32 $0xC;
	s21 =	simm.s32 $0x15;
	[dreg:$0xe] =	wrdreg s26  }
0x14: {  	s10 =	simm.s32 $0x1C;
	s0 =	sadd.s32 s9, s0;
	[dreg:$0x8] =	wrdreg s17  }
0x15: {  	s12 =	sadd.s32 $0xC6600, s12;
	s25 =	smax.u32 s18, $0x1;
	[dreg:$0xf] =	wrdreg s8  }
0x16: {  	s18 =	simm.s32 $0x1D;
	s26 =	sshrl.u32 s22, $0x3;
	[dreg:$0x7] =	wrdreg s12  }
0x17: {  	s3 =	simm.s32 $0x3800;
	s9 =	simm.s32 $0x4000;
	[dreg:$0xa] =	wrdreg s23  }
0x18: {  	s22 =	simm.s32 $0x5800;
	s24 =	sadd.s32 $0xCFA00, s0;
	[dreg:$0xd] =	wrdreg s25  }
0x19: {  	s0 =	sadd.s32 $0xC9800, s0;
	s23 =	simm.s32 $0xE;
	[dreg:$0x10] =	wrdreg s26  }
0x1a: {  	s25 =	simm.s32 $0x16;
	s12 =	simm.s32 $0x1A;
	[dreg:$0xb] =	wrdreg s24  }
0x1b: {  	[dreg:$0xc] =	wrdreg s0;
	s24 =	simm.s32 $0x6000;
	s0 =	simm.s32 $0x19  }
.LBB2_1:
0x1c: {  	[dreg:$0x6] =	wrdreg s15  }
0x1d: {  	s5 =	rddreg [dreg:$0x7]  }
0x1e: {  	s15 =	smov.u32 s8;
	s8 =	rddreg [dreg:$0xe]  }
0x1f: {  	[spmem:s8], [sflag:s17] =	dma.local [hbm:s5], $0x310  }
0x20: {  	_ =	swait.ge [sflag:s18], $0x310  }
0x21: {  	[sflag:s18] =	ssyncset.done $0x0  }
0x22: {  	s8 =	rddreg [dreg:$0x9];
	[sflag:s18] =	ssyncadd.s32 $0xFFFFFCF0  }
0x23: {  	[spmem:s15], [sflag:s17] =	dma.local [hbm:s8], $0x310  }
0x24: {  	_ =	swait.ge [sflag:s18], $0x310  }
0x25: {  	[sflag:s18] =	ssyncset.done $0x0  }
0x26: {  	[sflag:s18] =	ssyncadd.s32 $0xFFFFFCF0  }
0x27: {  	[spmem:s26], [sflag:s17] =	dma.local [hbm:s8], $0x310  }
0x28: {  	_ =	swait.ge [sflag:s18], $0x310  }
0x29: {  	[sflag:s18] =	ssyncset.done $0x0  }
0x2a: {  	[sflag:s18] =	ssyncadd.s32 $0xFFFFFCF0  }
0x2b: {  	s26 =	simm.s32 $0x6800;
	s18 =	simm.s32 $0x0;
	[bflag:$0x0] =	sbarrier.arrive $0xFFFF  }
.LBB2_2:
0x2c: {  	s5 =	smul.u32 $0x3800, s18  }
0x2d: {  	s8 =	rddreg [dreg:$0xa]  }
0x2e: {  	s5 =	sadd.s32 s8, s5  }
0x2f: {  	s5 =	sshrl.u32 s5, $0x3  }
0x30: {  	s15 =	simm.s32 $0x0;
	s17 =	sadd.s32 s6, s5  }
0x31: {  	[tilespmem:s15], [sflag:$0x1] =	stream.linear.gather [hbm4b:s17+s15], $0x800, $0x38;
	[tilespmem:$0x16180] =	vst v63  }
0x32: {  	s17 =	sadd.s32 s7, s5  }
0x33: {  	[tilespmem:s3], [sflag:$0x2] =	stream.linear.gather [hbm4b:s17+s15], $0x800, $0x38;
	[tilespmem:$0x16180] =	vst v63  }
0x34: {  	s3 =	sadd.s32 $0x100, s5  }
0x35: {  	s17 =	sadd.s32 s6, s3  }
0x36: {  	[tilespmem:s20], [sflag:$0x3] =	stream.linear.gather [hbm4b:s17+s15], $0x800, $0x38;
	[tilespmem:$0x16180] =	vst v63  }
0x37: {  	s8 =	sadd.s32 s7, s3  }
0x38: {  	[tilespmem:s9], [sflag:$0x4] =	stream.linear.gather [hbm4b:s8+s15], $0x800, $0x38;
	[tilespmem:$0x16180] =	vst v63  }
0x39: {  	s8 =	sadd.s32 $0x200, s5  }
0x3a: {  	s3 =	simm.s32 $0x1000;
	s9 =	sadd.s32 s6, s8  }
0x3b: {  	[tilespmem:s3], [sflag:$0x5] =	stream.linear.gather [hbm4b:s9+s15], $0x800, $0x38;
	[tilespmem:$0x16180] =	vst v63  }
0x3c: {  	s8 =	sadd.s32 s7, s8  }
0x3d: {  	[tilespmem:s16], [sflag:$0x6] =	stream.linear.gather [hbm4b:s8+s15], $0x800, $0x38;
	[tilespmem:$0x16180] =	vst v63  }
0x3e: {  	s8 =	sadd.s32 $0x300, s5  }
0x3f: {  	s9 =	simm.s32 $0x1800;
	s16 =	sadd.s32 s6, s8  }
0x40: {  	[tilespmem:s9], [sflag:$0x7] =	stream.linear.gather [hbm4b:s16+s15], $0x800, $0x38;
	[tilespmem:$0x16180] =	vst v63  }
0x41: {  	s8 =	sadd.s32 s7, s8  }
0x42: {  	[tilespmem:s11], [sflag:$0x8] =	stream.linear.gather [hbm4b:s8+s15], $0x800, $0x38;
	[tilespmem:$0x16180] =	vst v63  }
0x43: {  	s8 =	sadd.s32 $0x400, s5  }
0x44: {  	s11 =	simm.s32 $0x2000;
	s16 =	sadd.s32 s6, s8  }
0x45: {  	[tilespmem:s11], [sflag:$0x9] =	stream.linear.gather [hbm4b:s16+s15], $0x800, $0x38;
	[tilespmem:$0x16180] =	vst v63  }
0x46: {  	s8 =	sadd.s32 s7, s8  }
0x47: {  	[tilespmem:s22], [sflag:$0xA] =	stream.linear.gather [hbm4b:s8+s15], $0x800, $0x38;
	[tilespmem:$0x16180] =	vst v63  }
0x48: {  	s8 =	sadd.s32 $0x500, s5  }
0x49: {  	s16 =	simm.s32 $0x2800;
	s22 =	sadd.s32 s6, s8  }
0x4a: {  	[tilespmem:s16], [sflag:$0xB] =	stream.linear.gather [hbm4b:s22+s15], $0x800, $0x38;
	[tilespmem:$0x16180] =	vst v63  }
0x4b: {  	s5 =	sadd.s32 $0x600, s5;
	s8 =	sadd.s32 s7, s8  }
0x4c: {  	[tilespmem:s24], [sflag:$0xC] =	stream.linear.gather [hbm4b:s8+s15], $0x800, $0x38;
	[tilespmem:$0x16180] =	vst v63  }
0x4d: {  	s17 =	simm.s32 $0x3000;
	s22 =	sadd.s32 s6, s5  }
0x4e: {  	[tilespmem:s17], [sflag:$0xD] =	stream.linear.gather [hbm4b:s22+s15], $0x800, $0x38;
	[tilespmem:$0x16180] =	vst v63  }
0x4f: {  	s5 =	sadd.s32 s7, s5;
	s24 =	simm.s32 $0x1  }
0x50: {  	[tilespmem:s26], [sflag:$0xE] =	stream.linear.gather [hbm4b:s5+s15], $0x800, $0x38;
	[tilespmem:$0x16180] =	vst v63  }
0x51: {  	_ =	swait.ge [sflag:s24], $0x800  }
0x52: {  	[sflag:s24] =	ssyncset.done $0x0  }
0x53: {  	s8 =	simm.s32 $0x3;
	s26 =	simm.s32 $0x7000;
	[sflag:s24] =	ssyncadd.s32 $0xFFFFF800  }
0x54: {  	[tilespmem:s26], [sflag:$0xF] =	stream.indirect.gather [spmem:s1], $0x1, s15, s20, $0xb8;
	[tilespmem:$0x16180] =	vst v63  }
0x55: {  	_ =	swait.ge [sflag:s8], $0x800  }
0x56: {  	[sflag:s8] =	ssyncset.done $0x0  }
0x57: {  	s22 =	simm.s32 $0x5;
	s15 =	simm.s32 $0x7800;
	[sflag:s8] =	ssyncadd.s32 $0xFFFFF800  }
0x58: {  	[tilespmem:s15], [sflag:$0x10] =	stream.indirect.gather [spmem:s1], $0x1, s20, s20, $0xb8;
	[tilespmem:$0x16180] =	vst v63  }
0x59: {  	_ =	swait.ge [sflag:s22], $0x800  }
0x5a: {  	[sflag:s22] =	ssyncset.done $0x0  }
0x5b: {  	s24 =	simm.s32 $0x8000;
	s26 =	simm.s32 $0x7;
	[sflag:s22] =	ssyncadd.s32 $0xFFFFF800  }
0x5c: {  	[tilespmem:s24], [sflag:$0x11] =	stream.indirect.gather [spmem:s1], $0x1, s3, s20, $0xb8;
	[tilespmem:$0x16180] =	vst v63  }
0x5d: {  	_ =	swait.ge [sflag:s26], $0x800  }
0x5e: {  	[sflag:s26] =	ssyncset.done $0x0  }
0x5f: {  	s5 =	simm.s32 $0x8800;
	s8 =	simm.s32 $0x9;
	[sflag:s26] =	ssyncadd.s32 $0xFFFFF800  }
0x60: {  	[tilespmem:s5], [sflag:$0x12] =	stream.indirect.gather [spmem:s1], $0x1, s9, s20, $0xb8;
	[tilespmem:$0x16180] =	vst v63  }
0x61: {  	_ =	swait.ge [sflag:s8], $0x800  }
0x62: {  	[sflag:s8] =	ssyncset.done $0x0  }
0x63: {  	s9 =	simm.s32 $0x9000;
	[sflag:s8] =	ssyncadd.s32 $0xFFFFF800  }
0x64: {  	[tilespmem:s9], [sflag:$0x13] =	stream.indirect.gather [spmem:s1], $0x1, s11, s20, $0xb8;
	[tilespmem:$0x16180] =	vst v63  }
0x65: {  	s11 =	simm.s32 $0xB  }
0x66: {  	_ =	swait.ge [sflag:s11], $0x800  }
0x67: {  	[sflag:s11] =	ssyncset.done $0x0  }
0x68: {  	s15 =	simm.s32 $0x9800;
	s22 =	simm.s32 $0xD;
	[sflag:s11] =	ssyncadd.s32 $0xFFFFF800  }
0x69: {  	[tilespmem:s15], [sflag:$0x14] =	stream.indirect.gather [spmem:s1], $0x1, s16, s20, $0xb8;
	[tilespmem:$0x16180] =	vst v63  }
0x6a: {  	_ =	swait.ge [sflag:s22], $0x800  }
0x6b: {  	[sflag:s22] =	ssyncset.done $0x0  }
0x6c: {  	s24 =	simm.s32 $0xA000;
	s26 =	simm.s32 $0xF;
	[sflag:s22] =	ssyncadd.s32 $0xFFFFF800  }
0x6d: {  	[tilespmem:s24], [sflag:$0x15] =	stream.indirect.gather [spmem:s1], $0x1, s17, s20, $0xb8;
	[tilespmem:$0x16180] =	vst v63  }
0x6e: {  	_ =	swait.ge [sflag:s26], $0x800  }
0x6f: {  	[sflag:s26] =	ssyncset.done $0x0  }
0x70: {  	s8 =	simm.s32 $0x0;
	[sflag:s26] =	ssyncadd.s32 $0xFFFFF800  }
0x71: {  	v0 =	vld [tilespmem:s8+$0x7030]  }
0x72: {  	v2 =	vld [tilespmem:s8+$0x7000]  }
0x73: {  	v3 =	vld [tilespmem:s8+$0x7010]  }
0x74: {  	v1 =	vld [tilespmem:s8+$0x7020];
	_ =	sdelay $0x1  }
0x75: {  	v4 =	vshll.u32 v0, $0x10  }
0x76: {  	v0 =	vand.u32 $0xFFFF0000, v0;
	v5 =	vand.u32 $0xFFFF0000, v2;
	[tilespmem:s8+$0xE030] =	vst v4  }
0x77: {  	s5 =	simm.s32 $0x40;
	s15 =	simm.s32 $0x200;
	v2 =	vshll.u32 v2, $0x10;
	[tilespmem:s8+$0xA800] =	vst v5;
	v4 =	vand.u32 $0xFFFF0000, v3;
	v3 =	vshll.u32 v3, $0x10  }
.LBB2_3:
0x78: {  	p0 =	sne.s32 s15, $0x1F00;
	v5 =	vld [tilespmem:s5+$0x7030];
	[tilespmem:s8+$0xE000] =	vst v2;
	v2 =	vand.u32 $0xFFFF0000, v1;
	v6 =	vshll.u32 v1, $0x10  }
0x79: {  	v7 =	vld [tilespmem:s5+$0x7000];
	[tilespmem:s8+$0xA810] =	vst v4  }
0x7a: {  	v8 =	vld [tilespmem:s5+$0x7010];
	[tilespmem:s8+$0xE010] =	vst v3  }
.Ltmp0:
0x7b: {  	v1 =	vld [tilespmem:s5+$0x7020];
	[tilespmem:s8+$0xA820] =	vst v2;
	(pc) =	sbr.rel @p0 .LBB2_3-.Ltmp0, $4  }
0x7c: {  	[tilespmem:s8+$0xE020] =	vst v6  }
0x7d: {  	v3 =	vshll.u32 v5, $0x10;
	[tilespmem:s8+$0xA830] =	vst v0;
	v0 =	vand.u32 $0xFFFF0000, v5;
	s8 =	smov.u32 s5  }
0x7e: {  	v4 =	vand.u32 $0xFFFF0000, v7;
	v2 =	vshll.u32 v7, $0x10;
	[tilespmem:s8+$0xE030] =	vst v3  }
0x7f: {  	s5 =	sshra.s32 s15, $0x2;
	s15 =	sadd.s32 $0x100, s15;
	[tilespmem:s8+$0xA800] =	vst v4;
	v4 =	vand.u32 $0xFFFF0000, v8;
	v3 =	vshll.u32 v8, $0x10  }
0x80: {  	v5 =	vld [tilespmem:s5+$0x7030];
	[tilespmem:s8+$0xE000] =	vst v2  }
0x81: {  	v2 =	vld [tilespmem:s5+$0x7000];
	[tilespmem:s8+$0xA810] =	vst v4  }
0x82: {  	v4 =	vld [tilespmem:s5+$0x7010];
	[tilespmem:s8+$0xE010] =	vst v3;
	v3 =	vand.u32 $0xFFFF0000, v1  }
0x83: {  	v1 =	vshll.u32 v1, $0x10;
	v6 =	vld [tilespmem:s5+$0x7020];
	[tilespmem:s8+$0xA820] =	vst v3  }
0x84: {  	[tilespmem:s8+$0xE020] =	vst v1  }
0x85: {  	[tilespmem:s8+$0xA830] =	vst v0;
	v1 =	vshll.u32 v5, $0x10  }
0x86: {  	v0 =	vand.u32 $0xFFFF0000, v2;
	[tilespmem:s5+$0xE030] =	vst v1  }
0x87: {  	v1 =	vshll.u32 v2, $0x10;
	[tilespmem:s5+$0xA800] =	vst v0  }
0x88: {  	v0 =	vand.u32 $0xFFFF0000, v4;
	[tilespmem:s5+$0xE000] =	vst v1  }
0x89: {  	v1 =	vshll.u32 v4, $0x10;
	[tilespmem:s5+$0xA810] =	vst v0  }
0x8a: {  	v0 =	vand.u32 $0xFFFF0000, v6;
	[tilespmem:s5+$0xE010] =	vst v1  }
0x8b: {  	v1 =	vshll.u32 v6, $0x10;
	[tilespmem:s5+$0xA820] =	vst v0  }
0x8c: {  	v0 =	vand.u32 $0xFFFF0000, v5;
	[tilespmem:s5+$0xE020] =	vst v1  }
0x8d: {  	s3 =	simm.s32 $0x2;
	[tilespmem:s5+$0xA830] =	vst v0  }
0x8e: {  	_ =	swait.ge [sflag:s3], $0x800  }
0x8f: {  	[sflag:s3] =	ssyncset.done $0x0  }
0x90: {  	s22 =	simm.s32 $0x3800;
	s24 =	simm.s32 $0xA800;
	[sflag:s3] =	ssyncadd.s32 $0xFFFFF800  }
0x91: {  	[spmem:s2] =	stream.indirect.scatter.add.f32 [tilespmem:s24], [sflag:$0x16], $0x1, s22, s20, $0xb8;
	[tilespmem:$0x16180] =	vst v63  }
0x92: {  	s26 =	simm.s32 $0xE000  }
0x93: {  	[spmem:s4] =	stream.indirect.scatter.add.f32 [tilespmem:s26], [sflag:$0x16], $0x1, s22, s20, $0xb8;
	[tilespmem:$0x16180] =	vst v63  }
0x94: {  	_ =	swait.ge [sflag:s13], $0x800  }
0x95: {  	[sflag:s13] =	ssyncset.done $0x0  }
0x96: {  	s8 =	simm.s32 $0x0;
	[sflag:s13] =	ssyncadd.s32 $0xFFFFF800  }
0x97: {  	v0 =	vld [tilespmem:s8+$0x7830]  }
0x98: {  	v2 =	vld [tilespmem:s8+$0x7800]  }
0x99: {  	v3 =	vld [tilespmem:s8+$0x7810]  }
0x9a: {  	v1 =	vld [tilespmem:s8+$0x7820];
	_ =	sdelay $0x1  }
0x9b: {  	v4 =	vshll.u32 v0, $0x10  }
0x9c: {  	v0 =	vand.u32 $0xFFFF0000, v0;
	v5 =	vand.u32 $0xFFFF0000, v2;
	[tilespmem:s8+$0xE830] =	vst v4  }
0x9d: {  	s15 =	simm.s32 $0x200;
	s5 =	simm.s32 $0x40;
	s3 =	simm.s32 $0x3800;
	v2 =	vshll.u32 v2, $0x10;
	[tilespmem:s8+$0xB000] =	vst v5;
	v4 =	vand.u32 $0xFFFF0000, v3;
	v3 =	vshll.u32 v3, $0x10  }
.LBB2_5:
0x9e: {  	p0 =	sne.s32 s15, $0x1F00;
	v5 =	vld [tilespmem:s5+$0x7830];
	[tilespmem:s8+$0xE800] =	vst v2;
	v2 =	vand.u32 $0xFFFF0000, v1;
	v6 =	vshll.u32 v1, $0x10  }
0x9f: {  	v7 =	vld [tilespmem:s5+$0x7800];
	[tilespmem:s8+$0xB010] =	vst v4  }
0xa0: {  	v8 =	vld [tilespmem:s5+$0x7810];
	[tilespmem:s8+$0xE810] =	vst v3  }
.Ltmp1:
0xa1: {  	v1 =	vld [tilespmem:s5+$0x7820];
	[tilespmem:s8+$0xB020] =	vst v2;
	(pc) =	sbr.rel @p0 .LBB2_5-.Ltmp1, $4  }
0xa2: {  	[tilespmem:s8+$0xE820] =	vst v6  }
0xa3: {  	v3 =	vshll.u32 v5, $0x10;
	[tilespmem:s8+$0xB030] =	vst v0;
	v0 =	vand.u32 $0xFFFF0000, v5;
	s8 =	smov.u32 s5  }
0xa4: {  	v4 =	vand.u32 $0xFFFF0000, v7;
	v2 =	vshll.u32 v7, $0x10;
	[tilespmem:s8+$0xE830] =	vst v3  }
0xa5: {  	s5 =	sshra.s32 s15, $0x2;
	s15 =	sadd.s32 $0x100, s15;
	[tilespmem:s8+$0xB000] =	vst v4;
	v4 =	vand.u32 $0xFFFF0000, v8;
	v3 =	vshll.u32 v8, $0x10  }
0xa6: {  	v5 =	vld [tilespmem:s5+$0x7830];
	[tilespmem:s8+$0xE800] =	vst v2  }
0xa7: {  	v2 =	vld [tilespmem:s5+$0x7800];
	[tilespmem:s8+$0xB010] =	vst v4  }
0xa8: {  	v4 =	vld [tilespmem:s5+$0x7810];
	[tilespmem:s8+$0xE810] =	vst v3;
	v3 =	vand.u32 $0xFFFF0000, v1  }
0xa9: {  	v1 =	vshll.u32 v1, $0x10;
	v6 =	vld [tilespmem:s5+$0x7820];
	[tilespmem:s8+$0xB020] =	vst v3  }
0xaa: {  	[tilespmem:s8+$0xE820] =	vst v1  }
0xab: {  	[tilespmem:s8+$0xB030] =	vst v0;
	v1 =	vshll.u32 v5, $0x10  }
0xac: {  	v0 =	vand.u32 $0xFFFF0000, v2;
	[tilespmem:s5+$0xE830] =	vst v1  }
0xad: {  	v1 =	vshll.u32 v2, $0x10;
	[tilespmem:s5+$0xB000] =	vst v0  }
0xae: {  	v0 =	vand.u32 $0xFFFF0000, v4;
	[tilespmem:s5+$0xE800] =	vst v1  }
0xaf: {  	v1 =	vshll.u32 v4, $0x10;
	[tilespmem:s5+$0xB010] =	vst v0  }
0xb0: {  	v0 =	vand.u32 $0xFFFF0000, v6;
	[tilespmem:s5+$0xE810] =	vst v1  }
0xb1: {  	v1 =	vshll.u32 v6, $0x10;
	[tilespmem:s5+$0xB020] =	vst v0  }
0xb2: {  	v0 =	vand.u32 $0xFFFF0000, v5;
	[tilespmem:s5+$0xE820] =	vst v1  }
0xb3: {  	s16 =	simm.s32 $0x4;
	[tilespmem:s5+$0xB030] =	vst v0  }
0xb4: {  	_ =	swait.ge [sflag:s16], $0x800  }
0xb5: {  	[sflag:s16] =	ssyncset.done $0x0  }
0xb6: {  	s17 =	simm.s32 $0x4000;
	s22 =	simm.s32 $0xB000;
	[sflag:s16] =	ssyncadd.s32 $0xFFFFF800  }
0xb7: {  	[spmem:s2] =	stream.indirect.scatter.add.f32 [tilespmem:s22], [sflag:$0x17], $0x1, s17, s20, $0xb8;
	[tilespmem:$0x16180] =	vst v63  }
0xb8: {  	s24 =	simm.s32 $0xE800;
	s26 =	simm.s32 $0x11  }
0xb9: {  	[spmem:s4] =	stream.indirect.scatter.add.f32 [tilespmem:s24], [sflag:$0x17], $0x1, s17, s20, $0xb8;
	[tilespmem:$0x16180] =	vst v63  }
0xba: {  	_ =	swait.ge [sflag:s26], $0x800  }
0xbb: {  	[sflag:s26] =	ssyncset.done $0x0  }
0xbc: {  	s8 =	simm.s32 $0x0;
	[sflag:s26] =	ssyncadd.s32 $0xFFFFF800  }
0xbd: {  	v0 =	vld [tilespmem:s8+$0x8030]  }
0xbe: {  	v2 =	vld [tilespmem:s8+$0x8000]  }
0xbf: {  	v3 =	vld [tilespmem:s8+$0x8010]  }
0xc0: {  	v1 =	vld [tilespmem:s8+$0x8020];
	_ =	sdelay $0x1  }
0xc1: {  	v4 =	vshll.u32 v0, $0x10  }
0xc2: {  	s9 =	simm.s32 $0x4000;
	v0 =	vand.u32 $0xFFFF0000, v0;
	v5 =	vand.u32 $0xFFFF0000, v2;
	[tilespmem:s8+$0xF030] =	vst v4  }
0xc3: {  	s15 =	simm.s32 $0x200;
	s5 =	simm.s32 $0x40;
	s17 =	simm.s32 $0x6800;
	v2 =	vshll.u32 v2, $0x10;
	[tilespmem:s8+$0xB800] =	vst v5;
	v4 =	vand.u32 $0xFFFF0000, v3;
	v3 =	vshll.u32 v3, $0x10  }
.LBB2_7:
0xc4: {  	p0 =	sne.s32 s15, $0x1F00;
	v5 =	vld [tilespmem:s5+$0x8030];
	[tilespmem:s8+$0xF000] =	vst v2;
	v2 =	vand.u32 $0xFFFF0000, v1;
	v6 =	vshll.u32 v1, $0x10  }
0xc5: {  	v7 =	vld [tilespmem:s5+$0x8000];
	[tilespmem:s8+$0xB810] =	vst v4  }
0xc6: {  	v8 =	vld [tilespmem:s5+$0x8010];
	[tilespmem:s8+$0xF010] =	vst v3  }
.Ltmp2:
0xc7: {  	v1 =	vld [tilespmem:s5+$0x8020];
	[tilespmem:s8+$0xB820] =	vst v2;
	(pc) =	sbr.rel @p0 .LBB2_7-.Ltmp2, $4  }
0xc8: {  	[tilespmem:s8+$0xF020] =	vst v6  }
0xc9: {  	v3 =	vshll.u32 v5, $0x10;
	[tilespmem:s8+$0xB830] =	vst v0;
	v0 =	vand.u32 $0xFFFF0000, v5;
	s8 =	smov.u32 s5  }
0xca: {  	v4 =	vand.u32 $0xFFFF0000, v7;
	v2 =	vshll.u32 v7, $0x10;
	[tilespmem:s8+$0xF030] =	vst v3  }
0xcb: {  	s5 =	sshra.s32 s15, $0x2;
	s15 =	sadd.s32 $0x100, s15;
	[tilespmem:s8+$0xB800] =	vst v4;
	v4 =	vand.u32 $0xFFFF0000, v8;
	v3 =	vshll.u32 v8, $0x10  }
0xcc: {  	v5 =	vld [tilespmem:s5+$0x8030];
	[tilespmem:s8+$0xF000] =	vst v2  }
0xcd: {  	v2 =	vld [tilespmem:s5+$0x8000];
	[tilespmem:s8+$0xB810] =	vst v4  }
0xce: {  	v4 =	vld [tilespmem:s5+$0x8010];
	[tilespmem:s8+$0xF010] =	vst v3;
	v3 =	vand.u32 $0xFFFF0000, v1  }
0xcf: {  	v1 =	vshll.u32 v1, $0x10;
	v6 =	vld [tilespmem:s5+$0x8020];
	[tilespmem:s8+$0xB820] =	vst v3  }
0xd0: {  	[tilespmem:s8+$0xF020] =	vst v1  }
0xd1: {  	[tilespmem:s8+$0xB830] =	vst v0;
	v1 =	vshll.u32 v5, $0x10  }
0xd2: {  	v0 =	vand.u32 $0xFFFF0000, v2;
	[tilespmem:s5+$0xF030] =	vst v1  }
0xd3: {  	v1 =	vshll.u32 v2, $0x10;
	[tilespmem:s5+$0xB800] =	vst v0  }
0xd4: {  	v0 =	vand.u32 $0xFFFF0000, v4;
	[tilespmem:s5+$0xF000] =	vst v1  }
0xd5: {  	v1 =	vshll.u32 v4, $0x10;
	[tilespmem:s5+$0xB810] =	vst v0  }
0xd6: {  	v0 =	vand.u32 $0xFFFF0000, v6;
	[tilespmem:s5+$0xF010] =	vst v1  }
0xd7: {  	v1 =	vshll.u32 v6, $0x10;
	[tilespmem:s5+$0xB820] =	vst v0  }
0xd8: {  	v0 =	vand.u32 $0xFFFF0000, v5;
	[tilespmem:s5+$0xF020] =	vst v1  }
0xd9: {  	s11 =	simm.s32 $0x6;
	[tilespmem:s5+$0xB830] =	vst v0  }
0xda: {  	_ =	swait.ge [sflag:s11], $0x800  }
0xdb: {  	[sflag:s11] =	ssyncset.done $0x0  }
0xdc: {  	s15 =	simm.s32 $0x4800;
	s22 =	simm.s32 $0xB800;
	[sflag:s11] =	ssyncadd.s32 $0xFFFFF800  }
0xdd: {  	[spmem:s2] =	stream.indirect.scatter.add.f32 [tilespmem:s22], [sflag:$0x18], $0x1, s15, s20, $0xb8;
	[tilespmem:$0x16180] =	vst v63  }
0xde: {  	s24 =	simm.s32 $0xF000;
	s26 =	simm.s32 $0x12  }
0xdf: {  	[spmem:s4] =	stream.indirect.scatter.add.f32 [tilespmem:s24], [sflag:$0x18], $0x1, s15, s20, $0xb8;
	[tilespmem:$0x16180] =	vst v63  }
0xe0: {  	_ =	swait.ge [sflag:s26], $0x800  }
0xe1: {  	[sflag:s26] =	ssyncset.done $0x0  }
0xe2: {  	s8 =	simm.s32 $0x0;
	[sflag:s26] =	ssyncadd.s32 $0xFFFFF800  }
0xe3: {  	v0 =	vld [tilespmem:s8+$0x8830]  }
0xe4: {  	v2 =	vld [tilespmem:s8+$0x8800]  }
0xe5: {  	v3 =	vld [tilespmem:s8+$0x8810]  }
0xe6: {  	v1 =	vld [tilespmem:s8+$0x8820];
	_ =	sdelay $0x1  }
0xe7: {  	v4 =	vshll.u32 v0, $0x10  }
0xe8: {  	v0 =	vand.u32 $0xFFFF0000, v0;
	v5 =	vand.u32 $0xFFFF0000, v2;
	[tilespmem:s8+$0xF830] =	vst v4  }
0xe9: {  	s16 =	simm.s32 $0x4800;
	s5 =	simm.s32 $0x40;
	s15 =	simm.s32 $0x200;
	v2 =	vshll.u32 v2, $0x10;
	[tilespmem:s8+$0xC000] =	vst v5;
	v4 =	vand.u32 $0xFFFF0000, v3;
	v3 =	vshll.u32 v3, $0x10  }
.LBB2_9:
0xea: {  	p0 =	sne.s32 s15, $0x1F00;
	v5 =	vld [tilespmem:s5+$0x8830];
	[tilespmem:s8+$0xF800] =	vst v2;
	v2 =	vand.u32 $0xFFFF0000, v1;
	v6 =	vshll.u32 v1, $0x10  }
0xeb: {  	v7 =	vld [tilespmem:s5+$0x8800];
	[tilespmem:s8+$0xC010] =	vst v4  }
0xec: {  	v8 =	vld [tilespmem:s5+$0x8810];
	[tilespmem:s8+$0xF810] =	vst v3  }
.Ltmp3:
0xed: {  	v1 =	vld [tilespmem:s5+$0x8820];
	[tilespmem:s8+$0xC020] =	vst v2;
	(pc) =	sbr.rel @p0 .LBB2_9-.Ltmp3, $4  }
0xee: {  	[tilespmem:s8+$0xF820] =	vst v6  }
0xef: {  	v3 =	vshll.u32 v5, $0x10;
	[tilespmem:s8+$0xC030] =	vst v0;
	v0 =	vand.u32 $0xFFFF0000, v5;
	s8 =	smov.u32 s5  }
0xf0: {  	v4 =	vand.u32 $0xFFFF0000, v7;
	v2 =	vshll.u32 v7, $0x10;
	[tilespmem:s8+$0xF830] =	vst v3  }
0xf1: {  	s5 =	sshra.s32 s15, $0x2;
	s15 =	sadd.s32 $0x100, s15;
	[tilespmem:s8+$0xC000] =	vst v4;
	v4 =	vand.u32 $0xFFFF0000, v8;
	v3 =	vshll.u32 v8, $0x10  }
0xf2: {  	v5 =	vld [tilespmem:s5+$0x8830];
	[tilespmem:s8+$0xF800] =	vst v2  }
0xf3: {  	v2 =	vld [tilespmem:s5+$0x8800];
	[tilespmem:s8+$0xC010] =	vst v4  }
0xf4: {  	v4 =	vld [tilespmem:s5+$0x8810];
	[tilespmem:s8+$0xF810] =	vst v3;
	v3 =	vand.u32 $0xFFFF0000, v1  }
0xf5: {  	v1 =	vshll.u32 v1, $0x10;
	v6 =	vld [tilespmem:s5+$0x8820];
	[tilespmem:s8+$0xC020] =	vst v3  }
0xf6: {  	[tilespmem:s8+$0xF820] =	vst v1  }
0xf7: {  	[tilespmem:s8+$0xC030] =	vst v0;
	v1 =	vshll.u32 v5, $0x10  }
0xf8: {  	v0 =	vand.u32 $0xFFFF0000, v2;
	[tilespmem:s5+$0xF830] =	vst v1  }
0xf9: {  	v1 =	vshll.u32 v2, $0x10;
	[tilespmem:s5+$0xC000] =	vst v0  }
0xfa: {  	v0 =	vand.u32 $0xFFFF0000, v4;
	[tilespmem:s5+$0xF800] =	vst v1  }
0xfb: {  	v1 =	vshll.u32 v4, $0x10;
	[tilespmem:s5+$0xC010] =	vst v0  }
0xfc: {  	v0 =	vand.u32 $0xFFFF0000, v6;
	[tilespmem:s5+$0xF810] =	vst v1  }
0xfd: {  	v1 =	vshll.u32 v6, $0x10;
	[tilespmem:s5+$0xC020] =	vst v0  }
0xfe: {  	v0 =	vand.u32 $0xFFFF0000, v5;
	[tilespmem:s5+$0xF820] =	vst v1  }
0xff: {  	s11 =	simm.s32 $0x8;
	[tilespmem:s5+$0xC030] =	vst v0  }
0x100: {  	_ =	swait.ge [sflag:s11], $0x800  }
0x101: {  	[sflag:s11] =	ssyncset.done $0x0  }
0x102: {  	s15 =	simm.s32 $0x5000;
	s22 =	simm.s32 $0xC000;
	[sflag:s11] =	ssyncadd.s32 $0xFFFFF800  }
0x103: {  	[spmem:s2] =	stream.indirect.scatter.add.f32 [tilespmem:s22], [sflag:$0x19], $0x1, s15, s20, $0xb8;
	[tilespmem:$0x16180] =	vst v63  }
0x104: {  	s24 =	simm.s32 $0xF800;
	s26 =	simm.s32 $0x13  }
0x105: {  	[spmem:s4] =	stream.indirect.scatter.add.f32 [tilespmem:s24], [sflag:$0x19], $0x1, s15, s20, $0xb8;
	[tilespmem:$0x16180] =	vst v63  }
0x106: {  	_ =	swait.ge [sflag:s26], $0x800  }
0x107: {  	[sflag:s26] =	ssyncset.done $0x0  }
0x108: {  	s8 =	simm.s32 $0x0;
	[sflag:s26] =	ssyncadd.s32 $0xFFFFF800  }
0x109: {  	v0 =	vld [tilespmem:s8+$0x9030]  }
0x10a: {  	v2 =	vld [tilespmem:s8+$0x9000]  }
0x10b: {  	v3 =	vld [tilespmem:s8+$0x9010]  }
0x10c: {  	v1 =	vld [tilespmem:s8+$0x9020];
	_ =	sdelay $0x1  }
0x10d: {  	v4 =	vshll.u32 v0, $0x10  }
0x10e: {  	v0 =	vand.u32 $0xFFFF0000, v0;
	v5 =	vand.u32 $0xFFFF0000, v2;
	[tilespmem:s8+$0x10030] =	vst v4  }
0x10f: {  	s5 =	simm.s32 $0x40;
	s11 =	simm.s32 $0x5000;
	s15 =	simm.s32 $0x200;
	v2 =	vshll.u32 v2, $0x10;
	[tilespmem:s8+$0xC800] =	vst v5;
	v4 =	vand.u32 $0xFFFF0000, v3;
	v3 =	vshll.u32 v3, $0x10  }
.LBB2_11:
0x110: {  	p0 =	sne.s32 s15, $0x1F00;
	v5 =	vld [tilespmem:s5+$0x9030];
	[tilespmem:s8+$0x10000] =	vst v2;
	v2 =	vand.u32 $0xFFFF0000, v1;
	v6 =	vshll.u32 v1, $0x10  }
0x111: {  	v7 =	vld [tilespmem:s5+$0x9000];
	[tilespmem:s8+$0xC810] =	vst v4  }
0x112: {  	v8 =	vld [tilespmem:s5+$0x9010];
	[tilespmem:s8+$0x10010] =	vst v3  }
.Ltmp4:
0x113: {  	v1 =	vld [tilespmem:s5+$0x9020];
	[tilespmem:s8+$0xC820] =	vst v2;
	(pc) =	sbr.rel @p0 .LBB2_11-.Ltmp4, $4  }
0x114: {  	[tilespmem:s8+$0x10020] =	vst v6  }
0x115: {  	v3 =	vshll.u32 v5, $0x10;
	[tilespmem:s8+$0xC830] =	vst v0;
	v0 =	vand.u32 $0xFFFF0000, v5;
	s8 =	smov.u32 s5  }
0x116: {  	v4 =	vand.u32 $0xFFFF0000, v7;
	v2 =	vshll.u32 v7, $0x10;
	[tilespmem:s8+$0x10030] =	vst v3  }
0x117: {  	s5 =	sshra.s32 s15, $0x2;
	s15 =	sadd.s32 $0x100, s15;
	[tilespmem:s8+$0xC800] =	vst v4;
	v4 =	vand.u32 $0xFFFF0000, v8;
	v3 =	vshll.u32 v8, $0x10  }
0x118: {  	v5 =	vld [tilespmem:s5+$0x9030];
	[tilespmem:s8+$0x10000] =	vst v2  }
0x119: {  	v2 =	vld [tilespmem:s5+$0x9000];
	[tilespmem:s8+$0xC810] =	vst v4  }
0x11a: {  	v4 =	vld [tilespmem:s5+$0x9010];
	[tilespmem:s8+$0x10010] =	vst v3;
	v3 =	vand.u32 $0xFFFF0000, v1  }
0x11b: {  	v1 =	vshll.u32 v1, $0x10;
	v6 =	vld [tilespmem:s5+$0x9020];
	[tilespmem:s8+$0xC820] =	vst v3  }
0x11c: {  	[tilespmem:s8+$0x10020] =	vst v1  }
0x11d: {  	[tilespmem:s8+$0xC830] =	vst v0;
	v1 =	vshll.u32 v5, $0x10  }
0x11e: {  	v0 =	vand.u32 $0xFFFF0000, v2;
	[tilespmem:s5+$0x10030] =	vst v1  }
0x11f: {  	v1 =	vshll.u32 v2, $0x10;
	[tilespmem:s5+$0xC800] =	vst v0  }
0x120: {  	v0 =	vand.u32 $0xFFFF0000, v4;
	[tilespmem:s5+$0x10000] =	vst v1  }
0x121: {  	v1 =	vshll.u32 v4, $0x10;
	[tilespmem:s5+$0xC810] =	vst v0  }
0x122: {  	v0 =	vand.u32 $0xFFFF0000, v6;
	[tilespmem:s5+$0x10010] =	vst v1  }
0x123: {  	v1 =	vshll.u32 v6, $0x10;
	[tilespmem:s5+$0xC820] =	vst v0  }
0x124: {  	v0 =	vand.u32 $0xFFFF0000, v5;
	[tilespmem:s5+$0x10020] =	vst v1  }
0x125: {  	[tilespmem:s5+$0xC830] =	vst v0  }
0x126: {  	_ =	swait.ge [sflag:s29], $0x800  }
0x127: {  	[sflag:s29] =	ssyncset.done $0x0  }
0x128: {  	s15 =	simm.s32 $0x5800;
	s24 =	simm.s32 $0xC800;
	[sflag:s29] =	ssyncadd.s32 $0xFFFFF800  }
0x129: {  	[spmem:s2] =	stream.indirect.scatter.add.f32 [tilespmem:s24], [sflag:$0x1A], $0x1, s15, s20, $0xb8;
	[tilespmem:$0x16180] =	vst v63  }
0x12a: {  	s26 =	simm.s32 $0x10000  }
0x12b: {  	[spmem:s4] =	stream.indirect.scatter.add.f32 [tilespmem:s26], [sflag:$0x1A], $0x1, s15, s20, $0xb8;
	[tilespmem:$0x16180] =	vst v63  }
0x12c: {  	_ =	swait.ge [sflag:s31], $0x800  }
0x12d: {  	[sflag:s31] =	ssyncset.done $0x0  }
0x12e: {  	s8 =	simm.s32 $0x0;
	[sflag:s31] =	ssyncadd.s32 $0xFFFFF800  }
0x12f: {  	v0 =	vld [tilespmem:s8+$0x9830]  }
0x130: {  	v2 =	vld [tilespmem:s8+$0x9800]  }
0x131: {  	v3 =	vld [tilespmem:s8+$0x9810]  }
0x132: {  	v1 =	vld [tilespmem:s8+$0x9820];
	_ =	sdelay $0x1  }
0x133: {  	v4 =	vshll.u32 v0, $0x10  }
0x134: {  	v0 =	vand.u32 $0xFFFF0000, v0;
	v5 =	vand.u32 $0xFFFF0000, v2;
	[tilespmem:s8+$0x10830] =	vst v4  }
0x135: {  	s22 =	simm.s32 $0x5800;
	s5 =	simm.s32 $0x40;
	s15 =	simm.s32 $0x200;
	v2 =	vshll.u32 v2, $0x10;
	[tilespmem:s8+$0xD000] =	vst v5;
	v4 =	vand.u32 $0xFFFF0000, v3;
	v3 =	vshll.u32 v3, $0x10  }
.LBB2_13:
0x136: {  	p0 =	sne.s32 s15, $0x1F00;
	v5 =	vld [tilespmem:s5+$0x9830];
	[tilespmem:s8+$0x10800] =	vst v2;
	v2 =	vand.u32 $0xFFFF0000, v1;
	v6 =	vshll.u32 v1, $0x10  }
0x137: {  	v7 =	vld [tilespmem:s5+$0x9800];
	[tilespmem:s8+$0xD010] =	vst v4  }
0x138: {  	v8 =	vld [tilespmem:s5+$0x9810];
	[tilespmem:s8+$0x10810] =	vst v3  }
.Ltmp5:
0x139: {  	v1 =	vld [tilespmem:s5+$0x9820];
	[tilespmem:s8+$0xD020] =	vst v2;
	(pc) =	sbr.rel @p0 .LBB2_13-.Ltmp5, $4  }
0x13a: {  	[tilespmem:s8+$0x10820] =	vst v6  }
0x13b: {  	v3 =	vshll.u32 v5, $0x10;
	[tilespmem:s8+$0xD030] =	vst v0;
	v0 =	vand.u32 $0xFFFF0000, v5;
	s8 =	smov.u32 s5  }
0x13c: {  	v4 =	vand.u32 $0xFFFF0000, v7;
	v2 =	vshll.u32 v7, $0x10;
	[tilespmem:s8+$0x10830] =	vst v3  }
0x13d: {  	s5 =	sshra.s32 s15, $0x2;
	s15 =	sadd.s32 $0x100, s15;
	[tilespmem:s8+$0xD000] =	vst v4;
	v4 =	vand.u32 $0xFFFF0000, v8;
	v3 =	vshll.u32 v8, $0x10  }
0x13e: {  	v5 =	vld [tilespmem:s5+$0x9830];
	[tilespmem:s8+$0x10800] =	vst v2  }
0x13f: {  	v2 =	vld [tilespmem:s5+$0x9800];
	[tilespmem:s8+$0xD010] =	vst v4  }
0x140: {  	v4 =	vld [tilespmem:s5+$0x9810];
	[tilespmem:s8+$0x10810] =	vst v3;
	v3 =	vand.u32 $0xFFFF0000, v1  }
0x141: {  	v1 =	vshll.u32 v1, $0x10;
	v6 =	vld [tilespmem:s5+$0x9820];
	[tilespmem:s8+$0xD020] =	vst v3  }
0x142: {  	[tilespmem:s8+$0x10820] =	vst v1  }
0x143: {  	[tilespmem:s8+$0xD030] =	vst v0;
	v1 =	vshll.u32 v5, $0x10  }
0x144: {  	v0 =	vand.u32 $0xFFFF0000, v2;
	[tilespmem:s5+$0x10830] =	vst v1  }
0x145: {  	v1 =	vshll.u32 v2, $0x10;
	[tilespmem:s5+$0xD000] =	vst v0  }
0x146: {  	v0 =	vand.u32 $0xFFFF0000, v4;
	[tilespmem:s5+$0x10800] =	vst v1  }
0x147: {  	v1 =	vshll.u32 v4, $0x10;
	[tilespmem:s5+$0xD010] =	vst v0  }
0x148: {  	v0 =	vand.u32 $0xFFFF0000, v6;
	[tilespmem:s5+$0x10810] =	vst v1  }
0x149: {  	v1 =	vshll.u32 v6, $0x10;
	[tilespmem:s5+$0xD020] =	vst v0  }
0x14a: {  	v0 =	vand.u32 $0xFFFF0000, v5;
	[tilespmem:s5+$0x10820] =	vst v1  }
0x14b: {  	[tilespmem:s5+$0xD030] =	vst v0  }
0x14c: {  	_ =	swait.ge [sflag:s19], $0x800  }
0x14d: {  	[sflag:s19] =	ssyncset.done $0x0  }
0x14e: {  	s15 =	simm.s32 $0x6000;
	s24 =	simm.s32 $0xD000;
	[sflag:s19] =	ssyncadd.s32 $0xFFFFF800  }
0x14f: {  	[spmem:s2] =	stream.indirect.scatter.add.f32 [tilespmem:s24], [sflag:$0x1B], $0x1, s15, s20, $0xb8;
	[tilespmem:$0x16180] =	vst v63  }
0x150: {  	s26 =	simm.s32 $0x10800  }
0x151: {  	[spmem:s4] =	stream.indirect.scatter.add.f32 [tilespmem:s26], [sflag:$0x1B], $0x1, s15, s20, $0xb8;
	[tilespmem:$0x16180] =	vst v63  }
0x152: {  	_ =	swait.ge [sflag:s21], $0x800  }
0x153: {  	[sflag:s21] =	ssyncset.done $0x0  }
0x154: {  	s8 =	simm.s32 $0x0;
	[sflag:s21] =	ssyncadd.s32 $0xFFFFF800  }
0x155: {  	v0 =	vld [tilespmem:s8+$0xA030]  }
0x156: {  	v2 =	vld [tilespmem:s8+$0xA000]  }
0x157: {  	v3 =	vld [tilespmem:s8+$0xA010]  }
0x158: {  	v1 =	vld [tilespmem:s8+$0xA020];
	_ =	sdelay $0x1  }
0x159: {  	v4 =	vshll.u32 v0, $0x10  }
0x15a: {  	v0 =	vand.u32 $0xFFFF0000, v0;
	v5 =	vand.u32 $0xFFFF0000, v2;
	[tilespmem:s8+$0x11030] =	vst v4  }
0x15b: {  	s5 =	simm.s32 $0x40;
	s24 =	simm.s32 $0x6000;
	s15 =	simm.s32 $0x200;
	v2 =	vshll.u32 v2, $0x10;
	[tilespmem:s8+$0xD800] =	vst v5;
	v4 =	vand.u32 $0xFFFF0000, v3;
	v3 =	vshll.u32 v3, $0x10  }
.LBB2_15:
0x15c: {  	p0 =	sne.s32 s15, $0x1F00;
	v5 =	vld [tilespmem:s5+$0xA030];
	[tilespmem:s8+$0x11000] =	vst v2;
	v2 =	vand.u32 $0xFFFF0000, v1;
	v6 =	vshll.u32 v1, $0x10  }
0x15d: {  	v7 =	vld [tilespmem:s5+$0xA000];
	[tilespmem:s8+$0xD810] =	vst v4  }
0x15e: {  	v8 =	vld [tilespmem:s5+$0xA010];
	[tilespmem:s8+$0x11010] =	vst v3  }
.Ltmp6:
0x15f: {  	v1 =	vld [tilespmem:s5+$0xA020];
	[tilespmem:s8+$0xD820] =	vst v2;
	(pc) =	sbr.rel @p0 .LBB2_15-.Ltmp6, $4  }
0x160: {  	[tilespmem:s8+$0x11020] =	vst v6  }
0x161: {  	v3 =	vshll.u32 v5, $0x10;
	[tilespmem:s8+$0xD830] =	vst v0;
	v0 =	vand.u32 $0xFFFF0000, v5;
	s8 =	smov.u32 s5  }
0x162: {  	v4 =	vand.u32 $0xFFFF0000, v7;
	v2 =	vshll.u32 v7, $0x10;
	[tilespmem:s8+$0x11030] =	vst v3  }
0x163: {  	s5 =	sshra.s32 s15, $0x2;
	s15 =	sadd.s32 $0x100, s15;
	[tilespmem:s8+$0xD800] =	vst v4;
	v4 =	vand.u32 $0xFFFF0000, v8;
	v3 =	vshll.u32 v8, $0x10  }
0x164: {  	v5 =	vld [tilespmem:s5+$0xA030];
	[tilespmem:s8+$0x11000] =	vst v2  }
0x165: {  	v2 =	vld [tilespmem:s5+$0xA000];
	[tilespmem:s8+$0xD810] =	vst v4  }
0x166: {  	v54 =	vand.u32 $0xFFFF0000, v1;
	v4 =	vld [tilespmem:s5+$0xA010];
	[tilespmem:s8+$0x11010] =	vst v3  }
0x167: {  	v55 =	vshll.u32 v1, $0x10;
	v6 =	vld [tilespmem:s5+$0xA020];
	[tilespmem:s8+$0xD820] =	vst v54  }
0x168: {  	[tilespmem:s8+$0x11020] =	vst v55  }
0x169: {  	[tilespmem:s8+$0xD830] =	vst v0;
	v56 =	vshll.u32 v5, $0x10  }
0x16a: {  	v63 =	vand.u32 $0xFFFF0000, v5;
	[tilespmem:s5+$0x11030] =	vst v56  }
0x16b: {  	v57 =	vand.u32 $0xFFFF0000, v2;
	[tilespmem:s5+$0xD830] =	vst v63  }
0x16c: {  	v58 =	vshll.u32 v2, $0x10;
	[tilespmem:s5+$0xD800] =	vst v57  }
0x16d: {  	v59 =	vand.u32 $0xFFFF0000, v4;
	[tilespmem:s5+$0x11000] =	vst v58  }
0x16e: {  	v60 =	vshll.u32 v4, $0x10;
	[tilespmem:s5+$0xD810] =	vst v59  }
0x16f: {  	v61 =	vand.u32 $0xFFFF0000, v6;
	[tilespmem:s5+$0x11010] =	vst v60  }
0x170: {  	v62 =	vshll.u32 v6, $0x10;
	[tilespmem:s5+$0xD820] =	vst v61  }
0x171: {  	[tilespmem:s5+$0x11020] =	vst v62  }
0x172: {  	_ =	swait.ge [sflag:s23], $0x800  }
0x173: {  	[sflag:s23] =	ssyncset.done $0x0  }
0x174: {  	s15 =	simm.s32 $0xD800;
	[sflag:s23] =	ssyncadd.s32 $0xFFFFF800  }
0x175: {  	[spmem:s2] =	stream.indirect.scatter.add.f32 [tilespmem:s15], [sflag:$0x1C], $0x1, s17, s20, $0xb8;
	[tilespmem:$0x16180] =	vst v63  }
0x176: {  	s26 =	simm.s32 $0x11000  }
0x177: {  	[spmem:s4] =	stream.indirect.scatter.add.f32 [tilespmem:s26], [sflag:$0x1C], $0x1, s17, s20, $0xb8;
	[tilespmem:$0x16180] =	vst v63  }
0x178: {  	_ =	swait.ge [sflag:s25], $0x800  }
0x179: {  	[sflag:s25] =	ssyncset.done $0x0  }
0x17a: {  	[sflag:s25] =	ssyncadd.s32 $0xFFFFF800  }
0x17b: {  	_ =	swait.ge [sflag:s25], $0x800  }
0x17c: {  	[sflag:s25] =	ssyncset.done $0x0  }
0x17d: {  	[sflag:s25] =	ssyncadd.s32 $0xFFFFF800  }
0x17e: {  	_ =	swait.ge [sflag:s28], $0x800  }
0x17f: {  	[sflag:s28] =	ssyncset.done $0x0  }
0x180: {  	[sflag:s28] =	ssyncadd.s32 $0xFFFFF800  }
0x181: {  	_ =	swait.ge [sflag:s28], $0x800  }
0x182: {  	[sflag:s28] =	ssyncset.done $0x0  }
0x183: {  	[sflag:s28] =	ssyncadd.s32 $0xFFFFF800  }
0x184: {  	_ =	swait.ge [sflag:s30], $0x800  }
0x185: {  	[sflag:s30] =	ssyncset.done $0x0  }
0x186: {  	[sflag:s30] =	ssyncadd.s32 $0xFFFFF800  }
0x187: {  	_ =	swait.ge [sflag:s30], $0x800  }
0x188: {  	[sflag:s30] =	ssyncset.done $0x0  }
0x189: {  	[sflag:s30] =	ssyncadd.s32 $0xFFFFF800  }
0x18a: {  	_ =	swait.ge [sflag:s0], $0x800  }
0x18b: {  	[sflag:s0] =	ssyncset.done $0x0  }
0x18c: {  	[sflag:s0] =	ssyncadd.s32 $0xFFFFF800  }
0x18d: {  	_ =	swait.ge [sflag:s0], $0x800  }
0x18e: {  	[sflag:s0] =	ssyncset.done $0x0  }
0x18f: {  	[sflag:s0] =	ssyncadd.s32 $0xFFFFF800  }
0x190: {  	_ =	swait.ge [sflag:s12], $0x800  }
0x191: {  	[sflag:s12] =	ssyncset.done $0x0  }
0x192: {  	[sflag:s12] =	ssyncadd.s32 $0xFFFFF800  }
0x193: {  	_ =	swait.ge [sflag:s12], $0x800  }
0x194: {  	[sflag:s12] =	ssyncset.done $0x0  }
0x195: {  	[sflag:s12] =	ssyncadd.s32 $0xFFFFF800  }
0x196: {  	_ =	swait.ge [sflag:s14], $0x800  }
0x197: {  	[sflag:s14] =	ssyncset.done $0x0  }
0x198: {  	[sflag:s14] =	ssyncadd.s32 $0xFFFFF800  }
0x199: {  	_ =	swait.ge [sflag:s14], $0x800  }
0x19a: {  	[sflag:s14] =	ssyncset.done $0x0  }
0x19b: {  	s18 =	sadd.s32 $0x1, s18;
	[sflag:s14] =	ssyncadd.s32 $0xFFFFF800  }
0x19c: {  	p0 =	sne.s32 s18, $0x7;
	_ =	swait.ge [sflag:s10], $0x800  }
.Ltmp7:
0x19d: {  	[sflag:s10] =	ssyncset.done $0x0;
	(pc) =	sbr.rel @p0 .LBB2_2-.Ltmp7, $4  }
0x19e: {  	[sflag:s10] =	ssyncadd.s32 $0xFFFFF800  }
0x19f: {  	_ =	swait.ge [sflag:s10], $0x800  }
0x1a0: {  	[sflag:s10] =	ssyncset.done $0x0  }
0x1a1: {  	s26 =	simm.s32 $0x6800;
	[sflag:s10] =	ssyncadd.s32 $0xFFFFF800  }
0x1a2: {  	[bflag:$0x0] =	sbarrier.arrive $0xFFFF  }
0x1a3: {  	s17 =	rddreg [dreg:$0x8]  }
0x1a4: {  	s5 =	rddreg [dreg:$0xb]  }
0x1a5: {  	s15 =	simm.s32 $0x1;
	s18 =	simm.s32 $0x20;
	s8 =	rddreg [dreg:$0xf]  }
0x1a6: {  	[hbm:s5@s18], [sflag:s17] =	dma.strided [spmem:s8@s13], $0x310, s15, $0x10   }
0x1a7: {  	s18 =	simm.s32 $0x1D  }
0x1a8: {  	_ =	swait.ge [sflag:s18], $0x310  }
0x1a9: {  	s29 =	simm.s32 $0x1;
	[sflag:s18] =	ssyncset.done $0x0;
	s5 =	rddreg [dreg:$0xc]  }
0x1aa: {  	s15 =	simm.s32 $0x20;
	s26 =	rddreg [dreg:$0x10];
	[sflag:s18] =	ssyncadd.s32 $0xFFFFFCF0  }
0x1ab: {  	[hbm:s5@s15], [sflag:s17] =	dma.strided [spmem:s26@s13], $0x310, s29, $0x10   }
0x1ac: {  	_ =	swait.ge [sflag:s18], $0x310  }
0x1ad: {  	s5 =	rddreg [dreg:$0x6]  }
0x1ae: {  	s15 =	sadd.s32 $0x1, s5;
	s5 =	rddreg [dreg:$0xd]  }
0x1af: {  	p0 =	sne.s32 s15, s5  }
.Ltmp8:
0x1b0: {  	_ = 	snop;
	(pc) =	sbr.rel @p0 .LBB2_1-.Ltmp8, $3  }
0x1b1: {  	_ =	sdelay $0x1  }
0x1b2: {  	[sflag:s18] =	ssyncset.done $0x0  }
0x1b3: {  	s29 =	simm.s32 $0xA;
	[sflag:s18] =	ssyncadd.s32 $0xFFFFFCF0  }
0x1b4: {  	_ =	sfence.sel $0x180000  }
0x1b5: {  	[bflag:$0x0] =	sbarrier.arrive $0xFFFF  }
0x1b6: {  	_ =	strace $0x9000004D  }
0x1b7: {  	s0 =	stileid.u32;
	[bflag:$0x2] =	sbarrier.arrive $0xFFFF  }
0x1b8: {  	p0 =	sne.s32 s0, $0x0;
	s0 =	rddreg [dreg:$0x5]  }
0x1b9: {  	s0 =	sadd.s32 @!p0 $0x100000, s0  }
0x1ba: {  	[sflag:s0] =	ssyncadd.tile.s32 @!p0 $0x1;
	_ =	shalt  }
.Lfunc_end2:
_tile_overlayer_lowered:
.L_overlay_start_2:
0x1bb: {  	(tag) =	ssettag $0x2  }
0x1bc: {  	s0 =	rddreg [dreg:$0x0];
	s2 =	stileid.u32  }
0x1bd: {  	s1 =	rddreg [dreg:$0x1];
	p0 =	sne.s32 s2, $0x0  }
0x1be: {  	s3 =	rddreg [dreg:$0x2];
	[bflag:$0x3] =	sbarrier.arrive $0xFFFF;
	s2 =	simm.s32 @!p0 $0x1C1D  }
0x1bf: {  	[timem:s3], [sflag:s2] =	dma.local @!p0 [hbm:s0], s1  }
0x1c0: {  	s0 =	simm.s32 @!p0 $0x1D  }
0x1c1: {  	_ =	swait.ge @!p0 [sflag:s0], s1  }
0x1c2: {  	s1 =	ssub.s32 @!p0 $0x0, s1;
	[sflag:s0] =	ssyncset.done @!p0 $0x0  }
0x1c3: {  	[sflag:s0] =	ssyncadd.s32 @!p0 s1  }
0x1c4: {  	[bflag:$0x3] =	sbarrier.arrive $0xFFFF  }
0x1c5: {  	_ =	shalt  }

// kernel: kernel.7.cloned.1.call-start
scs
__scs_entry_jumppad:
0x0: {  	(pc) =	sbr.rel $0x88, $3  }
0x1: {  	(tag) =	ssettag $0x0;
	lr =	simm.s32 $0x1  }
0x2: {  	[smem:$0x3F9B] =	sst lr;
	_ =	strace $0xD0000000  }
0x3: {  	_ = 	snop  }
0x4: {  	_ = 	snop  }
0x5: {  	_ = 	snop  }
0x6: {  	_ = 	snop  }
0x7: {  	_ = 	snop  }
__scs_overlays_trampoline_lowered:
0x8: {  	[smem:$0x3FAA] =	sst s0  }
0x9: {  	[smem:$0x3FAB] =	sst s1  }
0xa: {  	[smem:$0x3FAC] =	sst s2  }
0xb: {  	[smem:$0x3FAD] =	sst s3  }
0xc: {  	[smem:$0x3FAE] =	sst s4  }
0xd: {  	[smem:$0x3FAF] =	sst s5  }
0xe: {  	[smem:$0x3FB0] =	sst s6  }
0xf: {  	[smem:$0x3FB1] =	sst s7  }
0x10: {  	[smem:$0x3FB2] =	sst s8  }
0x11: {  	[smem:$0x3FB3] =	sst s9;
	s0 =	simm.s32 @!p0 $0x0  }
0x12: {  	s1 =	sld [smem:$0x3F99];
	s0 =	simm.s32 @p0 $0x1  }
0x13: {  	[smem:$0x3FB4] =	sst s0;
	s0 =	simm.s32 @!p1 $0x0  }
0x14: {  	s2 =	sld [smem:$0x3F98];
	s0 =	simm.s32 @p1 $0x1  }
0x15: {  	[smem:$0x3FB5] =	sst s0;
	s0 =	simm.s32 @!p2 $0x0  }
0x16: {  	s3 =	sld [smem:$0x3FDB];
	s0 =	simm.s32 @p2 $0x1  }
0x17: {  	s4 =	simm.s32 $0x1BF5;
	[smem:$0x3FB7] =	sst s0  }
0x18: {  	s0 =	sld [smem:$0x3F9A];
	_ =	swait.ge [sflag:s4], $0x0  }
0x19: {  	s7 =	sld [smem:$0x3F9B]  }
0x1a: {  	s8 =	sadd.s32 $0xFFFFE003, lr  }
0x1b: {  	s9 =	sadd.s32 $0xFFFFFEF7, lr;
	s5 =	simm.s32 $0xFFFFFFFF;
	p2 =	slt.u32 s8, $0xFFFFF086  }
0x1c: {  	p1 =	slt.u32 s9, $0xF7A;
	s5 =	simm.s32 @!p2 $0x0  }
0x1d: {  	s5 =	simm.s32 @p1 $0x1;
	p0 =	seq.s32 s7, s2  }
0x1e: {  	s7 =	smul.u32 @!p0 $0xF7A, s2;
	p2 =	seq.s32 @!p0 s5, $0x0  }
0x1f: {  	s9 =	smul.u32 $0xF7A, s1;
	s8 =	simm.s32 @!p0 $0x1BF5;
	p2 =	por !p2, p0  }
0x20: {  	[sflag:s8] =	ssyncset.s32 @!p0 $0xFFFFF086;
	s6 =	sadd.s32 @!p0 s3, s7;
	s7 =	simm.s32 @!p0 $0x108  }
0x21: {  	s3 =	sadd.s32 s3, s9;
	s6 =	sadd.s32 @!p0 $0x88, s6;
	s7 =	simm.s32 @p2 $0x1082  }
0x22: {  	[simem:s7], [sflag:s8] =	dma.local @!p0 [hbm:s6], $0xF7A  }
0x23: {  	s9 =	sor.u32 $0xD0000000, s2;
	s6 =	simm.s32 $0x108;
	_ =	swait.ge @!p0 [sflag:s8], $0x0  }
0x24: {  	s3 =	sadd.s32 $0x88, s3;
	s6 =	simm.s32 @!p1 $0x1082;
	[sflag:s4] =	ssyncset.s32 $0xFFFFF086  }
0x25: {  	[simem:s6], [sflag:s4] =	dma.local [hbm:s3], $0xF7A  }
0x26: {  	[smem:$0x3F9B] =	sst s1;
	(tag) =	ssettag s2;
	_ =	strace s9  }
0x27: {  	s1 =	sld [smem:$0x3FAB]  }
0x28: {  	s2 =	sld [smem:$0x3FAC]  }
0x29: {  	s4 =	sld [smem:$0x3FAE]  }
0x2a: {  	p0 =	seq.s32 s5, $0x0;
	s5 =	sld [smem:$0x3FAF]  }
0x2b: {  	s6 =	sld [smem:$0x3FB0]  }
0x2c: {  	s7 =	sld [smem:$0x3FB1]  }
0x2d: {  	s3 =	simm.s32 $0x108;
	s8 =	sld [smem:$0x3FB2]  }
0x2e: {  	s3 =	simm.s32 @!p0 $0x1082;
	s9 =	sld [smem:$0x3FB3]  }
0x2f: {  	lr =	sadd.s32 s0, s3;
	s0 =	sld [smem:$0x3FAA]  }
0x30: {  	s3 =	sld [smem:$0x3FAD]  }
0x31: {  	[smem:$0x3FB6] =	sst s10  }
0x32: {  	s10 =	sld [smem:$0x3FB4];
	_ =	sdelay $0x3  }
0x33: {  	p0 =	seq.s32 s10, $0x1;
	s10 =	sld [smem:$0x3FB6];
	_ =	sdelay $0x3  }
0x34: {  	[smem:$0x3FB6] =	sst s10  }
0x35: {  	s10 =	sld [smem:$0x3FB5];
	_ =	sdelay $0x3  }
0x36: {  	p1 =	seq.s32 s10, $0x1;
	s10 =	sld [smem:$0x3FB6];
	_ =	sdelay $0x3  }
0x37: {  	[smem:$0x3FB6] =	sst s10  }
0x38: {  	s10 =	sld [smem:$0x3FB7]  }
0x39: {  	_ = 	snop;
	(pc) =	sbr.ind lr, $3  }
0x3a: {  	_ = 	snop  }
0x3b: {  	_ = 	snop  }
0x3c: {  	p2 =	seq.s32 s10, $0x1;
	s10 =	sld [smem:$0x3FB6]  }
0x3d: {  	_ =	shalt  }
0x3e: {  	_ =	shalt  }
0x3f: {  	_ =	shalt  }
0x40: {  	_ =	shalt  }
0x41: {  	_ =	shalt  }
0x42: {  	_ =	shalt  }
0x43: {  	_ =	shalt  }
0x44: {  	_ =	shalt  }
0x45: {  	_ =	shalt  }
0x46: {  	_ =	shalt  }
0x47: {  	_ =	shalt  }
0x48: {  	_ =	shalt  }
0x49: {  	_ =	shalt  }
0x4a: {  	_ =	shalt  }
0x4b: {  	_ =	shalt  }
0x4c: {  	_ =	shalt  }
0x4d: {  	_ =	shalt  }
0x4e: {  	_ =	shalt  }
0x4f: {  	_ =	shalt  }
0x50: {  	_ =	shalt  }
0x51: {  	_ =	shalt  }
0x52: {  	_ =	shalt  }
0x53: {  	_ =	shalt  }
0x54: {  	_ =	shalt  }
0x55: {  	_ =	shalt  }
0x56: {  	_ =	shalt  }
0x57: {  	_ =	shalt  }
0x58: {  	_ =	shalt  }
0x59: {  	_ =	shalt  }
0x5a: {  	_ =	shalt  }
0x5b: {  	_ =	shalt  }
0x5c: {  	_ =	shalt  }
0x5d: {  	_ =	shalt  }
0x5e: {  	_ =	shalt  }
0x5f: {  	_ =	shalt  }
0x60: {  	_ =	shalt  }
0x61: {  	_ =	shalt  }
0x62: {  	_ =	shalt  }
0x63: {  	_ =	shalt  }
0x64: {  	_ =	shalt  }
0x65: {  	_ =	shalt  }
0x66: {  	_ =	shalt  }
0x67: {  	_ =	shalt  }
0x68: {  	_ =	shalt  }
0x69: {  	_ =	shalt  }
0x6a: {  	_ =	shalt  }
0x6b: {  	_ =	shalt  }
0x6c: {  	_ =	shalt  }
0x6d: {  	_ =	shalt  }
0x6e: {  	_ =	shalt  }
0x6f: {  	_ =	shalt  }
0x70: {  	_ =	shalt  }
0x71: {  	_ =	shalt  }
0x72: {  	_ =	shalt  }
0x73: {  	_ =	shalt  }
0x74: {  	_ =	shalt  }
0x75: {  	_ =	shalt  }
0x76: {  	_ =	shalt  }
0x77: {  	_ =	shalt  }
0x78: {  	_ =	shalt  }
0x79: {  	_ =	shalt  }
0x7a: {  	_ =	shalt  }
0x7b: {  	_ =	shalt  }
0x7c: {  	_ =	shalt  }
0x7d: {  	_ =	shalt  }
0x7e: {  	_ =	shalt  }
0x7f: {  	_ =	shalt  }
0x80: {  	_ =	shalt  }
0x81: {  	_ =	shalt  }
0x82: {  	_ =	shalt  }
0x83: {  	_ =	shalt  }
0x84: {  	_ =	shalt  }
0x85: {  	_ =	shalt  }
0x86: {  	_ =	shalt  }
0x87: {  	_ =	shalt  }
.Lfunc_end0:
.L_simem_size_0:
called_computation_lowered:
.L_overlay_start_0:
0x88: {  	s2 =	sld [smem:$0x3FD9]  }
0x89: {  	s3 =	sld [smem:$0x3FFE];
	_ =	sdelay $0x1  }
0x8a: {  	s1 =	srdreg.scid  }
0x8b: {  	s0 =	sand.u32 $0x1, s1  }
0x8c: {  	s17 =	sshll.u32 s0, $0xA;
	s2 =	sadd.s32 s3, s2  }
0x8d: {  	s2 =	sadd.s32 s2, s17  }
0x8e: {  	[smem:$0x3FC2] =	sst s2  }
0x8f: {  	_ = 	snop  }
0x90: {  	s2 =	sld [smem:$0x3FD0];
	(tm) =	ssettm $0x1  }
0x91: {  	s18 =	sld [smem:$0x3FFB];
	_ =	sdelay $0x3  }
0x92: {  	_ =	strace s18  }
0x93: {  	s3 =	sld [smem:$0x3FFC];
	_ =	sdelay $0x3  }
0x94: {  	_ =	strace s3  }
0x95: {  	s3 =	sld [smem:$0x3FFD];
	_ =	sdelay $0x3  }
0x96: {  	_ =	strace s3  }
0x97: {  	_ =	strace $0x8FFFFFFF  }
0x98: {  	s19 =	sld [smem:$0x3FDB];
	_ =	sdelay $0x1  }
0x99: {  	s4 =	simm.s32 $_scs_section_size  }
0x9a: {  	s5 =	simm.s32 $_size__tile_overlayer_lowered;
	s6 =	simm.s32 $_tile_overlayer_lowered  }
0x9b: {  	s22 =	simm.s32 $0x1BFF;
	s21 =	sshll.u32 s6, $0x1;
	s3 =	sadd.s32 s4, s19  }
0x9c: {  	s7 =	simm.s32 $0x0;
	s20 =	sshll.u32 s5, $0x1;
	s5 =	sadd.s32 s21, s3  }
0x9d: {  	[timem:s7], [sflag:s22] =	dma.local [hbm:s5], s20  }
0x9e: {  	_ =	swait.ge [sflag:s22], s20  }
0x9f: {  	s4 =	ssub.s32 $0x0, s20;
	[sflag:s22] =	ssyncset.done $0x0  }
0xa0: {  	[sflag:s22] =	ssyncadd.s32 s4;
	_ =	sdelay $0x1  }
0xa1: {  	s23 =	simm.s32 $0x1B8B  }
0xa2: {  	_ =	swait.ge [sflag:s23], $0x1  }
0xa3: {  	[sflag:s23] =	ssyncset.done $0x0  }
0xa4: {  	s25 =	simm.s32 $0x1B8E;
	s24 =	sld [smem:$0x3FFE];
	[sflag:s23] =	ssyncadd.s32 $0xFFFFFFFF  }
0xa5: {  	s26 =	simm.s32 $execute0_lowered;
	[smem:$0x3FD2] =	sst s25  }
0xa6: {  	s5 =	sshll.u32 s26, $0x1;
	_ =	strace $0x80000046;
	[dreg:$0x1] =	wrdreg $0xFFFFFFFF  }
0xa7: {  	s28 =	simm.s32 $_size_execute0_lowered;
	s3 =	sadd.s32 s3, s5;
	[dreg:$0x0] =	wrdreg $0x0  }
0xa8: {  	s5 =	sshll.u32 s28, $0x1;
	[dreg:$0x2] =	wrdreg s3  }
0xa9: {  	[dreg:$0x3] =	wrdreg s5  }
0xaa: {  	[dreg:$0x4] =	wrdreg $0xC0  }
0xab: {  	_ =	task [dreg:s7], $0x5FFFF  }
0xac: {  	[dreg:$0x1] =	wrdreg $0xFFFFFFFF  }
0xad: {  	[dreg:$0x0] =	wrdreg $0x60  }
0xae: {  	[dreg:$0x2] =	wrdreg s24  }
0xaf: {  	[dreg:$0x3] =	wrdreg s2  }
0xb0: {  	[dreg:$0x4] =	wrdreg $0x40000  }
0xb1: {  	[dreg:$0x5] =	wrdreg $0x9  }
0xb2: {  	_ =	task.clear_ibuf [dreg:s7], $0x6FFFF;
	_ =	strace $0x90000046  }
0xb3: {  	s29 =	simm.s32 $0x9;
	_ =	strace $0x80000048  }
0xb4: {  	_ =	swait.ge [sflag:s29], $0x1  }
0xb5: {  	[sflag:s29] =	ssyncadd.s32 $0xFFFFFFFF  }
0xb6: {  	_ =	strace $0x90000048  }
0xb7: {  	_ =	sfence  }
0xb8: {  	s30 =	sld [smem:$0x0];
	_ =	sdelay $0x2  }
0xb9: {  	s31 =	sshll.u32 s1, $0xD;
	s1 =	sshrl.u32 s1, $0x2  }
0xba: {  	s3 =	sand.u32 $0x4000, s31;
	s1 =	sadd.s32 s1, s30  }
0xbb: {  	s0 =	sor.u32 s3, s0;
	s1 =	sshll.u32 s1, $0x11  }
0xbc: {  	s0 =	sor.u32 s1, s0  }
0xbd: {  	s0 =	sadd.s32 $0x8F2B, s0  }
0xbe: {  	[sflag:s0] =	ssyncadd.remote.s32 $0x1  }
0xbf: {  	_ =	sfence.sel $0xFFFF  }
0xc0: {  	[dreg:$0x0] =	wrdreg $0xFFFFFFFF;
	(pc) =	sbr.abs _section_cstart, $3  }
0xc1: {  	[dreg:$0x1] =	wrdreg $0xFFFFFFFF  }
0xc2: {  	_ =	task.clear_ibuf [dreg:s7], $0x2FFFF;
	_ =	strace $0x9FFFFFFF  }
0xc3: {  	(tm) =	ssettm $0x7FFFFFFF  }
tec
execute0_lowered:
.L_overlay_start_1:
0x0: {  	(tag) =	ssettag $0x1  }
0x1: {  	s0 =	rddreg [dreg:$0x0]  }
0x2: {  	s2 =	rddreg [dreg:$0x1]  }
0x3: {  	s1 =	rddreg [dreg:$0x2]  }
0x4: {  	s3 =	simm.s32 $0x0;
	s4 =	srdreg.scid;
	s11 =	stileid.u32  }
0x5: {  	s28 =	simm.s32 $0xA;
	s29 =	simm.s32 $0xB;
	s30 =	simm.s32 $0xC  }
0x6: {  	s31 =	simm.s32 $0xD;
	[smem:$0x7FF] =	sst s3;
	s6 =	smul.u32 $0x3100, s11  }
0x7: {  	s5 =	sadd.s32 $0x2600, s0;
	s4 =	sand.u32 $0x1, s4;
	s8 =	smul.u32 $0x1880, s11  }
0x8: {  	s7 =	sadd.s32 $0xC6600, s0;
	s10 =	smul.u32 $0x18800, s11;
	s26 =	sshll.u32 s11, $0x6  }
0x9: {  	_ =	strace $0x80000047;
	[dreg:$0xb] =	wrdreg s7;
	s23 =	sshll.u32 s4, $0x7  }
0xa: {  	s24 =	ssub.s32 $0x2, s4;
	s4 =	smul.u32 $0x188000, s4;
	s6 =	sor.u32 s23, s6  }
0xb: {  	s9 =	sshrl.u32 s24, $0x1;
	s25 =	sshrl.u32 s8, $0x3;
	s6 =	sshrl.u32 s6, $0x3  }
0xc: {  	s7 =	ssub.s32 s24, s9;
	s9 =	sadd.s32 s8, s1;
	s4 =	sadd.s32 s10, s4  }
0xd: {  	s2 =	sadd.s32 s2, s25;
	s10 =	simm.s32 $0xF;
	s0 =	sadd.s32 s6, s0  }
0xe: {  	[dreg:$0xc] =	wrdreg s2;
	s6 =	sor.u32 $0x1C0F, s26;
	s11 =	sshrl.u32 s4, $0x3  }
0xf: {  	s13 =	sadd.s32 $0x3000, s4;
	s15 =	sadd.s32 $0x2800, s4;
	s16 =	sadd.s32 $0x2000, s4  }
0x10: {  	s20 =	sadd.s32 $0x1800, s4;
	s22 =	sadd.s32 $0x1000, s4;
	s4 =	sadd.s32 $0x800, s4  }
0x11: {  	s25 =	smax.u32 s7, $0x1;
	s0 =	sadd.s32 $0xC6800, s0;
	s12 =	sadd.s32 s11, s5  }
0x12: {  	s14 =	sshrl.u32 s13, $0x3;
	s2 =	sshrl.u32 s15, $0x3;
	s18 =	sshrl.u32 s16, $0x3  }
0x13: {  	s21 =	sshrl.u32 s20, $0x3;
	s24 =	sshrl.u32 s4, $0x3;
	[dreg:$0xf] =	wrdreg s25  }
0x14: {  	s11 =	simm.s32 $0x3800;
	s13 =	simm.s32 $0x1000;
	[dreg:$0xd] =	wrdreg s6  }
0x15: {  	s15 =	simm.s32 $0x2000;
	s16 =	simm.s32 $0x2800;
	[dreg:$0xe] =	wrdreg s0  }
0x16: {  	s20 =	simm.s32 $0x3;
	s25 =	simm.s32 $0x8;
	[dreg:$0x4] =	wrdreg s12  }
0x17: {  	s0 =	sadd.s32 s14, s5;
	s17 =	sadd.s32 s2, s5;
	s19 =	sadd.s32 s18, s5  }
0x18: {  	s2 =	sshrl.u32 s22, $0x3;
	s26 =	sadd.s32 s24, s5;
	s12 =	simm.s32 $0x800  }
0x19: {  	s14 =	simm.s32 $0x1800;
	s18 =	simm.s32 $0x1;
	[dreg:$0x5] =	wrdreg s0  }
0x1a: {  	s22 =	simm.s32 $0x5;
	s24 =	simm.s32 $0x7;
	[dreg:$0x6] =	wrdreg s17  }
0x1b: {  	[dreg:$0x7] =	wrdreg s19;
	s0 =	sadd.s32 s21, s5;
	s23 =	sadd.s32 s2, s5  }
0x1c: {  	[dreg:$0xa] =	wrdreg s26;
	s5 =	sshrl.u32 s9, $0x3;
	s17 =	simm.s32 $0x3000  }
0x1d: {  	s19 =	simm.s32 $0x2;
	s21 =	simm.s32 $0x4;
	[dreg:$0x8] =	wrdreg s0  }
0x1e: {  	s26 =	simm.s32 $0x9;
	s2 =	simm.s32 $0x0;
	[dreg:$0x9] =	wrdreg s23  }
0x1f: {  	s23 =	simm.s32 $0x6;
	s0 =	simm.s32 $0xE;
	[dreg:$0x10] =	wrdreg s5  }
.LBB2_1:
0x20: {  	s4 =	rddreg [dreg:$0xc]  }
0x21: {  	[spmem:s5], [sflag:s6] =	dma.local [hbm:s4], $0x310  }
0x22: {  	_ =	swait.ge [sflag:s10], $0x310  }
0x23: {  	[sflag:s10] =	ssyncset.done $0x0  }
0x24: {  	s7 =	rddreg [dreg:$0xb];
	[sflag:s10] =	ssyncadd.s32 $0xFFFFFCF0  }
0x25: {  	[tilespmem:s11], [sflag:$0xF] =	stream.linear.gather [hbm4b:s7+s3], $0x800, $0x38;
	[tilespmem:$0x5880] =	vst v63  }
0x26: {  	_ =	swait.ge [sflag:s10], $0x800  }
0x27: {  	[sflag:s10] =	ssyncset.done $0x0  }
0x28: {  	[sflag:s10] =	ssyncadd.s32 $0xFFFFF800  }
0x29: {  	[bflag:$0x0] =	sbarrier.arrive $0xFFFF  }
0x2a: {  	s8 =	rddreg [dreg:$0x4]  }
0x2b: {  	s9 =	rddreg [dreg:$0xa];
	s4 =	sadd.s32 $0x0, s8  }
0x2c: {  	[tilespmem:s3], [sflag:$0x1] =	stream.linear.gather [hbm4b:s4+s3], $0x800, $0x38;
	[tilespmem:$0x5880] =	vst v63  }
0x2d: {  	s7 =	rddreg [dreg:$0x9];
	s5 =	sadd.s32 $0x0, s9  }
0x2e: {  	[tilespmem:s12], [sflag:$0x2] =	stream.linear.gather [hbm4b:s5+s3], $0x800, $0x38;
	[tilespmem:$0x5880] =	vst v63  }
0x2f: {  	s6 =	rddreg [dreg:$0x8];
	s8 =	sadd.s32 $0x0, s7  }
0x30: {  	[tilespmem:s13], [sflag:$0x3] =	stream.linear.gather [hbm4b:s8+s3], $0x800, $0x38;
	[tilespmem:$0x5880] =	vst v63  }
0x31: {  	s9 =	rddreg [dreg:$0x7];
	s6 =	sadd.s32 $0x0, s6  }
0x32: {  	[tilespmem:s14], [sflag:$0x4] =	stream.linear.gather [hbm4b:s6+s3], $0x800, $0x38;
	[tilespmem:$0x5880] =	vst v63  }
0x33: {  	s9 =	sadd.s32 $0x0, s9;
	s8 =	rddreg [dreg:$0x6]  }
0x34: {  	[tilespmem:s15], [sflag:$0x5] =	stream.linear.gather [hbm4b:s9+s3], $0x800, $0x38;
	[tilespmem:$0x5880] =	vst v63  }
0x35: {  	s8 =	sadd.s32 $0x0, s8;
	s6 =	rddreg [dreg:$0x5]  }
0x36: {  	[tilespmem:s16], [sflag:$0x6] =	stream.linear.gather [hbm4b:s8+s3], $0x800, $0x38;
	[tilespmem:$0x5880] =	vst v63  }
0x37: {  	s9 =	sadd.s32 $0x0, s6  }
0x38: {  	[tilespmem:s17], [sflag:$0x7] =	stream.linear.gather [hbm4b:s9+s3], $0x800, $0x38;
	[tilespmem:$0x5880] =	vst v63  }
0x39: {  	_ =	swait.ge [sflag:s18], $0x800  }
0x3a: {  	[sflag:s18] =	ssyncset.done $0x0  }
0x3b: {  	[sflag:s18] =	ssyncadd.s32 $0xFFFFF800  }
0x3c: {  	[spmem:s1] =	stream.indirect.scatter.add.f32 [tilespmem:s11], [sflag:$0x8], $0x1, s3, s12, $0xb8;
	[tilespmem:$0x5880] =	vst v63  }
0x3d: {  	_ =	swait.ge [sflag:s19], $0x800  }
0x3e: {  	[sflag:s19] =	ssyncset.done $0x0  }
0x3f: {  	[sflag:s19] =	ssyncadd.s32 $0xFFFFF800  }
0x40: {  	[spmem:s1] =	stream.indirect.scatter.add.f32 [tilespmem:s11], [sflag:$0x9], $0x1, s12, s12, $0xb8;
	[tilespmem:$0x5880] =	vst v63  }
0x41: {  	_ =	swait.ge [sflag:s20], $0x800  }
0x42: {  	[sflag:s20] =	ssyncset.done $0x0  }
0x43: {  	[sflag:s20] =	ssyncadd.s32 $0xFFFFF800  }
0x44: {  	[spmem:s1] =	stream.indirect.scatter.add.f32 [tilespmem:s11], [sflag:$0xA], $0x1, s13, s12, $0xb8;
	[tilespmem:$0x5880] =	vst v63  }
0x45: {  	_ =	swait.ge [sflag:s21], $0x800  }
0x46: {  	[sflag:s21] =	ssyncset.done $0x0  }
0x47: {  	[sflag:s21] =	ssyncadd.s32 $0xFFFFF800  }
0x48: {  	[spmem:s1] =	stream.indirect.scatter.add.f32 [tilespmem:s11], [sflag:$0xB], $0x1, s14, s12, $0xb8;
	[tilespmem:$0x5880] =	vst v63  }
0x49: {  	_ =	swait.ge [sflag:s22], $0x800  }
0x4a: {  	[sflag:s22] =	ssyncset.done $0x0  }
0x4b: {  	[sflag:s22] =	ssyncadd.s32 $0xFFFFF800  }
0x4c: {  	[spmem:s1] =	stream.indirect.scatter.add.f32 [tilespmem:s11], [sflag:$0xC], $0x1, s15, s12, $0xb8;
	[tilespmem:$0x5880] =	vst v63  }
0x4d: {  	_ =	swait.ge [sflag:s23], $0x800  }
0x4e: {  	[sflag:s23] =	ssyncset.done $0x0  }
0x4f: {  	[sflag:s23] =	ssyncadd.s32 $0xFFFFF800  }
0x50: {  	[spmem:s1] =	stream.indirect.scatter.add.f32 [tilespmem:s11], [sflag:$0xD], $0x1, s16, s12, $0xb8;
	[tilespmem:$0x5880] =	vst v63  }
0x51: {  	_ =	swait.ge [sflag:s24], $0x800  }
0x52: {  	[sflag:s24] =	ssyncset.done $0x0  }
0x53: {  	[sflag:s24] =	ssyncadd.s32 $0xFFFFF800  }
0x54: {  	[spmem:s1] =	stream.indirect.scatter.add.f32 [tilespmem:s11], [sflag:$0xE], $0x1, s17, s12, $0xb8;
	[tilespmem:$0x5880] =	vst v63  }
0x55: {  	_ =	swait.ge [sflag:s25], $0x800  }
0x56: {  	[sflag:s25] =	ssyncset.done $0x0  }
0x57: {  	[sflag:s25] =	ssyncadd.s32 $0xFFFFF800  }
0x58: {  	_ =	swait.ge [sflag:s26], $0x800  }
0x59: {  	[sflag:s26] =	ssyncset.done $0x0  }
0x5a: {  	[sflag:s26] =	ssyncadd.s32 $0xFFFFF800  }
0x5b: {  	_ =	swait.ge [sflag:s28], $0x800  }
0x5c: {  	[sflag:s28] =	ssyncset.done $0x0  }
0x5d: {  	[sflag:s28] =	ssyncadd.s32 $0xFFFFF800  }
0x5e: {  	_ =	swait.ge [sflag:s29], $0x800  }
0x5f: {  	[sflag:s29] =	ssyncset.done $0x0  }
0x60: {  	[sflag:s29] =	ssyncadd.s32 $0xFFFFF800  }
0x61: {  	_ =	swait.ge [sflag:s30], $0x800  }
0x62: {  	[sflag:s30] =	ssyncset.done $0x0  }
0x63: {  	[sflag:s30] =	ssyncadd.s32 $0xFFFFF800  }
0x64: {  	_ =	swait.ge [sflag:s31], $0x800  }
0x65: {  	[sflag:s31] =	ssyncset.done $0x0  }
0x66: {  	[sflag:s31] =	ssyncadd.s32 $0xFFFFF800  }
0x67: {  	s4 =	simm.s32 $0x700;
	_ =	swait.ge [sflag:s0], $0x800  }
0x68: {  	s5 =	simm.s32 $0xE00;
	s7 =	rddreg [dreg:$0x4];
	[sflag:s0] =	ssyncset.done $0x0  }
.LBB2_2:
0x69: {  	[sflag:s0] =	ssyncadd.s32 $0xFFFFF800;
	s6 =	rddreg [dreg:$0xa];
	s7 =	sadd.s32 s4, s7  }
0x6a: {  	[tilespmem:s3], [sflag:$0x1] =	stream.linear.gather [hbm4b:s7+s3], $0x800, $0x38;
	[tilespmem:$0x5880] =	vst v63  }
0x6b: {  	s9 =	rddreg [dreg:$0x9];
	s6 =	sadd.s32 s4, s6  }
0x6c: {  	[tilespmem:s12], [sflag:$0x2] =	stream.linear.gather [hbm4b:s6+s3], $0x800, $0x38;
	[tilespmem:$0x5880] =	vst v63  }
0x6d: {  	s7 =	rddreg [dreg:$0x8];
	s6 =	sadd.s32 s4, s9  }
0x6e: {  	[tilespmem:s13], [sflag:$0x3] =	stream.linear.gather [hbm4b:s6+s3], $0x800, $0x38;
	[tilespmem:$0x5880] =	vst v63  }
0x6f: {  	s9 =	rddreg [dreg:$0x7];
	s6 =	sadd.s32 s4, s7  }
0x70: {  	[tilespmem:s14], [sflag:$0x4] =	stream.linear.gather [hbm4b:s6+s3], $0x800, $0x38;
	[tilespmem:$0x5880] =	vst v63  }
0x71: {  	s7 =	rddreg [dreg:$0x6];
	s6 =	sadd.s32 s4, s9  }
0x72: {  	[tilespmem:s15], [sflag:$0x5] =	stream.linear.gather [hbm4b:s6+s3], $0x800, $0x38;
	[tilespmem:$0x5880] =	vst v63  }
0x73: {  	s7 =	sadd.s32 s4, s7;
	s9 =	rddreg [dreg:$0x5]  }
0x74: {  	[tilespmem:s16], [sflag:$0x6] =	stream.linear.gather [hbm4b:s7+s3], $0x800, $0x38;
	[tilespmem:$0x5880] =	vst v63  }
0x75: {  	s9 =	sadd.s32 s4, s9  }
0x76: {  	[tilespmem:s17], [sflag:$0x7] =	stream.linear.gather [hbm4b:s9+s3], $0x800, $0x38;
	[tilespmem:$0x5880] =	vst v63  }
0x77: {  	_ =	swait.ge [sflag:s18], $0x800  }
0x78: {  	[sflag:s18] =	ssyncset.done $0x0  }
0x79: {  	[sflag:s18] =	ssyncadd.s32 $0xFFFFF800  }
0x7a: {  	[spmem:s1] =	stream.indirect.scatter.add.f32 [tilespmem:s11], [sflag:$0x8], $0x1, s3, s12, $0xb8;
	[tilespmem:$0x5880] =	vst v63  }
0x7b: {  	_ =	swait.ge [sflag:s19], $0x800  }
0x7c: {  	[sflag:s19] =	ssyncset.done $0x0  }
0x7d: {  	[sflag:s19] =	ssyncadd.s32 $0xFFFFF800  }
0x7e: {  	[spmem:s1] =	stream.indirect.scatter.add.f32 [tilespmem:s11], [sflag:$0x9], $0x1, s12, s12, $0xb8;
	[tilespmem:$0x5880] =	vst v63  }
0x7f: {  	_ =	swait.ge [sflag:s20], $0x800  }
0x80: {  	[sflag:s20] =	ssyncset.done $0x0  }
0x81: {  	[sflag:s20] =	ssyncadd.s32 $0xFFFFF800  }
0x82: {  	[spmem:s1] =	stream.indirect.scatter.add.f32 [tilespmem:s11], [sflag:$0xA], $0x1, s13, s12, $0xb8;
	[tilespmem:$0x5880] =	vst v63  }
0x83: {  	_ =	swait.ge [sflag:s21], $0x800  }
0x84: {  	[sflag:s21] =	ssyncset.done $0x0  }
0x85: {  	[sflag:s21] =	ssyncadd.s32 $0xFFFFF800  }
0x86: {  	[spmem:s1] =	stream.indirect.scatter.add.f32 [tilespmem:s11], [sflag:$0xB], $0x1, s14, s12, $0xb8;
	[tilespmem:$0x5880] =	vst v63  }
0x87: {  	_ =	swait.ge [sflag:s22], $0x800  }
0x88: {  	[sflag:s22] =	ssyncset.done $0x0  }
0x89: {  	[sflag:s22] =	ssyncadd.s32 $0xFFFFF800  }
0x8a: {  	[spmem:s1] =	stream.indirect.scatter.add.f32 [tilespmem:s11], [sflag:$0xC], $0x1, s15, s12, $0xb8;
	[tilespmem:$0x5880] =	vst v63  }
0x8b: {  	_ =	swait.ge [sflag:s23], $0x800  }
0x8c: {  	[sflag:s23] =	ssyncset.done $0x0  }
0x8d: {  	[sflag:s23] =	ssyncadd.s32 $0xFFFFF800  }
0x8e: {  	[spmem:s1] =	stream.indirect.scatter.add.f32 [tilespmem:s11], [sflag:$0xD], $0x1, s16, s12, $0xb8;
	[tilespmem:$0x5880] =	vst v63  }
0x8f: {  	_ =	swait.ge [sflag:s24], $0x800  }
0x90: {  	[sflag:s24] =	ssyncset.done $0x0  }
0x91: {  	[sflag:s24] =	ssyncadd.s32 $0xFFFFF800  }
0x92: {  	[spmem:s1] =	stream.indirect.scatter.add.f32 [tilespmem:s11], [sflag:$0xE], $0x1, s17, s12, $0xb8;
	[tilespmem:$0x5880] =	vst v63  }
0x93: {  	_ =	swait.ge [sflag:s25], $0x800  }
0x94: {  	[sflag:s25] =	ssyncset.done $0x0  }
0x95: {  	[sflag:s25] =	ssyncadd.s32 $0xFFFFF800  }
0x96: {  	_ =	swait.ge [sflag:s26], $0x800  }
0x97: {  	[sflag:s26] =	ssyncset.done $0x0  }
0x98: {  	[sflag:s26] =	ssyncadd.s32 $0xFFFFF800  }
0x99: {  	_ =	swait.ge [sflag:s28], $0x800  }
0x9a: {  	[sflag:s28] =	ssyncset.done $0x0  }
0x9b: {  	[sflag:s28] =	ssyncadd.s32 $0xFFFFF800  }
0x9c: {  	_ =	swait.ge [sflag:s29], $0x800  }
0x9d: {  	[sflag:s29] =	ssyncset.done $0x0  }
0x9e: {  	[sflag:s29] =	ssyncadd.s32 $0xFFFFF800  }
0x9f: {  	_ =	swait.ge [sflag:s30], $0x800  }
0xa0: {  	[sflag:s30] =	ssyncset.done $0x0  }
0xa1: {  	p0 =	sne.s32 s5, $0x2A00;
	[sflag:s30] =	ssyncadd.s32 $0xFFFFF800  }
.Ltmp0:
0xa2: {  	_ =	swait.ge [sflag:s31], $0x800;
	(pc) =	sbr.rel @p0 .LBB2_2-.Ltmp0, $4  }
0xa3: {  	[sflag:s31] =	ssyncset.done $0x0  }
0xa4: {  	[sflag:s31] =	ssyncadd.s32 $0xFFFFF800  }
0xa5: {  	s8 =	smov.u32 s5;
	s5 =	sadd.s32 $0x700, s5;
	_ =	swait.ge [sflag:s0], $0x800  }
0xa6: {  	s4 =	smov.u32 s8;
	s7 =	rddreg [dreg:$0x4];
	[sflag:s0] =	ssyncset.done $0x0  }
0xa7: {  	[sflag:s0] =	ssyncadd.s32 $0xFFFFF800;
	s5 =	rddreg [dreg:$0xa];
	s6 =	sadd.s32 s4, s7  }
0xa8: {  	[tilespmem:s3], [sflag:$0x1] =	stream.linear.gather [hbm4b:s6+s3], $0x800, $0x38;
	[tilespmem:$0x5880] =	vst v63  }
0xa9: {  	s8 =	rddreg [dreg:$0x9];
	s5 =	sadd.s32 s4, s5  }
0xaa: {  	[tilespmem:s12], [sflag:$0x2] =	stream.linear.gather [hbm4b:s5+s3], $0x800, $0x38;
	[tilespmem:$0x5880] =	vst v63  }
0xab: {  	s9 =	rddreg [dreg:$0x8];
	s6 =	sadd.s32 s4, s8  }
0xac: {  	[tilespmem:s13], [sflag:$0x3] =	stream.linear.gather [hbm4b:s6+s3], $0x800, $0x38;
	[tilespmem:$0x5880] =	vst v63  }
0xad: {  	s7 =	rddreg [dreg:$0x7];
	s5 =	sadd.s32 s4, s9  }
0xae: {  	[tilespmem:s14], [sflag:$0x4] =	stream.linear.gather [hbm4b:s5+s3], $0x800, $0x38;
	[tilespmem:$0x5880] =	vst v63  }
0xaf: {  	s8 =	rddreg [dreg:$0x6];
	s6 =	sadd.s32 s4, s7  }
0xb0: {  	[tilespmem:s15], [sflag:$0x5] =	stream.linear.gather [hbm4b:s6+s3], $0x800, $0x38;
	[tilespmem:$0x5880] =	vst v63  }
0xb1: {  	s9 =	rddreg [dreg:$0x5];
	s5 =	sadd.s32 s4, s8  }
0xb2: {  	[tilespmem:s16], [sflag:$0x6] =	stream.linear.gather [hbm4b:s5+s3], $0x800, $0x38;
	[tilespmem:$0x5880] =	vst v63  }
0xb3: {  	s6 =	sadd.s32 s4, s9  }
0xb4: {  	[tilespmem:s17], [sflag:$0x7] =	stream.linear.gather [hbm4b:s6+s3], $0x800, $0x38;
	[tilespmem:$0x5880] =	vst v63  }
0xb5: {  	_ =	swait.ge [sflag:s18], $0x800  }
0xb6: {  	[sflag:s18] =	ssyncset.done $0x0  }
0xb7: {  	[sflag:s18] =	ssyncadd.s32 $0xFFFFF800  }
0xb8: {  	[spmem:s1] =	stream.indirect.scatter.add.f32 [tilespmem:s11], [sflag:$0x8], $0x1, s3, s12, $0xb8;
	[tilespmem:$0x5880] =	vst v63  }
0xb9: {  	_ =	swait.ge [sflag:s19], $0x800  }
0xba: {  	[sflag:s19] =	ssyncset.done $0x0  }
0xbb: {  	[sflag:s19] =	ssyncadd.s32 $0xFFFFF800  }
0xbc: {  	[spmem:s1] =	stream.indirect.scatter.add.f32 [tilespmem:s11], [sflag:$0x9], $0x1, s12, s12, $0xb8;
	[tilespmem:$0x5880] =	vst v63  }
0xbd: {  	_ =	swait.ge [sflag:s20], $0x800  }
0xbe: {  	[sflag:s20] =	ssyncset.done $0x0  }
0xbf: {  	[sflag:s20] =	ssyncadd.s32 $0xFFFFF800  }
0xc0: {  	[spmem:s1] =	stream.indirect.scatter.add.f32 [tilespmem:s11], [sflag:$0xA], $0x1, s13, s12, $0xb8;
	[tilespmem:$0x5880] =	vst v63  }
0xc1: {  	_ =	swait.ge [sflag:s21], $0x800  }
0xc2: {  	[sflag:s21] =	ssyncset.done $0x0  }
0xc3: {  	[sflag:s21] =	ssyncadd.s32 $0xFFFFF800  }
0xc4: {  	[spmem:s1] =	stream.indirect.scatter.add.f32 [tilespmem:s11], [sflag:$0xB], $0x1, s14, s12, $0xb8;
	[tilespmem:$0x5880] =	vst v63  }
0xc5: {  	_ =	swait.ge [sflag:s22], $0x800  }
0xc6: {  	[sflag:s22] =	ssyncset.done $0x0  }
0xc7: {  	[sflag:s22] =	ssyncadd.s32 $0xFFFFF800  }
0xc8: {  	[spmem:s1] =	stream.indirect.scatter.add.f32 [tilespmem:s11], [sflag:$0xC], $0x1, s15, s12, $0xb8;
	[tilespmem:$0x5880] =	vst v63  }
0xc9: {  	_ =	swait.ge [sflag:s23], $0x800  }
0xca: {  	[sflag:s23] =	ssyncset.done $0x0  }
0xcb: {  	[sflag:s23] =	ssyncadd.s32 $0xFFFFF800  }
0xcc: {  	[spmem:s1] =	stream.indirect.scatter.add.f32 [tilespmem:s11], [sflag:$0xD], $0x1, s16, s12, $0xb8;
	[tilespmem:$0x5880] =	vst v63  }
0xcd: {  	_ =	swait.ge [sflag:s24], $0x800  }
0xce: {  	[sflag:s24] =	ssyncset.done $0x0  }
0xcf: {  	[sflag:s24] =	ssyncadd.s32 $0xFFFFF800  }
0xd0: {  	[spmem:s1] =	stream.indirect.scatter.add.f32 [tilespmem:s11], [sflag:$0xE], $0x1, s17, s12, $0xb8;
	[tilespmem:$0x5880] =	vst v63  }
0xd1: {  	_ =	swait.ge [sflag:s25], $0x800  }
0xd2: {  	[sflag:s25] =	ssyncset.done $0x0  }
0xd3: {  	[sflag:s25] =	ssyncadd.s32 $0xFFFFF800  }
0xd4: {  	_ =	swait.ge [sflag:s26], $0x800  }
0xd5: {  	[sflag:s26] =	ssyncset.done $0x0  }
0xd6: {  	[sflag:s26] =	ssyncadd.s32 $0xFFFFF800  }
0xd7: {  	_ =	swait.ge [sflag:s28], $0x800  }
0xd8: {  	[sflag:s28] =	ssyncset.done $0x0  }
0xd9: {  	[sflag:s28] =	ssyncadd.s32 $0xFFFFF800  }
0xda: {  	_ =	swait.ge [sflag:s29], $0x800  }
0xdb: {  	[sflag:s29] =	ssyncset.done $0x0  }
0xdc: {  	[sflag:s29] =	ssyncadd.s32 $0xFFFFF800  }
0xdd: {  	_ =	swait.ge [sflag:s30], $0x800  }
0xde: {  	[sflag:s30] =	ssyncset.done $0x0  }
0xdf: {  	[sflag:s30] =	ssyncadd.s32 $0xFFFFF800  }
0xe0: {  	_ =	swait.ge [sflag:s31], $0x800  }
0xe1: {  	[sflag:s31] =	ssyncset.done $0x0  }
0xe2: {  	[sflag:s31] =	ssyncadd.s32 $0xFFFFF800  }
0xe3: {  	_ =	swait.ge [sflag:s0], $0x800  }
0xe4: {  	[sflag:s0] =	ssyncset.done $0x0  }
0xe5: {  	[sflag:s0] =	ssyncadd.s32 $0xFFFFF800  }
0xe6: {  	[bflag:$0x0] =	sbarrier.arrive $0xFFFF  }
0xe7: {  	s6 =	rddreg [dreg:$0xd]  }
0xe8: {  	s7 =	rddreg [dreg:$0xe]  }
0xe9: {  	s8 =	simm.s32 $0x10;
	s9 =	simm.s32 $0x20;
	s5 =	rddreg [dreg:$0x10]  }
0xea: {  	[hbm:s7@s9], [sflag:s6] =	dma.strided [spmem:s5@s8], $0x310, s18, $0x10   }
0xeb: {  	_ =	swait.ge [sflag:s10], $0x310  }
0xec: {  	s2 =	sadd.s32 $0x1, s2;
	s9 =	rddreg [dreg:$0xf]  }
0xed: {  	p0 =	sne.s32 s2, s9  }
.Ltmp1:
0xee: {  	_ = 	snop;
	(pc) =	sbr.rel @p0 .LBB2_1-.Ltmp1, $3  }
0xef: {  	_ =	sdelay $0x1  }
0xf0: {  	[sflag:s10] =	ssyncset.done $0x0  }
0xf1: {  	[sflag:s10] =	ssyncadd.s32 $0xFFFFFCF0  }
0xf2: {  	_ =	sfence.sel $0x180000  }
0xf3: {  	[bflag:$0x0] =	sbarrier.arrive $0xFFFF  }
0xf4: {  	_ =	strace $0x90000047  }
0xf5: {  	s0 =	stileid.u32;
	[bflag:$0x2] =	sbarrier.arrive $0xFFFF  }
0xf6: {  	p0 =	sne.s32 s0, $0x0;
	s0 =	rddreg [dreg:$0x3]  }
0xf7: {  	s0 =	sadd.s32 @!p0 $0x100000, s0  }
0xf8: {  	[sflag:s0] =	ssyncadd.tile.s32 @!p0 $0x1;
	_ =	shalt  }
.Lfunc_end2:
_tile_overlayer_lowered:
.L_overlay_start_2:
0xf9: {  	(tag) =	ssettag $0x2  }
0xfa: {  	s0 =	rddreg [dreg:$0x0];
	s2 =	stileid.u32  }
0xfb: {  	s1 =	rddreg [dreg:$0x1];
	p0 =	sne.s32 s2, $0x0  }
0xfc: {  	s3 =	rddreg [dreg:$0x2];
	[bflag:$0x3] =	sbarrier.arrive $0xFFFF;
	s2 =	simm.s32 @!p0 $0x1C0F  }
0xfd: {  	[timem:s3], [sflag:s2] =	dma.local @!p0 [hbm:s0], s1  }
0xfe: {  	s0 =	simm.s32 @!p0 $0xF  }
0xff: {  	_ =	swait.ge @!p0 [sflag:s0], s1  }
0x100: {  	s1 =	ssub.s32 @!p0 $0x0, s1;
	[sflag:s0] =	ssyncset.done @!p0 $0x0  }
0x101: {  	[sflag:s0] =	ssyncadd.s32 @!p0 s1  }
0x102: {  	[bflag:$0x3] =	sbarrier.arrive $0xFFFF  }
0x103: {  	_ =	shalt  }

</sc_bundles>
